<compile_context>
chip_gen: v7x
topology: tpu7x:2x2x1
jax: 0.10.2.dev20260603
libtpu: 0.0.44.dev20260713+nightly
codegen_flags: <defaults>
</compile_context>

<pallas_src>
import functools

import jax
import jax.numpy as jnp
from jax import lax
from jax.experimental import pallas as pl
from jax.experimental.pallas import tpu as pltpu
from jax.experimental.pallas import tpu_sc as plsc


def _gating_block_kernel(emb_ref, maskf_ref, w1_ref, b1_ref, w2_ref,
                         b2_ref, wc1_ref, bc1_ref, wc2_ref, bc2_ref,
                         prob_ref, logitsT_ref, *, n_experts):
    w1 = w1_ref[:]
    b1 = b1_ref[:]
    w2 = w2_ref[:]
    maskf = maskf_ref[:]

    logits_cols = []
    for e in range(n_experts):
        x_e = emb_ref[e]
        h = jnp.maximum(jnp.dot(x_e, w1) + b1, 0.0)
        logits_cols.append(jnp.sum(h * w2, axis=1))
    logits = jnp.stack(logits_cols, axis=1) + b2_ref[0, 0]
    logitsT_ref[:] = jnp.transpose(logits)

    neg = jnp.float32(-1e30)
    ml = jnp.where(maskf > 0.0, logits, neg)
    m = jnp.max(ml, axis=1, keepdims=True)
    ex = jnp.exp(ml - m) * maskf
    denom = jnp.sum(ex, axis=1, keepdims=True)
    any_valid = denom > 0.0
    weights = jnp.where(any_valid, ex / jnp.where(any_valid, denom, 1.0), 0.0)

    fused = weights[:, 0:1] * emb_ref[0]
    for e in range(1, n_experts):
        fused = fused + weights[:, e:e + 1] * emb_ref[e]

    hc = jnp.maximum(jnp.dot(fused, wc1_ref[:]) + bc1_ref[:], 0.0)
    z = jnp.sum(hc * wc2_ref[:], axis=1, keepdims=True) + bc2_ref[0, 0]
    prob_ref[:] = jax.nn.sigmoid(z)


def _make_sc_softmax(n_experts, n_tokens):
    info = plsc.get_sparse_core_info()
    nworkers = info.num_cores * info.num_subcores
    lanes = info.num_lanes
    per_w = n_tokens // nworkers
    mesh = plsc.VectorSubcoreMesh(core_axis_name="c", subcore_axis_name="s")

    @functools.partial(
        pl.kernel, mesh=mesh,
        out_type=jax.ShapeDtypeStruct((n_experts, n_tokens), jnp.float32),
        scratch_types=[
            pltpu.VMEM((n_experts, per_w), jnp.float32),
            pltpu.VMEM((n_experts, per_w), jnp.float32),
            pltpu.VMEM((n_experts, per_w), jnp.float32),
        ],
    )
    def sc_softmax(logits_hbm, maskf_hbm, out_hbm, lg_v, mk_v, wt_v):
        wid = lax.axis_index("s") * info.num_cores + lax.axis_index("c")
        base = wid * per_w
        for e in range(n_experts):
            pltpu.sync_copy(logits_hbm.at[e, pl.ds(base, per_w)], lg_v.at[e])
            pltpu.sync_copy(maskf_hbm.at[e, pl.ds(base, per_w)], mk_v.at[e])
        neg = jnp.float32(-1e30)
        for c in range(per_w // lanes):
            sl = pl.ds(c * lanes, lanes)
            vs, ms = [], []
            for e in range(n_experts):
                ms.append(mk_v[e, sl])
                vs.append(jnp.where(ms[e] > 0.0, lg_v[e, sl], neg))
            m = vs[0]
            for e in range(1, n_experts):
                m = jnp.maximum(m, vs[e])
            exs = [jnp.exp(vs[e] - m) * ms[e] for e in range(n_experts)]
            denom = exs[0]
            for e in range(1, n_experts):
                denom = denom + exs[e]
            valid = denom > 0.0
            inv = jnp.where(valid, 1.0, 0.0) / jnp.where(valid, denom, 1.0)
            for e in range(n_experts):
                wt_v[e, sl] = exs[e] * inv
        for e in range(n_experts):
            pltpu.sync_copy(wt_v.at[e], out_hbm.at[e, pl.ds(base, per_w)])

    return sc_softmax


@functools.partial(jax.jit, static_argnames=())
def kernel(expert_embeddings, mask, W1, b1, W2, b2, Wc1, bc1, Wc2, bc2):
    E, B, D = expert_embeddings.shape
    H = W1.shape[1]
    bm = min(256, B)
    assert B % bm == 0
    grid = (B // bm,)

    maskf = mask.astype(jnp.float32)
    maskfT = maskf.T
    b1r = b1.reshape(1, H)
    w2r = W2.reshape(1, H)
    bc1r = bc1.reshape(1, H)
    wc2r = Wc2.reshape(1, H)
    b2r = b2.reshape(1, 1)
    bc2r = bc2.reshape(1, 1)

    out_shapes = (
        jax.ShapeDtypeStruct((B, 1), jnp.float32),
        jax.ShapeDtypeStruct((E, B), jnp.float32),
    )
    in_specs = [
        pl.BlockSpec((E, bm, D), lambda i: (0, i, 0)),
        pl.BlockSpec((bm, E), lambda i: (i, 0)),
        pl.BlockSpec((D, H), lambda i: (0, 0)),
        pl.BlockSpec((1, H), lambda i: (0, 0)),
        pl.BlockSpec((1, H), lambda i: (0, 0)),
        pl.BlockSpec((1, 1), lambda i: (0, 0)),
        pl.BlockSpec((D, H), lambda i: (0, 0)),
        pl.BlockSpec((1, H), lambda i: (0, 0)),
        pl.BlockSpec((1, H), lambda i: (0, 0)),
        pl.BlockSpec((1, 1), lambda i: (0, 0)),
    ]
    out_specs = (
        pl.BlockSpec((bm, 1), lambda i: (i, 0)),
        pl.BlockSpec((E, bm), lambda i: (0, i)),
    )

    final_prob, logitsT = pl.pallas_call(
        functools.partial(_gating_block_kernel, n_experts=E),
        grid=grid,
        in_specs=in_specs,
        out_specs=out_specs,
        out_shape=out_shapes,
    )(expert_embeddings, maskf, W1, b1r, w2r, b2r, Wc1, bc1r, wc2r, bc2r)

    weightsT = _make_sc_softmax(E, B)(logitsT, maskfT)
    weights = weightsT.T

    return final_prob, weights

# --- scband reference (transcript-rebuilt; emitter-appended) ---
"""Pipeline reference for scband-gating-network-5763846111396 (READ-ONLY COPY).

The authoritative reference and input builder live on the scoring server;
editing this copy changes nothing except your own understanding.
"""

import jax, jax.numpy as jnp
import numpy as np

E, B, D, H = 8, 4096, 1024, 2048


def setup_inputs(seed: int = 0) -> dict:
    key = jax.random.key(seed)
    ks = jax.random.split(key, 6)
    return {
        "expert_embeddings": jax.random.normal(ks[0], (E, B, D), dtype=jnp.float32),
        "mask": jnp.ones((B, E), dtype=bool),
        "W1": jax.random.normal(ks[1], (D, H), dtype=jnp.float32) * 0.02,
        "b1": jnp.zeros((H,), dtype=jnp.float32),
        "W2": jax.random.normal(ks[2], (H, 1), dtype=jnp.float32) * 0.02,
        "b2": jnp.zeros((1,), dtype=jnp.float32),
        "Wc1": jax.random.normal(ks[3], (D, H), dtype=jnp.float32) * 0.02,
        "bc1": jnp.zeros((H,), dtype=jnp.float32),
        "Wc2": jax.random.normal(ks[4], (H, 1), dtype=jnp.float32) * 0.02,
        "bc2": jnp.zeros((1,), dtype=jnp.float32),
    }


def reference(expert_embeddings, mask, W1, b1, W2, b2, Wc1, bc1, Wc2, bc2):
    # expert_embeddings: (E, B, D) == List[Tensor(B, D)] of length E, stacked along dim 0.
    # torch.stack(list, dim=1) -> (B, E, D)
    stacked = jnp.transpose(expert_embeddings, (1, 0, 2))  # (B, E, D)
    # expert_scorer: Linear(D,H) -> ReLU -> (Dropout, eval identity) -> Linear(H,1)
    h = jax.nn.relu(stacked @ W1 + b1)            # (B, E, H)
    logits = (h @ W2 + b2)[..., 0]                # (B, E)
    # per-sample softmax restricted to valid experts (mask == True)
    neg = jnp.finfo(logits.dtype).min
    masked_logits = jnp.where(mask, logits, neg)
    weights = jax.nn.softmax(masked_logits, axis=1)
    weights = jnp.where(mask, weights, 0.0)       # zero weight on invalid experts
    any_valid = jnp.any(mask, axis=1, keepdims=True)
    weights = jnp.where(any_valid, weights, 0.0)  # all-invalid rows -> zero weights
    fused = jnp.sum(stacked * weights[..., None], axis=1)  # (B, D)
    fused = jnp.where(any_valid, fused, 0.0)
    # classifier: Linear(D,H) -> ReLU -> (Dropout) -> Linear(H,1) -> Sigmoid
    hc = jax.nn.relu(fused @ Wc1 + bc1)
    final_prob = jax.nn.sigmoid(hc @ Wc2 + bc2)   # (B, 1)
    return final_prob, weights

if __name__ == "__main__":
    import jax
    _d = setup_inputs()
    print(jax.jit(kernel)(*tuple(_d.values())))

</pallas_src>

<mosaic_0001>
#map = affine_map<(d0, d1) -> (0, 0)>
module attributes {stable_mosaic.version = 14 : i64} {
  func.func @sc_softmax(%arg0: i32, %arg1: i32, %arg2: memref<8x4096xf32, #tpu.memory_space<hbm>>, %arg3: memref<8x4096xf32, #tpu.memory_space<hbm>>, %arg4: memref<8x4096xf32, #tpu.memory_space<hbm>>, %arg5: memref<8x128xf32, #tpu.memory_space<vmem>>, %arg6: memref<8x128xf32, #tpu.memory_space<vmem>>, %arg7: memref<8x128xf32, #tpu.memory_space<vmem>>) attributes {dimension_semantics = [#tpu.dimension_semantics<core_parallel>, #tpu.dimension_semantics<subcore_parallel>], iteration_bounds = array<i64: 2, 16>, scalar_prefetch = 0 : i64, scratch_operands = 3 : i64, tpu.core_type = #tpu.core_type<sc_vector_subcore>, window_params = [{transform_indices = #map}, {transform_indices = #map}, {transform_indices = #map}]} {
    %mul3A = arith.constant 2 : i32
    %mul3A_0 = arith.muli %arg1, %mul3A : i32
    %add3A = arith.addi %mul3A_0, %arg0 : i32
    %mul3A_1 = arith.constant 128 : i32
    %mul3A_2 = arith.muli %add3A, %mul3A_1 : i32
    %run_scoped3A = arith.constant 0 : i32
    %run_scoped3A_3 = arith.constant 0 : i32
    "tpu.region"() ({
      %run_scoped3A_1912 = tpu.sem_alloc : memref<!tpu.dma_semaphore, #tpu.memory_space<semaphore_mem>>
      %dma_start3A = arith.constant 0 : i32
      %dma_start3A_1913 = tpu.memref_slice %arg5[%run_scoped3A_3, %dma_start3A] : memref<8x128xf32, #tpu.memory_space<vmem>> -> memref<1x128xf32, #tpu.memory_space<vmem>>
      %dma_start3A_1914 = tpu.memref_squeeze %dma_start3A_1913 : memref<1x128xf32, #tpu.memory_space<vmem>> -> memref<128xf32, #tpu.memory_space<vmem>>
      %dma_start3A_1915 = tpu.memref_slice %arg2[%run_scoped3A, %mul3A_2] : memref<8x4096xf32, #tpu.memory_space<hbm>> -> memref<1x128xf32, #tpu.memory_space<hbm>>
      %dma_start3A_1916 = tpu.memref_squeeze %dma_start3A_1915 : memref<1x128xf32, #tpu.memory_space<hbm>> -> memref<128xf32, #tpu.memory_space<hbm>>
      %dma_start3A_1917 = arith.constant 0 : i32
      %dma_start3A_1918 = tpu.memref_slice %arg5[%run_scoped3A_3, %dma_start3A_1917] : memref<8x128xf32, #tpu.memory_space<vmem>> -> memref<1x128xf32, #tpu.memory_space<vmem>>
      %dma_start3A_1919 = tpu.memref_squeeze %dma_start3A_1918 : memref<1x128xf32, #tpu.memory_space<vmem>> -> memref<128xf32, #tpu.memory_space<vmem>>
      %dma_start3A_1920 = tpu.memref_slice %arg2[%run_scoped3A, %mul3A_2] : memref<8x4096xf32, #tpu.memory_space<hbm>> -> memref<1x128xf32, #tpu.memory_space<hbm>>
      %dma_start3A_1921 = tpu.memref_squeeze %dma_start3A_1920 : memref<1x128xf32, #tpu.memory_space<hbm>> -> memref<128xf32, #tpu.memory_space<hbm>>
      tpu.enqueue_dma source(%dma_start3A_1921 : memref<128xf32, #tpu.memory_space<hbm>>) target(%dma_start3A_1919 : memref<128xf32, #tpu.memory_space<vmem>>) target_semaphore(%run_scoped3A_1912 : memref<!tpu.dma_semaphore, #tpu.memory_space<semaphore_mem>>)
      %dma_wait3A = arith.constant 0 : i32
      %dma_wait3A_1922 = tpu.memref_slice %arg5[%run_scoped3A_3, %dma_wait3A] : memref<8x128xf32, #tpu.memory_space<vmem>> -> memref<1x128xf32, #tpu.memory_space<vmem>>
      %dma_wait3A_1923 = tpu.memref_squeeze %dma_wait3A_1922 : memref<1x128xf32, #tpu.memory_space<vmem>> -> memref<128xf32, #tpu.memory_space<vmem>>
      %dma_wait3A_1924 = tpu.memref_slice %arg2[%run_scoped3A, %mul3A_2] : memref<8x4096xf32, #tpu.memory_space<hbm>> -> memref<1x128xf32, #tpu.memory_space<hbm>>
      %dma_wait3A_1925 = tpu.memref_squeeze %dma_wait3A_1924 : memref<1x128xf32, #tpu.memory_space<hbm>> -> memref<128xf32, #tpu.memory_space<hbm>>
      %dma_wait3A_1926 = arith.constant 0 : i32
      %dma_wait3A_1927 = tpu.memref_slice %arg5[%run_scoped3A_3, %dma_wait3A_1926] : memref<8x128xf32, #tpu.memory_space<vmem>> -> memref<1x128xf32, #tpu.memory_space<vmem>>
      %dma_wait3A_1928 = tpu.memref_squeeze %dma_wait3A_1927 : memref<1x128xf32, #tpu.memory_space<vmem>> -> memref<128xf32, #tpu.memory_space<vmem>>
      %dma_wait3A_1929 = tpu.memref_slice %arg2[%run_scoped3A, %mul3A_2] : memref<8x4096xf32, #tpu.memory_space<hbm>> -> memref<1x128xf32, #tpu.memory_space<hbm>>
      %dma_wait3A_1930 = tpu.memref_squeeze %dma_wait3A_1929 : memref<1x128xf32, #tpu.memory_space<hbm>> -> memref<128xf32, #tpu.memory_space<hbm>>
      tpu.wait_dma2 semaphore(%run_scoped3A_1912 : memref<!tpu.dma_semaphore, #tpu.memory_space<semaphore_mem>>) src(%dma_wait3A_1930 : memref<128xf32, #tpu.memory_space<hbm>>) dst(%dma_wait3A_1928 : memref<128xf32, #tpu.memory_space<vmem>>)
      tpu.yield
    }) : () -> ()
    %run_scoped3A_4 = arith.constant 0 : i32
    %run_scoped3A_5 = arith.constant 0 : i32
    "tpu.region"() ({
      %run_scoped3A_1912 = tpu.sem_alloc : memref<!tpu.dma_semaphore, #tpu.memory_space<semaphore_mem>>
      %dma_start3A = arith.constant 0 : i32
      %dma_start3A_1913 = tpu.memref_slice %arg6[%run_scoped3A_5, %dma_start3A] : memref<8x128xf32, #tpu.memory_space<vmem>> -> memref<1x128xf32, #tpu.memory_space<vmem>>
      %dma_start3A_1914 = tpu.memref_squeeze %dma_start3A_1913 : memref<1x128xf32, #tpu.memory_space<vmem>> -> memref<128xf32, #tpu.memory_space<vmem>>
      %dma_start3A_1915 = tpu.memref_slice %arg3[%run_scoped3A_4, %mul3A_2] : memref<8x4096xf32, #tpu.memory_space<hbm>> -> memref<1x128xf32, #tpu.memory_space<hbm>>
      %dma_start3A_1916 = tpu.memref_squeeze %dma_start3A_1915 : memref<1x128xf32, #tpu.memory_space<hbm>> -> memref<128xf32, #tpu.memory_space<hbm>>
      %dma_start3A_1917 = arith.constant 0 : i32
      %dma_start3A_1918 = tpu.memref_slice %arg6[%run_scoped3A_5, %dma_start3A_1917] : memref<8x128xf32, #tpu.memory_space<vmem>> -> memref<1x128xf32, #tpu.memory_space<vmem>>
      %dma_start3A_1919 = tpu.memref_squeeze %dma_start3A_1918 : memref<1x128xf32, #tpu.memory_space<vmem>> -> memref<128xf32, #tpu.memory_space<vmem>>
      %dma_start3A_1920 = tpu.memref_slice %arg3[%run_scoped3A_4, %mul3A_2] : memref<8x4096xf32, #tpu.memory_space<hbm>> -> memref<1x128xf32, #tpu.memory_space<hbm>>
      %dma_start3A_1921 = tpu.memref_squeeze %dma_start3A_1920 : memref<1x128xf32, #tpu.memory_space<hbm>> -> memref<128xf32, #tpu.memory_space<hbm>>
      tpu.enqueue_dma source(%dma_start3A_1921 : memref<128xf32, #tpu.memory_space<hbm>>) target(%dma_start3A_1919 : memref<128xf32, #tpu.memory_space<vmem>>) target_semaphore(%run_scoped3A_1912 : memref<!tpu.dma_semaphore, #tpu.memory_space<semaphore_mem>>)
      %dma_wait3A = arith.constant 0 : i32
      %dma_wait3A_1922 = tpu.memref_slice %arg6[%run_scoped3A_5, %dma_wait3A] : memref<8x128xf32, #tpu.memory_space<vmem>> -> memref<1x128xf32, #tpu.memory_space<vmem>>
      %dma_wait3A_1923 = tpu.memref_squeeze %dma_wait3A_1922 : memref<1x128xf32, #tpu.memory_space<vmem>> -> memref<128xf32, #tpu.memory_space<vmem>>
      %dma_wait3A_1924 = tpu.memref_slice %arg3[%run_scoped3A_4, %mul3A_2] : memref<8x4096xf32, #tpu.memory_space<hbm>> -> memref<1x128xf32, #tpu.memory_space<hbm>>
      %dma_wait3A_1925 = tpu.memref_squeeze %dma_wait3A_1924 : memref<1x128xf32, #tpu.memory_space<hbm>> -> memref<128xf32, #tpu.memory_space<hbm>>
      %dma_wait3A_1926 = arith.constant 0 : i32
      %dma_wait3A_1927 = tpu.memref_slice %arg6[%run_scoped3A_5, %dma_wait3A_1926] : memref<8x128xf32, #tpu.memory_space<vmem>> -> memref<1x128xf32, #tpu.memory_space<vmem>>
      %dma_wait3A_1928 = tpu.memref_squeeze %dma_wait3A_1927 : memref<1x128xf32, #tpu.memory_space<vmem>> -> memref<128xf32, #tpu.memory_space<vmem>>
      %dma_wait3A_1929 = tpu.memref_slice %arg3[%run_scoped3A_4, %mul3A_2] : memref<8x4096xf32, #tpu.memory_space<hbm>> -> memref<1x128xf32, #tpu.memory_space<hbm>>
      %dma_wait3A_1930 = tpu.memref_squeeze %dma_wait3A_1929 : memref<1x128xf32, #tpu.memory_space<hbm>> -> memref<128xf32, #tpu.memory_space<hbm>>
      tpu.wait_dma2 semaphore(%run_scoped3A_1912 : memref<!tpu.dma_semaphore, #tpu.memory_space<semaphore_mem>>) src(%dma_wait3A_1930 : memref<128xf32, #tpu.memory_space<hbm>>) dst(%dma_wait3A_1928 : memref<128xf32, #tpu.memory_space<vmem>>)
      tpu.yield
    }) : () -> ()
    %run_scoped3A_6 = arith.constant 1 : i32
    %run_scoped3A_7 = arith.constant 1 : i32
    "tpu.region"() ({
      %run_scoped3A_1912 = tpu.sem_alloc : memref<!tpu.dma_semaphore, #tpu.memory_space<semaphore_mem>>
      %dma_start3A = arith.constant 0 : i32
      %dma_start3A_1913 = tpu.memref_slice %arg5[%run_scoped3A_7, %dma_start3A] : memref<8x128xf32, #tpu.memory_space<vmem>> -> memref<1x128xf32, #tpu.memory_space<vmem>>
      %dma_start3A_1914 = tpu.memref_squeeze %dma_start3A_1913 : memref<1x128xf32, #tpu.memory_space<vmem>> -> memref<128xf32, #tpu.memory_space<vmem>>
      %dma_start3A_1915 = tpu.memref_slice %arg2[%run_scoped3A_6, %mul3A_2] : memref<8x4096xf32, #tpu.memory_space<hbm>> -> memref<1x128xf32, #tpu.memory_space<hbm>>
      %dma_start3A_1916 = tpu.memref_squeeze %dma_start3A_1915 : memref<1x128xf32, #tpu.memory_space<hbm>> -> memref<128xf32, #tpu.memory_space<hbm>>
      %dma_start3A_1917 = arith.constant 0 : i32
      %dma_start3A_1918 = tpu.memref_slice %arg5[%run_scoped3A_7, %dma_start3A_1917] : memref<8x128xf32, #tpu.memory_space<vmem>> -> memref<1x128xf32, #tpu.memory_space<vmem>>
      %dma_start3A_1919 = tpu.memref_squeeze %dma_start3A_1918 : memref<1x128xf32, #tpu.memory_space<vmem>> -> memref<128xf32, #tpu.memory_space<vmem>>
      %dma_start3A_1920 = tpu.memref_slice %arg2[%run_scoped3A_6, %mul3A_2] : memref<8x4096xf32, #tpu.memory_space<hbm>> -> memref<1x128xf32, #tpu.memory_space<hbm>>
      %dma_start3A_1921 = tpu.memref_squeeze %dma_start3A_1920 : memref<1x128xf32, #tpu.memory_space<hbm>> -> memref<128xf32, #tpu.memory_space<hbm>>
      tpu.enqueue_dma source(%dma_start3A_1921 : memref<128xf32, #tpu.memory_space<hbm>>) target(%dma_start3A_1919 : memref<128xf32, #tpu.memory_space<vmem>>) target_semaphore(%run_scoped3A_1912 : memref<!tpu.dma_semaphore, #tpu.memory_space<semaphore_mem>>)
      %dma_wait3A = arith.constant 0 : i32
      %dma_wait3A_1922 = tpu.memref_slice %arg5[%run_scoped3A_7, %dma_wait3A] : memref<8x128xf32, #tpu.memory_space<vmem>> -> memref<1x128xf32, #tpu.memory_space<vmem>>
      %dma_wait3A_1923 = tpu.memref_squeeze %dma_wait3A_1922 : memref<1x128xf32, #tpu.memory_space<vmem>> -> memref<128xf32, #tpu.memory_space<vmem>>
      %dma_wait3A_1924 = tpu.memref_slice %arg2[%run_scoped3A_6, %mul3A_2] : memref<8x4096xf32, #tpu.memory_space<hbm>> -> memref<1x128xf32, #tpu.memory_space<hbm>>
      %dma_wait3A_1925 = tpu.memref_squeeze %dma_wait3A_1924 : memref<1x128xf32, #tpu.memory_space<hbm>> -> memref<128xf32, #tpu.memory_space<hbm>>
      %dma_wait3A_1926 = arith.constant 0 : i32
      %dma_wait3A_1927 = tpu.memref_slice %arg5[%run_scoped3A_7, %dma_wait3A_1926] : memref<8x128xf32, #tpu.memory_space<vmem>> -> memref<1x128xf32, #tpu.memory_space<vmem>>
      %dma_wait3A_1928 = tpu.memref_squeeze %dma_wait3A_1927 : memref<1x128xf32, #tpu.memory_space<vmem>> -> memref<128xf32, #tpu.memory_space<vmem>>
      %dma_wait3A_1929 = tpu.memref_slice %arg2[%run_scoped3A_6, %mul3A_2] : memref<8x4096xf32, #tpu.memory_space<hbm>> -> memref<1x128xf32, #tpu.memory_space<hbm>>
      %dma_wait3A_1930 = tpu.memref_squeeze %dma_wait3A_1929 : memref<1x128xf32, #tpu.memory_space<hbm>> -> memref<128xf32, #tpu.memory_space<hbm>>
      tpu.wait_dma2 semaphore(%run_scoped3A_1912 : memref<!tpu.dma_semaphore, #tpu.memory_space<semaphore_mem>>) src(%dma_wait3A_1930 : memref<128xf32, #tpu.memory_space<hbm>>) dst(%dma_wait3A_1928 : memref<128xf32, #tpu.memory_space<vmem>>)
      tpu.yield
    }) : () -> ()
    %run_scoped3A_8 = arith.constant 1 : i32
    %run_scoped3A_9 = arith.constant 1 : i32
    "tpu.region"() ({
      %run_scoped3A_1912 = tpu.sem_alloc : memref<!tpu.dma_semaphore, #tpu.memory_space<semaphore_mem>>
      %dma_start3A = arith.constant 0 : i32
      %dma_start3A_1913 = tpu.memref_slice %arg6[%run_scoped3A_9, %dma_start3A] : memref<8x128xf32, #tpu.memory_space<vmem>> -> memref<1x128xf32, #tpu.memory_space<vmem>>
      %dma_start3A_1914 = tpu.memref_squeeze %dma_start3A_1913 : memref<1x128xf32, #tpu.memory_space<vmem>> -> memref<128xf32, #tpu.memory_space<vmem>>
      %dma_start3A_1915 = tpu.memref_slice %arg3[%run_scoped3A_8, %mul3A_2] : memref<8x4096xf32, #tpu.memory_space<hbm>> -> memref<1x128xf32, #tpu.memory_space<hbm>>
      %dma_start3A_1916 = tpu.memref_squeeze %dma_start3A_1915 : memref<1x128xf32, #tpu.memory_space<hbm>> -> memref<128xf32, #tpu.memory_space<hbm>>
      %dma_start3A_1917 = arith.constant 0 : i32
      %dma_start3A_1918 = tpu.memref_slice %arg6[%run_scoped3A_9, %dma_start3A_1917] : memref<8x128xf32, #tpu.memory_space<vmem>> -> memref<1x128xf32, #tpu.memory_space<vmem>>
      %dma_start3A_1919 = tpu.memref_squeeze %dma_start3A_1918 : memref<1x128xf32, #tpu.memory_space<vmem>> -> memref<128xf32, #tpu.memory_space<vmem>>
      %dma_start3A_1920 = tpu.memref_slice %arg3[%run_scoped3A_8, %mul3A_2] : memref<8x4096xf32, #tpu.memory_space<hbm>> -> memref<1x128xf32, #tpu.memory_space<hbm>>
      %dma_start3A_1921 = tpu.memref_squeeze %dma_start3A_1920 : memref<1x128xf32, #tpu.memory_space<hbm>> -> memref<128xf32, #tpu.memory_space<hbm>>
      tpu.enqueue_dma source(%dma_start3A_1921 : memref<128xf32, #tpu.memory_space<hbm>>) target(%dma_start3A_1919 : memref<128xf32, #tpu.memory_space<vmem>>) target_semaphore(%run_scoped3A_1912 : memref<!tpu.dma_semaphore, #tpu.memory_space<semaphore_mem>>)
      %dma_wait3A = arith.constant 0 : i32
      %dma_wait3A_1922 = tpu.memref_slice %arg6[%run_scoped3A_9, %dma_wait3A] : memref<8x128xf32, #tpu.memory_space<vmem>> -> memref<1x128xf32, #tpu.memory_space<vmem>>
      %dma_wait3A_1923 = tpu.memref_squeeze %dma_wait3A_1922 : memref<1x128xf32, #tpu.memory_space<vmem>> -> memref<128xf32, #tpu.memory_space<vmem>>
      %dma_wait3A_1924 = tpu.memref_slice %arg3[%run_scoped3A_8, %mul3A_2] : memref<8x4096xf32, #tpu.memory_space<hbm>> -> memref<1x128xf32, #tpu.memory_space<hbm>>
      %dma_wait3A_1925 = tpu.memref_squeeze %dma_wait3A_1924 : memref<1x128xf32, #tpu.memory_space<hbm>> -> memref<128xf32, #tpu.memory_space<hbm>>
      %dma_wait3A_1926 = arith.constant 0 : i32
      %dma_wait3A_1927 = tpu.memref_slice %arg6[%run_scoped3A_9, %dma_wait3A_1926] : memref<8x128xf32, #tpu.memory_space<vmem>> -> memref<1x128xf32, #tpu.memory_space<vmem>>
      %dma_wait3A_1928 = tpu.memref_squeeze %dma_wait3A_1927 : memref<1x128xf32, #tpu.memory_space<vmem>> -> memref<128xf32, #tpu.memory_space<vmem>>
      %dma_wait3A_1929 = tpu.memref_slice %arg3[%run_scoped3A_8, %mul3A_2] : memref<8x4096xf32, #tpu.memory_space<hbm>> -> memref<1x128xf32, #tpu.memory_space<hbm>>
      %dma_wait3A_1930 = tpu.memref_squeeze %dma_wait3A_1929 : memref<1x128xf32, #tpu.memory_space<hbm>> -> memref<128xf32, #tpu.memory_space<hbm>>
      tpu.wait_dma2 semaphore(%run_scoped3A_1912 : memref<!tpu.dma_semaphore, #tpu.memory_space<semaphore_mem>>) src(%dma_wait3A_1930 : memref<128xf32, #tpu.memory_space<hbm>>) dst(%dma_wait3A_1928 : memref<128xf32, #tpu.memory_space<vmem>>)
      tpu.yield
    }) : () -> ()
    %run_scoped3A_10 = arith.constant 2 : i32
    %run_scoped3A_11 = arith.constant 2 : i32
    "tpu.region"() ({
      %run_scoped3A_1912 = tpu.sem_alloc : memref<!tpu.dma_semaphore, #tpu.memory_space<semaphore_mem>>
      %dma_start3A = arith.constant 0 : i32
      %dma_start3A_1913 = tpu.memref_slice %arg5[%run_scoped3A_11, %dma_start3A] : memref<8x128xf32, #tpu.memory_space<vmem>> -> memref<1x128xf32, #tpu.memory_space<vmem>>
      %dma_start3A_1914 = tpu.memref_squeeze %dma_start3A_1913 : memref<1x128xf32, #tpu.memory_space<vmem>> -> memref<128xf32, #tpu.memory_space<vmem>>
      %dma_start3A_1915 = tpu.memref_slice %arg2[%run_scoped3A_10, %mul3A_2] : memref<8x4096xf32, #tpu.memory_space<hbm>> -> memref<1x128xf32, #tpu.memory_space<hbm>>
      %dma_start3A_1916 = tpu.memref_squeeze %dma_start3A_1915 : memref<1x128xf32, #tpu.memory_space<hbm>> -> memref<128xf32, #tpu.memory_space<hbm>>
      %dma_start3A_1917 = arith.constant 0 : i32
      %dma_start3A_1918 = tpu.memref_slice %arg5[%run_scoped3A_11, %dma_start3A_1917] : memref<8x128xf32, #tpu.memory_space<vmem>> -> memref<1x128xf32, #tpu.memory_space<vmem>>
      %dma_start3A_1919 = tpu.memref_squeeze %dma_start3A_1918 : memref<1x128xf32, #tpu.memory_space<vmem>> -> memref<128xf32, #tpu.memory_space<vmem>>
      %dma_start3A_1920 = tpu.memref_slice %arg2[%run_scoped3A_10, %mul3A_2] : memref<8x4096xf32, #tpu.memory_space<hbm>> -> memref<1x128xf32, #tpu.memory_space<hbm>>
      %dma_start3A_1921 = tpu.memref_squeeze %dma_start3A_1920 : memref<1x128xf32, #tpu.memory_space<hbm>> -> memref<128xf32, #tpu.memory_space<hbm>>
      tpu.enqueue_dma source(%dma_start3A_1921 : memref<128xf32, #tpu.memory_space<hbm>>) target(%dma_start3A_1919 : memref<128xf32, #tpu.memory_space<vmem>>) target_semaphore(%run_scoped3A_1912 : memref<!tpu.dma_semaphore, #tpu.memory_space<semaphore_mem>>)
      %dma_wait3A = arith.constant 0 : i32
      %dma_wait3A_1922 = tpu.memref_slice %arg5[%run_scoped3A_11, %dma_wait3A] : memref<8x128xf32, #tpu.memory_space<vmem>> -> memref<1x128xf32, #tpu.memory_space<vmem>>
      %dma_wait3A_1923 = tpu.memref_squeeze %dma_wait3A_1922 : memref<1x128xf32, #tpu.memory_space<vmem>> -> memref<128xf32, #tpu.memory_space<vmem>>
      %dma_wait3A_1924 = tpu.memref_slice %arg2[%run_scoped3A_10, %mul3A_2] : memref<8x4096xf32, #tpu.memory_space<hbm>> -> memref<1x128xf32, #tpu.memory_space<hbm>>
      %dma_wait3A_1925 = tpu.memref_squeeze %dma_wait3A_1924 : memref<1x128xf32, #tpu.memory_space<hbm>> -> memref<128xf32, #tpu.memory_space<hbm>>
      %dma_wait3A_1926 = arith.constant 0 : i32
      %dma_wait3A_1927 = tpu.memref_slice %arg5[%run_scoped3A_11, %dma_wait3A_1926] : memref<8x128xf32, #tpu.memory_space<vmem>> -> memref<1x128xf32, #tpu.memory_space<vmem>>
      %dma_wait3A_1928 = tpu.memref_squeeze %dma_wait3A_1927 : memref<1x128xf32, #tpu.memory_space<vmem>> -> memref<128xf32, #tpu.memory_space<vmem>>
      %dma_wait3A_1929 = tpu.memref_slice %arg2[%run_scoped3A_10, %mul3A_2] : memref<8x4096xf32, #tpu.memory_space<hbm>> -> memref<1x128xf32, #tpu.memory_space<hbm>>
      %dma_wait3A_1930 = tpu.memref_squeeze %dma_wait3A_1929 : memref<1x128xf32, #tpu.memory_space<hbm>> -> memref<128xf32, #tpu.memory_space<hbm>>
      tpu.wait_dma2 semaphore(%run_scoped3A_1912 : memref<!tpu.dma_semaphore, #tpu.memory_space<semaphore_mem>>) src(%dma_wait3A_1930 : memref<128xf32, #tpu.memory_space<hbm>>) dst(%dma_wait3A_1928 : memref<128xf32, #tpu.memory_space<vmem>>)
      tpu.yield
    }) : () -> ()
    %run_scoped3A_12 = arith.constant 2 : i32
    %run_scoped3A_13 = arith.constant 2 : i32
    "tpu.region"() ({
      %run_scoped3A_1912 = tpu.sem_alloc : memref<!tpu.dma_semaphore, #tpu.memory_space<semaphore_mem>>
      %dma_start3A = arith.constant 0 : i32
      %dma_start3A_1913 = tpu.memref_slice %arg6[%run_scoped3A_13, %dma_start3A] : memref<8x128xf32, #tpu.memory_space<vmem>> -> memref<1x128xf32, #tpu.memory_space<vmem>>
      %dma_start3A_1914 = tpu.memref_squeeze %dma_start3A_1913 : memref<1x128xf32, #tpu.memory_space<vmem>> -> memref<128xf32, #tpu.memory_space<vmem>>
      %dma_start3A_1915 = tpu.memref_slice %arg3[%run_scoped3A_12, %mul3A_2] : memref<8x4096xf32, #tpu.memory_space<hbm>> -> memref<1x128xf32, #tpu.memory_space<hbm>>
      %dma_start3A_1916 = tpu.memref_squeeze %dma_start3A_1915 : memref<1x128xf32, #tpu.memory_space<hbm>> -> memref<128xf32, #tpu.memory_space<hbm>>
      %dma_start3A_1917 = arith.constant 0 : i32
      %dma_start3A_1918 = tpu.memref_slice %arg6[%run_scoped3A_13, %dma_start3A_1917] : memref<8x128xf32, #tpu.memory_space<vmem>> -> memref<1x128xf32, #tpu.memory_space<vmem>>
      %dma_start3A_1919 = tpu.memref_squeeze %dma_start3A_1918 : memref<1x128xf32, #tpu.memory_space<vmem>> -> memref<128xf32, #tpu.memory_space<vmem>>
      %dma_start3A_1920 = tpu.memref_slice %arg3[%run_scoped3A_12, %mul3A_2] : memref<8x4096xf32, #tpu.memory_space<hbm>> -> memref<1x128xf32, #tpu.memory_space<hbm>>
      %dma_start3A_1921 = tpu.memref_squeeze %dma_start3A_1920 : memref<1x128xf32, #tpu.memory_space<hbm>> -> memref<128xf32, #tpu.memory_space<hbm>>
      tpu.enqueue_dma source(%dma_start3A_1921 : memref<128xf32, #tpu.memory_space<hbm>>) target(%dma_start3A_1919 : memref<128xf32, #tpu.memory_space<vmem>>) target_semaphore(%run_scoped3A_1912 : memref<!tpu.dma_semaphore, #tpu.memory_space<semaphore_mem>>)
      %dma_wait3A = arith.constant 0 : i32
      %dma_wait3A_1922 = tpu.memref_slice %arg6[%run_scoped3A_13, %dma_wait3A] : memref<8x128xf32, #tpu.memory_space<vmem>> -> memref<1x128xf32, #tpu.memory_space<vmem>>
      %dma_wait3A_1923 = tpu.memref_squeeze %dma_wait3A_1922 : memref<1x128xf32, #tpu.memory_space<vmem>> -> memref<128xf32, #tpu.memory_space<vmem>>
      %dma_wait3A_1924 = tpu.memref_slice %arg3[%run_scoped3A_12, %mul3A_2] : memref<8x4096xf32, #tpu.memory_space<hbm>> -> memref<1x128xf32, #tpu.memory_space<hbm>>
      %dma_wait3A_1925 = tpu.memref_squeeze %dma_wait3A_1924 : memref<1x128xf32, #tpu.memory_space<hbm>> -> memref<128xf32, #tpu.memory_space<hbm>>
      %dma_wait3A_1926 = arith.constant 0 : i32
      %dma_wait3A_1927 = tpu.memref_slice %arg6[%run_scoped3A_13, %dma_wait3A_1926] : memref<8x128xf32, #tpu.memory_space<vmem>> -> memref<1x128xf32, #tpu.memory_space<vmem>>
      %dma_wait3A_1928 = tpu.memref_squeeze %dma_wait3A_1927 : memref<1x128xf32, #tpu.memory_space<vmem>> -> memref<128xf32, #tpu.memory_space<vmem>>
      %dma_wait3A_1929 = tpu.memref_slice %arg3[%run_scoped3A_12, %mul3A_2] : memref<8x4096xf32, #tpu.memory_space<hbm>> -> memref<1x128xf32, #tpu.memory_space<hbm>>
      %dma_wait3A_1930 = tpu.memref_squeeze %dma_wait3A_1929 : memref<1x128xf32, #tpu.memory_space<hbm>> -> memref<128xf32, #tpu.memory_space<hbm>>
      tpu.wait_dma2 semaphore(%run_scoped3A_1912 : memref<!tpu.dma_semaphore, #tpu.memory_space<semaphore_mem>>) src(%dma_wait3A_1930 : memref<128xf32, #tpu.memory_space<hbm>>) dst(%dma_wait3A_1928 : memref<128xf32, #tpu.memory_space<vmem>>)
      tpu.yield
    }) : () -> ()
    %run_scoped3A_14 = arith.constant 3 : i32
    %run_scoped3A_15 = arith.constant 3 : i32
    "tpu.region"() ({
      %run_scoped3A_1912 = tpu.sem_alloc : memref<!tpu.dma_semaphore, #tpu.memory_space<semaphore_mem>>
      %dma_start3A = arith.constant 0 : i32
      %dma_start3A_1913 = tpu.memref_slice %arg5[%run_scoped3A_15, %dma_start3A] : memref<8x128xf32, #tpu.memory_space<vmem>> -> memref<1x128xf32, #tpu.memory_space<vmem>>
      %dma_start3A_1914 = tpu.memref_squeeze %dma_start3A_1913 : memref<1x128xf32, #tpu.memory_space<vmem>> -> memref<128xf32, #tpu.memory_space<vmem>>
      %dma_start3A_1915 = tpu.memref_slice %arg2[%run_scoped3A_14, %mul3A_2] : memref<8x4096xf32, #tpu.memory_space<hbm>> -> memref<1x128xf32, #tpu.memory_space<hbm>>
      %dma_start3A_1916 = tpu.memref_squeeze %dma_start3A_1915 : memref<1x128xf32, #tpu.memory_space<hbm>> -> memref<128xf32, #tpu.memory_space<hbm>>
      %dma_start3A_1917 = arith.constant 0 : i32
      %dma_start3A_1918 = tpu.memref_slice %arg5[%run_scoped3A_15, %dma_start3A_1917] : memref<8x128xf32, #tpu.memory_space<vmem>> -> memref<1x128xf32, #tpu.memory_space<vmem>>
      %dma_start3A_1919 = tpu.memref_squeeze %dma_start3A_1918 : memref<1x128xf32, #tpu.memory_space<vmem>> -> memref<128xf32, #tpu.memory_space<vmem>>
      %dma_start3A_1920 = tpu.memref_slice %arg2[%run_scoped3A_14, %mul3A_2] : memref<8x4096xf32, #tpu.memory_space<hbm>> -> memref<1x128xf32, #tpu.memory_space<hbm>>
      %dma_start3A_1921 = tpu.memref_squeeze %dma_start3A_1920 : memref<1x128xf32, #tpu.memory_space<hbm>> -> memref<128xf32, #tpu.memory_space<hbm>>
      tpu.enqueue_dma source(%dma_start3A_1921 : memref<128xf32, #tpu.memory_space<hbm>>) target(%dma_start3A_1919 : memref<128xf32, #tpu.memory_space<vmem>>) target_semaphore(%run_scoped3A_1912 : memref<!tpu.dma_semaphore, #tpu.memory_space<semaphore_mem>>)
      %dma_wait3A = arith.constant 0 : i32
      %dma_wait3A_1922 = tpu.memref_slice %arg5[%run_scoped3A_15, %dma_wait3A] : memref<8x128xf32, #tpu.memory_space<vmem>> -> memref<1x128xf32, #tpu.memory_space<vmem>>
      %dma_wait3A_1923 = tpu.memref_squeeze %dma_wait3A_1922 : memref<1x128xf32, #tpu.memory_space<vmem>> -> memref<128xf32, #tpu.memory_space<vmem>>
      %dma_wait3A_1924 = tpu.memref_slice %arg2[%run_scoped3A_14, %mul3A_2] : memref<8x4096xf32, #tpu.memory_space<hbm>> -> memref<1x128xf32, #tpu.memory_space<hbm>>
      %dma_wait3A_1925 = tpu.memref_squeeze %dma_wait3A_1924 : memref<1x128xf32, #tpu.memory_space<hbm>> -> memref<128xf32, #tpu.memory_space<hbm>>
      %dma_wait3A_1926 = arith.constant 0 : i32
      %dma_wait3A_1927 = tpu.memref_slice %arg5[%run_scoped3A_15, %dma_wait3A_1926] : memref<8x128xf32, #tpu.memory_space<vmem>> -> memref<1x128xf32, #tpu.memory_space<vmem>>
      %dma_wait3A_1928 = tpu.memref_squeeze %dma_wait3A_1927 : memref<1x128xf32, #tpu.memory_space<vmem>> -> memref<128xf32, #tpu.memory_space<vmem>>
      %dma_wait3A_1929 = tpu.memref_slice %arg2[%run_scoped3A_14, %mul3A_2] : memref<8x4096xf32, #tpu.memory_space<hbm>> -> memref<1x128xf32, #tpu.memory_space<hbm>>
      %dma_wait3A_1930 = tpu.memref_squeeze %dma_wait3A_1929 : memref<1x128xf32, #tpu.memory_space<hbm>> -> memref<128xf32, #tpu.memory_space<hbm>>
      tpu.wait_dma2 semaphore(%run_scoped3A_1912 : memref<!tpu.dma_semaphore, #tpu.memory_space<semaphore_mem>>) src(%dma_wait3A_1930 : memref<128xf32, #tpu.memory_space<hbm>>) dst(%dma_wait3A_1928 : memref<128xf32, #tpu.memory_space<vmem>>)
      tpu.yield
    }) : () -> ()
    %run_scoped3A_16 = arith.constant 3 : i32
    %run_scoped3A_17 = arith.constant 3 : i32
    "tpu.region"() ({
      %run_scoped3A_1912 = tpu.sem_alloc : memref<!tpu.dma_semaphore, #tpu.memory_space<semaphore_mem>>
      %dma_start3A = arith.constant 0 : i32
      %dma_start3A_1913 = tpu.memref_slice %arg6[%run_scoped3A_17, %dma_start3A] : memref<8x128xf32, #tpu.memory_space<vmem>> -> memref<1x128xf32, #tpu.memory_space<vmem>>
      %dma_start3A_1914 = tpu.memref_squeeze %dma_start3A_1913 : memref<1x128xf32, #tpu.memory_space<vmem>> -> memref<128xf32, #tpu.memory_space<vmem>>
      %dma_start3A_1915 = tpu.memref_slice %arg3[%run_scoped3A_16, %mul3A_2] : memref<8x4096xf32, #tpu.memory_space<hbm>> -> memref<1x128xf32, #tpu.memory_space<hbm>>
      %dma_start3A_1916 = tpu.memref_squeeze %dma_start3A_1915 : memref<1x128xf32, #tpu.memory_space<hbm>> -> memref<128xf32, #tpu.memory_space<hbm>>
      %dma_start3A_1917 = arith.constant 0 : i32
      %dma_start3A_1918 = tpu.memref_slice %arg6[%run_scoped3A_17, %dma_start3A_1917] : memref<8x128xf32, #tpu.memory_space<vmem>> -> memref<1x128xf32, #tpu.memory_space<vmem>>
      %dma_start3A_1919 = tpu.memref_squeeze %dma_start3A_1918 : memref<1x128xf32, #tpu.memory_space<vmem>> -> memref<128xf32, #tpu.memory_space<vmem>>
      %dma_start3A_1920 = tpu.memref_slice %arg3[%run_scoped3A_16, %mul3A_2] : memref<8x4096xf32, #tpu.memory_space<hbm>> -> memref<1x128xf32, #tpu.memory_space<hbm>>
      %dma_start3A_1921 = tpu.memref_squeeze %dma_start3A_1920 : memref<1x128xf32, #tpu.memory_space<hbm>> -> memref<128xf32, #tpu.memory_space<hbm>>
      tpu.enqueue_dma source(%dma_start3A_1921 : memref<128xf32, #tpu.memory_space<hbm>>) target(%dma_start3A_1919 : memref<128xf32, #tpu.memory_space<vmem>>) target_semaphore(%run_scoped3A_1912 : memref<!tpu.dma_semaphore, #tpu.memory_space<semaphore_mem>>)
      %dma_wait3A = arith.constant 0 : i32
      %dma_wait3A_1922 = tpu.memref_slice %arg6[%run_scoped3A_17, %dma_wait3A] : memref<8x128xf32, #tpu.memory_space<vmem>> -> memref<1x128xf32, #tpu.memory_space<vmem>>
      %dma_wait3A_1923 = tpu.memref_squeeze %dma_wait3A_1922 : memref<1x128xf32, #tpu.memory_space<vmem>> -> memref<128xf32, #tpu.memory_space<vmem>>
      %dma_wait3A_1924 = tpu.memref_slice %arg3[%run_scoped3A_16, %mul3A_2] : memref<8x4096xf32, #tpu.memory_space<hbm>> -> memref<1x128xf32, #tpu.memory_space<hbm>>
      %dma_wait3A_1925 = tpu.memref_squeeze %dma_wait3A_1924 : memref<1x128xf32, #tpu.memory_space<hbm>> -> memref<128xf32, #tpu.memory_space<hbm>>
      %dma_wait3A_1926 = arith.constant 0 : i32
      %dma_wait3A_1927 = tpu.memref_slice %arg6[%run_scoped3A_17, %dma_wait3A_1926] : memref<8x128xf32, #tpu.memory_space<vmem>> -> memref<1x128xf32, #tpu.memory_space<vmem>>
      %dma_wait3A_1928 = tpu.memref_squeeze %dma_wait3A_1927 : memref<1x128xf32, #tpu.memory_space<vmem>> -> memref<128xf32, #tpu.memory_space<vmem>>
      %dma_wait3A_1929 = tpu.memref_slice %arg3[%run_scoped3A_16, %mul3A_2] : memref<8x4096xf32, #tpu.memory_space<hbm>> -> memref<1x128xf32, #tpu.memory_space<hbm>>
      %dma_wait3A_1930 = tpu.memref_squeeze %dma_wait3A_1929 : memref<1x128xf32, #tpu.memory_space<hbm>> -> memref<128xf32, #tpu.memory_space<hbm>>
      tpu.wait_dma2 semaphore(%run_scoped3A_1912 : memref<!tpu.dma_semaphore, #tpu.memory_space<semaphore_mem>>) src(%dma_wait3A_1930 : memref<128xf32, #tpu.memory_space<hbm>>) dst(%dma_wait3A_1928 : memref<128xf32, #tpu.memory_space<vmem>>)
      tpu.yield
    }) : () -> ()
    %run_scoped3A_18 = arith.constant 4 : i32
    %run_scoped3A_19 = arith.constant 4 : i32
    "tpu.region"() ({
      %run_scoped3A_1912 = tpu.sem_alloc : memref<!tpu.dma_semaphore, #tpu.memory_space<semaphore_mem>>
      %dma_start3A = arith.constant 0 : i32
      %dma_start3A_1913 = tpu.memref_slice %arg5[%run_scoped3A_19, %dma_start3A] : memref<8x128xf32, #tpu.memory_space<vmem>> -> memref<1x128xf32, #tpu.memory_space<vmem>>
      %dma_start3A_1914 = tpu.memref_squeeze %dma_start3A_1913 : memref<1x128xf32, #tpu.memory_space<vmem>> -> memref<128xf32, #tpu.memory_space<vmem>>
      %dma_start3A_1915 = tpu.memref_slice %arg2[%run_scoped3A_18, %mul3A_2] : memref<8x4096xf32, #tpu.memory_space<hbm>> -> memref<1x128xf32, #tpu.memory_space<hbm>>
      %dma_start3A_1916 = tpu.memref_squeeze %dma_start3A_1915 : memref<1x128xf32, #tpu.memory_space<hbm>> -> memref<128xf32, #tpu.memory_space<hbm>>
      %dma_start3A_1917 = arith.constant 0 : i32
      %dma_start3A_1918 = tpu.memref_slice %arg5[%run_scoped3A_19, %dma_start3A_1917] : memref<8x128xf32, #tpu.memory_space<vmem>> -> memref<1x128xf32, #tpu.memory_space<vmem>>
      %dma_start3A_1919 = tpu.memref_squeeze %dma_start3A_1918 : memref<1x128xf32, #tpu.memory_space<vmem>> -> memref<128xf32, #tpu.memory_space<vmem>>
      %dma_start3A_1920 = tpu.memref_slice %arg2[%run_scoped3A_18, %mul3A_2] : memref<8x4096xf32, #tpu.memory_space<hbm>> -> memref<1x128xf32, #tpu.memory_space<hbm>>
      %dma_start3A_1921 = tpu.memref_squeeze %dma_start3A_1920 : memref<1x128xf32, #tpu.memory_space<hbm>> -> memref<128xf32, #tpu.memory_space<hbm>>
      tpu.enqueue_dma source(%dma_start3A_1921 : memref<128xf32, #tpu.memory_space<hbm>>) target(%dma_start3A_1919 : memref<128xf32, #tpu.memory_space<vmem>>) target_semaphore(%run_scoped3A_1912 : memref<!tpu.dma_semaphore, #tpu.memory_space<semaphore_mem>>)
      %dma_wait3A = arith.constant 0 : i32
      %dma_wait3A_1922 = tpu.memref_slice %arg5[%run_scoped3A_19, %dma_wait3A] : memref<8x128xf32, #tpu.memory_space<vmem>> -> memref<1x128xf32, #tpu.memory_space<vmem>>
      %dma_wait3A_1923 = tpu.memref_squeeze %dma_wait3A_1922 : memref<1x128xf32, #tpu.memory_space<vmem>> -> memref<128xf32, #tpu.memory_space<vmem>>
      %dma_wait3A_1924 = tpu.memref_slice %arg2[%run_scoped3A_18, %mul3A_2] : memref<8x4096xf32, #tpu.memory_space<hbm>> -> memref<1x128xf32, #tpu.memory_space<hbm>>
      %dma_wait3A_1925 = tpu.memref_squeeze %dma_wait3A_1924 : memref<1x128xf32, #tpu.memory_space<hbm>> -> memref<128xf32, #tpu.memory_space<hbm>>
      %dma_wait3A_1926 = arith.constant 0 : i32
      %dma_wait3A_1927 = tpu.memref_slice %arg5[%run_scoped3A_19, %dma_wait3A_1926] : memref<8x128xf32, #tpu.memory_space<vmem>> -> memref<1x128xf32, #tpu.memory_space<vmem>>
      %dma_wait3A_1928 = tpu.memref_squeeze %dma_wait3A_1927 : memref<1x128xf32, #tpu.memory_space<vmem>> -> memref<128xf32, #tpu.memory_space<vmem>>
      %dma_wait3A_1929 = tpu.memref_slice %arg2[%run_scoped3A_18, %mul3A_2] : memref<8x4096xf32, #tpu.memory_space<hbm>> -> memref<1x128xf32, #tpu.memory_space<hbm>>
      %dma_wait3A_1930 = tpu.memref_squeeze %dma_wait3A_1929 : memref<1x128xf32, #tpu.memory_space<hbm>> -> memref<128xf32, #tpu.memory_space<hbm>>
      tpu.wait_dma2 semaphore(%run_scoped3A_1912 : memref<!tpu.dma_semaphore, #tpu.memory_space<semaphore_mem>>) src(%dma_wait3A_1930 : memref<128xf32, #tpu.memory_space<hbm>>) dst(%dma_wait3A_1928 : memref<128xf32, #tpu.memory_space<vmem>>)
      tpu.yield
    }) : () -> ()
    %run_scoped3A_20 = arith.constant 4 : i32
    %run_scoped3A_21 = arith.constant 4 : i32
    "tpu.region"() ({
      %run_scoped3A_1912 = tpu.sem_alloc : memref<!tpu.dma_semaphore, #tpu.memory_space<semaphore_mem>>
      %dma_start3A = arith.constant 0 : i32
      %dma_start3A_1913 = tpu.memref_slice %arg6[%run_scoped3A_21, %dma_start3A] : memref<8x128xf32, #tpu.memory_space<vmem>> -> memref<1x128xf32, #tpu.memory_space<vmem>>
      %dma_start3A_1914 = tpu.memref_squeeze %dma_start3A_1913 : memref<1x128xf32, #tpu.memory_space<vmem>> -> memref<128xf32, #tpu.memory_space<vmem>>
      %dma_start3A_1915 = tpu.memref_slice %arg3[%run_scoped3A_20, %mul3A_2] : memref<8x4096xf32, #tpu.memory_space<hbm>> -> memref<1x128xf32, #tpu.memory_space<hbm>>
      %dma_start3A_1916 = tpu.memref_squeeze %dma_start3A_1915 : memref<1x128xf32, #tpu.memory_space<hbm>> -> memref<128xf32, #tpu.memory_space<hbm>>
      %dma_start3A_1917 = arith.constant 0 : i32
      %dma_start3A_1918 = tpu.memref_slice %arg6[%run_scoped3A_21, %dma_start3A_1917] : memref<8x128xf32, #tpu.memory_space<vmem>> -> memref<1x128xf32, #tpu.memory_space<vmem>>
      %dma_start3A_1919 = tpu.memref_squeeze %dma_start3A_1918 : memref<1x128xf32, #tpu.memory_space<vmem>> -> memref<128xf32, #tpu.memory_space<vmem>>
      %dma_start3A_1920 = tpu.memref_slice %arg3[%run_scoped3A_20, %mul3A_2] : memref<8x4096xf32, #tpu.memory_space<hbm>> -> memref<1x128xf32, #tpu.memory_space<hbm>>
      %dma_start3A_1921 = tpu.memref_squeeze %dma_start3A_1920 : memref<1x128xf32, #tpu.memory_space<hbm>> -> memref<128xf32, #tpu.memory_space<hbm>>
      tpu.enqueue_dma source(%dma_start3A_1921 : memref<128xf32, #tpu.memory_space<hbm>>) target(%dma_start3A_1919 : memref<128xf32, #tpu.memory_space<vmem>>) target_semaphore(%run_scoped3A_1912 : memref<!tpu.dma_semaphore, #tpu.memory_space<semaphore_mem>>)
      %dma_wait3A = arith.constant 0 : i32
      %dma_wait3A_1922 = tpu.memref_slice %arg6[%run_scoped3A_21, %dma_wait3A] : memref<8x128xf32, #tpu.memory_space<vmem>> -> memref<1x128xf32, #tpu.memory_space<vmem>>
      %dma_wait3A_1923 = tpu.memref_squeeze %dma_wait3A_1922 : memref<1x128xf32, #tpu.memory_space<vmem>> -> memref<128xf32, #tpu.memory_space<vmem>>
      %dma_wait3A_1924 = tpu.memref_slice %arg3[%run_scoped3A_20, %mul3A_2] : memref<8x4096xf32, #tpu.memory_space<hbm>> -> memref<1x128xf32, #tpu.memory_space<hbm>>
      %dma_wait3A_1925 = tpu.memref_squeeze %dma_wait3A_1924 : memref<1x128xf32, #tpu.memory_space<hbm>> -> memref<128xf32, #tpu.memory_space<hbm>>
      %dma_wait3A_1926 = arith.constant 0 : i32
      %dma_wait3A_1927 = tpu.memref_slice %arg6[%run_scoped3A_21, %dma_wait3A_1926] : memref<8x128xf32, #tpu.memory_space<vmem>> -> memref<1x128xf32, #tpu.memory_space<vmem>>
      %dma_wait3A_1928 = tpu.memref_squeeze %dma_wait3A_1927 : memref<1x128xf32, #tpu.memory_space<vmem>> -> memref<128xf32, #tpu.memory_space<vmem>>
      %dma_wait3A_1929 = tpu.memref_slice %arg3[%run_scoped3A_20, %mul3A_2] : memref<8x4096xf32, #tpu.memory_space<hbm>> -> memref<1x128xf32, #tpu.memory_space<hbm>>
      %dma_wait3A_1930 = tpu.memref_squeeze %dma_wait3A_1929 : memref<1x128xf32, #tpu.memory_space<hbm>> -> memref<128xf32, #tpu.memory_space<hbm>>
      tpu.wait_dma2 semaphore(%run_scoped3A_1912 : memref<!tpu.dma_semaphore, #tpu.memory_space<semaphore_mem>>) src(%dma_wait3A_1930 : memref<128xf32, #tpu.memory_space<hbm>>) dst(%dma_wait3A_1928 : memref<128xf32, #tpu.memory_space<vmem>>)
      tpu.yield
    }) : () -> ()
    %run_scoped3A_22 = arith.constant 5 : i32
    %run_scoped3A_23 = arith.constant 5 : i32
    "tpu.region"() ({
      %run_scoped3A_1912 = tpu.sem_alloc : memref<!tpu.dma_semaphore, #tpu.memory_space<semaphore_mem>>
      %dma_start3A = arith.constant 0 : i32
      %dma_start3A_1913 = tpu.memref_slice %arg5[%run_scoped3A_23, %dma_start3A] : memref<8x128xf32, #tpu.memory_space<vmem>> -> memref<1x128xf32, #tpu.memory_space<vmem>>
      %dma_start3A_1914 = tpu.memref_squeeze %dma_start3A_1913 : memref<1x128xf32, #tpu.memory_space<vmem>> -> memref<128xf32, #tpu.memory_space<vmem>>
      %dma_start3A_1915 = tpu.memref_slice %arg2[%run_scoped3A_22, %mul3A_2] : memref<8x4096xf32, #tpu.memory_space<hbm>> -> memref<1x128xf32, #tpu.memory_space<hbm>>
      %dma_start3A_1916 = tpu.memref_squeeze %dma_start3A_1915 : memref<1x128xf32, #tpu.memory_space<hbm>> -> memref<128xf32, #tpu.memory_space<hbm>>
      %dma_start3A_1917 = arith.constant 0 : i32
      %dma_start3A_1918 = tpu.memref_slice %arg5[%run_scoped3A_23, %dma_start3A_1917] : memref<8x128xf32, #tpu.memory_space<vmem>> -> memref<1x128xf32, #tpu.memory_space<vmem>>
      %dma_start3A_1919 = tpu.memref_squeeze %dma_start3A_1918 : memref<1x128xf32, #tpu.memory_space<vmem>> -> memref<128xf32, #tpu.memory_space<vmem>>
      %dma_start3A_1920 = tpu.memref_slice %arg2[%run_scoped3A_22, %mul3A_2] : memref<8x4096xf32, #tpu.memory_space<hbm>> -> memref<1x128xf32, #tpu.memory_space<hbm>>
      %dma_start3A_1921 = tpu.memref_squeeze %dma_start3A_1920 : memref<1x128xf32, #tpu.memory_space<hbm>> -> memref<128xf32, #tpu.memory_space<hbm>>
      tpu.enqueue_dma source(%dma_start3A_1921 : memref<128xf32, #tpu.memory_space<hbm>>) target(%dma_start3A_1919 : memref<128xf32, #tpu.memory_space<vmem>>) target_semaphore(%run_scoped3A_1912 : memref<!tpu.dma_semaphore, #tpu.memory_space<semaphore_mem>>)
      %dma_wait3A = arith.constant 0 : i32
      %dma_wait3A_1922 = tpu.memref_slice %arg5[%run_scoped3A_23, %dma_wait3A] : memref<8x128xf32, #tpu.memory_space<vmem>> -> memref<1x128xf32, #tpu.memory_space<vmem>>
      %dma_wait3A_1923 = tpu.memref_squeeze %dma_wait3A_1922 : memref<1x128xf32, #tpu.memory_space<vmem>> -> memref<128xf32, #tpu.memory_space<vmem>>
      %dma_wait3A_1924 = tpu.memref_slice %arg2[%run_scoped3A_22, %mul3A_2] : memref<8x4096xf32, #tpu.memory_space<hbm>> -> memref<1x128xf32, #tpu.memory_space<hbm>>
      %dma_wait3A_1925 = tpu.memref_squeeze %dma_wait3A_1924 : memref<1x128xf32, #tpu.memory_space<hbm>> -> memref<128xf32, #tpu.memory_space<hbm>>
      %dma_wait3A_1926 = arith.constant 0 : i32
      %dma_wait3A_1927 = tpu.memref_slice %arg5[%run_scoped3A_23, %dma_wait3A_1926] : memref<8x128xf32, #tpu.memory_space<vmem>> -> memref<1x128xf32, #tpu.memory_space<vmem>>
      %dma_wait3A_1928 = tpu.memref_squeeze %dma_wait3A_1927 : memref<1x128xf32, #tpu.memory_space<vmem>> -> memref<128xf32, #tpu.memory_space<vmem>>
      %dma_wait3A_1929 = tpu.memref_slice %arg2[%run_scoped3A_22, %mul3A_2] : memref<8x4096xf32, #tpu.memory_space<hbm>> -> memref<1x128xf32, #tpu.memory_space<hbm>>
      %dma_wait3A_1930 = tpu.memref_squeeze %dma_wait3A_1929 : memref<1x128xf32, #tpu.memory_space<hbm>> -> memref<128xf32, #tpu.memory_space<hbm>>
      tpu.wait_dma2 semaphore(%run_scoped3A_1912 : memref<!tpu.dma_semaphore, #tpu.memory_space<semaphore_mem>>) src(%dma_wait3A_1930 : memref<128xf32, #tpu.memory_space<hbm>>) dst(%dma_wait3A_1928 : memref<128xf32, #tpu.memory_space<vmem>>)
      tpu.yield
    }) : () -> ()
    %run_scoped3A_24 = arith.constant 5 : i32
    %run_scoped3A_25 = arith.constant 5 : i32
    "tpu.region"() ({
      %run_scoped3A_1912 = tpu.sem_alloc : memref<!tpu.dma_semaphore, #tpu.memory_space<semaphore_mem>>
      %dma_start3A = arith.constant 0 : i32
      %dma_start3A_1913 = tpu.memref_slice %arg6[%run_scoped3A_25, %dma_start3A] : memref<8x128xf32, #tpu.memory_space<vmem>> -> memref<1x128xf32, #tpu.memory_space<vmem>>
      %dma_start3A_1914 = tpu.memref_squeeze %dma_start3A_1913 : memref<1x128xf32, #tpu.memory_space<vmem>> -> memref<128xf32, #tpu.memory_space<vmem>>
      %dma_start3A_1915 = tpu.memref_slice %arg3[%run_scoped3A_24, %mul3A_2] : memref<8x4096xf32, #tpu.memory_space<hbm>> -> memref<1x128xf32, #tpu.memory_space<hbm>>
      %dma_start3A_1916 = tpu.memref_squeeze %dma_start3A_1915 : memref<1x128xf32, #tpu.memory_space<hbm>> -> memref<128xf32, #tpu.memory_space<hbm>>
      %dma_start3A_1917 = arith.constant 0 : i32
      %dma_start3A_1918 = tpu.memref_slice %arg6[%run_scoped3A_25, %dma_start3A_1917] : memref<8x128xf32, #tpu.memory_space<vmem>> -> memref<1x128xf32, #tpu.memory_space<vmem>>
      %dma_start3A_1919 = tpu.memref_squeeze %dma_start3A_1918 : memref<1x128xf32, #tpu.memory_space<vmem>> -> memref<128xf32, #tpu.memory_space<vmem>>
      %dma_start3A_1920 = tpu.memref_slice %arg3[%run_scoped3A_24, %mul3A_2] : memref<8x4096xf32, #tpu.memory_space<hbm>> -> memref<1x128xf32, #tpu.memory_space<hbm>>
      %dma_start3A_1921 = tpu.memref_squeeze %dma_start3A_1920 : memref<1x128xf32, #tpu.memory_space<hbm>> -> memref<128xf32, #tpu.memory_space<hbm>>
      tpu.enqueue_dma source(%dma_start3A_1921 : memref<128xf32, #tpu.memory_space<hbm>>) target(%dma_start3A_1919 : memref<128xf32, #tpu.memory_space<vmem>>) target_semaphore(%run_scoped3A_1912 : memref<!tpu.dma_semaphore, #tpu.memory_space<semaphore_mem>>)
      %dma_wait3A = arith.constant 0 : i32
      %dma_wait3A_1922 = tpu.memref_slice %arg6[%run_scoped3A_25, %dma_wait3A] : memref<8x128xf32, #tpu.memory_space<vmem>> -> memref<1x128xf32, #tpu.memory_space<vmem>>
      %dma_wait3A_1923 = tpu.memref_squeeze %dma_wait3A_1922 : memref<1x128xf32, #tpu.memory_space<vmem>> -> memref<128xf32, #tpu.memory_space<vmem>>
      %dma_wait3A_1924 = tpu.memref_slice %arg3[%run_scoped3A_24, %mul3A_2] : memref<8x4096xf32, #tpu.memory_space<hbm>> -> memref<1x128xf32, #tpu.memory_space<hbm>>
      %dma_wait3A_1925 = tpu.memref_squeeze %dma_wait3A_1924 : memref<1x128xf32, #tpu.memory_space<hbm>> -> memref<128xf32, #tpu.memory_space<hbm>>
      %dma_wait3A_1926 = arith.constant 0 : i32
      %dma_wait3A_1927 = tpu.memref_slice %arg6[%run_scoped3A_25, %dma_wait3A_1926] : memref<8x128xf32, #tpu.memory_space<vmem>> -> memref<1x128xf32, #tpu.memory_space<vmem>>
      %dma_wait3A_1928 = tpu.memref_squeeze %dma_wait3A_1927 : memref<1x128xf32, #tpu.memory_space<vmem>> -> memref<128xf32, #tpu.memory_space<vmem>>
      %dma_wait3A_1929 = tpu.memref_slice %arg3[%run_scoped3A_24, %mul3A_2] : memref<8x4096xf32, #tpu.memory_space<hbm>> -> memref<1x128xf32, #tpu.memory_space<hbm>>
      %dma_wait3A_1930 = tpu.memref_squeeze %dma_wait3A_1929 : memref<1x128xf32, #tpu.memory_space<hbm>> -> memref<128xf32, #tpu.memory_space<hbm>>
      tpu.wait_dma2 semaphore(%run_scoped3A_1912 : memref<!tpu.dma_semaphore, #tpu.memory_space<semaphore_mem>>) src(%dma_wait3A_1930 : memref<128xf32, #tpu.memory_space<hbm>>) dst(%dma_wait3A_1928 : memref<128xf32, #tpu.memory_space<vmem>>)
      tpu.yield
    }) : () -> ()
    %run_scoped3A_26 = arith.constant 6 : i32
    %run_scoped3A_27 = arith.constant 6 : i32
    "tpu.region"() ({
      %run_scoped3A_1912 = tpu.sem_alloc : memref<!tpu.dma_semaphore, #tpu.memory_space<semaphore_mem>>
      %dma_start3A = arith.constant 0 : i32
      %dma_start3A_1913 = tpu.memref_slice %arg5[%run_scoped3A_27, %dma_start3A] : memref<8x128xf32, #tpu.memory_space<vmem>> -> memref<1x128xf32, #tpu.memory_space<vmem>>
      %dma_start3A_1914 = tpu.memref_squeeze %dma_start3A_1913 : memref<1x128xf32, #tpu.memory_space<vmem>> -> memref<128xf32, #tpu.memory_space<vmem>>
      %dma_start3A_1915 = tpu.memref_slice %arg2[%run_scoped3A_26, %mul3A_2] : memref<8x4096xf32, #tpu.memory_space<hbm>> -> memref<1x128xf32, #tpu.memory_space<hbm>>
      %dma_start3A_1916 = tpu.memref_squeeze %dma_start3A_1915 : memref<1x128xf32, #tpu.memory_space<hbm>> -> memref<128xf32, #tpu.memory_space<hbm>>
      %dma_start3A_1917 = arith.constant 0 : i32
      %dma_start3A_1918 = tpu.memref_slice %arg5[%run_scoped3A_27, %dma_start3A_1917] : memref<8x128xf32, #tpu.memory_space<vmem>> -> memref<1x128xf32, #tpu.memory_space<vmem>>
      %dma_start3A_1919 = tpu.memref_squeeze %dma_start3A_1918 : memref<1x128xf32, #tpu.memory_space<vmem>> -> memref<128xf32, #tpu.memory_space<vmem>>
      %dma_start3A_1920 = tpu.memref_slice %arg2[%run_scoped3A_26, %mul3A_2] : memref<8x4096xf32, #tpu.memory_space<hbm>> -> memref<1x128xf32, #tpu.memory_space<hbm>>
      %dma_start3A_1921 = tpu.memref_squeeze %dma_start3A_1920 : memref<1x128xf32, #tpu.memory_space<hbm>> -> memref<128xf32, #tpu.memory_space<hbm>>
      tpu.enqueue_dma source(%dma_start3A_1921 : memref<128xf32, #tpu.memory_space<hbm>>) target(%dma_start3A_1919 : memref<128xf32, #tpu.memory_space<vmem>>) target_semaphore(%run_scoped3A_1912 : memref<!tpu.dma_semaphore, #tpu.memory_space<semaphore_mem>>)
      %dma_wait3A = arith.constant 0 : i32
      %dma_wait3A_1922 = tpu.memref_slice %arg5[%run_scoped3A_27, %dma_wait3A] : memref<8x128xf32, #tpu.memory_space<vmem>> -> memref<1x128xf32, #tpu.memory_space<vmem>>
      %dma_wait3A_1923 = tpu.memref_squeeze %dma_wait3A_1922 : memref<1x128xf32, #tpu.memory_space<vmem>> -> memref<128xf32, #tpu.memory_space<vmem>>
      %dma_wait3A_1924 = tpu.memref_slice %arg2[%run_scoped3A_26, %mul3A_2] : memref<8x4096xf32, #tpu.memory_space<hbm>> -> memref<1x128xf32, #tpu.memory_space<hbm>>
      %dma_wait3A_1925 = tpu.memref_squeeze %dma_wait3A_1924 : memref<1x128xf32, #tpu.memory_space<hbm>> -> memref<128xf32, #tpu.memory_space<hbm>>
      %dma_wait3A_1926 = arith.constant 0 : i32
      %dma_wait3A_1927 = tpu.memref_slice %arg5[%run_scoped3A_27, %dma_wait3A_1926] : memref<8x128xf32, #tpu.memory_space<vmem>> -> memref<1x128xf32, #tpu.memory_space<vmem>>
      %dma_wait3A_1928 = tpu.memref_squeeze %dma_wait3A_1927 : memref<1x128xf32, #tpu.memory_space<vmem>> -> memref<128xf32, #tpu.memory_space<vmem>>
      %dma_wait3A_1929 = tpu.memref_slice %arg2[%run_scoped3A_26, %mul3A_2] : memref<8x4096xf32, #tpu.memory_space<hbm>> -> memref<1x128xf32, #tpu.memory_space<hbm>>
      %dma_wait3A_1930 = tpu.memref_squeeze %dma_wait3A_1929 : memref<1x128xf32, #tpu.memory_space<hbm>> -> memref<128xf32, #tpu.memory_space<hbm>>
      tpu.wait_dma2 semaphore(%run_scoped3A_1912 : memref<!tpu.dma_semaphore, #tpu.memory_space<semaphore_mem>>) src(%dma_wait3A_1930 : memref<128xf32, #tpu.memory_space<hbm>>) dst(%dma_wait3A_1928 : memref<128xf32, #tpu.memory_space<vmem>>)
      tpu.yield
    }) : () -> ()
    %run_scoped3A_28 = arith.constant 6 : i32
    %run_scoped3A_29 = arith.constant 6 : i32
    "tpu.region"() ({
      %run_scoped3A_1912 = tpu.sem_alloc : memref<!tpu.dma_semaphore, #tpu.memory_space<semaphore_mem>>
      %dma_start3A = arith.constant 0 : i32
      %dma_start3A_1913 = tpu.memref_slice %arg6[%run_scoped3A_29, %dma_start3A] : memref<8x128xf32, #tpu.memory_space<vmem>> -> memref<1x128xf32, #tpu.memory_space<vmem>>
      %dma_start3A_1914 = tpu.memref_squeeze %dma_start3A_1913 : memref<1x128xf32, #tpu.memory_space<vmem>> -> memref<128xf32, #tpu.memory_space<vmem>>
      %dma_start3A_1915 = tpu.memref_slice %arg3[%run_scoped3A_28, %mul3A_2] : memref<8x4096xf32, #tpu.memory_space<hbm>> -> memref<1x128xf32, #tpu.memory_space<hbm>>
      %dma_start3A_1916 = tpu.memref_squeeze %dma_start3A_1915 : memref<1x128xf32, #tpu.memory_space<hbm>> -> memref<128xf32, #tpu.memory_space<hbm>>
      %dma_start3A_1917 = arith.constant 0 : i32
      %dma_start3A_1918 = tpu.memref_slice %arg6[%run_scoped3A_29, %dma_start3A_1917] : memref<8x128xf32, #tpu.memory_space<vmem>> -> memref<1x128xf32, #tpu.memory_space<vmem>>
      %dma_start3A_1919 = tpu.memref_squeeze %dma_start3A_1918 : memref<1x128xf32, #tpu.memory_space<vmem>> -> memref<128xf32, #tpu.memory_space<vmem>>
      %dma_start3A_1920 = tpu.memref_slice %arg3[%run_scoped3A_28, %mul3A_2] : memref<8x4096xf32, #tpu.memory_space<hbm>> -> memref<1x128xf32, #tpu.memory_space<hbm>>
      %dma_start3A_1921 = tpu.memref_squeeze %dma_start3A_1920 : memref<1x128xf32, #tpu.memory_space<hbm>> -> memref<128xf32, #tpu.memory_space<hbm>>
      tpu.enqueue_dma source(%dma_start3A_1921 : memref<128xf32, #tpu.memory_space<hbm>>) target(%dma_start3A_1919 : memref<128xf32, #tpu.memory_space<vmem>>) target_semaphore(%run_scoped3A_1912 : memref<!tpu.dma_semaphore, #tpu.memory_space<semaphore_mem>>)
      %dma_wait3A = arith.constant 0 : i32
      %dma_wait3A_1922 = tpu.memref_slice %arg6[%run_scoped3A_29, %dma_wait3A] : memref<8x128xf32, #tpu.memory_space<vmem>> -> memref<1x128xf32, #tpu.memory_space<vmem>>
      %dma_wait3A_1923 = tpu.memref_squeeze %dma_wait3A_1922 : memref<1x128xf32, #tpu.memory_space<vmem>> -> memref<128xf32, #tpu.memory_space<vmem>>
      %dma_wait3A_1924 = tpu.memref_slice %arg3[%run_scoped3A_28, %mul3A_2] : memref<8x4096xf32, #tpu.memory_space<hbm>> -> memref<1x128xf32, #tpu.memory_space<hbm>>
      %dma_wait3A_1925 = tpu.memref_squeeze %dma_wait3A_1924 : memref<1x128xf32, #tpu.memory_space<hbm>> -> memref<128xf32, #tpu.memory_space<hbm>>
      %dma_wait3A_1926 = arith.constant 0 : i32
      %dma_wait3A_1927 = tpu.memref_slice %arg6[%run_scoped3A_29, %dma_wait3A_1926] : memref<8x128xf32, #tpu.memory_space<vmem>> -> memref<1x128xf32, #tpu.memory_space<vmem>>
      %dma_wait3A_1928 = tpu.memref_squeeze %dma_wait3A_1927 : memref<1x128xf32, #tpu.memory_space<vmem>> -> memref<128xf32, #tpu.memory_space<vmem>>
      %dma_wait3A_1929 = tpu.memref_slice %arg3[%run_scoped3A_28, %mul3A_2] : memref<8x4096xf32, #tpu.memory_space<hbm>> -> memref<1x128xf32, #tpu.memory_space<hbm>>
      %dma_wait3A_1930 = tpu.memref_squeeze %dma_wait3A_1929 : memref<1x128xf32, #tpu.memory_space<hbm>> -> memref<128xf32, #tpu.memory_space<hbm>>
      tpu.wait_dma2 semaphore(%run_scoped3A_1912 : memref<!tpu.dma_semaphore, #tpu.memory_space<semaphore_mem>>) src(%dma_wait3A_1930 : memref<128xf32, #tpu.memory_space<hbm>>) dst(%dma_wait3A_1928 : memref<128xf32, #tpu.memory_space<vmem>>)
      tpu.yield
    }) : () -> ()
    %run_scoped3A_30 = arith.constant 7 : i32
    %run_scoped3A_31 = arith.constant 7 : i32
    "tpu.region"() ({
      %run_scoped3A_1912 = tpu.sem_alloc : memref<!tpu.dma_semaphore, #tpu.memory_space<semaphore_mem>>
      %dma_start3A = arith.constant 0 : i32
      %dma_start3A_1913 = tpu.memref_slice %arg5[%run_scoped3A_31, %dma_start3A] : memref<8x128xf32, #tpu.memory_space<vmem>> -> memref<1x128xf32, #tpu.memory_space<vmem>>
      %dma_start3A_1914 = tpu.memref_squeeze %dma_start3A_1913 : memref<1x128xf32, #tpu.memory_space<vmem>> -> memref<128xf32, #tpu.memory_space<vmem>>
      %dma_start3A_1915 = tpu.memref_slice %arg2[%run_scoped3A_30, %mul3A_2] : memref<8x4096xf32, #tpu.memory_space<hbm>> -> memref<1x128xf32, #tpu.memory_space<hbm>>
      %dma_start3A_1916 = tpu.memref_squeeze %dma_start3A_1915 : memref<1x128xf32, #tpu.memory_space<hbm>> -> memref<128xf32, #tpu.memory_space<hbm>>
      %dma_start3A_1917 = arith.constant 0 : i32
      %dma_start3A_1918 = tpu.memref_slice %arg5[%run_scoped3A_31, %dma_start3A_1917] : memref<8x128xf32, #tpu.memory_space<vmem>> -> memref<1x128xf32, #tpu.memory_space<vmem>>
      %dma_start3A_1919 = tpu.memref_squeeze %dma_start3A_1918 : memref<1x128xf32, #tpu.memory_space<vmem>> -> memref<128xf32, #tpu.memory_space<vmem>>
      %dma_start3A_1920 = tpu.memref_slice %arg2[%run_scoped3A_30, %mul3A_2] : memref<8x4096xf32, #tpu.memory_space<hbm>> -> memref<1x128xf32, #tpu.memory_space<hbm>>
      %dma_start3A_1921 = tpu.memref_squeeze %dma_start3A_1920 : memref<1x128xf32, #tpu.memory_space<hbm>> -> memref<128xf32, #tpu.memory_space<hbm>>
      tpu.enqueue_dma source(%dma_start3A_1921 : memref<128xf32, #tpu.memory_space<hbm>>) target(%dma_start3A_1919 : memref<128xf32, #tpu.memory_space<vmem>>) target_semaphore(%run_scoped3A_1912 : memref<!tpu.dma_semaphore, #tpu.memory_space<semaphore_mem>>)
      %dma_wait3A = arith.constant 0 : i32
      %dma_wait3A_1922 = tpu.memref_slice %arg5[%run_scoped3A_31, %dma_wait3A] : memref<8x128xf32, #tpu.memory_space<vmem>> -> memref<1x128xf32, #tpu.memory_space<vmem>>
      %dma_wait3A_1923 = tpu.memref_squeeze %dma_wait3A_1922 : memref<1x128xf32, #tpu.memory_space<vmem>> -> memref<128xf32, #tpu.memory_space<vmem>>
      %dma_wait3A_1924 = tpu.memref_slice %arg2[%run_scoped3A_30, %mul3A_2] : memref<8x4096xf32, #tpu.memory_space<hbm>> -> memref<1x128xf32, #tpu.memory_space<hbm>>
      %dma_wait3A_1925 = tpu.memref_squeeze %dma_wait3A_1924 : memref<1x128xf32, #tpu.memory_space<hbm>> -> memref<128xf32, #tpu.memory_space<hbm>>
      %dma_wait3A_1926 = arith.constant 0 : i32
      %dma_wait3A_1927 = tpu.memref_slice %arg5[%run_scoped3A_31, %dma_wait3A_1926] : memref<8x128xf32, #tpu.memory_space<vmem>> -> memref<1x128xf32, #tpu.memory_space<vmem>>
      %dma_wait3A_1928 = tpu.memref_squeeze %dma_wait3A_1927 : memref<1x128xf32, #tpu.memory_space<vmem>> -> memref<128xf32, #tpu.memory_space<vmem>>
      %dma_wait3A_1929 = tpu.memref_slice %arg2[%run_scoped3A_30, %mul3A_2] : memref<8x4096xf32, #tpu.memory_space<hbm>> -> memref<1x128xf32, #tpu.memory_space<hbm>>
      %dma_wait3A_1930 = tpu.memref_squeeze %dma_wait3A_1929 : memref<1x128xf32, #tpu.memory_space<hbm>> -> memref<128xf32, #tpu.memory_space<hbm>>
      tpu.wait_dma2 semaphore(%run_scoped3A_1912 : memref<!tpu.dma_semaphore, #tpu.memory_space<semaphore_mem>>) src(%dma_wait3A_1930 : memref<128xf32, #tpu.memory_space<hbm>>) dst(%dma_wait3A_1928 : memref<128xf32, #tpu.memory_space<vmem>>)
      tpu.yield
    }) : () -> ()
    %run_scoped3A_32 = arith.constant 7 : i32
    %run_scoped3A_33 = arith.constant 7 : i32
    "tpu.region"() ({
      %run_scoped3A_1912 = tpu.sem_alloc : memref<!tpu.dma_semaphore, #tpu.memory_space<semaphore_mem>>
      %dma_start3A = arith.constant 0 : i32
      %dma_start3A_1913 = tpu.memref_slice %arg6[%run_scoped3A_33, %dma_start3A] : memref<8x128xf32, #tpu.memory_space<vmem>> -> memref<1x128xf32, #tpu.memory_space<vmem>>
      %dma_start3A_1914 = tpu.memref_squeeze %dma_start3A_1913 : memref<1x128xf32, #tpu.memory_space<vmem>> -> memref<128xf32, #tpu.memory_space<vmem>>
      %dma_start3A_1915 = tpu.memref_slice %arg3[%run_scoped3A_32, %mul3A_2] : memref<8x4096xf32, #tpu.memory_space<hbm>> -> memref<1x128xf32, #tpu.memory_space<hbm>>
      %dma_start3A_1916 = tpu.memref_squeeze %dma_start3A_1915 : memref<1x128xf32, #tpu.memory_space<hbm>> -> memref<128xf32, #tpu.memory_space<hbm>>
      %dma_start3A_1917 = arith.constant 0 : i32
      %dma_start3A_1918 = tpu.memref_slice %arg6[%run_scoped3A_33, %dma_start3A_1917] : memref<8x128xf32, #tpu.memory_space<vmem>> -> memref<1x128xf32, #tpu.memory_space<vmem>>
      %dma_start3A_1919 = tpu.memref_squeeze %dma_start3A_1918 : memref<1x128xf32, #tpu.memory_space<vmem>> -> memref<128xf32, #tpu.memory_space<vmem>>
      %dma_start3A_1920 = tpu.memref_slice %arg3[%run_scoped3A_32, %mul3A_2] : memref<8x4096xf32, #tpu.memory_space<hbm>> -> memref<1x128xf32, #tpu.memory_space<hbm>>
      %dma_start3A_1921 = tpu.memref_squeeze %dma_start3A_1920 : memref<1x128xf32, #tpu.memory_space<hbm>> -> memref<128xf32, #tpu.memory_space<hbm>>
      tpu.enqueue_dma source(%dma_start3A_1921 : memref<128xf32, #tpu.memory_space<hbm>>) target(%dma_start3A_1919 : memref<128xf32, #tpu.memory_space<vmem>>) target_semaphore(%run_scoped3A_1912 : memref<!tpu.dma_semaphore, #tpu.memory_space<semaphore_mem>>)
      %dma_wait3A = arith.constant 0 : i32
      %dma_wait3A_1922 = tpu.memref_slice %arg6[%run_scoped3A_33, %dma_wait3A] : memref<8x128xf32, #tpu.memory_space<vmem>> -> memref<1x128xf32, #tpu.memory_space<vmem>>
      %dma_wait3A_1923 = tpu.memref_squeeze %dma_wait3A_1922 : memref<1x128xf32, #tpu.memory_space<vmem>> -> memref<128xf32, #tpu.memory_space<vmem>>
      %dma_wait3A_1924 = tpu.memref_slice %arg3[%run_scoped3A_32, %mul3A_2] : memref<8x4096xf32, #tpu.memory_space<hbm>> -> memref<1x128xf32, #tpu.memory_space<hbm>>
      %dma_wait3A_1925 = tpu.memref_squeeze %dma_wait3A_1924 : memref<1x128xf32, #tpu.memory_space<hbm>> -> memref<128xf32, #tpu.memory_space<hbm>>
      %dma_wait3A_1926 = arith.constant 0 : i32
      %dma_wait3A_1927 = tpu.memref_slice %arg6[%run_scoped3A_33, %dma_wait3A_1926] : memref<8x128xf32, #tpu.memory_space<vmem>> -> memref<1x128xf32, #tpu.memory_space<vmem>>
      %dma_wait3A_1928 = tpu.memref_squeeze %dma_wait3A_1927 : memref<1x128xf32, #tpu.memory_space<vmem>> -> memref<128xf32, #tpu.memory_space<vmem>>
      %dma_wait3A_1929 = tpu.memref_slice %arg3[%run_scoped3A_32, %mul3A_2] : memref<8x4096xf32, #tpu.memory_space<hbm>> -> memref<1x128xf32, #tpu.memory_space<hbm>>
      %dma_wait3A_1930 = tpu.memref_squeeze %dma_wait3A_1929 : memref<1x128xf32, #tpu.memory_space<hbm>> -> memref<128xf32, #tpu.memory_space<hbm>>
      tpu.wait_dma2 semaphore(%run_scoped3A_1912 : memref<!tpu.dma_semaphore, #tpu.memory_space<semaphore_mem>>) src(%dma_wait3A_1930 : memref<128xf32, #tpu.memory_space<hbm>>) dst(%dma_wait3A_1928 : memref<128xf32, #tpu.memory_space<vmem>>)
      tpu.yield
    }) : () -> ()
    %get3A = arith.constant 0 : i32
    %get3A_34 = arith.index_cast %get3A : i32 to index
    %get3A_35 = arith.constant 0 : index
    %get3A_36 = tpu.vector_load %arg6[%get3A_34, %get3A_35] {strides = array<i32>} : memref<8x128xf32, #tpu.memory_space<vmem>>, vector<1x16xf32>,
    %get3A_37 = vector.shape_cast %get3A_36 : vector<1x16xf32> to vector<16xf32>
    %gt3A = arith.constant 0.000000e+00 : f32
    %gt3A_38 = vector.broadcast %gt3A : f32 to vector<16xf32>
    %gt3A_39 = arith.cmpf ogt, %get3A_37, %gt3A_38 : vector<16xf32>
    %get3A_40 = arith.constant 0 : i32
    %get3A_41 = arith.index_cast %get3A_40 : i32 to index
    %get3A_42 = arith.constant 0 : index
    %get3A_43 = tpu.vector_load %arg5[%get3A_41, %get3A_42] {strides = array<i32>} : memref<8x128xf32, #tpu.memory_space<vmem>>, vector<1x16xf32>,
    %get3A_44 = vector.shape_cast %get3A_43 : vector<1x16xf32> to vector<16xf32>
    %jit3A = arith.constant -1.000000e+30 : f32
    %broadcast_in_dim3A = vector.broadcast %jit3A : f32 to vector<16xf32>
    %select_n3A = arith.select %gt3A_39, %get3A_44, %broadcast_in_dim3A : vector<16xi1>, vector<16xf32>
    %get3A_45 = arith.constant 1 : i32
    %get3A_46 = arith.index_cast %get3A_45 : i32 to index
    %get3A_47 = arith.constant 0 : index
    %get3A_48 = tpu.vector_load %arg6[%get3A_46, %get3A_47] {strides = array<i32>} : memref<8x128xf32, #tpu.memory_space<vmem>>, vector<1x16xf32>,
    %get3A_49 = vector.shape_cast %get3A_48 : vector<1x16xf32> to vector<16xf32>
    %gt3A_50 = arith.constant 0.000000e+00 : f32
    %gt3A_51 = vector.broadcast %gt3A_50 : f32 to vector<16xf32>
    %gt3A_52 = arith.cmpf ogt, %get3A_49, %gt3A_51 : vector<16xf32>
    %get3A_53 = arith.constant 1 : i32
    %get3A_54 = arith.index_cast %get3A_53 : i32 to index
    %get3A_55 = arith.constant 0 : index
    %get3A_56 = tpu.vector_load %arg5[%get3A_54, %get3A_55] {strides = array<i32>} : memref<8x128xf32, #tpu.memory_space<vmem>>, vector<1x16xf32>,
    %get3A_57 = vector.shape_cast %get3A_56 : vector<1x16xf32> to vector<16xf32>
    %jit3A_58 = arith.constant -1.000000e+30 : f32
    %broadcast_in_dim3A_59 = vector.broadcast %jit3A_58 : f32 to vector<16xf32>
    %select_n3A_60 = arith.select %gt3A_52, %get3A_57, %broadcast_in_dim3A_59 : vector<16xi1>, vector<16xf32>
    %get3A_61 = arith.constant 2 : i32
    %get3A_62 = arith.index_cast %get3A_61 : i32 to index
    %get3A_63 = arith.constant 0 : index
    %get3A_64 = tpu.vector_load %arg6[%get3A_62, %get3A_63] {strides = array<i32>} : memref<8x128xf32, #tpu.memory_space<vmem>>, vector<1x16xf32>,
    %get3A_65 = vector.shape_cast %get3A_64 : vector<1x16xf32> to vector<16xf32>
    %gt3A_66 = arith.constant 0.000000e+00 : f32
    %gt3A_67 = vector.broadcast %gt3A_66 : f32 to vector<16xf32>
    %gt3A_68 = arith.cmpf ogt, %get3A_65, %gt3A_67 : vector<16xf32>
    %get3A_69 = arith.constant 2 : i32
    %get3A_70 = arith.index_cast %get3A_69 : i32 to index
    %get3A_71 = arith.constant 0 : index
    %get3A_72 = tpu.vector_load %arg5[%get3A_70, %get3A_71] {strides = array<i32>} : memref<8x128xf32, #tpu.memory_space<vmem>>, vector<1x16xf32>,
    %get3A_73 = vector.shape_cast %get3A_72 : vector<1x16xf32> to vector<16xf32>
    %jit3A_74 = arith.constant -1.000000e+30 : f32
    %broadcast_in_dim3A_75 = vector.broadcast %jit3A_74 : f32 to vector<16xf32>
    %select_n3A_76 = arith.select %gt3A_68, %get3A_73, %broadcast_in_dim3A_75 : vector<16xi1>, vector<16xf32>
    %get3A_77 = arith.constant 3 : i32
    %get3A_78 = arith.index_cast %get3A_77 : i32 to index
    %get3A_79 = arith.constant 0 : index
    %get3A_80 = tpu.vector_load %arg6[%get3A_78, %get3A_79] {strides = array<i32>} : memref<8x128xf32, #tpu.memory_space<vmem>>, vector<1x16xf32>,
    %get3A_81 = vector.shape_cast %get3A_80 : vector<1x16xf32> to vector<16xf32>
    %gt3A_82 = arith.constant 0.000000e+00 : f32
    %gt3A_83 = vector.broadcast %gt3A_82 : f32 to vector<16xf32>
    %gt3A_84 = arith.cmpf ogt, %get3A_81, %gt3A_83 : vector<16xf32>
    %get3A_85 = arith.constant 3 : i32
    %get3A_86 = arith.index_cast %get3A_85 : i32 to index
    %get3A_87 = arith.constant 0 : index
    %get3A_88 = tpu.vector_load %arg5[%get3A_86, %get3A_87] {strides = array<i32>} : memref<8x128xf32, #tpu.memory_space<vmem>>, vector<1x16xf32>,
    %get3A_89 = vector.shape_cast %get3A_88 : vector<1x16xf32> to vector<16xf32>
    %jit3A_90 = arith.constant -1.000000e+30 : f32
    %broadcast_in_dim3A_91 = vector.broadcast %jit3A_90 : f32 to vector<16xf32>
    %select_n3A_92 = arith.select %gt3A_84, %get3A_89, %broadcast_in_dim3A_91 : vector<16xi1>, vector<16xf32>
    %get3A_93 = arith.constant 4 : i32
    %get3A_94 = arith.index_cast %get3A_93 : i32 to index
    %get3A_95 = arith.constant 0 : index
    %get3A_96 = tpu.vector_load %arg6[%get3A_94, %get3A_95] {strides = array<i32>} : memref<8x128xf32, #tpu.memory_space<vmem>>, vector<1x16xf32>,
    %get3A_97 = vector.shape_cast %get3A_96 : vector<1x16xf32> to vector<16xf32>
    %gt3A_98 = arith.constant 0.000000e+00 : f32
    %gt3A_99 = vector.broadcast %gt3A_98 : f32 to vector<16xf32>
    %gt3A_100 = arith.cmpf ogt, %get3A_97, %gt3A_99 : vector<16xf32>
    %get3A_101 = arith.constant 4 : i32
    %get3A_102 = arith.index_cast %get3A_101 : i32 to index
    %get3A_103 = arith.constant 0 : index
    %get3A_104 = tpu.vector_load %arg5[%get3A_102, %get3A_103] {strides = array<i32>} : memref<8x128xf32, #tpu.memory_space<vmem>>, vector<1x16xf32>,
    %get3A_105 = vector.shape_cast %get3A_104 : vector<1x16xf32> to vector<16xf32>
    %jit3A_106 = arith.constant -1.000000e+30 : f32
    %broadcast_in_dim3A_107 = vector.broadcast %jit3A_106 : f32 to vector<16xf32>
    %select_n3A_108 = arith.select %gt3A_100, %get3A_105, %broadcast_in_dim3A_107 : vector<16xi1>, vector<16xf32>
    %get3A_109 = arith.constant 5 : i32
    %get3A_110 = arith.index_cast %get3A_109 : i32 to index
    %get3A_111 = arith.constant 0 : index
    %get3A_112 = tpu.vector_load %arg6[%get3A_110, %get3A_111] {strides = array<i32>} : memref<8x128xf32, #tpu.memory_space<vmem>>, vector<1x16xf32>,
    %get3A_113 = vector.shape_cast %get3A_112 : vector<1x16xf32> to vector<16xf32>
    %gt3A_114 = arith.constant 0.000000e+00 : f32
    %gt3A_115 = vector.broadcast %gt3A_114 : f32 to vector<16xf32>
    %gt3A_116 = arith.cmpf ogt, %get3A_113, %gt3A_115 : vector<16xf32>
    %get3A_117 = arith.constant 5 : i32
    %get3A_118 = arith.index_cast %get3A_117 : i32 to index
    %get3A_119 = arith.constant 0 : index
    %get3A_120 = tpu.vector_load %arg5[%get3A_118, %get3A_119] {strides = array<i32>} : memref<8x128xf32, #tpu.memory_space<vmem>>, vector<1x16xf32>,
    %get3A_121 = vector.shape_cast %get3A_120 : vector<1x16xf32> to vector<16xf32>
    %jit3A_122 = arith.constant -1.000000e+30 : f32
    %broadcast_in_dim3A_123 = vector.broadcast %jit3A_122 : f32 to vector<16xf32>
    %select_n3A_124 = arith.select %gt3A_116, %get3A_121, %broadcast_in_dim3A_123 : vector<16xi1>, vector<16xf32>
    %get3A_125 = arith.constant 6 : i32
    %get3A_126 = arith.index_cast %get3A_125 : i32 to index
    %get3A_127 = arith.constant 0 : index
    %get3A_128 = tpu.vector_load %arg6[%get3A_126, %get3A_127] {strides = array<i32>} : memref<8x128xf32, #tpu.memory_space<vmem>>, vector<1x16xf32>,
    %get3A_129 = vector.shape_cast %get3A_128 : vector<1x16xf32> to vector<16xf32>
    %gt3A_130 = arith.constant 0.000000e+00 : f32
    %gt3A_131 = vector.broadcast %gt3A_130 : f32 to vector<16xf32>
    %gt3A_132 = arith.cmpf ogt, %get3A_129, %gt3A_131 : vector<16xf32>
    %get3A_133 = arith.constant 6 : i32
    %get3A_134 = arith.index_cast %get3A_133 : i32 to index
    %get3A_135 = arith.constant 0 : index
    %get3A_136 = tpu.vector_load %arg5[%get3A_134, %get3A_135] {strides = array<i32>} : memref<8x128xf32, #tpu.memory_space<vmem>>, vector<1x16xf32>,
    %get3A_137 = vector.shape_cast %get3A_136 : vector<1x16xf32> to vector<16xf32>
    %jit3A_138 = arith.constant -1.000000e+30 : f32
    %broadcast_in_dim3A_139 = vector.broadcast %jit3A_138 : f32 to vector<16xf32>
    %select_n3A_140 = arith.select %gt3A_132, %get3A_137, %broadcast_in_dim3A_139 : vector<16xi1>, vector<16xf32>
    %get3A_141 = arith.constant 7 : i32
    %get3A_142 = arith.index_cast %get3A_141 : i32 to index
    %get3A_143 = arith.constant 0 : index
    %get3A_144 = tpu.vector_load %arg6[%get3A_142, %get3A_143] {strides = array<i32>} : memref<8x128xf32, #tpu.memory_space<vmem>>, vector<1x16xf32>,
    %get3A_145 = vector.shape_cast %get3A_144 : vector<1x16xf32> to vector<16xf32>
    %gt3A_146 = arith.constant 0.000000e+00 : f32
    %gt3A_147 = vector.broadcast %gt3A_146 : f32 to vector<16xf32>
    %gt3A_148 = arith.cmpf ogt, %get3A_145, %gt3A_147 : vector<16xf32>
    %get3A_149 = arith.constant 7 : i32
    %get3A_150 = arith.index_cast %get3A_149 : i32 to index
    %get3A_151 = arith.constant 0 : index
    %get3A_152 = tpu.vector_load %arg5[%get3A_150, %get3A_151] {strides = array<i32>} : memref<8x128xf32, #tpu.memory_space<vmem>>, vector<1x16xf32>,
    %get3A_153 = vector.shape_cast %get3A_152 : vector<1x16xf32> to vector<16xf32>
    %jit3A_154 = arith.constant -1.000000e+30 : f32
    %broadcast_in_dim3A_155 = vector.broadcast %jit3A_154 : f32 to vector<16xf32>
    %select_n3A_156 = arith.select %gt3A_148, %get3A_153, %broadcast_in_dim3A_155 : vector<16xi1>, vector<16xf32>
    %max3A = arith.maximumf %select_n3A, %select_n3A_60 : vector<16xf32>
    %max3A_157 = arith.maximumf %max3A, %select_n3A_76 : vector<16xf32>
    %max3A_158 = arith.maximumf %max3A_157, %select_n3A_92 : vector<16xf32>
    %max3A_159 = arith.maximumf %max3A_158, %select_n3A_108 : vector<16xf32>
    %max3A_160 = arith.maximumf %max3A_159, %select_n3A_124 : vector<16xf32>
    %max3A_161 = arith.maximumf %max3A_160, %select_n3A_140 : vector<16xf32>
    %max3A_162 = arith.maximumf %max3A_161, %select_n3A_156 : vector<16xf32>
    %sub3A = arith.subf %select_n3A, %max3A_162 : vector<16xf32>
    %exp3A = math.exp %sub3A : vector<16xf32>
    %mul3A_163 = arith.mulf %exp3A, %get3A_37 : vector<16xf32>
    %sub3A_164 = arith.subf %select_n3A_60, %max3A_162 : vector<16xf32>
    %exp3A_165 = math.exp %sub3A_164 : vector<16xf32>
    %mul3A_166 = arith.mulf %exp3A_165, %get3A_49 : vector<16xf32>
    %sub3A_167 = arith.subf %select_n3A_76, %max3A_162 : vector<16xf32>
    %exp3A_168 = math.exp %sub3A_167 : vector<16xf32>
    %mul3A_169 = arith.mulf %exp3A_168, %get3A_65 : vector<16xf32>
    %sub3A_170 = arith.subf %select_n3A_92, %max3A_162 : vector<16xf32>
    %exp3A_171 = math.exp %sub3A_170 : vector<16xf32>
    %mul3A_172 = arith.mulf %exp3A_171, %get3A_81 : vector<16xf32>
    %sub3A_173 = arith.subf %select_n3A_108, %max3A_162 : vector<16xf32>
    %exp3A_174 = math.exp %sub3A_173 : vector<16xf32>
    %mul3A_175 = arith.mulf %exp3A_174, %get3A_97 : vector<16xf32>
    %sub3A_176 = arith.subf %select_n3A_124, %max3A_162 : vector<16xf32>
    %exp3A_177 = math.exp %sub3A_176 : vector<16xf32>
    %mul3A_178 = arith.mulf %exp3A_177, %get3A_113 : vector<16xf32>
    %sub3A_179 = arith.subf %select_n3A_140, %max3A_162 : vector<16xf32>
    %exp3A_180 = math.exp %sub3A_179 : vector<16xf32>
    %mul3A_181 = arith.mulf %exp3A_180, %get3A_129 : vector<16xf32>
    %sub3A_182 = arith.subf %select_n3A_156, %max3A_162 : vector<16xf32>
    %exp3A_183 = math.exp %sub3A_182 : vector<16xf32>
    %mul3A_184 = arith.mulf %exp3A_183, %get3A_145 : vector<16xf32>
    %add3A_185 = arith.addf %mul3A_163, %mul3A_166 : vector<16xf32>
    %add3A_186 = arith.addf %add3A_185, %mul3A_169 : vector<16xf32>
    %add3A_187 = arith.addf %add3A_186, %mul3A_172 : vector<16xf32>
    %add3A_188 = arith.addf %add3A_187, %mul3A_175 : vector<16xf32>
    %add3A_189 = arith.addf %add3A_188, %mul3A_178 : vector<16xf32>
    %add3A_190 = arith.addf %add3A_189, %mul3A_181 : vector<16xf32>
    %add3A_191 = arith.addf %add3A_190, %mul3A_184 : vector<16xf32>
    %gt3A_192 = arith.constant 0.000000e+00 : f32
    %gt3A_193 = vector.broadcast %gt3A_192 : f32 to vector<16xf32>
    %gt3A_194 = arith.cmpf ogt, %add3A_191, %gt3A_193 : vector<16xf32>
    %jit3A_195 = arith.constant 1.000000e+00 : f32
    %jit3A_196 = arith.constant 0.000000e+00 : f32
    %broadcast_in_dim3A_197 = vector.broadcast %jit3A_195 : f32 to vector<16xf32>
    %broadcast_in_dim3A_198 = vector.broadcast %jit3A_196 : f32 to vector<16xf32>
    %select_n3A_199 = arith.select %gt3A_194, %broadcast_in_dim3A_197, %broadcast_in_dim3A_198 : vector<16xi1>, vector<16xf32>
    %jit3A_200 = arith.constant 1.000000e+00 : f32
    %broadcast_in_dim3A_201 = vector.broadcast %jit3A_200 : f32 to vector<16xf32>
    %select_n3A_202 = arith.select %gt3A_194, %add3A_191, %broadcast_in_dim3A_201 : vector<16xi1>, vector<16xf32>
    %div3A = arith.divf %select_n3A_199, %select_n3A_202 : vector<16xf32>
    %mul3A_203 = arith.mulf %mul3A_163, %div3A : vector<16xf32>
    %swap3A = arith.constant 0 : i32
    %swap3A_204 = arith.index_cast %swap3A : i32 to index
    %swap3A_205 = arith.constant 0 : index
    %swap3A_206 = tpu.vector_load %arg7[%swap3A_204, %swap3A_205] {strides = array<i32>} : memref<8x128xf32, #tpu.memory_space<vmem>>, vector<1x16xf32>,
    %swap3A_207 = vector.shape_cast %swap3A_206 : vector<1x16xf32> to vector<16xf32>
    %swap3A_208 = vector.shape_cast %mul3A_203 : vector<16xf32> to vector<1x16xf32>
    tpu.vector_store %arg7[%swap3A_204, %swap3A_205], %swap3A_208 {strides = array<i32>} : memref<8x128xf32, #tpu.memory_space<vmem>>, vector<1x16xf32>,
    %mul3A_209 = arith.mulf %mul3A_166, %div3A : vector<16xf32>
    %swap3A_210 = arith.constant 1 : i32
    %swap3A_211 = arith.index_cast %swap3A_210 : i32 to index
    %swap3A_212 = arith.constant 0 : index
    %swap3A_213 = tpu.vector_load %arg7[%swap3A_211, %swap3A_212] {strides = array<i32>} : memref<8x128xf32, #tpu.memory_space<vmem>>, vector<1x16xf32>,
    %swap3A_214 = vector.shape_cast %swap3A_213 : vector<1x16xf32> to vector<16xf32>
    %swap3A_215 = vector.shape_cast %mul3A_209 : vector<16xf32> to vector<1x16xf32>
    tpu.vector_store %arg7[%swap3A_211, %swap3A_212], %swap3A_215 {strides = array<i32>} : memref<8x128xf32, #tpu.memory_space<vmem>>, vector<1x16xf32>,
    %mul3A_216 = arith.mulf %mul3A_169, %div3A : vector<16xf32>
    %swap3A_217 = arith.constant 2 : i32
    %swap3A_218 = arith.index_cast %swap3A_217 : i32 to index
    %swap3A_219 = arith.constant 0 : index
    %swap3A_220 = tpu.vector_load %arg7[%swap3A_218, %swap3A_219] {strides = array<i32>} : memref<8x128xf32, #tpu.memory_space<vmem>>, vector<1x16xf32>,
    %swap3A_221 = vector.shape_cast %swap3A_220 : vector<1x16xf32> to vector<16xf32>
    %swap3A_222 = vector.shape_cast %mul3A_216 : vector<16xf32> to vector<1x16xf32>
    tpu.vector_store %arg7[%swap3A_218, %swap3A_219], %swap3A_222 {strides = array<i32>} : memref<8x128xf32, #tpu.memory_space<vmem>>, vector<1x16xf32>,
    %mul3A_223 = arith.mulf %mul3A_172, %div3A : vector<16xf32>
    %swap3A_224 = arith.constant 3 : i32
    %swap3A_225 = arith.index_cast %swap3A_224 : i32 to index
    %swap3A_226 = arith.constant 0 : index
    %swap3A_227 = tpu.vector_load %arg7[%swap3A_225, %swap3A_226] {strides = array<i32>} : memref<8x128xf32, #tpu.memory_space<vmem>>, vector<1x16xf32>,
    %swap3A_228 = vector.shape_cast %swap3A_227 : vector<1x16xf32> to vector<16xf32>
    %swap3A_229 = vector.shape_cast %mul3A_223 : vector<16xf32> to vector<1x16xf32>
    tpu.vector_store %arg7[%swap3A_225, %swap3A_226], %swap3A_229 {strides = array<i32>} : memref<8x128xf32, #tpu.memory_space<vmem>>, vector<1x16xf32>,
    %mul3A_230 = arith.mulf %mul3A_175, %div3A : vector<16xf32>
    %swap3A_231 = arith.constant 4 : i32
    %swap3A_232 = arith.index_cast %swap3A_231 : i32 to index
    %swap3A_233 = arith.constant 0 : index
    %swap3A_234 = tpu.vector_load %arg7[%swap3A_232, %swap3A_233] {strides = array<i32>} : memref<8x128xf32, #tpu.memory_space<vmem>>, vector<1x16xf32>,
    %swap3A_235 = vector.shape_cast %swap3A_234 : vector<1x16xf32> to vector<16xf32>
    %swap3A_236 = vector.shape_cast %mul3A_230 : vector<16xf32> to vector<1x16xf32>
    tpu.vector_store %arg7[%swap3A_232, %swap3A_233], %swap3A_236 {strides = array<i32>} : memref<8x128xf32, #tpu.memory_space<vmem>>, vector<1x16xf32>,
    %mul3A_237 = arith.mulf %mul3A_178, %div3A : vector<16xf32>
    %swap3A_238 = arith.constant 5 : i32
    %swap3A_239 = arith.index_cast %swap3A_238 : i32 to index
    %swap3A_240 = arith.constant 0 : index
    %swap3A_241 = tpu.vector_load %arg7[%swap3A_239, %swap3A_240] {strides = array<i32>} : memref<8x128xf32, #tpu.memory_space<vmem>>, vector<1x16xf32>,
    %swap3A_242 = vector.shape_cast %swap3A_241 : vector<1x16xf32> to vector<16xf32>
    %swap3A_243 = vector.shape_cast %mul3A_237 : vector<16xf32> to vector<1x16xf32>
    tpu.vector_store %arg7[%swap3A_239, %swap3A_240], %swap3A_243 {strides = array<i32>} : memref<8x128xf32, #tpu.memory_space<vmem>>, vector<1x16xf32>,
    %mul3A_244 = arith.mulf %mul3A_181, %div3A : vector<16xf32>
    %swap3A_245 = arith.constant 6 : i32
    %swap3A_246 = arith.index_cast %swap3A_245 : i32 to index
    %swap3A_247 = arith.constant 0 : index
    %swap3A_248 = tpu.vector_load %arg7[%swap3A_246, %swap3A_247] {strides = array<i32>} : memref<8x128xf32, #tpu.memory_space<vmem>>, vector<1x16xf32>,
    %swap3A_249 = vector.shape_cast %swap3A_248 : vector<1x16xf32> to vector<16xf32>
    %swap3A_250 = vector.shape_cast %mul3A_244 : vector<16xf32> to vector<1x16xf32>
    tpu.vector_store %arg7[%swap3A_246, %swap3A_247], %swap3A_250 {strides = array<i32>} : memref<8x128xf32, #tpu.memory_space<vmem>>, vector<1x16xf32>,
    %mul3A_251 = arith.mulf %mul3A_184, %div3A : vector<16xf32>
    %swap3A_252 = arith.constant 7 : i32
    %swap3A_253 = arith.index_cast %swap3A_252 : i32 to index
    %swap3A_254 = arith.constant 0 : index
    %swap3A_255 = tpu.vector_load %arg7[%swap3A_253, %swap3A_254] {strides = array<i32>} : memref<8x128xf32, #tpu.memory_space<vmem>>, vector<1x16xf32>,
    %swap3A_256 = vector.shape_cast %swap3A_255 : vector<1x16xf32> to vector<16xf32>
    %swap3A_257 = vector.shape_cast %mul3A_251 : vector<16xf32> to vector<1x16xf32>
    tpu.vector_store %arg7[%swap3A_253, %swap3A_254], %swap3A_257 {strides = array<i32>} : memref<8x128xf32, #tpu.memory_space<vmem>>, vector<1x16xf32>,
    %get3A_258 = arith.constant 0 : i32
    %get3A_259 = arith.index_cast %get3A_258 : i32 to index
    %get3A_260 = arith.constant 16 : index
    %get3A_261 = tpu.vector_load %arg6[%get3A_259, %get3A_260] {strides = array<i32>} : memref<8x128xf32, #tpu.memory_space<vmem>>, vector<1x16xf32>,
    %get3A_262 = vector.shape_cast %get3A_261 : vector<1x16xf32> to vector<16xf32>
    %gt3A_263 = arith.constant 0.000000e+00 : f32
    %gt3A_264 = vector.broadcast %gt3A_263 : f32 to vector<16xf32>
    %gt3A_265 = arith.cmpf ogt, %get3A_262, %gt3A_264 : vector<16xf32>
    %get3A_266 = arith.constant 0 : i32
    %get3A_267 = arith.index_cast %get3A_266 : i32 to index
    %get3A_268 = arith.constant 16 : index
    %get3A_269 = tpu.vector_load %arg5[%get3A_267, %get3A_268] {strides = array<i32>} : memref<8x128xf32, #tpu.memory_space<vmem>>, vector<1x16xf32>,
    %get3A_270 = vector.shape_cast %get3A_269 : vector<1x16xf32> to vector<16xf32>
    %jit3A_271 = arith.constant -1.000000e+30 : f32
    %broadcast_in_dim3A_272 = vector.broadcast %jit3A_271 : f32 to vector<16xf32>
    %select_n3A_273 = arith.select %gt3A_265, %get3A_270, %broadcast_in_dim3A_272 : vector<16xi1>, vector<16xf32>
    %get3A_274 = arith.constant 1 : i32
    %get3A_275 = arith.index_cast %get3A_274 : i32 to index
    %get3A_276 = arith.constant 16 : index
    %get3A_277 = tpu.vector_load %arg6[%get3A_275, %get3A_276] {strides = array<i32>} : memref<8x128xf32, #tpu.memory_space<vmem>>, vector<1x16xf32>,
    %get3A_278 = vector.shape_cast %get3A_277 : vector<1x16xf32> to vector<16xf32>
    %gt3A_279 = arith.constant 0.000000e+00 : f32
    %gt3A_280 = vector.broadcast %gt3A_279 : f32 to vector<16xf32>
    %gt3A_281 = arith.cmpf ogt, %get3A_278, %gt3A_280 : vector<16xf32>
    %get3A_282 = arith.constant 1 : i32
    %get3A_283 = arith.index_cast %get3A_282 : i32 to index
    %get3A_284 = arith.constant 16 : index
    %get3A_285 = tpu.vector_load %arg5[%get3A_283, %get3A_284] {strides = array<i32>} : memref<8x128xf32, #tpu.memory_space<vmem>>, vector<1x16xf32>,
    %get3A_286 = vector.shape_cast %get3A_285 : vector<1x16xf32> to vector<16xf32>
    %jit3A_287 = arith.constant -1.000000e+30 : f32
    %broadcast_in_dim3A_288 = vector.broadcast %jit3A_287 : f32 to vector<16xf32>
    %select_n3A_289 = arith.select %gt3A_281, %get3A_286, %broadcast_in_dim3A_288 : vector<16xi1>, vector<16xf32>
    %get3A_290 = arith.constant 2 : i32
    %get3A_291 = arith.index_cast %get3A_290 : i32 to index
    %get3A_292 = arith.constant 16 : index
    %get3A_293 = tpu.vector_load %arg6[%get3A_291, %get3A_292] {strides = array<i32>} : memref<8x128xf32, #tpu.memory_space<vmem>>, vector<1x16xf32>,
    %get3A_294 = vector.shape_cast %get3A_293 : vector<1x16xf32> to vector<16xf32>
    %gt3A_295 = arith.constant 0.000000e+00 : f32
    %gt3A_296 = vector.broadcast %gt3A_295 : f32 to vector<16xf32>
    %gt3A_297 = arith.cmpf ogt, %get3A_294, %gt3A_296 : vector<16xf32>
    %get3A_298 = arith.constant 2 : i32
    %get3A_299 = arith.index_cast %get3A_298 : i32 to index
    %get3A_300 = arith.constant 16 : index
    %get3A_301 = tpu.vector_load %arg5[%get3A_299, %get3A_300] {strides = array<i32>} : memref<8x128xf32, #tpu.memory_space<vmem>>, vector<1x16xf32>,
    %get3A_302 = vector.shape_cast %get3A_301 : vector<1x16xf32> to vector<16xf32>
    %jit3A_303 = arith.constant -1.000000e+30 : f32
    %broadcast_in_dim3A_304 = vector.broadcast %jit3A_303 : f32 to vector<16xf32>
    %select_n3A_305 = arith.select %gt3A_297, %get3A_302, %broadcast_in_dim3A_304 : vector<16xi1>, vector<16xf32>
    %get3A_306 = arith.constant 3 : i32
    %get3A_307 = arith.index_cast %get3A_306 : i32 to index
    %get3A_308 = arith.constant 16 : index
    %get3A_309 = tpu.vector_load %arg6[%get3A_307, %get3A_308] {strides = array<i32>} : memref<8x128xf32, #tpu.memory_space<vmem>>, vector<1x16xf32>,
    %get3A_310 = vector.shape_cast %get3A_309 : vector<1x16xf32> to vector<16xf32>
    %gt3A_311 = arith.constant 0.000000e+00 : f32
    %gt3A_312 = vector.broadcast %gt3A_311 : f32 to vector<16xf32>
    %gt3A_313 = arith.cmpf ogt, %get3A_310, %gt3A_312 : vector<16xf32>
    %get3A_314 = arith.constant 3 : i32
    %get3A_315 = arith.index_cast %get3A_314 : i32 to index
    %get3A_316 = arith.constant 16 : index
    %get3A_317 = tpu.vector_load %arg5[%get3A_315, %get3A_316] {strides = array<i32>} : memref<8x128xf32, #tpu.memory_space<vmem>>, vector<1x16xf32>,
    %get3A_318 = vector.shape_cast %get3A_317 : vector<1x16xf32> to vector<16xf32>
    %jit3A_319 = arith.constant -1.000000e+30 : f32
    %broadcast_in_dim3A_320 = vector.broadcast %jit3A_319 : f32 to vector<16xf32>
    %select_n3A_321 = arith.select %gt3A_313, %get3A_318, %broadcast_in_dim3A_320 : vector<16xi1>, vector<16xf32>
    %get3A_322 = arith.constant 4 : i32
    %get3A_323 = arith.index_cast %get3A_322 : i32 to index
    %get3A_324 = arith.constant 16 : index
    %get3A_325 = tpu.vector_load %arg6[%get3A_323, %get3A_324] {strides = array<i32>} : memref<8x128xf32, #tpu.memory_space<vmem>>, vector<1x16xf32>,
    %get3A_326 = vector.shape_cast %get3A_325 : vector<1x16xf32> to vector<16xf32>
    %gt3A_327 = arith.constant 0.000000e+00 : f32
    %gt3A_328 = vector.broadcast %gt3A_327 : f32 to vector<16xf32>
    %gt3A_329 = arith.cmpf ogt, %get3A_326, %gt3A_328 : vector<16xf32>
    %get3A_330 = arith.constant 4 : i32
    %get3A_331 = arith.index_cast %get3A_330 : i32 to index
    %get3A_332 = arith.constant 16 : index
    %get3A_333 = tpu.vector_load %arg5[%get3A_331, %get3A_332] {strides = array<i32>} : memref<8x128xf32, #tpu.memory_space<vmem>>, vector<1x16xf32>,
    %get3A_334 = vector.shape_cast %get3A_333 : vector<1x16xf32> to vector<16xf32>
    %jit3A_335 = arith.constant -1.000000e+30 : f32
    %broadcast_in_dim3A_336 = vector.broadcast %jit3A_335 : f32 to vector<16xf32>
    %select_n3A_337 = arith.select %gt3A_329, %get3A_334, %broadcast_in_dim3A_336 : vector<16xi1>, vector<16xf32>
    %get3A_338 = arith.constant 5 : i32
    %get3A_339 = arith.index_cast %get3A_338 : i32 to index
    %get3A_340 = arith.constant 16 : index
    %get3A_341 = tpu.vector_load %arg6[%get3A_339, %get3A_340] {strides = array<i32>} : memref<8x128xf32, #tpu.memory_space<vmem>>, vector<1x16xf32>,
    %get3A_342 = vector.shape_cast %get3A_341 : vector<1x16xf32> to vector<16xf32>
    %gt3A_343 = arith.constant 0.000000e+00 : f32
    %gt3A_344 = vector.broadcast %gt3A_343 : f32 to vector<16xf32>
    %gt3A_345 = arith.cmpf ogt, %get3A_342, %gt3A_344 : vector<16xf32>
    %get3A_346 = arith.constant 5 : i32
    %get3A_347 = arith.index_cast %get3A_346 : i32 to index
    %get3A_348 = arith.constant 16 : index
    %get3A_349 = tpu.vector_load %arg5[%get3A_347, %get3A_348] {strides = array<i32>} : memref<8x128xf32, #tpu.memory_space<vmem>>, vector<1x16xf32>,
    %get3A_350 = vector.shape_cast %get3A_349 : vector<1x16xf32> to vector<16xf32>
    %jit3A_351 = arith.constant -1.000000e+30 : f32
    %broadcast_in_dim3A_352 = vector.broadcast %jit3A_351 : f32 to vector<16xf32>
    %select_n3A_353 = arith.select %gt3A_345, %get3A_350, %broadcast_in_dim3A_352 : vector<16xi1>, vector<16xf32>
    %get3A_354 = arith.constant 6 : i32
    %get3A_355 = arith.index_cast %get3A_354 : i32 to index
    %get3A_356 = arith.constant 16 : index
    %get3A_357 = tpu.vector_load %arg6[%get3A_355, %get3A_356] {strides = array<i32>} : memref<8x128xf32, #tpu.memory_space<vmem>>, vector<1x16xf32>,
    %get3A_358 = vector.shape_cast %get3A_357 : vector<1x16xf32> to vector<16xf32>
    %gt3A_359 = arith.constant 0.000000e+00 : f32
    %gt3A_360 = vector.broadcast %gt3A_359 : f32 to vector<16xf32>
    %gt3A_361 = arith.cmpf ogt, %get3A_358, %gt3A_360 : vector<16xf32>
    %get3A_362 = arith.constant 6 : i32
    %get3A_363 = arith.index_cast %get3A_362 : i32 to index
    %get3A_364 = arith.constant 16 : index
    %get3A_365 = tpu.vector_load %arg5[%get3A_363, %get3A_364] {strides = array<i32>} : memref<8x128xf32, #tpu.memory_space<vmem>>, vector<1x16xf32>,
    %get3A_366 = vector.shape_cast %get3A_365 : vector<1x16xf32> to vector<16xf32>
    %jit3A_367 = arith.constant -1.000000e+30 : f32
    %broadcast_in_dim3A_368 = vector.broadcast %jit3A_367 : f32 to vector<16xf32>
    %select_n3A_369 = arith.select %gt3A_361, %get3A_366, %broadcast_in_dim3A_368 : vector<16xi1>, vector<16xf32>
    %get3A_370 = arith.constant 7 : i32
    %get3A_371 = arith.index_cast %get3A_370 : i32 to index
    %get3A_372 = arith.constant 16 : index
    %get3A_373 = tpu.vector_load %arg6[%get3A_371, %get3A_372] {strides = array<i32>} : memref<8x128xf32, #tpu.memory_space<vmem>>, vector<1x16xf32>,
    %get3A_374 = vector.shape_cast %get3A_373 : vector<1x16xf32> to vector<16xf32>
    %gt3A_375 = arith.constant 0.000000e+00 : f32
    %gt3A_376 = vector.broadcast %gt3A_375 : f32 to vector<16xf32>
    %gt3A_377 = arith.cmpf ogt, %get3A_374, %gt3A_376 : vector<16xf32>
    %get3A_378 = arith.constant 7 : i32
    %get3A_379 = arith.index_cast %get3A_378 : i32 to index
    %get3A_380 = arith.constant 16 : index
    %get3A_381 = tpu.vector_load %arg5[%get3A_379, %get3A_380] {strides = array<i32>} : memref<8x128xf32, #tpu.memory_space<vmem>>, vector<1x16xf32>,
    %get3A_382 = vector.shape_cast %get3A_381 : vector<1x16xf32> to vector<16xf32>
    %jit3A_383 = arith.constant -1.000000e+30 : f32
    %broadcast_in_dim3A_384 = vector.broadcast %jit3A_383 : f32 to vector<16xf32>
    %select_n3A_385 = arith.select %gt3A_377, %get3A_382, %broadcast_in_dim3A_384 : vector<16xi1>, vector<16xf32>
    %max3A_386 = arith.maximumf %select_n3A_273, %select_n3A_289 : vector<16xf32>
    %max3A_387 = arith.maximumf %max3A_386, %select_n3A_305 : vector<16xf32>
    %max3A_388 = arith.maximumf %max3A_387, %select_n3A_321 : vector<16xf32>
    %max3A_389 = arith.maximumf %max3A_388, %select_n3A_337 : vector<16xf32>
    %max3A_390 = arith.maximumf %max3A_389, %select_n3A_353 : vector<16xf32>
    %max3A_391 = arith.maximumf %max3A_390, %select_n3A_369 : vector<16xf32>
    %max3A_392 = arith.maximumf %max3A_391, %select_n3A_385 : vector<16xf32>
    %sub3A_393 = arith.subf %select_n3A_273, %max3A_392 : vector<16xf32>
    %exp3A_394 = math.exp %sub3A_393 : vector<16xf32>
    %mul3A_395 = arith.mulf %exp3A_394, %get3A_262 : vector<16xf32>
    %sub3A_396 = arith.subf %select_n3A_289, %max3A_392 : vector<16xf32>
    %exp3A_397 = math.exp %sub3A_396 : vector<16xf32>
    %mul3A_398 = arith.mulf %exp3A_397, %get3A_278 : vector<16xf32>
    %sub3A_399 = arith.subf %select_n3A_305, %max3A_392 : vector<16xf32>
    %exp3A_400 = math.exp %sub3A_399 : vector<16xf32>
    %mul3A_401 = arith.mulf %exp3A_400, %get3A_294 : vector<16xf32>
    %sub3A_402 = arith.subf %select_n3A_321, %max3A_392 : vector<16xf32>
    %exp3A_403 = math.exp %sub3A_402 : vector<16xf32>
    %mul3A_404 = arith.mulf %exp3A_403, %get3A_310 : vector<16xf32>
    %sub3A_405 = arith.subf %select_n3A_337, %max3A_392 : vector<16xf32>
    %exp3A_406 = math.exp %sub3A_405 : vector<16xf32>
    %mul3A_407 = arith.mulf %exp3A_406, %get3A_326 : vector<16xf32>
    %sub3A_408 = arith.subf %select_n3A_353, %max3A_392 : vector<16xf32>
    %exp3A_409 = math.exp %sub3A_408 : vector<16xf32>
    %mul3A_410 = arith.mulf %exp3A_409, %get3A_342 : vector<16xf32>
    %sub3A_411 = arith.subf %select_n3A_369, %max3A_392 : vector<16xf32>
    %exp3A_412 = math.exp %sub3A_411 : vector<16xf32>
    %mul3A_413 = arith.mulf %exp3A_412, %get3A_358 : vector<16xf32>
    %sub3A_414 = arith.subf %select_n3A_385, %max3A_392 : vector<16xf32>
    %exp3A_415 = math.exp %sub3A_414 : vector<16xf32>
    %mul3A_416 = arith.mulf %exp3A_415, %get3A_374 : vector<16xf32>
    %add3A_417 = arith.addf %mul3A_395, %mul3A_398 : vector<16xf32>
    %add3A_418 = arith.addf %add3A_417, %mul3A_401 : vector<16xf32>
    %add3A_419 = arith.addf %add3A_418, %mul3A_404 : vector<16xf32>
    %add3A_420 = arith.addf %add3A_419, %mul3A_407 : vector<16xf32>
    %add3A_421 = arith.addf %add3A_420, %mul3A_410 : vector<16xf32>
    %add3A_422 = arith.addf %add3A_421, %mul3A_413 : vector<16xf32>
    %add3A_423 = arith.addf %add3A_422, %mul3A_416 : vector<16xf32>
    %gt3A_424 = arith.constant 0.000000e+00 : f32
    %gt3A_425 = vector.broadcast %gt3A_424 : f32 to vector<16xf32>
    %gt3A_426 = arith.cmpf ogt, %add3A_423, %gt3A_425 : vector<16xf32>
    %jit3A_427 = arith.constant 1.000000e+00 : f32
    %jit3A_428 = arith.constant 0.000000e+00 : f32
    %broadcast_in_dim3A_429 = vector.broadcast %jit3A_427 : f32 to vector<16xf32>
    %broadcast_in_dim3A_430 = vector.broadcast %jit3A_428 : f32 to vector<16xf32>
    %select_n3A_431 = arith.select %gt3A_426, %broadcast_in_dim3A_429, %broadcast_in_dim3A_430 : vector<16xi1>, vector<16xf32>
    %jit3A_432 = arith.constant 1.000000e+00 : f32
    %broadcast_in_dim3A_433 = vector.broadcast %jit3A_432 : f32 to vector<16xf32>
    %select_n3A_434 = arith.select %gt3A_426, %add3A_423, %broadcast_in_dim3A_433 : vector<16xi1>, vector<16xf32>
    %div3A_435 = arith.divf %select_n3A_431, %select_n3A_434 : vector<16xf32>
    %mul3A_436 = arith.mulf %mul3A_395, %div3A_435 : vector<16xf32>
    %swap3A_437 = arith.constant 0 : i32
    %swap3A_438 = arith.index_cast %swap3A_437 : i32 to index
    %swap3A_439 = arith.constant 16 : index
    %swap3A_440 = tpu.vector_load %arg7[%swap3A_438, %swap3A_439] {strides = array<i32>} : memref<8x128xf32, #tpu.memory_space<vmem>>, vector<1x16xf32>,
    %swap3A_441 = vector.shape_cast %swap3A_440 : vector<1x16xf32> to vector<16xf32>
    %swap3A_442 = vector.shape_cast %mul3A_436 : vector<16xf32> to vector<1x16xf32>
    tpu.vector_store %arg7[%swap3A_438, %swap3A_439], %swap3A_442 {strides = array<i32>} : memref<8x128xf32, #tpu.memory_space<vmem>>, vector<1x16xf32>,
    %mul3A_443 = arith.mulf %mul3A_398, %div3A_435 : vector<16xf32>
    %swap3A_444 = arith.constant 1 : i32
    %swap3A_445 = arith.index_cast %swap3A_444 : i32 to index
    %swap3A_446 = arith.constant 16 : index
    %swap3A_447 = tpu.vector_load %arg7[%swap3A_445, %swap3A_446] {strides = array<i32>} : memref<8x128xf32, #tpu.memory_space<vmem>>, vector<1x16xf32>,
    %swap3A_448 = vector.shape_cast %swap3A_447 : vector<1x16xf32> to vector<16xf32>
    %swap3A_449 = vector.shape_cast %mul3A_443 : vector<16xf32> to vector<1x16xf32>
    tpu.vector_store %arg7[%swap3A_445, %swap3A_446], %swap3A_449 {strides = array<i32>} : memref<8x128xf32, #tpu.memory_space<vmem>>, vector<1x16xf32>,
    %mul3A_450 = arith.mulf %mul3A_401, %div3A_435 : vector<16xf32>
    %swap3A_451 = arith.constant 2 : i32
    %swap3A_452 = arith.index_cast %swap3A_451 : i32 to index
    %swap3A_453 = arith.constant 16 : index
    %swap3A_454 = tpu.vector_load %arg7[%swap3A_452, %swap3A_453] {strides = array<i32>} : memref<8x128xf32, #tpu.memory_space<vmem>>, vector<1x16xf32>,
    %swap3A_455 = vector.shape_cast %swap3A_454 : vector<1x16xf32> to vector<16xf32>
    %swap3A_456 = vector.shape_cast %mul3A_450 : vector<16xf32> to vector<1x16xf32>
    tpu.vector_store %arg7[%swap3A_452, %swap3A_453], %swap3A_456 {strides = array<i32>} : memref<8x128xf32, #tpu.memory_space<vmem>>, vector<1x16xf32>,
    %mul3A_457 = arith.mulf %mul3A_404, %div3A_435 : vector<16xf32>
    %swap3A_458 = arith.constant 3 : i32
    %swap3A_459 = arith.index_cast %swap3A_458 : i32 to index
    %swap3A_460 = arith.constant 16 : index
    %swap3A_461 = tpu.vector_load %arg7[%swap3A_459, %swap3A_460] {strides = array<i32>} : memref<8x128xf32, #tpu.memory_space<vmem>>, vector<1x16xf32>,
    %swap3A_462 = vector.shape_cast %swap3A_461 : vector<1x16xf32> to vector<16xf32>
    %swap3A_463 = vector.shape_cast %mul3A_457 : vector<16xf32> to vector<1x16xf32>
    tpu.vector_store %arg7[%swap3A_459, %swap3A_460], %swap3A_463 {strides = array<i32>} : memref<8x128xf32, #tpu.memory_space<vmem>>, vector<1x16xf32>,
    %mul3A_464 = arith.mulf %mul3A_407, %div3A_435 : vector<16xf32>
    %swap3A_465 = arith.constant 4 : i32
    %swap3A_466 = arith.index_cast %swap3A_465 : i32 to index
    %swap3A_467 = arith.constant 16 : index
    %swap3A_468 = tpu.vector_load %arg7[%swap3A_466, %swap3A_467] {strides = array<i32>} : memref<8x128xf32, #tpu.memory_space<vmem>>, vector<1x16xf32>,
    %swap3A_469 = vector.shape_cast %swap3A_468 : vector<1x16xf32> to vector<16xf32>
    %swap3A_470 = vector.shape_cast %mul3A_464 : vector<16xf32> to vector<1x16xf32>
    tpu.vector_store %arg7[%swap3A_466, %swap3A_467], %swap3A_470 {strides = array<i32>} : memref<8x128xf32, #tpu.memory_space<vmem>>, vector<1x16xf32>,
    %mul3A_471 = arith.mulf %mul3A_410, %div3A_435 : vector<16xf32>
    %swap3A_472 = arith.constant 5 : i32
    %swap3A_473 = arith.index_cast %swap3A_472 : i32 to index
    %swap3A_474 = arith.constant 16 : index
    %swap3A_475 = tpu.vector_load %arg7[%swap3A_473, %swap3A_474] {strides = array<i32>} : memref<8x128xf32, #tpu.memory_space<vmem>>, vector<1x16xf32>,
    %swap3A_476 = vector.shape_cast %swap3A_475 : vector<1x16xf32> to vector<16xf32>
    %swap3A_477 = vector.shape_cast %mul3A_471 : vector<16xf32> to vector<1x16xf32>
    tpu.vector_store %arg7[%swap3A_473, %swap3A_474], %swap3A_477 {strides = array<i32>} : memref<8x128xf32, #tpu.memory_space<vmem>>, vector<1x16xf32>,
    %mul3A_478 = arith.mulf %mul3A_413, %div3A_435 : vector<16xf32>
    %swap3A_479 = arith.constant 6 : i32
    %swap3A_480 = arith.index_cast %swap3A_479 : i32 to index
    %swap3A_481 = arith.constant 16 : index
    %swap3A_482 = tpu.vector_load %arg7[%swap3A_480, %swap3A_481] {strides = array<i32>} : memref<8x128xf32, #tpu.memory_space<vmem>>, vector<1x16xf32>,
    %swap3A_483 = vector.shape_cast %swap3A_482 : vector<1x16xf32> to vector<16xf32>
    %swap3A_484 = vector.shape_cast %mul3A_478 : vector<16xf32> to vector<1x16xf32>
    tpu.vector_store %arg7[%swap3A_480, %swap3A_481], %swap3A_484 {strides = array<i32>} : memref<8x128xf32, #tpu.memory_space<vmem>>, vector<1x16xf32>,
    %mul3A_485 = arith.mulf %mul3A_416, %div3A_435 : vector<16xf32>
    %swap3A_486 = arith.constant 7 : i32
    %swap3A_487 = arith.index_cast %swap3A_486 : i32 to index
    %swap3A_488 = arith.constant 16 : index
    %swap3A_489 = tpu.vector_load %arg7[%swap3A_487, %swap3A_488] {strides = array<i32>} : memref<8x128xf32, #tpu.memory_space<vmem>>, vector<1x16xf32>,
    %swap3A_490 = vector.shape_cast %swap3A_489 : vector<1x16xf32> to vector<16xf32>
    %swap3A_491 = vector.shape_cast %mul3A_485 : vector<16xf32> to vector<1x16xf32>
    tpu.vector_store %arg7[%swap3A_487, %swap3A_488], %swap3A_491 {strides = array<i32>} : memref<8x128xf32, #tpu.memory_space<vmem>>, vector<1x16xf32>,
    %get3A_492 = arith.constant 0 : i32
    %get3A_493 = arith.index_cast %get3A_492 : i32 to index
    %get3A_494 = arith.constant 32 : index
    %get3A_495 = tpu.vector_load %arg6[%get3A_493, %get3A_494] {strides = array<i32>} : memref<8x128xf32, #tpu.memory_space<vmem>>, vector<1x16xf32>,
    %get3A_496 = vector.shape_cast %get3A_495 : vector<1x16xf32> to vector<16xf32>
    %gt3A_497 = arith.constant 0.000000e+00 : f32
    %gt3A_498 = vector.broadcast %gt3A_497 : f32 to vector<16xf32>
    %gt3A_499 = arith.cmpf ogt, %get3A_496, %gt3A_498 : vector<16xf32>
    %get3A_500 = arith.constant 0 : i32
    %get3A_501 = arith.index_cast %get3A_500 : i32 to index
    %get3A_502 = arith.constant 32 : index
    %get3A_503 = tpu.vector_load %arg5[%get3A_501, %get3A_502] {strides = array<i32>} : memref<8x128xf32, #tpu.memory_space<vmem>>, vector<1x16xf32>,
    %get3A_504 = vector.shape_cast %get3A_503 : vector<1x16xf32> to vector<16xf32>
    %jit3A_505 = arith.constant -1.000000e+30 : f32
    %broadcast_in_dim3A_506 = vector.broadcast %jit3A_505 : f32 to vector<16xf32>
    %select_n3A_507 = arith.select %gt3A_499, %get3A_504, %broadcast_in_dim3A_506 : vector<16xi1>, vector<16xf32>
    %get3A_508 = arith.constant 1 : i32
    %get3A_509 = arith.index_cast %get3A_508 : i32 to index
    %get3A_510 = arith.constant 32 : index
    %get3A_511 = tpu.vector_load %arg6[%get3A_509, %get3A_510] {strides = array<i32>} : memref<8x128xf32, #tpu.memory_space<vmem>>, vector<1x16xf32>,
    %get3A_512 = vector.shape_cast %get3A_511 : vector<1x16xf32> to vector<16xf32>
    %gt3A_513 = arith.constant 0.000000e+00 : f32
    %gt3A_514 = vector.broadcast %gt3A_513 : f32 to vector<16xf32>
    %gt3A_515 = arith.cmpf ogt, %get3A_512, %gt3A_514 : vector<16xf32>
    %get3A_516 = arith.constant 1 : i32
    %get3A_517 = arith.index_cast %get3A_516 : i32 to index
    %get3A_518 = arith.constant 32 : index
    %get3A_519 = tpu.vector_load %arg5[%get3A_517, %get3A_518] {strides = array<i32>} : memref<8x128xf32, #tpu.memory_space<vmem>>, vector<1x16xf32>,
    %get3A_520 = vector.shape_cast %get3A_519 : vector<1x16xf32> to vector<16xf32>
    %jit3A_521 = arith.constant -1.000000e+30 : f32
    %broadcast_in_dim3A_522 = vector.broadcast %jit3A_521 : f32 to vector<16xf32>
    %select_n3A_523 = arith.select %gt3A_515, %get3A_520, %broadcast_in_dim3A_522 : vector<16xi1>, vector<16xf32>
    %get3A_524 = arith.constant 2 : i32
    %get3A_525 = arith.index_cast %get3A_524 : i32 to index
    %get3A_526 = arith.constant 32 : index
    %get3A_527 = tpu.vector_load %arg6[%get3A_525, %get3A_526] {strides = array<i32>} : memref<8x128xf32, #tpu.memory_space<vmem>>, vector<1x16xf32>,
    %get3A_528 = vector.shape_cast %get3A_527 : vector<1x16xf32> to vector<16xf32>
    %gt3A_529 = arith.constant 0.000000e+00 : f32
    %gt3A_530 = vector.broadcast %gt3A_529 : f32 to vector<16xf32>
    %gt3A_531 = arith.cmpf ogt, %get3A_528, %gt3A_530 : vector<16xf32>
    %get3A_532 = arith.constant 2 : i32
    %get3A_533 = arith.index_cast %get3A_532 : i32 to index
    %get3A_534 = arith.constant 32 : index
    %get3A_535 = tpu.vector_load %arg5[%get3A_533, %get3A_534] {strides = array<i32>} : memref<8x128xf32, #tpu.memory_space<vmem>>, vector<1x16xf32>,
    %get3A_536 = vector.shape_cast %get3A_535 : vector<1x16xf32> to vector<16xf32>
    %jit3A_537 = arith.constant -1.000000e+30 : f32
    %broadcast_in_dim3A_538 = vector.broadcast %jit3A_537 : f32 to vector<16xf32>
    %select_n3A_539 = arith.select %gt3A_531, %get3A_536, %broadcast_in_dim3A_538 : vector<16xi1>, vector<16xf32>
    %get3A_540 = arith.constant 3 : i32
    %get3A_541 = arith.index_cast %get3A_540 : i32 to index
    %get3A_542 = arith.constant 32 : index
    %get3A_543 = tpu.vector_load %arg6[%get3A_541, %get3A_542] {strides = array<i32>} : memref<8x128xf32, #tpu.memory_space<vmem>>, vector<1x16xf32>,
    %get3A_544 = vector.shape_cast %get3A_543 : vector<1x16xf32> to vector<16xf32>
    %gt3A_545 = arith.constant 0.000000e+00 : f32
    %gt3A_546 = vector.broadcast %gt3A_545 : f32 to vector<16xf32>
    %gt3A_547 = arith.cmpf ogt, %get3A_544, %gt3A_546 : vector<16xf32>
    %get3A_548 = arith.constant 3 : i32
    %get3A_549 = arith.index_cast %get3A_548 : i32 to index
    %get3A_550 = arith.constant 32 : index
    %get3A_551 = tpu.vector_load %arg5[%get3A_549, %get3A_550] {strides = array<i32>} : memref<8x128xf32, #tpu.memory_space<vmem>>, vector<1x16xf32>,
    %get3A_552 = vector.shape_cast %get3A_551 : vector<1x16xf32> to vector<16xf32>
    %jit3A_553 = arith.constant -1.000000e+30 : f32
    %broadcast_in_dim3A_554 = vector.broadcast %jit3A_553 : f32 to vector<16xf32>
    %select_n3A_555 = arith.select %gt3A_547, %get3A_552, %broadcast_in_dim3A_554 : vector<16xi1>, vector<16xf32>
    %get3A_556 = arith.constant 4 : i32
    %get3A_557 = arith.index_cast %get3A_556 : i32 to index
    %get3A_558 = arith.constant 32 : index
    %get3A_559 = tpu.vector_load %arg6[%get3A_557, %get3A_558] {strides = array<i32>} : memref<8x128xf32, #tpu.memory_space<vmem>>, vector<1x16xf32>,
    %get3A_560 = vector.shape_cast %get3A_559 : vector<1x16xf32> to vector<16xf32>
    %gt3A_561 = arith.constant 0.000000e+00 : f32
    %gt3A_562 = vector.broadcast %gt3A_561 : f32 to vector<16xf32>
    %gt3A_563 = arith.cmpf ogt, %get3A_560, %gt3A_562 : vector<16xf32>
    %get3A_564 = arith.constant 4 : i32
    %get3A_565 = arith.index_cast %get3A_564 : i32 to index
    %get3A_566 = arith.constant 32 : index
    %get3A_567 = tpu.vector_load %arg5[%get3A_565, %get3A_566] {strides = array<i32>} : memref<8x128xf32, #tpu.memory_space<vmem>>, vector<1x16xf32>,
    %get3A_568 = vector.shape_cast %get3A_567 : vector<1x16xf32> to vector<16xf32>
    %jit3A_569 = arith.constant -1.000000e+30 : f32
    %broadcast_in_dim3A_570 = vector.broadcast %jit3A_569 : f32 to vector<16xf32>
    %select_n3A_571 = arith.select %gt3A_563, %get3A_568, %broadcast_in_dim3A_570 : vector<16xi1>, vector<16xf32>
    %get3A_572 = arith.constant 5 : i32
    %get3A_573 = arith.index_cast %get3A_572 : i32 to index
    %get3A_574 = arith.constant 32 : index
    %get3A_575 = tpu.vector_load %arg6[%get3A_573, %get3A_574] {strides = array<i32>} : memref<8x128xf32, #tpu.memory_space<vmem>>, vector<1x16xf32>,
    %get3A_576 = vector.shape_cast %get3A_575 : vector<1x16xf32> to vector<16xf32>
    %gt3A_577 = arith.constant 0.000000e+00 : f32
    %gt3A_578 = vector.broadcast %gt3A_577 : f32 to vector<16xf32>
    %gt3A_579 = arith.cmpf ogt, %get3A_576, %gt3A_578 : vector<16xf32>
    %get3A_580 = arith.constant 5 : i32
    %get3A_581 = arith.index_cast %get3A_580 : i32 to index
    %get3A_582 = arith.constant 32 : index
    %get3A_583 = tpu.vector_load %arg5[%get3A_581, %get3A_582] {strides = array<i32>} : memref<8x128xf32, #tpu.memory_space<vmem>>, vector<1x16xf32>,
    %get3A_584 = vector.shape_cast %get3A_583 : vector<1x16xf32> to vector<16xf32>
    %jit3A_585 = arith.constant -1.000000e+30 : f32
    %broadcast_in_dim3A_586 = vector.broadcast %jit3A_585 : f32 to vector<16xf32>
    %select_n3A_587 = arith.select %gt3A_579, %get3A_584, %broadcast_in_dim3A_586 : vector<16xi1>, vector<16xf32>
    %get3A_588 = arith.constant 6 : i32
    %get3A_589 = arith.index_cast %get3A_588 : i32 to index
    %get3A_590 = arith.constant 32 : index
    %get3A_591 = tpu.vector_load %arg6[%get3A_589, %get3A_590] {strides = array<i32>} : memref<8x128xf32, #tpu.memory_space<vmem>>, vector<1x16xf32>,
    %get3A_592 = vector.shape_cast %get3A_591 : vector<1x16xf32> to vector<16xf32>
    %gt3A_593 = arith.constant 0.000000e+00 : f32
    %gt3A_594 = vector.broadcast %gt3A_593 : f32 to vector<16xf32>
    %gt3A_595 = arith.cmpf ogt, %get3A_592, %gt3A_594 : vector<16xf32>
    %get3A_596 = arith.constant 6 : i32
    %get3A_597 = arith.index_cast %get3A_596 : i32 to index
    %get3A_598 = arith.constant 32 : index
    %get3A_599 = tpu.vector_load %arg5[%get3A_597, %get3A_598] {strides = array<i32>} : memref<8x128xf32, #tpu.memory_space<vmem>>, vector<1x16xf32>,
    %get3A_600 = vector.shape_cast %get3A_599 : vector<1x16xf32> to vector<16xf32>
    %jit3A_601 = arith.constant -1.000000e+30 : f32
    %broadcast_in_dim3A_602 = vector.broadcast %jit3A_601 : f32 to vector<16xf32>
    %select_n3A_603 = arith.select %gt3A_595, %get3A_600, %broadcast_in_dim3A_602 : vector<16xi1>, vector<16xf32>
    %get3A_604 = arith.constant 7 : i32
    %get3A_605 = arith.index_cast %get3A_604 : i32 to index
    %get3A_606 = arith.constant 32 : index
    %get3A_607 = tpu.vector_load %arg6[%get3A_605, %get3A_606] {strides = array<i32>} : memref<8x128xf32, #tpu.memory_space<vmem>>, vector<1x16xf32>,
    %get3A_608 = vector.shape_cast %get3A_607 : vector<1x16xf32> to vector<16xf32>
    %gt3A_609 = arith.constant 0.000000e+00 : f32
    %gt3A_610 = vector.broadcast %gt3A_609 : f32 to vector<16xf32>
    %gt3A_611 = arith.cmpf ogt, %get3A_608, %gt3A_610 : vector<16xf32>
    %get3A_612 = arith.constant 7 : i32
    %get3A_613 = arith.index_cast %get3A_612 : i32 to index
    %get3A_614 = arith.constant 32 : index
    %get3A_615 = tpu.vector_load %arg5[%get3A_613, %get3A_614] {strides = array<i32>} : memref<8x128xf32, #tpu.memory_space<vmem>>, vector<1x16xf32>,
    %get3A_616 = vector.shape_cast %get3A_615 : vector<1x16xf32> to vector<16xf32>
    %jit3A_617 = arith.constant -1.000000e+30 : f32
    %broadcast_in_dim3A_618 = vector.broadcast %jit3A_617 : f32 to vector<16xf32>
    %select_n3A_619 = arith.select %gt3A_611, %get3A_616, %broadcast_in_dim3A_618 : vector<16xi1>, vector<16xf32>
    %max3A_620 = arith.maximumf %select_n3A_507, %select_n3A_523 : vector<16xf32>
    %max3A_621 = arith.maximumf %max3A_620, %select_n3A_539 : vector<16xf32>
    %max3A_622 = arith.maximumf %max3A_621, %select_n3A_555 : vector<16xf32>
    %max3A_623 = arith.maximumf %max3A_622, %select_n3A_571 : vector<16xf32>
    %max3A_624 = arith.maximumf %max3A_623, %select_n3A_587 : vector<16xf32>
    %max3A_625 = arith.maximumf %max3A_624, %select_n3A_603 : vector<16xf32>
    %max3A_626 = arith.maximumf %max3A_625, %select_n3A_619 : vector<16xf32>
    %sub3A_627 = arith.subf %select_n3A_507, %max3A_626 : vector<16xf32>
    %exp3A_628 = math.exp %sub3A_627 : vector<16xf32>
    %mul3A_629 = arith.mulf %exp3A_628, %get3A_496 : vector<16xf32>
    %sub3A_630 = arith.subf %select_n3A_523, %max3A_626 : vector<16xf32>
    %exp3A_631 = math.exp %sub3A_630 : vector<16xf32>
    %mul3A_632 = arith.mulf %exp3A_631, %get3A_512 : vector<16xf32>
    %sub3A_633 = arith.subf %select_n3A_539, %max3A_626 : vector<16xf32>
    %exp3A_634 = math.exp %sub3A_633 : vector<16xf32>
    %mul3A_635 = arith.mulf %exp3A_634, %get3A_528 : vector<16xf32>
    %sub3A_636 = arith.subf %select_n3A_555, %max3A_626 : vector<16xf32>
    %exp3A_637 = math.exp %sub3A_636 : vector<16xf32>
    %mul3A_638 = arith.mulf %exp3A_637, %get3A_544 : vector<16xf32>
    %sub3A_639 = arith.subf %select_n3A_571, %max3A_626 : vector<16xf32>
    %exp3A_640 = math.exp %sub3A_639 : vector<16xf32>
    %mul3A_641 = arith.mulf %exp3A_640, %get3A_560 : vector<16xf32>
    %sub3A_642 = arith.subf %select_n3A_587, %max3A_626 : vector<16xf32>
    %exp3A_643 = math.exp %sub3A_642 : vector<16xf32>
    %mul3A_644 = arith.mulf %exp3A_643, %get3A_576 : vector<16xf32>
    %sub3A_645 = arith.subf %select_n3A_603, %max3A_626 : vector<16xf32>
    %exp3A_646 = math.exp %sub3A_645 : vector<16xf32>
    %mul3A_647 = arith.mulf %exp3A_646, %get3A_592 : vector<16xf32>
    %sub3A_648 = arith.subf %select_n3A_619, %max3A_626 : vector<16xf32>
    %exp3A_649 = math.exp %sub3A_648 : vector<16xf32>
    %mul3A_650 = arith.mulf %exp3A_649, %get3A_608 : vector<16xf32>
    %add3A_651 = arith.addf %mul3A_629, %mul3A_632 : vector<16xf32>
    %add3A_652 = arith.addf %add3A_651, %mul3A_635 : vector<16xf32>
    %add3A_653 = arith.addf %add3A_652, %mul3A_638 : vector<16xf32>
    %add3A_654 = arith.addf %add3A_653, %mul3A_641 : vector<16xf32>
    %add3A_655 = arith.addf %add3A_654, %mul3A_644 : vector<16xf32>
    %add3A_656 = arith.addf %add3A_655, %mul3A_647 : vector<16xf32>
    %add3A_657 = arith.addf %add3A_656, %mul3A_650 : vector<16xf32>
    %gt3A_658 = arith.constant 0.000000e+00 : f32
    %gt3A_659 = vector.broadcast %gt3A_658 : f32 to vector<16xf32>
    %gt3A_660 = arith.cmpf ogt, %add3A_657, %gt3A_659 : vector<16xf32>
    %jit3A_661 = arith.constant 1.000000e+00 : f32
    %jit3A_662 = arith.constant 0.000000e+00 : f32
    %broadcast_in_dim3A_663 = vector.broadcast %jit3A_661 : f32 to vector<16xf32>
    %broadcast_in_dim3A_664 = vector.broadcast %jit3A_662 : f32 to vector<16xf32>
    %select_n3A_665 = arith.select %gt3A_660, %broadcast_in_dim3A_663, %broadcast_in_dim3A_664 : vector<16xi1>, vector<16xf32>
    %jit3A_666 = arith.constant 1.000000e+00 : f32
    %broadcast_in_dim3A_667 = vector.broadcast %jit3A_666 : f32 to vector<16xf32>
    %select_n3A_668 = arith.select %gt3A_660, %add3A_657, %broadcast_in_dim3A_667 : vector<16xi1>, vector<16xf32>
    %div3A_669 = arith.divf %select_n3A_665, %select_n3A_668 : vector<16xf32>
    %mul3A_670 = arith.mulf %mul3A_629, %div3A_669 : vector<16xf32>
    %swap3A_671 = arith.constant 0 : i32
    %swap3A_672 = arith.index_cast %swap3A_671 : i32 to index
    %swap3A_673 = arith.constant 32 : index
    %swap3A_674 = tpu.vector_load %arg7[%swap3A_672, %swap3A_673] {strides = array<i32>} : memref<8x128xf32, #tpu.memory_space<vmem>>, vector<1x16xf32>,
    %swap3A_675 = vector.shape_cast %swap3A_674 : vector<1x16xf32> to vector<16xf32>
    %swap3A_676 = vector.shape_cast %mul3A_670 : vector<16xf32> to vector<1x16xf32>
    tpu.vector_store %arg7[%swap3A_672, %swap3A_673], %swap3A_676 {strides = array<i32>} : memref<8x128xf32, #tpu.memory_space<vmem>>, vector<1x16xf32>,
    %mul3A_677 = arith.mulf %mul3A_632, %div3A_669 : vector<16xf32>
    %swap3A_678 = arith.constant 1 : i32
    %swap3A_679 = arith.index_cast %swap3A_678 : i32 to index
    %swap3A_680 = arith.constant 32 : index
    %swap3A_681 = tpu.vector_load %arg7[%swap3A_679, %swap3A_680] {strides = array<i32>} : memref<8x128xf32, #tpu.memory_space<vmem>>, vector<1x16xf32>,
    %swap3A_682 = vector.shape_cast %swap3A_681 : vector<1x16xf32> to vector<16xf32>
    %swap3A_683 = vector.shape_cast %mul3A_677 : vector<16xf32> to vector<1x16xf32>
    tpu.vector_store %arg7[%swap3A_679, %swap3A_680], %swap3A_683 {strides = array<i32>} : memref<8x128xf32, #tpu.memory_space<vmem>>, vector<1x16xf32>,
    %mul3A_684 = arith.mulf %mul3A_635, %div3A_669 : vector<16xf32>
    %swap3A_685 = arith.constant 2 : i32
    %swap3A_686 = arith.index_cast %swap3A_685 : i32 to index
    %swap3A_687 = arith.constant 32 : index
    %swap3A_688 = tpu.vector_load %arg7[%swap3A_686, %swap3A_687] {strides = array<i32>} : memref<8x128xf32, #tpu.memory_space<vmem>>, vector<1x16xf32>,
    %swap3A_689 = vector.shape_cast %swap3A_688 : vector<1x16xf32> to vector<16xf32>
    %swap3A_690 = vector.shape_cast %mul3A_684 : vector<16xf32> to vector<1x16xf32>
    tpu.vector_store %arg7[%swap3A_686, %swap3A_687], %swap3A_690 {strides = array<i32>} : memref<8x128xf32, #tpu.memory_space<vmem>>, vector<1x16xf32>,
    %mul3A_691 = arith.mulf %mul3A_638, %div3A_669 : vector<16xf32>
    %swap3A_692 = arith.constant 3 : i32
    %swap3A_693 = arith.index_cast %swap3A_692 : i32 to index
    %swap3A_694 = arith.constant 32 : index
    %swap3A_695 = tpu.vector_load %arg7[%swap3A_693, %swap3A_694] {strides = array<i32>} : memref<8x128xf32, #tpu.memory_space<vmem>>, vector<1x16xf32>,
    %swap3A_696 = vector.shape_cast %swap3A_695 : vector<1x16xf32> to vector<16xf32>
    %swap3A_697 = vector.shape_cast %mul3A_691 : vector<16xf32> to vector<1x16xf32>
    tpu.vector_store %arg7[%swap3A_693, %swap3A_694], %swap3A_697 {strides = array<i32>} : memref<8x128xf32, #tpu.memory_space<vmem>>, vector<1x16xf32>,
    %mul3A_698 = arith.mulf %mul3A_641, %div3A_669 : vector<16xf32>
    %swap3A_699 = arith.constant 4 : i32
    %swap3A_700 = arith.index_cast %swap3A_699 : i32 to index
    %swap3A_701 = arith.constant 32 : index
    %swap3A_702 = tpu.vector_load %arg7[%swap3A_700, %swap3A_701] {strides = array<i32>} : memref<8x128xf32, #tpu.memory_space<vmem>>, vector<1x16xf32>,
    %swap3A_703 = vector.shape_cast %swap3A_702 : vector<1x16xf32> to vector<16xf32>
    %swap3A_704 = vector.shape_cast %mul3A_698 : vector<16xf32> to vector<1x16xf32>
    tpu.vector_store %arg7[%swap3A_700, %swap3A_701], %swap3A_704 {strides = array<i32>} : memref<8x128xf32, #tpu.memory_space<vmem>>, vector<1x16xf32>,
    %mul3A_705 = arith.mulf %mul3A_644, %div3A_669 : vector<16xf32>
    %swap3A_706 = arith.constant 5 : i32
    %swap3A_707 = arith.index_cast %swap3A_706 : i32 to index
    %swap3A_708 = arith.constant 32 : index
    %swap3A_709 = tpu.vector_load %arg7[%swap3A_707, %swap3A_708] {strides = array<i32>} : memref<8x128xf32, #tpu.memory_space<vmem>>, vector<1x16xf32>,
    %swap3A_710 = vector.shape_cast %swap3A_709 : vector<1x16xf32> to vector<16xf32>
    %swap3A_711 = vector.shape_cast %mul3A_705 : vector<16xf32> to vector<1x16xf32>
    tpu.vector_store %arg7[%swap3A_707, %swap3A_708], %swap3A_711 {strides = array<i32>} : memref<8x128xf32, #tpu.memory_space<vmem>>, vector<1x16xf32>,
    %mul3A_712 = arith.mulf %mul3A_647, %div3A_669 : vector<16xf32>
    %swap3A_713 = arith.constant 6 : i32
    %swap3A_714 = arith.index_cast %swap3A_713 : i32 to index
    %swap3A_715 = arith.constant 32 : index
    %swap3A_716 = tpu.vector_load %arg7[%swap3A_714, %swap3A_715] {strides = array<i32>} : memref<8x128xf32, #tpu.memory_space<vmem>>, vector<1x16xf32>,
    %swap3A_717 = vector.shape_cast %swap3A_716 : vector<1x16xf32> to vector<16xf32>
    %swap3A_718 = vector.shape_cast %mul3A_712 : vector<16xf32> to vector<1x16xf32>
    tpu.vector_store %arg7[%swap3A_714, %swap3A_715], %swap3A_718 {strides = array<i32>} : memref<8x128xf32, #tpu.memory_space<vmem>>, vector<1x16xf32>,
    %mul3A_719 = arith.mulf %mul3A_650, %div3A_669 : vector<16xf32>
    %swap3A_720 = arith.constant 7 : i32
    %swap3A_721 = arith.index_cast %swap3A_720 : i32 to index
    %swap3A_722 = arith.constant 32 : index
    %swap3A_723 = tpu.vector_load %arg7[%swap3A_721, %swap3A_722] {strides = array<i32>} : memref<8x128xf32, #tpu.memory_space<vmem>>, vector<1x16xf32>,
    %swap3A_724 = vector.shape_cast %swap3A_723 : vector<1x16xf32> to vector<16xf32>
    %swap3A_725 = vector.shape_cast %mul3A_719 : vector<16xf32> to vector<1x16xf32>
    tpu.vector_store %arg7[%swap3A_721, %swap3A_722], %swap3A_725 {strides = array<i32>} : memref<8x128xf32, #tpu.memory_space<vmem>>, vector<1x16xf32>,
    %get3A_726 = arith.constant 0 : i32
    %get3A_727 = arith.index_cast %get3A_726 : i32 to index
    %get3A_728 = arith.constant 48 : index
    %get3A_729 = tpu.vector_load %arg6[%get3A_727, %get3A_728] {strides = array<i32>} : memref<8x128xf32, #tpu.memory_space<vmem>>, vector<1x16xf32>,
    %get3A_730 = vector.shape_cast %get3A_729 : vector<1x16xf32> to vector<16xf32>
    %gt3A_731 = arith.constant 0.000000e+00 : f32
    %gt3A_732 = vector.broadcast %gt3A_731 : f32 to vector<16xf32>
    %gt3A_733 = arith.cmpf ogt, %get3A_730, %gt3A_732 : vector<16xf32>
    %get3A_734 = arith.constant 0 : i32
    %get3A_735 = arith.index_cast %get3A_734 : i32 to index
    %get3A_736 = arith.constant 48 : index
    %get3A_737 = tpu.vector_load %arg5[%get3A_735, %get3A_736] {strides = array<i32>} : memref<8x128xf32, #tpu.memory_space<vmem>>, vector<1x16xf32>,
    %get3A_738 = vector.shape_cast %get3A_737 : vector<1x16xf32> to vector<16xf32>
    %jit3A_739 = arith.constant -1.000000e+30 : f32
    %broadcast_in_dim3A_740 = vector.broadcast %jit3A_739 : f32 to vector<16xf32>
    %select_n3A_741 = arith.select %gt3A_733, %get3A_738, %broadcast_in_dim3A_740 : vector<16xi1>, vector<16xf32>
    %get3A_742 = arith.constant 1 : i32
    %get3A_743 = arith.index_cast %get3A_742 : i32 to index
    %get3A_744 = arith.constant 48 : index
    %get3A_745 = tpu.vector_load %arg6[%get3A_743, %get3A_744] {strides = array<i32>} : memref<8x128xf32, #tpu.memory_space<vmem>>, vector<1x16xf32>,
    %get3A_746 = vector.shape_cast %get3A_745 : vector<1x16xf32> to vector<16xf32>
    %gt3A_747 = arith.constant 0.000000e+00 : f32
    %gt3A_748 = vector.broadcast %gt3A_747 : f32 to vector<16xf32>
    %gt3A_749 = arith.cmpf ogt, %get3A_746, %gt3A_748 : vector<16xf32>
    %get3A_750 = arith.constant 1 : i32
    %get3A_751 = arith.index_cast %get3A_750 : i32 to index
    %get3A_752 = arith.constant 48 : index
    %get3A_753 = tpu.vector_load %arg5[%get3A_751, %get3A_752] {strides = array<i32>} : memref<8x128xf32, #tpu.memory_space<vmem>>, vector<1x16xf32>,
    %get3A_754 = vector.shape_cast %get3A_753 : vector<1x16xf32> to vector<16xf32>
    %jit3A_755 = arith.constant -1.000000e+30 : f32
    %broadcast_in_dim3A_756 = vector.broadcast %jit3A_755 : f32 to vector<16xf32>
    %select_n3A_757 = arith.select %gt3A_749, %get3A_754, %broadcast_in_dim3A_756 : vector<16xi1>, vector<16xf32>
    %get3A_758 = arith.constant 2 : i32
    %get3A_759 = arith.index_cast %get3A_758 : i32 to index
    %get3A_760 = arith.constant 48 : index
    %get3A_761 = tpu.vector_load %arg6[%get3A_759, %get3A_760] {strides = array<i32>} : memref<8x128xf32, #tpu.memory_space<vmem>>, vector<1x16xf32>,
    %get3A_762 = vector.shape_cast %get3A_761 : vector<1x16xf32> to vector<16xf32>
    %gt3A_763 = arith.constant 0.000000e+00 : f32
    %gt3A_764 = vector.broadcast %gt3A_763 : f32 to vector<16xf32>
    %gt3A_765 = arith.cmpf ogt, %get3A_762, %gt3A_764 : vector<16xf32>
    %get3A_766 = arith.constant 2 : i32
    %get3A_767 = arith.index_cast %get3A_766 : i32 to index
    %get3A_768 = arith.constant 48 : index
    %get3A_769 = tpu.vector_load %arg5[%get3A_767, %get3A_768] {strides = array<i32>} : memref<8x128xf32, #tpu.memory_space<vmem>>, vector<1x16xf32>,
    %get3A_770 = vector.shape_cast %get3A_769 : vector<1x16xf32> to vector<16xf32>
    %jit3A_771 = arith.constant -1.000000e+30 : f32
    %broadcast_in_dim3A_772 = vector.broadcast %jit3A_771 : f32 to vector<16xf32>
    %select_n3A_773 = arith.select %gt3A_765, %get3A_770, %broadcast_in_dim3A_772 : vector<16xi1>, vector<16xf32>
    %get3A_774 = arith.constant 3 : i32
    %get3A_775 = arith.index_cast %get3A_774 : i32 to index
    %get3A_776 = arith.constant 48 : index
    %get3A_777 = tpu.vector_load %arg6[%get3A_775, %get3A_776] {strides = array<i32>} : memref<8x128xf32, #tpu.memory_space<vmem>>, vector<1x16xf32>,
    %get3A_778 = vector.shape_cast %get3A_777 : vector<1x16xf32> to vector<16xf32>
    %gt3A_779 = arith.constant 0.000000e+00 : f32
    %gt3A_780 = vector.broadcast %gt3A_779 : f32 to vector<16xf32>
    %gt3A_781 = arith.cmpf ogt, %get3A_778, %gt3A_780 : vector<16xf32>
    %get3A_782 = arith.constant 3 : i32
    %get3A_783 = arith.index_cast %get3A_782 : i32 to index
    %get3A_784 = arith.constant 48 : index
    %get3A_785 = tpu.vector_load %arg5[%get3A_783, %get3A_784] {strides = array<i32>} : memref<8x128xf32, #tpu.memory_space<vmem>>, vector<1x16xf32>,
    %get3A_786 = vector.shape_cast %get3A_785 : vector<1x16xf32> to vector<16xf32>
    %jit3A_787 = arith.constant -1.000000e+30 : f32
    %broadcast_in_dim3A_788 = vector.broadcast %jit3A_787 : f32 to vector<16xf32>
    %select_n3A_789 = arith.select %gt3A_781, %get3A_786, %broadcast_in_dim3A_788 : vector<16xi1>, vector<16xf32>
    %get3A_790 = arith.constant 4 : i32
    %get3A_791 = arith.index_cast %get3A_790 : i32 to index
    %get3A_792 = arith.constant 48 : index
    %get3A_793 = tpu.vector_load %arg6[%get3A_791, %get3A_792] {strides = array<i32>} : memref<8x128xf32, #tpu.memory_space<vmem>>, vector<1x16xf32>,
    %get3A_794 = vector.shape_cast %get3A_793 : vector<1x16xf32> to vector<16xf32>
    %gt3A_795 = arith.constant 0.000000e+00 : f32
    %gt3A_796 = vector.broadcast %gt3A_795 : f32 to vector<16xf32>
    %gt3A_797 = arith.cmpf ogt, %get3A_794, %gt3A_796 : vector<16xf32>
    %get3A_798 = arith.constant 4 : i32
    %get3A_799 = arith.index_cast %get3A_798 : i32 to index
    %get3A_800 = arith.constant 48 : index
    %get3A_801 = tpu.vector_load %arg5[%get3A_799, %get3A_800] {strides = array<i32>} : memref<8x128xf32, #tpu.memory_space<vmem>>, vector<1x16xf32>,
    %get3A_802 = vector.shape_cast %get3A_801 : vector<1x16xf32> to vector<16xf32>
    %jit3A_803 = arith.constant -1.000000e+30 : f32
    %broadcast_in_dim3A_804 = vector.broadcast %jit3A_803 : f32 to vector<16xf32>
    %select_n3A_805 = arith.select %gt3A_797, %get3A_802, %broadcast_in_dim3A_804 : vector<16xi1>, vector<16xf32>
    %get3A_806 = arith.constant 5 : i32
    %get3A_807 = arith.index_cast %get3A_806 : i32 to index
    %get3A_808 = arith.constant 48 : index
    %get3A_809 = tpu.vector_load %arg6[%get3A_807, %get3A_808] {strides = array<i32>} : memref<8x128xf32, #tpu.memory_space<vmem>>, vector<1x16xf32>,
    %get3A_810 = vector.shape_cast %get3A_809 : vector<1x16xf32> to vector<16xf32>
    %gt3A_811 = arith.constant 0.000000e+00 : f32
    %gt3A_812 = vector.broadcast %gt3A_811 : f32 to vector<16xf32>
    %gt3A_813 = arith.cmpf ogt, %get3A_810, %gt3A_812 : vector<16xf32>
    %get3A_814 = arith.constant 5 : i32
    %get3A_815 = arith.index_cast %get3A_814 : i32 to index
    %get3A_816 = arith.constant 48 : index
    %get3A_817 = tpu.vector_load %arg5[%get3A_815, %get3A_816] {strides = array<i32>} : memref<8x128xf32, #tpu.memory_space<vmem>>, vector<1x16xf32>,
    %get3A_818 = vector.shape_cast %get3A_817 : vector<1x16xf32> to vector<16xf32>
    %jit3A_819 = arith.constant -1.000000e+30 : f32
    %broadcast_in_dim3A_820 = vector.broadcast %jit3A_819 : f32 to vector<16xf32>
    %select_n3A_821 = arith.select %gt3A_813, %get3A_818, %broadcast_in_dim3A_820 : vector<16xi1>, vector<16xf32>
    %get3A_822 = arith.constant 6 : i32
    %get3A_823 = arith.index_cast %get3A_822 : i32 to index
    %get3A_824 = arith.constant 48 : index
    %get3A_825 = tpu.vector_load %arg6[%get3A_823, %get3A_824] {strides = array<i32>} : memref<8x128xf32, #tpu.memory_space<vmem>>, vector<1x16xf32>,
    %get3A_826 = vector.shape_cast %get3A_825 : vector<1x16xf32> to vector<16xf32>
    %gt3A_827 = arith.constant 0.000000e+00 : f32
    %gt3A_828 = vector.broadcast %gt3A_827 : f32 to vector<16xf32>
    %gt3A_829 = arith.cmpf ogt, %get3A_826, %gt3A_828 : vector<16xf32>
    %get3A_830 = arith.constant 6 : i32
    %get3A_831 = arith.index_cast %get3A_830 : i32 to index
    %get3A_832 = arith.constant 48 : index
    %get3A_833 = tpu.vector_load %arg5[%get3A_831, %get3A_832] {strides = array<i32>} : memref<8x128xf32, #tpu.memory_space<vmem>>, vector<1x16xf32>,
    %get3A_834 = vector.shape_cast %get3A_833 : vector<1x16xf32> to vector<16xf32>
    %jit3A_835 = arith.constant -1.000000e+30 : f32
    %broadcast_in_dim3A_836 = vector.broadcast %jit3A_835 : f32 to vector<16xf32>
    %select_n3A_837 = arith.select %gt3A_829, %get3A_834, %broadcast_in_dim3A_836 : vector<16xi1>, vector<16xf32>
    %get3A_838 = arith.constant 7 : i32
    %get3A_839 = arith.index_cast %get3A_838 : i32 to index
    %get3A_840 = arith.constant 48 : index
    %get3A_841 = tpu.vector_load %arg6[%get3A_839, %get3A_840] {strides = array<i32>} : memref<8x128xf32, #tpu.memory_space<vmem>>, vector<1x16xf32>,
    %get3A_842 = vector.shape_cast %get3A_841 : vector<1x16xf32> to vector<16xf32>
    %gt3A_843 = arith.constant 0.000000e+00 : f32
    %gt3A_844 = vector.broadcast %gt3A_843 : f32 to vector<16xf32>
    %gt3A_845 = arith.cmpf ogt, %get3A_842, %gt3A_844 : vector<16xf32>
    %get3A_846 = arith.constant 7 : i32
    %get3A_847 = arith.index_cast %get3A_846 : i32 to index
    %get3A_848 = arith.constant 48 : index
    %get3A_849 = tpu.vector_load %arg5[%get3A_847, %get3A_848] {strides = array<i32>} : memref<8x128xf32, #tpu.memory_space<vmem>>, vector<1x16xf32>,
    %get3A_850 = vector.shape_cast %get3A_849 : vector<1x16xf32> to vector<16xf32>
    %jit3A_851 = arith.constant -1.000000e+30 : f32
    %broadcast_in_dim3A_852 = vector.broadcast %jit3A_851 : f32 to vector<16xf32>
    %select_n3A_853 = arith.select %gt3A_845, %get3A_850, %broadcast_in_dim3A_852 : vector<16xi1>, vector<16xf32>
    %max3A_854 = arith.maximumf %select_n3A_741, %select_n3A_757 : vector<16xf32>
    %max3A_855 = arith.maximumf %max3A_854, %select_n3A_773 : vector<16xf32>
    %max3A_856 = arith.maximumf %max3A_855, %select_n3A_789 : vector<16xf32>
    %max3A_857 = arith.maximumf %max3A_856, %select_n3A_805 : vector<16xf32>
    %max3A_858 = arith.maximumf %max3A_857, %select_n3A_821 : vector<16xf32>
    %max3A_859 = arith.maximumf %max3A_858, %select_n3A_837 : vector<16xf32>
    %max3A_860 = arith.maximumf %max3A_859, %select_n3A_853 : vector<16xf32>
    %sub3A_861 = arith.subf %select_n3A_741, %max3A_860 : vector<16xf32>
    %exp3A_862 = math.exp %sub3A_861 : vector<16xf32>
    %mul3A_863 = arith.mulf %exp3A_862, %get3A_730 : vector<16xf32>
    %sub3A_864 = arith.subf %select_n3A_757, %max3A_860 : vector<16xf32>
    %exp3A_865 = math.exp %sub3A_864 : vector<16xf32>
    %mul3A_866 = arith.mulf %exp3A_865, %get3A_746 : vector<16xf32>
    %sub3A_867 = arith.subf %select_n3A_773, %max3A_860 : vector<16xf32>
    %exp3A_868 = math.exp %sub3A_867 : vector<16xf32>
    %mul3A_869 = arith.mulf %exp3A_868, %get3A_762 : vector<16xf32>
    %sub3A_870 = arith.subf %select_n3A_789, %max3A_860 : vector<16xf32>
    %exp3A_871 = math.exp %sub3A_870 : vector<16xf32>
    %mul3A_872 = arith.mulf %exp3A_871, %get3A_778 : vector<16xf32>
    %sub3A_873 = arith.subf %select_n3A_805, %max3A_860 : vector<16xf32>
    %exp3A_874 = math.exp %sub3A_873 : vector<16xf32>
    %mul3A_875 = arith.mulf %exp3A_874, %get3A_794 : vector<16xf32>
    %sub3A_876 = arith.subf %select_n3A_821, %max3A_860 : vector<16xf32>
    %exp3A_877 = math.exp %sub3A_876 : vector<16xf32>
    %mul3A_878 = arith.mulf %exp3A_877, %get3A_810 : vector<16xf32>
    %sub3A_879 = arith.subf %select_n3A_837, %max3A_860 : vector<16xf32>
    %exp3A_880 = math.exp %sub3A_879 : vector<16xf32>
    %mul3A_881 = arith.mulf %exp3A_880, %get3A_826 : vector<16xf32>
    %sub3A_882 = arith.subf %select_n3A_853, %max3A_860 : vector<16xf32>
    %exp3A_883 = math.exp %sub3A_882 : vector<16xf32>
    %mul3A_884 = arith.mulf %exp3A_883, %get3A_842 : vector<16xf32>
    %add3A_885 = arith.addf %mul3A_863, %mul3A_866 : vector<16xf32>
    %add3A_886 = arith.addf %add3A_885, %mul3A_869 : vector<16xf32>
    %add3A_887 = arith.addf %add3A_886, %mul3A_872 : vector<16xf32>
    %add3A_888 = arith.addf %add3A_887, %mul3A_875 : vector<16xf32>
    %add3A_889 = arith.addf %add3A_888, %mul3A_878 : vector<16xf32>
    %add3A_890 = arith.addf %add3A_889, %mul3A_881 : vector<16xf32>
    %add3A_891 = arith.addf %add3A_890, %mul3A_884 : vector<16xf32>
    %gt3A_892 = arith.constant 0.000000e+00 : f32
    %gt3A_893 = vector.broadcast %gt3A_892 : f32 to vector<16xf32>
    %gt3A_894 = arith.cmpf ogt, %add3A_891, %gt3A_893 : vector<16xf32>
    %jit3A_895 = arith.constant 1.000000e+00 : f32
    %jit3A_896 = arith.constant 0.000000e+00 : f32
    %broadcast_in_dim3A_897 = vector.broadcast %jit3A_895 : f32 to vector<16xf32>
    %broadcast_in_dim3A_898 = vector.broadcast %jit3A_896 : f32 to vector<16xf32>
    %select_n3A_899 = arith.select %gt3A_894, %broadcast_in_dim3A_897, %broadcast_in_dim3A_898 : vector<16xi1>, vector<16xf32>
    %jit3A_900 = arith.constant 1.000000e+00 : f32
    %broadcast_in_dim3A_901 = vector.broadcast %jit3A_900 : f32 to vector<16xf32>
    %select_n3A_902 = arith.select %gt3A_894, %add3A_891, %broadcast_in_dim3A_901 : vector<16xi1>, vector<16xf32>
    %div3A_903 = arith.divf %select_n3A_899, %select_n3A_902 : vector<16xf32>
    %mul3A_904 = arith.mulf %mul3A_863, %div3A_903 : vector<16xf32>
    %swap3A_905 = arith.constant 0 : i32
    %swap3A_906 = arith.index_cast %swap3A_905 : i32 to index
    %swap3A_907 = arith.constant 48 : index
    %swap3A_908 = tpu.vector_load %arg7[%swap3A_906, %swap3A_907] {strides = array<i32>} : memref<8x128xf32, #tpu.memory_space<vmem>>, vector<1x16xf32>,
    %swap3A_909 = vector.shape_cast %swap3A_908 : vector<1x16xf32> to vector<16xf32>
    %swap3A_910 = vector.shape_cast %mul3A_904 : vector<16xf32> to vector<1x16xf32>
    tpu.vector_store %arg7[%swap3A_906, %swap3A_907], %swap3A_910 {strides = array<i32>} : memref<8x128xf32, #tpu.memory_space<vmem>>, vector<1x16xf32>,
    %mul3A_911 = arith.mulf %mul3A_866, %div3A_903 : vector<16xf32>
    %swap3A_912 = arith.constant 1 : i32
    %swap3A_913 = arith.index_cast %swap3A_912 : i32 to index
    %swap3A_914 = arith.constant 48 : index
    %swap3A_915 = tpu.vector_load %arg7[%swap3A_913, %swap3A_914] {strides = array<i32>} : memref<8x128xf32, #tpu.memory_space<vmem>>, vector<1x16xf32>,
    %swap3A_916 = vector.shape_cast %swap3A_915 : vector<1x16xf32> to vector<16xf32>
    %swap3A_917 = vector.shape_cast %mul3A_911 : vector<16xf32> to vector<1x16xf32>
    tpu.vector_store %arg7[%swap3A_913, %swap3A_914], %swap3A_917 {strides = array<i32>} : memref<8x128xf32, #tpu.memory_space<vmem>>, vector<1x16xf32>,
    %mul3A_918 = arith.mulf %mul3A_869, %div3A_903 : vector<16xf32>
    %swap3A_919 = arith.constant 2 : i32
    %swap3A_920 = arith.index_cast %swap3A_919 : i32 to index
    %swap3A_921 = arith.constant 48 : index
    %swap3A_922 = tpu.vector_load %arg7[%swap3A_920, %swap3A_921] {strides = array<i32>} : memref<8x128xf32, #tpu.memory_space<vmem>>, vector<1x16xf32>,
    %swap3A_923 = vector.shape_cast %swap3A_922 : vector<1x16xf32> to vector<16xf32>
    %swap3A_924 = vector.shape_cast %mul3A_918 : vector<16xf32> to vector<1x16xf32>
    tpu.vector_store %arg7[%swap3A_920, %swap3A_921], %swap3A_924 {strides = array<i32>} : memref<8x128xf32, #tpu.memory_space<vmem>>, vector<1x16xf32>,
    %mul3A_925 = arith.mulf %mul3A_872, %div3A_903 : vector<16xf32>
    %swap3A_926 = arith.constant 3 : i32
    %swap3A_927 = arith.index_cast %swap3A_926 : i32 to index
    %swap3A_928 = arith.constant 48 : index
    %swap3A_929 = tpu.vector_load %arg7[%swap3A_927, %swap3A_928] {strides = array<i32>} : memref<8x128xf32, #tpu.memory_space<vmem>>, vector<1x16xf32>,
    %swap3A_930 = vector.shape_cast %swap3A_929 : vector<1x16xf32> to vector<16xf32>
    %swap3A_931 = vector.shape_cast %mul3A_925 : vector<16xf32> to vector<1x16xf32>
    tpu.vector_store %arg7[%swap3A_927, %swap3A_928], %swap3A_931 {strides = array<i32>} : memref<8x128xf32, #tpu.memory_space<vmem>>, vector<1x16xf32>,
    %mul3A_932 = arith.mulf %mul3A_875, %div3A_903 : vector<16xf32>
    %swap3A_933 = arith.constant 4 : i32
    %swap3A_934 = arith.index_cast %swap3A_933 : i32 to index
    %swap3A_935 = arith.constant 48 : index
    %swap3A_936 = tpu.vector_load %arg7[%swap3A_934, %swap3A_935] {strides = array<i32>} : memref<8x128xf32, #tpu.memory_space<vmem>>, vector<1x16xf32>,
    %swap3A_937 = vector.shape_cast %swap3A_936 : vector<1x16xf32> to vector<16xf32>
    %swap3A_938 = vector.shape_cast %mul3A_932 : vector<16xf32> to vector<1x16xf32>
    tpu.vector_store %arg7[%swap3A_934, %swap3A_935], %swap3A_938 {strides = array<i32>} : memref<8x128xf32, #tpu.memory_space<vmem>>, vector<1x16xf32>,
    %mul3A_939 = arith.mulf %mul3A_878, %div3A_903 : vector<16xf32>
    %swap3A_940 = arith.constant 5 : i32
    %swap3A_941 = arith.index_cast %swap3A_940 : i32 to index
    %swap3A_942 = arith.constant 48 : index
    %swap3A_943 = tpu.vector_load %arg7[%swap3A_941, %swap3A_942] {strides = array<i32>} : memref<8x128xf32, #tpu.memory_space<vmem>>, vector<1x16xf32>,
    %swap3A_944 = vector.shape_cast %swap3A_943 : vector<1x16xf32> to vector<16xf32>
    %swap3A_945 = vector.shape_cast %mul3A_939 : vector<16xf32> to vector<1x16xf32>
    tpu.vector_store %arg7[%swap3A_941, %swap3A_942], %swap3A_945 {strides = array<i32>} : memref<8x128xf32, #tpu.memory_space<vmem>>, vector<1x16xf32>,
    %mul3A_946 = arith.mulf %mul3A_881, %div3A_903 : vector<16xf32>
    %swap3A_947 = arith.constant 6 : i32
    %swap3A_948 = arith.index_cast %swap3A_947 : i32 to index
    %swap3A_949 = arith.constant 48 : index
    %swap3A_950 = tpu.vector_load %arg7[%swap3A_948, %swap3A_949] {strides = array<i32>} : memref<8x128xf32, #tpu.memory_space<vmem>>, vector<1x16xf32>,
    %swap3A_951 = vector.shape_cast %swap3A_950 : vector<1x16xf32> to vector<16xf32>
    %swap3A_952 = vector.shape_cast %mul3A_946 : vector<16xf32> to vector<1x16xf32>
    tpu.vector_store %arg7[%swap3A_948, %swap3A_949], %swap3A_952 {strides = array<i32>} : memref<8x128xf32, #tpu.memory_space<vmem>>, vector<1x16xf32>,
    %mul3A_953 = arith.mulf %mul3A_884, %div3A_903 : vector<16xf32>
    %swap3A_954 = arith.constant 7 : i32
    %swap3A_955 = arith.index_cast %swap3A_954 : i32 to index
    %swap3A_956 = arith.constant 48 : index
    %swap3A_957 = tpu.vector_load %arg7[%swap3A_955, %swap3A_956] {strides = array<i32>} : memref<8x128xf32, #tpu.memory_space<vmem>>, vector<1x16xf32>,
    %swap3A_958 = vector.shape_cast %swap3A_957 : vector<1x16xf32> to vector<16xf32>
    %swap3A_959 = vector.shape_cast %mul3A_953 : vector<16xf32> to vector<1x16xf32>
    tpu.vector_store %arg7[%swap3A_955, %swap3A_956], %swap3A_959 {strides = array<i32>} : memref<8x128xf32, #tpu.memory_space<vmem>>, vector<1x16xf32>,
    %get3A_960 = arith.constant 0 : i32
    %get3A_961 = arith.index_cast %get3A_960 : i32 to index
    %get3A_962 = arith.constant 64 : index
    %get3A_963 = tpu.vector_load %arg6[%get3A_961, %get3A_962] {strides = array<i32>} : memref<8x128xf32, #tpu.memory_space<vmem>>, vector<1x16xf32>,
    %get3A_964 = vector.shape_cast %get3A_963 : vector<1x16xf32> to vector<16xf32>
    %gt3A_965 = arith.constant 0.000000e+00 : f32
    %gt3A_966 = vector.broadcast %gt3A_965 : f32 to vector<16xf32>
    %gt3A_967 = arith.cmpf ogt, %get3A_964, %gt3A_966 : vector<16xf32>
    %get3A_968 = arith.constant 0 : i32
    %get3A_969 = arith.index_cast %get3A_968 : i32 to index
    %get3A_970 = arith.constant 64 : index
    %get3A_971 = tpu.vector_load %arg5[%get3A_969, %get3A_970] {strides = array<i32>} : memref<8x128xf32, #tpu.memory_space<vmem>>, vector<1x16xf32>,
    %get3A_972 = vector.shape_cast %get3A_971 : vector<1x16xf32> to vector<16xf32>
    %jit3A_973 = arith.constant -1.000000e+30 : f32
    %broadcast_in_dim3A_974 = vector.broadcast %jit3A_973 : f32 to vector<16xf32>
    %select_n3A_975 = arith.select %gt3A_967, %get3A_972, %broadcast_in_dim3A_974 : vector<16xi1>, vector<16xf32>
    %get3A_976 = arith.constant 1 : i32
    %get3A_977 = arith.index_cast %get3A_976 : i32 to index
    %get3A_978 = arith.constant 64 : index
    %get3A_979 = tpu.vector_load %arg6[%get3A_977, %get3A_978] {strides = array<i32>} : memref<8x128xf32, #tpu.memory_space<vmem>>, vector<1x16xf32>,
    %get3A_980 = vector.shape_cast %get3A_979 : vector<1x16xf32> to vector<16xf32>
    %gt3A_981 = arith.constant 0.000000e+00 : f32
    %gt3A_982 = vector.broadcast %gt3A_981 : f32 to vector<16xf32>
    %gt3A_983 = arith.cmpf ogt, %get3A_980, %gt3A_982 : vector<16xf32>
    %get3A_984 = arith.constant 1 : i32
    %get3A_985 = arith.index_cast %get3A_984 : i32 to index
    %get3A_986 = arith.constant 64 : index
    %get3A_987 = tpu.vector_load %arg5[%get3A_985, %get3A_986] {strides = array<i32>} : memref<8x128xf32, #tpu.memory_space<vmem>>, vector<1x16xf32>,
    %get3A_988 = vector.shape_cast %get3A_987 : vector<1x16xf32> to vector<16xf32>
    %jit3A_989 = arith.constant -1.000000e+30 : f32
    %broadcast_in_dim3A_990 = vector.broadcast %jit3A_989 : f32 to vector<16xf32>
    %select_n3A_991 = arith.select %gt3A_983, %get3A_988, %broadcast_in_dim3A_990 : vector<16xi1>, vector<16xf32>
    %get3A_992 = arith.constant 2 : i32
    %get3A_993 = arith.index_cast %get3A_992 : i32 to index
    %get3A_994 = arith.constant 64 : index
    %get3A_995 = tpu.vector_load %arg6[%get3A_993, %get3A_994] {strides = array<i32>} : memref<8x128xf32, #tpu.memory_space<vmem>>, vector<1x16xf32>,
    %get3A_996 = vector.shape_cast %get3A_995 : vector<1x16xf32> to vector<16xf32>
    %gt3A_997 = arith.constant 0.000000e+00 : f32
    %gt3A_998 = vector.broadcast %gt3A_997 : f32 to vector<16xf32>
    %gt3A_999 = arith.cmpf ogt, %get3A_996, %gt3A_998 : vector<16xf32>
    %get3A_1000 = arith.constant 2 : i32
    %get3A_1001 = arith.index_cast %get3A_1000 : i32 to index
    %get3A_1002 = arith.constant 64 : index
    %get3A_1003 = tpu.vector_load %arg5[%get3A_1001, %get3A_1002] {strides = array<i32>} : memref<8x128xf32, #tpu.memory_space<vmem>>, vector<1x16xf32>,
    %get3A_1004 = vector.shape_cast %get3A_1003 : vector<1x16xf32> to vector<16xf32>
    %jit3A_1005 = arith.constant -1.000000e+30 : f32
    %broadcast_in_dim3A_1006 = vector.broadcast %jit3A_1005 : f32 to vector<16xf32>
    %select_n3A_1007 = arith.select %gt3A_999, %get3A_1004, %broadcast_in_dim3A_1006 : vector<16xi1>, vector<16xf32>
    %get3A_1008 = arith.constant 3 : i32
    %get3A_1009 = arith.index_cast %get3A_1008 : i32 to index
    %get3A_1010 = arith.constant 64 : index
    %get3A_1011 = tpu.vector_load %arg6[%get3A_1009, %get3A_1010] {strides = array<i32>} : memref<8x128xf32, #tpu.memory_space<vmem>>, vector<1x16xf32>,
    %get3A_1012 = vector.shape_cast %get3A_1011 : vector<1x16xf32> to vector<16xf32>
    %gt3A_1013 = arith.constant 0.000000e+00 : f32
    %gt3A_1014 = vector.broadcast %gt3A_1013 : f32 to vector<16xf32>
    %gt3A_1015 = arith.cmpf ogt, %get3A_1012, %gt3A_1014 : vector<16xf32>
    %get3A_1016 = arith.constant 3 : i32
    %get3A_1017 = arith.index_cast %get3A_1016 : i32 to index
    %get3A_1018 = arith.constant 64 : index
    %get3A_1019 = tpu.vector_load %arg5[%get3A_1017, %get3A_1018] {strides = array<i32>} : memref<8x128xf32, #tpu.memory_space<vmem>>, vector<1x16xf32>,
    %get3A_1020 = vector.shape_cast %get3A_1019 : vector<1x16xf32> to vector<16xf32>
    %jit3A_1021 = arith.constant -1.000000e+30 : f32
    %broadcast_in_dim3A_1022 = vector.broadcast %jit3A_1021 : f32 to vector<16xf32>
    %select_n3A_1023 = arith.select %gt3A_1015, %get3A_1020, %broadcast_in_dim3A_1022 : vector<16xi1>, vector<16xf32>
    %get3A_1024 = arith.constant 4 : i32
    %get3A_1025 = arith.index_cast %get3A_1024 : i32 to index
    %get3A_1026 = arith.constant 64 : index
    %get3A_1027 = tpu.vector_load %arg6[%get3A_1025, %get3A_1026] {strides = array<i32>} : memref<8x128xf32, #tpu.memory_space<vmem>>, vector<1x16xf32>,
    %get3A_1028 = vector.shape_cast %get3A_1027 : vector<1x16xf32> to vector<16xf32>
    %gt3A_1029 = arith.constant 0.000000e+00 : f32
    %gt3A_1030 = vector.broadcast %gt3A_1029 : f32 to vector<16xf32>
    %gt3A_1031 = arith.cmpf ogt, %get3A_1028, %gt3A_1030 : vector<16xf32>
    %get3A_1032 = arith.constant 4 : i32
    %get3A_1033 = arith.index_cast %get3A_1032 : i32 to index
    %get3A_1034 = arith.constant 64 : index
    %get3A_1035 = tpu.vector_load %arg5[%get3A_1033, %get3A_1034] {strides = array<i32>} : memref<8x128xf32, #tpu.memory_space<vmem>>, vector<1x16xf32>,
    %get3A_1036 = vector.shape_cast %get3A_1035 : vector<1x16xf32> to vector<16xf32>
    %jit3A_1037 = arith.constant -1.000000e+30 : f32
    %broadcast_in_dim3A_1038 = vector.broadcast %jit3A_1037 : f32 to vector<16xf32>
    %select_n3A_1039 = arith.select %gt3A_1031, %get3A_1036, %broadcast_in_dim3A_1038 : vector<16xi1>, vector<16xf32>
    %get3A_1040 = arith.constant 5 : i32
    %get3A_1041 = arith.index_cast %get3A_1040 : i32 to index
    %get3A_1042 = arith.constant 64 : index
    %get3A_1043 = tpu.vector_load %arg6[%get3A_1041, %get3A_1042] {strides = array<i32>} : memref<8x128xf32, #tpu.memory_space<vmem>>, vector<1x16xf32>,
    %get3A_1044 = vector.shape_cast %get3A_1043 : vector<1x16xf32> to vector<16xf32>
    %gt3A_1045 = arith.constant 0.000000e+00 : f32
    %gt3A_1046 = vector.broadcast %gt3A_1045 : f32 to vector<16xf32>
    %gt3A_1047 = arith.cmpf ogt, %get3A_1044, %gt3A_1046 : vector<16xf32>
    %get3A_1048 = arith.constant 5 : i32
    %get3A_1049 = arith.index_cast %get3A_1048 : i32 to index
    %get3A_1050 = arith.constant 64 : index
    %get3A_1051 = tpu.vector_load %arg5[%get3A_1049, %get3A_1050] {strides = array<i32>} : memref<8x128xf32, #tpu.memory_space<vmem>>, vector<1x16xf32>,
    %get3A_1052 = vector.shape_cast %get3A_1051 : vector<1x16xf32> to vector<16xf32>
    %jit3A_1053 = arith.constant -1.000000e+30 : f32
    %broadcast_in_dim3A_1054 = vector.broadcast %jit3A_1053 : f32 to vector<16xf32>
    %select_n3A_1055 = arith.select %gt3A_1047, %get3A_1052, %broadcast_in_dim3A_1054 : vector<16xi1>, vector<16xf32>
    %get3A_1056 = arith.constant 6 : i32
    %get3A_1057 = arith.index_cast %get3A_1056 : i32 to index
    %get3A_1058 = arith.constant 64 : index
    %get3A_1059 = tpu.vector_load %arg6[%get3A_1057, %get3A_1058] {strides = array<i32>} : memref<8x128xf32, #tpu.memory_space<vmem>>, vector<1x16xf32>,
    %get3A_1060 = vector.shape_cast %get3A_1059 : vector<1x16xf32> to vector<16xf32>
    %gt3A_1061 = arith.constant 0.000000e+00 : f32
    %gt3A_1062 = vector.broadcast %gt3A_1061 : f32 to vector<16xf32>
    %gt3A_1063 = arith.cmpf ogt, %get3A_1060, %gt3A_1062 : vector<16xf32>
    %get3A_1064 = arith.constant 6 : i32
    %get3A_1065 = arith.index_cast %get3A_1064 : i32 to index
    %get3A_1066 = arith.constant 64 : index
    %get3A_1067 = tpu.vector_load %arg5[%get3A_1065, %get3A_1066] {strides = array<i32>} : memref<8x128xf32, #tpu.memory_space<vmem>>, vector<1x16xf32>,
    %get3A_1068 = vector.shape_cast %get3A_1067 : vector<1x16xf32> to vector<16xf32>
    %jit3A_1069 = arith.constant -1.000000e+30 : f32
    %broadcast_in_dim3A_1070 = vector.broadcast %jit3A_1069 : f32 to vector<16xf32>
    %select_n3A_1071 = arith.select %gt3A_1063, %get3A_1068, %broadcast_in_dim3A_1070 : vector<16xi1>, vector<16xf32>
    %get3A_1072 = arith.constant 7 : i32
    %get3A_1073 = arith.index_cast %get3A_1072 : i32 to index
    %get3A_1074 = arith.constant 64 : index
    %get3A_1075 = tpu.vector_load %arg6[%get3A_1073, %get3A_1074] {strides = array<i32>} : memref<8x128xf32, #tpu.memory_space<vmem>>, vector<1x16xf32>,
    %get3A_1076 = vector.shape_cast %get3A_1075 : vector<1x16xf32> to vector<16xf32>
    %gt3A_1077 = arith.constant 0.000000e+00 : f32
    %gt3A_1078 = vector.broadcast %gt3A_1077 : f32 to vector<16xf32>
    %gt3A_1079 = arith.cmpf ogt, %get3A_1076, %gt3A_1078 : vector<16xf32>
    %get3A_1080 = arith.constant 7 : i32
    %get3A_1081 = arith.index_cast %get3A_1080 : i32 to index
    %get3A_1082 = arith.constant 64 : index
    %get3A_1083 = tpu.vector_load %arg5[%get3A_1081, %get3A_1082] {strides = array<i32>} : memref<8x128xf32, #tpu.memory_space<vmem>>, vector<1x16xf32>,
    %get3A_1084 = vector.shape_cast %get3A_1083 : vector<1x16xf32> to vector<16xf32>
    %jit3A_1085 = arith.constant -1.000000e+30 : f32
    %broadcast_in_dim3A_1086 = vector.broadcast %jit3A_1085 : f32 to vector<16xf32>
    %select_n3A_1087 = arith.select %gt3A_1079, %get3A_1084, %broadcast_in_dim3A_1086 : vector<16xi1>, vector<16xf32>
    %max3A_1088 = arith.maximumf %select_n3A_975, %select_n3A_991 : vector<16xf32>
    %max3A_1089 = arith.maximumf %max3A_1088, %select_n3A_1007 : vector<16xf32>
    %max3A_1090 = arith.maximumf %max3A_1089, %select_n3A_1023 : vector<16xf32>
    %max3A_1091 = arith.maximumf %max3A_1090, %select_n3A_1039 : vector<16xf32>
    %max3A_1092 = arith.maximumf %max3A_1091, %select_n3A_1055 : vector<16xf32>
    %max3A_1093 = arith.maximumf %max3A_1092, %select_n3A_1071 : vector<16xf32>
    %max3A_1094 = arith.maximumf %max3A_1093, %select_n3A_1087 : vector<16xf32>
    %sub3A_1095 = arith.subf %select_n3A_975, %max3A_1094 : vector<16xf32>
    %exp3A_1096 = math.exp %sub3A_1095 : vector<16xf32>
    %mul3A_1097 = arith.mulf %exp3A_1096, %get3A_964 : vector<16xf32>
    %sub3A_1098 = arith.subf %select_n3A_991, %max3A_1094 : vector<16xf32>
    %exp3A_1099 = math.exp %sub3A_1098 : vector<16xf32>
    %mul3A_1100 = arith.mulf %exp3A_1099, %get3A_980 : vector<16xf32>
    %sub3A_1101 = arith.subf %select_n3A_1007, %max3A_1094 : vector<16xf32>
    %exp3A_1102 = math.exp %sub3A_1101 : vector<16xf32>
    %mul3A_1103 = arith.mulf %exp3A_1102, %get3A_996 : vector<16xf32>
    %sub3A_1104 = arith.subf %select_n3A_1023, %max3A_1094 : vector<16xf32>
    %exp3A_1105 = math.exp %sub3A_1104 : vector<16xf32>
    %mul3A_1106 = arith.mulf %exp3A_1105, %get3A_1012 : vector<16xf32>
    %sub3A_1107 = arith.subf %select_n3A_1039, %max3A_1094 : vector<16xf32>
    %exp3A_1108 = math.exp %sub3A_1107 : vector<16xf32>
    %mul3A_1109 = arith.mulf %exp3A_1108, %get3A_1028 : vector<16xf32>
    %sub3A_1110 = arith.subf %select_n3A_1055, %max3A_1094 : vector<16xf32>
    %exp3A_1111 = math.exp %sub3A_1110 : vector<16xf32>
    %mul3A_1112 = arith.mulf %exp3A_1111, %get3A_1044 : vector<16xf32>
    %sub3A_1113 = arith.subf %select_n3A_1071, %max3A_1094 : vector<16xf32>
    %exp3A_1114 = math.exp %sub3A_1113 : vector<16xf32>
    %mul3A_1115 = arith.mulf %exp3A_1114, %get3A_1060 : vector<16xf32>
    %sub3A_1116 = arith.subf %select_n3A_1087, %max3A_1094 : vector<16xf32>
    %exp3A_1117 = math.exp %sub3A_1116 : vector<16xf32>
    %mul3A_1118 = arith.mulf %exp3A_1117, %get3A_1076 : vector<16xf32>
    %add3A_1119 = arith.addf %mul3A_1097, %mul3A_1100 : vector<16xf32>
    %add3A_1120 = arith.addf %add3A_1119, %mul3A_1103 : vector<16xf32>
    %add3A_1121 = arith.addf %add3A_1120, %mul3A_1106 : vector<16xf32>
    %add3A_1122 = arith.addf %add3A_1121, %mul3A_1109 : vector<16xf32>
    %add3A_1123 = arith.addf %add3A_1122, %mul3A_1112 : vector<16xf32>
    %add3A_1124 = arith.addf %add3A_1123, %mul3A_1115 : vector<16xf32>
    %add3A_1125 = arith.addf %add3A_1124, %mul3A_1118 : vector<16xf32>
    %gt3A_1126 = arith.constant 0.000000e+00 : f32
    %gt3A_1127 = vector.broadcast %gt3A_1126 : f32 to vector<16xf32>
    %gt3A_1128 = arith.cmpf ogt, %add3A_1125, %gt3A_1127 : vector<16xf32>
    %jit3A_1129 = arith.constant 1.000000e+00 : f32
    %jit3A_1130 = arith.constant 0.000000e+00 : f32
    %broadcast_in_dim3A_1131 = vector.broadcast %jit3A_1129 : f32 to vector<16xf32>
    %broadcast_in_dim3A_1132 = vector.broadcast %jit3A_1130 : f32 to vector<16xf32>
    %select_n3A_1133 = arith.select %gt3A_1128, %broadcast_in_dim3A_1131, %broadcast_in_dim3A_1132 : vector<16xi1>, vector<16xf32>
    %jit3A_1134 = arith.constant 1.000000e+00 : f32
    %broadcast_in_dim3A_1135 = vector.broadcast %jit3A_1134 : f32 to vector<16xf32>
    %select_n3A_1136 = arith.select %gt3A_1128, %add3A_1125, %broadcast_in_dim3A_1135 : vector<16xi1>, vector<16xf32>
    %div3A_1137 = arith.divf %select_n3A_1133, %select_n3A_1136 : vector<16xf32>
    %mul3A_1138 = arith.mulf %mul3A_1097, %div3A_1137 : vector<16xf32>
    %swap3A_1139 = arith.constant 0 : i32
    %swap3A_1140 = arith.index_cast %swap3A_1139 : i32 to index
    %swap3A_1141 = arith.constant 64 : index
    %swap3A_1142 = tpu.vector_load %arg7[%swap3A_1140, %swap3A_1141] {strides = array<i32>} : memref<8x128xf32, #tpu.memory_space<vmem>>, vector<1x16xf32>,
    %swap3A_1143 = vector.shape_cast %swap3A_1142 : vector<1x16xf32> to vector<16xf32>
    %swap3A_1144 = vector.shape_cast %mul3A_1138 : vector<16xf32> to vector<1x16xf32>
    tpu.vector_store %arg7[%swap3A_1140, %swap3A_1141], %swap3A_1144 {strides = array<i32>} : memref<8x128xf32, #tpu.memory_space<vmem>>, vector<1x16xf32>,
    %mul3A_1145 = arith.mulf %mul3A_1100, %div3A_1137 : vector<16xf32>
    %swap3A_1146 = arith.constant 1 : i32
    %swap3A_1147 = arith.index_cast %swap3A_1146 : i32 to index
    %swap3A_1148 = arith.constant 64 : index
    %swap3A_1149 = tpu.vector_load %arg7[%swap3A_1147, %swap3A_1148] {strides = array<i32>} : memref<8x128xf32, #tpu.memory_space<vmem>>, vector<1x16xf32>,
    %swap3A_1150 = vector.shape_cast %swap3A_1149 : vector<1x16xf32> to vector<16xf32>
    %swap3A_1151 = vector.shape_cast %mul3A_1145 : vector<16xf32> to vector<1x16xf32>
    tpu.vector_store %arg7[%swap3A_1147, %swap3A_1148], %swap3A_1151 {strides = array<i32>} : memref<8x128xf32, #tpu.memory_space<vmem>>, vector<1x16xf32>,
    %mul3A_1152 = arith.mulf %mul3A_1103, %div3A_1137 : vector<16xf32>
    %swap3A_1153 = arith.constant 2 : i32
    %swap3A_1154 = arith.index_cast %swap3A_1153 : i32 to index
    %swap3A_1155 = arith.constant 64 : index
    %swap3A_1156 = tpu.vector_load %arg7[%swap3A_1154, %swap3A_1155] {strides = array<i32>} : memref<8x128xf32, #tpu.memory_space<vmem>>, vector<1x16xf32>,
    %swap3A_1157 = vector.shape_cast %swap3A_1156 : vector<1x16xf32> to vector<16xf32>
    %swap3A_1158 = vector.shape_cast %mul3A_1152 : vector<16xf32> to vector<1x16xf32>
    tpu.vector_store %arg7[%swap3A_1154, %swap3A_1155], %swap3A_1158 {strides = array<i32>} : memref<8x128xf32, #tpu.memory_space<vmem>>, vector<1x16xf32>,
    %mul3A_1159 = arith.mulf %mul3A_1106, %div3A_1137 : vector<16xf32>
    %swap3A_1160 = arith.constant 3 : i32
    %swap3A_1161 = arith.index_cast %swap3A_1160 : i32 to index
    %swap3A_1162 = arith.constant 64 : index
    %swap3A_1163 = tpu.vector_load %arg7[%swap3A_1161, %swap3A_1162] {strides = array<i32>} : memref<8x128xf32, #tpu.memory_space<vmem>>, vector<1x16xf32>,
    %swap3A_1164 = vector.shape_cast %swap3A_1163 : vector<1x16xf32> to vector<16xf32>
    %swap3A_1165 = vector.shape_cast %mul3A_1159 : vector<16xf32> to vector<1x16xf32>
    tpu.vector_store %arg7[%swap3A_1161, %swap3A_1162], %swap3A_1165 {strides = array<i32>} : memref<8x128xf32, #tpu.memory_space<vmem>>, vector<1x16xf32>,
    %mul3A_1166 = arith.mulf %mul3A_1109, %div3A_1137 : vector<16xf32>
    %swap3A_1167 = arith.constant 4 : i32
    %swap3A_1168 = arith.index_cast %swap3A_1167 : i32 to index
    %swap3A_1169 = arith.constant 64 : index
    %swap3A_1170 = tpu.vector_load %arg7[%swap3A_1168, %swap3A_1169] {strides = array<i32>} : memref<8x128xf32, #tpu.memory_space<vmem>>, vector<1x16xf32>,
    %swap3A_1171 = vector.shape_cast %swap3A_1170 : vector<1x16xf32> to vector<16xf32>
    %swap3A_1172 = vector.shape_cast %mul3A_1166 : vector<16xf32> to vector<1x16xf32>
    tpu.vector_store %arg7[%swap3A_1168, %swap3A_1169], %swap3A_1172 {strides = array<i32>} : memref<8x128xf32, #tpu.memory_space<vmem>>, vector<1x16xf32>,
    %mul3A_1173 = arith.mulf %mul3A_1112, %div3A_1137 : vector<16xf32>
    %swap3A_1174 = arith.constant 5 : i32
    %swap3A_1175 = arith.index_cast %swap3A_1174 : i32 to index
    %swap3A_1176 = arith.constant 64 : index
    %swap3A_1177 = tpu.vector_load %arg7[%swap3A_1175, %swap3A_1176] {strides = array<i32>} : memref<8x128xf32, #tpu.memory_space<vmem>>, vector<1x16xf32>,
    %swap3A_1178 = vector.shape_cast %swap3A_1177 : vector<1x16xf32> to vector<16xf32>
    %swap3A_1179 = vector.shape_cast %mul3A_1173 : vector<16xf32> to vector<1x16xf32>
    tpu.vector_store %arg7[%swap3A_1175, %swap3A_1176], %swap3A_1179 {strides = array<i32>} : memref<8x128xf32, #tpu.memory_space<vmem>>, vector<1x16xf32>,
    %mul3A_1180 = arith.mulf %mul3A_1115, %div3A_1137 : vector<16xf32>
    %swap3A_1181 = arith.constant 6 : i32
    %swap3A_1182 = arith.index_cast %swap3A_1181 : i32 to index
    %swap3A_1183 = arith.constant 64 : index
    %swap3A_1184 = tpu.vector_load %arg7[%swap3A_1182, %swap3A_1183] {strides = array<i32>} : memref<8x128xf32, #tpu.memory_space<vmem>>, vector<1x16xf32>,
    %swap3A_1185 = vector.shape_cast %swap3A_1184 : vector<1x16xf32> to vector<16xf32>
    %swap3A_1186 = vector.shape_cast %mul3A_1180 : vector<16xf32> to vector<1x16xf32>
    tpu.vector_store %arg7[%swap3A_1182, %swap3A_1183], %swap3A_1186 {strides = array<i32>} : memref<8x128xf32, #tpu.memory_space<vmem>>, vector<1x16xf32>,
    %mul3A_1187 = arith.mulf %mul3A_1118, %div3A_1137 : vector<16xf32>
    %swap3A_1188 = arith.constant 7 : i32
    %swap3A_1189 = arith.index_cast %swap3A_1188 : i32 to index
    %swap3A_1190 = arith.constant 64 : index
    %swap3A_1191 = tpu.vector_load %arg7[%swap3A_1189, %swap3A_1190] {strides = array<i32>} : memref<8x128xf32, #tpu.memory_space<vmem>>, vector<1x16xf32>,
    %swap3A_1192 = vector.shape_cast %swap3A_1191 : vector<1x16xf32> to vector<16xf32>
    %swap3A_1193 = vector.shape_cast %mul3A_1187 : vector<16xf32> to vector<1x16xf32>
    tpu.vector_store %arg7[%swap3A_1189, %swap3A_1190], %swap3A_1193 {strides = array<i32>} : memref<8x128xf32, #tpu.memory_space<vmem>>, vector<1x16xf32>,
    %get3A_1194 = arith.constant 0 : i32
    %get3A_1195 = arith.index_cast %get3A_1194 : i32 to index
    %get3A_1196 = arith.constant 80 : index
    %get3A_1197 = tpu.vector_load %arg6[%get3A_1195, %get3A_1196] {strides = array<i32>} : memref<8x128xf32, #tpu.memory_space<vmem>>, vector<1x16xf32>,
    %get3A_1198 = vector.shape_cast %get3A_1197 : vector<1x16xf32> to vector<16xf32>
    %gt3A_1199 = arith.constant 0.000000e+00 : f32
    %gt3A_1200 = vector.broadcast %gt3A_1199 : f32 to vector<16xf32>
    %gt3A_1201 = arith.cmpf ogt, %get3A_1198, %gt3A_1200 : vector<16xf32>
    %get3A_1202 = arith.constant 0 : i32
    %get3A_1203 = arith.index_cast %get3A_1202 : i32 to index
    %get3A_1204 = arith.constant 80 : index
    %get3A_1205 = tpu.vector_load %arg5[%get3A_1203, %get3A_1204] {strides = array<i32>} : memref<8x128xf32, #tpu.memory_space<vmem>>, vector<1x16xf32>,
    %get3A_1206 = vector.shape_cast %get3A_1205 : vector<1x16xf32> to vector<16xf32>
    %jit3A_1207 = arith.constant -1.000000e+30 : f32
    %broadcast_in_dim3A_1208 = vector.broadcast %jit3A_1207 : f32 to vector<16xf32>
    %select_n3A_1209 = arith.select %gt3A_1201, %get3A_1206, %broadcast_in_dim3A_1208 : vector<16xi1>, vector<16xf32>
    %get3A_1210 = arith.constant 1 : i32
    %get3A_1211 = arith.index_cast %get3A_1210 : i32 to index
    %get3A_1212 = arith.constant 80 : index
    %get3A_1213 = tpu.vector_load %arg6[%get3A_1211, %get3A_1212] {strides = array<i32>} : memref<8x128xf32, #tpu.memory_space<vmem>>, vector<1x16xf32>,
    %get3A_1214 = vector.shape_cast %get3A_1213 : vector<1x16xf32> to vector<16xf32>
    %gt3A_1215 = arith.constant 0.000000e+00 : f32
    %gt3A_1216 = vector.broadcast %gt3A_1215 : f32 to vector<16xf32>
    %gt3A_1217 = arith.cmpf ogt, %get3A_1214, %gt3A_1216 : vector<16xf32>
    %get3A_1218 = arith.constant 1 : i32
    %get3A_1219 = arith.index_cast %get3A_1218 : i32 to index
    %get3A_1220 = arith.constant 80 : index
    %get3A_1221 = tpu.vector_load %arg5[%get3A_1219, %get3A_1220] {strides = array<i32>} : memref<8x128xf32, #tpu.memory_space<vmem>>, vector<1x16xf32>,
    %get3A_1222 = vector.shape_cast %get3A_1221 : vector<1x16xf32> to vector<16xf32>
    %jit3A_1223 = arith.constant -1.000000e+30 : f32
    %broadcast_in_dim3A_1224 = vector.broadcast %jit3A_1223 : f32 to vector<16xf32>
    %select_n3A_1225 = arith.select %gt3A_1217, %get3A_1222, %broadcast_in_dim3A_1224 : vector<16xi1>, vector<16xf32>
    %get3A_1226 = arith.constant 2 : i32
    %get3A_1227 = arith.index_cast %get3A_1226 : i32 to index
    %get3A_1228 = arith.constant 80 : index
    %get3A_1229 = tpu.vector_load %arg6[%get3A_1227, %get3A_1228] {strides = array<i32>} : memref<8x128xf32, #tpu.memory_space<vmem>>, vector<1x16xf32>,
    %get3A_1230 = vector.shape_cast %get3A_1229 : vector<1x16xf32> to vector<16xf32>
    %gt3A_1231 = arith.constant 0.000000e+00 : f32
    %gt3A_1232 = vector.broadcast %gt3A_1231 : f32 to vector<16xf32>
    %gt3A_1233 = arith.cmpf ogt, %get3A_1230, %gt3A_1232 : vector<16xf32>
    %get3A_1234 = arith.constant 2 : i32
    %get3A_1235 = arith.index_cast %get3A_1234 : i32 to index
    %get3A_1236 = arith.constant 80 : index
    %get3A_1237 = tpu.vector_load %arg5[%get3A_1235, %get3A_1236] {strides = array<i32>} : memref<8x128xf32, #tpu.memory_space<vmem>>, vector<1x16xf32>,
    %get3A_1238 = vector.shape_cast %get3A_1237 : vector<1x16xf32> to vector<16xf32>
    %jit3A_1239 = arith.constant -1.000000e+30 : f32
    %broadcast_in_dim3A_1240 = vector.broadcast %jit3A_1239 : f32 to vector<16xf32>
    %select_n3A_1241 = arith.select %gt3A_1233, %get3A_1238, %broadcast_in_dim3A_1240 : vector<16xi1>, vector<16xf32>
    %get3A_1242 = arith.constant 3 : i32
    %get3A_1243 = arith.index_cast %get3A_1242 : i32 to index
    %get3A_1244 = arith.constant 80 : index
    %get3A_1245 = tpu.vector_load %arg6[%get3A_1243, %get3A_1244] {strides = array<i32>} : memref<8x128xf32, #tpu.memory_space<vmem>>, vector<1x16xf32>,
    %get3A_1246 = vector.shape_cast %get3A_1245 : vector<1x16xf32> to vector<16xf32>
    %gt3A_1247 = arith.constant 0.000000e+00 : f32
    %gt3A_1248 = vector.broadcast %gt3A_1247 : f32 to vector<16xf32>
    %gt3A_1249 = arith.cmpf ogt, %get3A_1246, %gt3A_1248 : vector<16xf32>
    %get3A_1250 = arith.constant 3 : i32
    %get3A_1251 = arith.index_cast %get3A_1250 : i32 to index
    %get3A_1252 = arith.constant 80 : index
    %get3A_1253 = tpu.vector_load %arg5[%get3A_1251, %get3A_1252] {strides = array<i32>} : memref<8x128xf32, #tpu.memory_space<vmem>>, vector<1x16xf32>,
    %get3A_1254 = vector.shape_cast %get3A_1253 : vector<1x16xf32> to vector<16xf32>
    %jit3A_1255 = arith.constant -1.000000e+30 : f32
    %broadcast_in_dim3A_1256 = vector.broadcast %jit3A_1255 : f32 to vector<16xf32>
    %select_n3A_1257 = arith.select %gt3A_1249, %get3A_1254, %broadcast_in_dim3A_1256 : vector<16xi1>, vector<16xf32>
    %get3A_1258 = arith.constant 4 : i32
    %get3A_1259 = arith.index_cast %get3A_1258 : i32 to index
    %get3A_1260 = arith.constant 80 : index
    %get3A_1261 = tpu.vector_load %arg6[%get3A_1259, %get3A_1260] {strides = array<i32>} : memref<8x128xf32, #tpu.memory_space<vmem>>, vector<1x16xf32>,
    %get3A_1262 = vector.shape_cast %get3A_1261 : vector<1x16xf32> to vector<16xf32>
    %gt3A_1263 = arith.constant 0.000000e+00 : f32
    %gt3A_1264 = vector.broadcast %gt3A_1263 : f32 to vector<16xf32>
    %gt3A_1265 = arith.cmpf ogt, %get3A_1262, %gt3A_1264 : vector<16xf32>
    %get3A_1266 = arith.constant 4 : i32
    %get3A_1267 = arith.index_cast %get3A_1266 : i32 to index
    %get3A_1268 = arith.constant 80 : index
    %get3A_1269 = tpu.vector_load %arg5[%get3A_1267, %get3A_1268] {strides = array<i32>} : memref<8x128xf32, #tpu.memory_space<vmem>>, vector<1x16xf32>,
    %get3A_1270 = vector.shape_cast %get3A_1269 : vector<1x16xf32> to vector<16xf32>
    %jit3A_1271 = arith.constant -1.000000e+30 : f32
    %broadcast_in_dim3A_1272 = vector.broadcast %jit3A_1271 : f32 to vector<16xf32>
    %select_n3A_1273 = arith.select %gt3A_1265, %get3A_1270, %broadcast_in_dim3A_1272 : vector<16xi1>, vector<16xf32>
    %get3A_1274 = arith.constant 5 : i32
    %get3A_1275 = arith.index_cast %get3A_1274 : i32 to index
    %get3A_1276 = arith.constant 80 : index
    %get3A_1277 = tpu.vector_load %arg6[%get3A_1275, %get3A_1276] {strides = array<i32>} : memref<8x128xf32, #tpu.memory_space<vmem>>, vector<1x16xf32>,
    %get3A_1278 = vector.shape_cast %get3A_1277 : vector<1x16xf32> to vector<16xf32>
    %gt3A_1279 = arith.constant 0.000000e+00 : f32
    %gt3A_1280 = vector.broadcast %gt3A_1279 : f32 to vector<16xf32>
    %gt3A_1281 = arith.cmpf ogt, %get3A_1278, %gt3A_1280 : vector<16xf32>
    %get3A_1282 = arith.constant 5 : i32
    %get3A_1283 = arith.index_cast %get3A_1282 : i32 to index
    %get3A_1284 = arith.constant 80 : index
    %get3A_1285 = tpu.vector_load %arg5[%get3A_1283, %get3A_1284] {strides = array<i32>} : memref<8x128xf32, #tpu.memory_space<vmem>>, vector<1x16xf32>,
    %get3A_1286 = vector.shape_cast %get3A_1285 : vector<1x16xf32> to vector<16xf32>
    %jit3A_1287 = arith.constant -1.000000e+30 : f32
    %broadcast_in_dim3A_1288 = vector.broadcast %jit3A_1287 : f32 to vector<16xf32>
    %select_n3A_1289 = arith.select %gt3A_1281, %get3A_1286, %broadcast_in_dim3A_1288 : vector<16xi1>, vector<16xf32>
    %get3A_1290 = arith.constant 6 : i32
    %get3A_1291 = arith.index_cast %get3A_1290 : i32 to index
    %get3A_1292 = arith.constant 80 : index
    %get3A_1293 = tpu.vector_load %arg6[%get3A_1291, %get3A_1292] {strides = array<i32>} : memref<8x128xf32, #tpu.memory_space<vmem>>, vector<1x16xf32>,
    %get3A_1294 = vector.shape_cast %get3A_1293 : vector<1x16xf32> to vector<16xf32>
    %gt3A_1295 = arith.constant 0.000000e+00 : f32
    %gt3A_1296 = vector.broadcast %gt3A_1295 : f32 to vector<16xf32>
    %gt3A_1297 = arith.cmpf ogt, %get3A_1294, %gt3A_1296 : vector<16xf32>
    %get3A_1298 = arith.constant 6 : i32
    %get3A_1299 = arith.index_cast %get3A_1298 : i32 to index
    %get3A_1300 = arith.constant 80 : index
    %get3A_1301 = tpu.vector_load %arg5[%get3A_1299, %get3A_1300] {strides = array<i32>} : memref<8x128xf32, #tpu.memory_space<vmem>>, vector<1x16xf32>,
    %get3A_1302 = vector.shape_cast %get3A_1301 : vector<1x16xf32> to vector<16xf32>
    %jit3A_1303 = arith.constant -1.000000e+30 : f32
    %broadcast_in_dim3A_1304 = vector.broadcast %jit3A_1303 : f32 to vector<16xf32>
    %select_n3A_1305 = arith.select %gt3A_1297, %get3A_1302, %broadcast_in_dim3A_1304 : vector<16xi1>, vector<16xf32>
    %get3A_1306 = arith.constant 7 : i32
    %get3A_1307 = arith.index_cast %get3A_1306 : i32 to index
    %get3A_1308 = arith.constant 80 : index
    %get3A_1309 = tpu.vector_load %arg6[%get3A_1307, %get3A_1308] {strides = array<i32>} : memref<8x128xf32, #tpu.memory_space<vmem>>, vector<1x16xf32>,
    %get3A_1310 = vector.shape_cast %get3A_1309 : vector<1x16xf32> to vector<16xf32>
    %gt3A_1311 = arith.constant 0.000000e+00 : f32
    %gt3A_1312 = vector.broadcast %gt3A_1311 : f32 to vector<16xf32>
    %gt3A_1313 = arith.cmpf ogt, %get3A_1310, %gt3A_1312 : vector<16xf32>
    %get3A_1314 = arith.constant 7 : i32
    %get3A_1315 = arith.index_cast %get3A_1314 : i32 to index
    %get3A_1316 = arith.constant 80 : index
    %get3A_1317 = tpu.vector_load %arg5[%get3A_1315, %get3A_1316] {strides = array<i32>} : memref<8x128xf32, #tpu.memory_space<vmem>>, vector<1x16xf32>,
    %get3A_1318 = vector.shape_cast %get3A_1317 : vector<1x16xf32> to vector<16xf32>
    %jit3A_1319 = arith.constant -1.000000e+30 : f32
    %broadcast_in_dim3A_1320 = vector.broadcast %jit3A_1319 : f32 to vector<16xf32>
    %select_n3A_1321 = arith.select %gt3A_1313, %get3A_1318, %broadcast_in_dim3A_1320 : vector<16xi1>, vector<16xf32>
    %max3A_1322 = arith.maximumf %select_n3A_1209, %select_n3A_1225 : vector<16xf32>
    %max3A_1323 = arith.maximumf %max3A_1322, %select_n3A_1241 : vector<16xf32>
    %max3A_1324 = arith.maximumf %max3A_1323, %select_n3A_1257 : vector<16xf32>
    %max3A_1325 = arith.maximumf %max3A_1324, %select_n3A_1273 : vector<16xf32>
    %max3A_1326 = arith.maximumf %max3A_1325, %select_n3A_1289 : vector<16xf32>
    %max3A_1327 = arith.maximumf %max3A_1326, %select_n3A_1305 : vector<16xf32>
    %max3A_1328 = arith.maximumf %max3A_1327, %select_n3A_1321 : vector<16xf32>
    %sub3A_1329 = arith.subf %select_n3A_1209, %max3A_1328 : vector<16xf32>
    %exp3A_1330 = math.exp %sub3A_1329 : vector<16xf32>
    %mul3A_1331 = arith.mulf %exp3A_1330, %get3A_1198 : vector<16xf32>
    %sub3A_1332 = arith.subf %select_n3A_1225, %max3A_1328 : vector<16xf32>
    %exp3A_1333 = math.exp %sub3A_1332 : vector<16xf32>
    %mul3A_1334 = arith.mulf %exp3A_1333, %get3A_1214 : vector<16xf32>
    %sub3A_1335 = arith.subf %select_n3A_1241, %max3A_1328 : vector<16xf32>
    %exp3A_1336 = math.exp %sub3A_1335 : vector<16xf32>
    %mul3A_1337 = arith.mulf %exp3A_1336, %get3A_1230 : vector<16xf32>
    %sub3A_1338 = arith.subf %select_n3A_1257, %max3A_1328 : vector<16xf32>
    %exp3A_1339 = math.exp %sub3A_1338 : vector<16xf32>
    %mul3A_1340 = arith.mulf %exp3A_1339, %get3A_1246 : vector<16xf32>
    %sub3A_1341 = arith.subf %select_n3A_1273, %max3A_1328 : vector<16xf32>
    %exp3A_1342 = math.exp %sub3A_1341 : vector<16xf32>
    %mul3A_1343 = arith.mulf %exp3A_1342, %get3A_1262 : vector<16xf32>
    %sub3A_1344 = arith.subf %select_n3A_1289, %max3A_1328 : vector<16xf32>
    %exp3A_1345 = math.exp %sub3A_1344 : vector<16xf32>
    %mul3A_1346 = arith.mulf %exp3A_1345, %get3A_1278 : vector<16xf32>
    %sub3A_1347 = arith.subf %select_n3A_1305, %max3A_1328 : vector<16xf32>
    %exp3A_1348 = math.exp %sub3A_1347 : vector<16xf32>
    %mul3A_1349 = arith.mulf %exp3A_1348, %get3A_1294 : vector<16xf32>
    %sub3A_1350 = arith.subf %select_n3A_1321, %max3A_1328 : vector<16xf32>
    %exp3A_1351 = math.exp %sub3A_1350 : vector<16xf32>
    %mul3A_1352 = arith.mulf %exp3A_1351, %get3A_1310 : vector<16xf32>
    %add3A_1353 = arith.addf %mul3A_1331, %mul3A_1334 : vector<16xf32>
    %add3A_1354 = arith.addf %add3A_1353, %mul3A_1337 : vector<16xf32>
    %add3A_1355 = arith.addf %add3A_1354, %mul3A_1340 : vector<16xf32>
    %add3A_1356 = arith.addf %add3A_1355, %mul3A_1343 : vector<16xf32>
    %add3A_1357 = arith.addf %add3A_1356, %mul3A_1346 : vector<16xf32>
    %add3A_1358 = arith.addf %add3A_1357, %mul3A_1349 : vector<16xf32>
    %add3A_1359 = arith.addf %add3A_1358, %mul3A_1352 : vector<16xf32>
    %gt3A_1360 = arith.constant 0.000000e+00 : f32
    %gt3A_1361 = vector.broadcast %gt3A_1360 : f32 to vector<16xf32>
    %gt3A_1362 = arith.cmpf ogt, %add3A_1359, %gt3A_1361 : vector<16xf32>
    %jit3A_1363 = arith.constant 1.000000e+00 : f32
    %jit3A_1364 = arith.constant 0.000000e+00 : f32
    %broadcast_in_dim3A_1365 = vector.broadcast %jit3A_1363 : f32 to vector<16xf32>
    %broadcast_in_dim3A_1366 = vector.broadcast %jit3A_1364 : f32 to vector<16xf32>
    %select_n3A_1367 = arith.select %gt3A_1362, %broadcast_in_dim3A_1365, %broadcast_in_dim3A_1366 : vector<16xi1>, vector<16xf32>
    %jit3A_1368 = arith.constant 1.000000e+00 : f32
    %broadcast_in_dim3A_1369 = vector.broadcast %jit3A_1368 : f32 to vector<16xf32>
    %select_n3A_1370 = arith.select %gt3A_1362, %add3A_1359, %broadcast_in_dim3A_1369 : vector<16xi1>, vector<16xf32>
    %div3A_1371 = arith.divf %select_n3A_1367, %select_n3A_1370 : vector<16xf32>
    %mul3A_1372 = arith.mulf %mul3A_1331, %div3A_1371 : vector<16xf32>
    %swap3A_1373 = arith.constant 0 : i32
    %swap3A_1374 = arith.index_cast %swap3A_1373 : i32 to index
    %swap3A_1375 = arith.constant 80 : index
    %swap3A_1376 = tpu.vector_load %arg7[%swap3A_1374, %swap3A_1375] {strides = array<i32>} : memref<8x128xf32, #tpu.memory_space<vmem>>, vector<1x16xf32>,
    %swap3A_1377 = vector.shape_cast %swap3A_1376 : vector<1x16xf32> to vector<16xf32>
    %swap3A_1378 = vector.shape_cast %mul3A_1372 : vector<16xf32> to vector<1x16xf32>
    tpu.vector_store %arg7[%swap3A_1374, %swap3A_1375], %swap3A_1378 {strides = array<i32>} : memref<8x128xf32, #tpu.memory_space<vmem>>, vector<1x16xf32>,
    %mul3A_1379 = arith.mulf %mul3A_1334, %div3A_1371 : vector<16xf32>
    %swap3A_1380 = arith.constant 1 : i32
    %swap3A_1381 = arith.index_cast %swap3A_1380 : i32 to index
    %swap3A_1382 = arith.constant 80 : index
    %swap3A_1383 = tpu.vector_load %arg7[%swap3A_1381, %swap3A_1382] {strides = array<i32>} : memref<8x128xf32, #tpu.memory_space<vmem>>, vector<1x16xf32>,
    %swap3A_1384 = vector.shape_cast %swap3A_1383 : vector<1x16xf32> to vector<16xf32>
    %swap3A_1385 = vector.shape_cast %mul3A_1379 : vector<16xf32> to vector<1x16xf32>
    tpu.vector_store %arg7[%swap3A_1381, %swap3A_1382], %swap3A_1385 {strides = array<i32>} : memref<8x128xf32, #tpu.memory_space<vmem>>, vector<1x16xf32>,
    %mul3A_1386 = arith.mulf %mul3A_1337, %div3A_1371 : vector<16xf32>
    %swap3A_1387 = arith.constant 2 : i32
    %swap3A_1388 = arith.index_cast %swap3A_1387 : i32 to index
    %swap3A_1389 = arith.constant 80 : index
    %swap3A_1390 = tpu.vector_load %arg7[%swap3A_1388, %swap3A_1389] {strides = array<i32>} : memref<8x128xf32, #tpu.memory_space<vmem>>, vector<1x16xf32>,
    %swap3A_1391 = vector.shape_cast %swap3A_1390 : vector<1x16xf32> to vector<16xf32>
    %swap3A_1392 = vector.shape_cast %mul3A_1386 : vector<16xf32> to vector<1x16xf32>
    tpu.vector_store %arg7[%swap3A_1388, %swap3A_1389], %swap3A_1392 {strides = array<i32>} : memref<8x128xf32, #tpu.memory_space<vmem>>, vector<1x16xf32>,
    %mul3A_1393 = arith.mulf %mul3A_1340, %div3A_1371 : vector<16xf32>
    %swap3A_1394 = arith.constant 3 : i32
    %swap3A_1395 = arith.index_cast %swap3A_1394 : i32 to index
    %swap3A_1396 = arith.constant 80 : index
    %swap3A_1397 = tpu.vector_load %arg7[%swap3A_1395, %swap3A_1396] {strides = array<i32>} : memref<8x128xf32, #tpu.memory_space<vmem>>, vector<1x16xf32>,
    %swap3A_1398 = vector.shape_cast %swap3A_1397 : vector<1x16xf32> to vector<16xf32>
    %swap3A_1399 = vector.shape_cast %mul3A_1393 : vector<16xf32> to vector<1x16xf32>
    tpu.vector_store %arg7[%swap3A_1395, %swap3A_1396], %swap3A_1399 {strides = array<i32>} : memref<8x128xf32, #tpu.memory_space<vmem>>, vector<1x16xf32>,
    %mul3A_1400 = arith.mulf %mul3A_1343, %div3A_1371 : vector<16xf32>
    %swap3A_1401 = arith.constant 4 : i32
    %swap3A_1402 = arith.index_cast %swap3A_1401 : i32 to index
    %swap3A_1403 = arith.constant 80 : index
    %swap3A_1404 = tpu.vector_load %arg7[%swap3A_1402, %swap3A_1403] {strides = array<i32>} : memref<8x128xf32, #tpu.memory_space<vmem>>, vector<1x16xf32>,
    %swap3A_1405 = vector.shape_cast %swap3A_1404 : vector<1x16xf32> to vector<16xf32>
    %swap3A_1406 = vector.shape_cast %mul3A_1400 : vector<16xf32> to vector<1x16xf32>
    tpu.vector_store %arg7[%swap3A_1402, %swap3A_1403], %swap3A_1406 {strides = array<i32>} : memref<8x128xf32, #tpu.memory_space<vmem>>, vector<1x16xf32>,
    %mul3A_1407 = arith.mulf %mul3A_1346, %div3A_1371 : vector<16xf32>
    %swap3A_1408 = arith.constant 5 : i32
    %swap3A_1409 = arith.index_cast %swap3A_1408 : i32 to index
    %swap3A_1410 = arith.constant 80 : index
    %swap3A_1411 = tpu.vector_load %arg7[%swap3A_1409, %swap3A_1410] {strides = array<i32>} : memref<8x128xf32, #tpu.memory_space<vmem>>, vector<1x16xf32>,
    %swap3A_1412 = vector.shape_cast %swap3A_1411 : vector<1x16xf32> to vector<16xf32>
    %swap3A_1413 = vector.shape_cast %mul3A_1407 : vector<16xf32> to vector<1x16xf32>
    tpu.vector_store %arg7[%swap3A_1409, %swap3A_1410], %swap3A_1413 {strides = array<i32>} : memref<8x128xf32, #tpu.memory_space<vmem>>, vector<1x16xf32>,
    %mul3A_1414 = arith.mulf %mul3A_1349, %div3A_1371 : vector<16xf32>
    %swap3A_1415 = arith.constant 6 : i32
    %swap3A_1416 = arith.index_cast %swap3A_1415 : i32 to index
    %swap3A_1417 = arith.constant 80 : index
    %swap3A_1418 = tpu.vector_load %arg7[%swap3A_1416, %swap3A_1417] {strides = array<i32>} : memref<8x128xf32, #tpu.memory_space<vmem>>, vector<1x16xf32>,
    %swap3A_1419 = vector.shape_cast %swap3A_1418 : vector<1x16xf32> to vector<16xf32>
    %swap3A_1420 = vector.shape_cast %mul3A_1414 : vector<16xf32> to vector<1x16xf32>
    tpu.vector_store %arg7[%swap3A_1416, %swap3A_1417], %swap3A_1420 {strides = array<i32>} : memref<8x128xf32, #tpu.memory_space<vmem>>, vector<1x16xf32>,
    %mul3A_1421 = arith.mulf %mul3A_1352, %div3A_1371 : vector<16xf32>
    %swap3A_1422 = arith.constant 7 : i32
    %swap3A_1423 = arith.index_cast %swap3A_1422 : i32 to index
    %swap3A_1424 = arith.constant 80 : index
    %swap3A_1425 = tpu.vector_load %arg7[%swap3A_1423, %swap3A_1424] {strides = array<i32>} : memref<8x128xf32, #tpu.memory_space<vmem>>, vector<1x16xf32>,
    %swap3A_1426 = vector.shape_cast %swap3A_1425 : vector<1x16xf32> to vector<16xf32>
    %swap3A_1427 = vector.shape_cast %mul3A_1421 : vector<16xf32> to vector<1x16xf32>
    tpu.vector_store %arg7[%swap3A_1423, %swap3A_1424], %swap3A_1427 {strides = array<i32>} : memref<8x128xf32, #tpu.memory_space<vmem>>, vector<1x16xf32>,
    %get3A_1428 = arith.constant 0 : i32
    %get3A_1429 = arith.index_cast %get3A_1428 : i32 to index
    %get3A_1430 = arith.constant 96 : index
    %get3A_1431 = tpu.vector_load %arg6[%get3A_1429, %get3A_1430] {strides = array<i32>} : memref<8x128xf32, #tpu.memory_space<vmem>>, vector<1x16xf32>,
    %get3A_1432 = vector.shape_cast %get3A_1431 : vector<1x16xf32> to vector<16xf32>
    %gt3A_1433 = arith.constant 0.000000e+00 : f32
    %gt3A_1434 = vector.broadcast %gt3A_1433 : f32 to vector<16xf32>
    %gt3A_1435 = arith.cmpf ogt, %get3A_1432, %gt3A_1434 : vector<16xf32>
    %get3A_1436 = arith.constant 0 : i32
    %get3A_1437 = arith.index_cast %get3A_1436 : i32 to index
    %get3A_1438 = arith.constant 96 : index
    %get3A_1439 = tpu.vector_load %arg5[%get3A_1437, %get3A_1438] {strides = array<i32>} : memref<8x128xf32, #tpu.memory_space<vmem>>, vector<1x16xf32>,
    %get3A_1440 = vector.shape_cast %get3A_1439 : vector<1x16xf32> to vector<16xf32>
    %jit3A_1441 = arith.constant -1.000000e+30 : f32
    %broadcast_in_dim3A_1442 = vector.broadcast %jit3A_1441 : f32 to vector<16xf32>
    %select_n3A_1443 = arith.select %gt3A_1435, %get3A_1440, %broadcast_in_dim3A_1442 : vector<16xi1>, vector<16xf32>
    %get3A_1444 = arith.constant 1 : i32
    %get3A_1445 = arith.index_cast %get3A_1444 : i32 to index
    %get3A_1446 = arith.constant 96 : index
    %get3A_1447 = tpu.vector_load %arg6[%get3A_1445, %get3A_1446] {strides = array<i32>} : memref<8x128xf32, #tpu.memory_space<vmem>>, vector<1x16xf32>,
    %get3A_1448 = vector.shape_cast %get3A_1447 : vector<1x16xf32> to vector<16xf32>
    %gt3A_1449 = arith.constant 0.000000e+00 : f32
    %gt3A_1450 = vector.broadcast %gt3A_1449 : f32 to vector<16xf32>
    %gt3A_1451 = arith.cmpf ogt, %get3A_1448, %gt3A_1450 : vector<16xf32>
    %get3A_1452 = arith.constant 1 : i32
    %get3A_1453 = arith.index_cast %get3A_1452 : i32 to index
    %get3A_1454 = arith.constant 96 : index
    %get3A_1455 = tpu.vector_load %arg5[%get3A_1453, %get3A_1454] {strides = array<i32>} : memref<8x128xf32, #tpu.memory_space<vmem>>, vector<1x16xf32>,
    %get3A_1456 = vector.shape_cast %get3A_1455 : vector<1x16xf32> to vector<16xf32>
    %jit3A_1457 = arith.constant -1.000000e+30 : f32
    %broadcast_in_dim3A_1458 = vector.broadcast %jit3A_1457 : f32 to vector<16xf32>
    %select_n3A_1459 = arith.select %gt3A_1451, %get3A_1456, %broadcast_in_dim3A_1458 : vector<16xi1>, vector<16xf32>
    %get3A_1460 = arith.constant 2 : i32
    %get3A_1461 = arith.index_cast %get3A_1460 : i32 to index
    %get3A_1462 = arith.constant 96 : index
    %get3A_1463 = tpu.vector_load %arg6[%get3A_1461, %get3A_1462] {strides = array<i32>} : memref<8x128xf32, #tpu.memory_space<vmem>>, vector<1x16xf32>,
    %get3A_1464 = vector.shape_cast %get3A_1463 : vector<1x16xf32> to vector<16xf32>
    %gt3A_1465 = arith.constant 0.000000e+00 : f32
    %gt3A_1466 = vector.broadcast %gt3A_1465 : f32 to vector<16xf32>
    %gt3A_1467 = arith.cmpf ogt, %get3A_1464, %gt3A_1466 : vector<16xf32>
    %get3A_1468 = arith.constant 2 : i32
    %get3A_1469 = arith.index_cast %get3A_1468 : i32 to index
    %get3A_1470 = arith.constant 96 : index
    %get3A_1471 = tpu.vector_load %arg5[%get3A_1469, %get3A_1470] {strides = array<i32>} : memref<8x128xf32, #tpu.memory_space<vmem>>, vector<1x16xf32>,
    %get3A_1472 = vector.shape_cast %get3A_1471 : vector<1x16xf32> to vector<16xf32>
    %jit3A_1473 = arith.constant -1.000000e+30 : f32
    %broadcast_in_dim3A_1474 = vector.broadcast %jit3A_1473 : f32 to vector<16xf32>
    %select_n3A_1475 = arith.select %gt3A_1467, %get3A_1472, %broadcast_in_dim3A_1474 : vector<16xi1>, vector<16xf32>
    %get3A_1476 = arith.constant 3 : i32
    %get3A_1477 = arith.index_cast %get3A_1476 : i32 to index
    %get3A_1478 = arith.constant 96 : index
    %get3A_1479 = tpu.vector_load %arg6[%get3A_1477, %get3A_1478] {strides = array<i32>} : memref<8x128xf32, #tpu.memory_space<vmem>>, vector<1x16xf32>,
    %get3A_1480 = vector.shape_cast %get3A_1479 : vector<1x16xf32> to vector<16xf32>
    %gt3A_1481 = arith.constant 0.000000e+00 : f32
    %gt3A_1482 = vector.broadcast %gt3A_1481 : f32 to vector<16xf32>
    %gt3A_1483 = arith.cmpf ogt, %get3A_1480, %gt3A_1482 : vector<16xf32>
    %get3A_1484 = arith.constant 3 : i32
    %get3A_1485 = arith.index_cast %get3A_1484 : i32 to index
    %get3A_1486 = arith.constant 96 : index
    %get3A_1487 = tpu.vector_load %arg5[%get3A_1485, %get3A_1486] {strides = array<i32>} : memref<8x128xf32, #tpu.memory_space<vmem>>, vector<1x16xf32>,
    %get3A_1488 = vector.shape_cast %get3A_1487 : vector<1x16xf32> to vector<16xf32>
    %jit3A_1489 = arith.constant -1.000000e+30 : f32
    %broadcast_in_dim3A_1490 = vector.broadcast %jit3A_1489 : f32 to vector<16xf32>
    %select_n3A_1491 = arith.select %gt3A_1483, %get3A_1488, %broadcast_in_dim3A_1490 : vector<16xi1>, vector<16xf32>
    %get3A_1492 = arith.constant 4 : i32
    %get3A_1493 = arith.index_cast %get3A_1492 : i32 to index
    %get3A_1494 = arith.constant 96 : index
    %get3A_1495 = tpu.vector_load %arg6[%get3A_1493, %get3A_1494] {strides = array<i32>} : memref<8x128xf32, #tpu.memory_space<vmem>>, vector<1x16xf32>,
    %get3A_1496 = vector.shape_cast %get3A_1495 : vector<1x16xf32> to vector<16xf32>
    %gt3A_1497 = arith.constant 0.000000e+00 : f32
    %gt3A_1498 = vector.broadcast %gt3A_1497 : f32 to vector<16xf32>
    %gt3A_1499 = arith.cmpf ogt, %get3A_1496, %gt3A_1498 : vector<16xf32>
    %get3A_1500 = arith.constant 4 : i32
    %get3A_1501 = arith.index_cast %get3A_1500 : i32 to index
    %get3A_1502 = arith.constant 96 : index
    %get3A_1503 = tpu.vector_load %arg5[%get3A_1501, %get3A_1502] {strides = array<i32>} : memref<8x128xf32, #tpu.memory_space<vmem>>, vector<1x16xf32>,
    %get3A_1504 = vector.shape_cast %get3A_1503 : vector<1x16xf32> to vector<16xf32>
    %jit3A_1505 = arith.constant -1.000000e+30 : f32
    %broadcast_in_dim3A_1506 = vector.broadcast %jit3A_1505 : f32 to vector<16xf32>
    %select_n3A_1507 = arith.select %gt3A_1499, %get3A_1504, %broadcast_in_dim3A_1506 : vector<16xi1>, vector<16xf32>
    %get3A_1508 = arith.constant 5 : i32
    %get3A_1509 = arith.index_cast %get3A_1508 : i32 to index
    %get3A_1510 = arith.constant 96 : index
    %get3A_1511 = tpu.vector_load %arg6[%get3A_1509, %get3A_1510] {strides = array<i32>} : memref<8x128xf32, #tpu.memory_space<vmem>>, vector<1x16xf32>,
    %get3A_1512 = vector.shape_cast %get3A_1511 : vector<1x16xf32> to vector<16xf32>
    %gt3A_1513 = arith.constant 0.000000e+00 : f32
    %gt3A_1514 = vector.broadcast %gt3A_1513 : f32 to vector<16xf32>
    %gt3A_1515 = arith.cmpf ogt, %get3A_1512, %gt3A_1514 : vector<16xf32>
    %get3A_1516 = arith.constant 5 : i32
    %get3A_1517 = arith.index_cast %get3A_1516 : i32 to index
    %get3A_1518 = arith.constant 96 : index
    %get3A_1519 = tpu.vector_load %arg5[%get3A_1517, %get3A_1518] {strides = array<i32>} : memref<8x128xf32, #tpu.memory_space<vmem>>, vector<1x16xf32>,
    %get3A_1520 = vector.shape_cast %get3A_1519 : vector<1x16xf32> to vector<16xf32>
    %jit3A_1521 = arith.constant -1.000000e+30 : f32
    %broadcast_in_dim3A_1522 = vector.broadcast %jit3A_1521 : f32 to vector<16xf32>
    %select_n3A_1523 = arith.select %gt3A_1515, %get3A_1520, %broadcast_in_dim3A_1522 : vector<16xi1>, vector<16xf32>
    %get3A_1524 = arith.constant 6 : i32
    %get3A_1525 = arith.index_cast %get3A_1524 : i32 to index
    %get3A_1526 = arith.constant 96 : index
    %get3A_1527 = tpu.vector_load %arg6[%get3A_1525, %get3A_1526] {strides = array<i32>} : memref<8x128xf32, #tpu.memory_space<vmem>>, vector<1x16xf32>,
    %get3A_1528 = vector.shape_cast %get3A_1527 : vector<1x16xf32> to vector<16xf32>
    %gt3A_1529 = arith.constant 0.000000e+00 : f32
    %gt3A_1530 = vector.broadcast %gt3A_1529 : f32 to vector<16xf32>
    %gt3A_1531 = arith.cmpf ogt, %get3A_1528, %gt3A_1530 : vector<16xf32>
    %get3A_1532 = arith.constant 6 : i32
    %get3A_1533 = arith.index_cast %get3A_1532 : i32 to index
    %get3A_1534 = arith.constant 96 : index
    %get3A_1535 = tpu.vector_load %arg5[%get3A_1533, %get3A_1534] {strides = array<i32>} : memref<8x128xf32, #tpu.memory_space<vmem>>, vector<1x16xf32>,
    %get3A_1536 = vector.shape_cast %get3A_1535 : vector<1x16xf32> to vector<16xf32>
    %jit3A_1537 = arith.constant -1.000000e+30 : f32
    %broadcast_in_dim3A_1538 = vector.broadcast %jit3A_1537 : f32 to vector<16xf32>
    %select_n3A_1539 = arith.select %gt3A_1531, %get3A_1536, %broadcast_in_dim3A_1538 : vector<16xi1>, vector<16xf32>
    %get3A_1540 = arith.constant 7 : i32
    %get3A_1541 = arith.index_cast %get3A_1540 : i32 to index
    %get3A_1542 = arith.constant 96 : index
    %get3A_1543 = tpu.vector_load %arg6[%get3A_1541, %get3A_1542] {strides = array<i32>} : memref<8x128xf32, #tpu.memory_space<vmem>>, vector<1x16xf32>,
    %get3A_1544 = vector.shape_cast %get3A_1543 : vector<1x16xf32> to vector<16xf32>
    %gt3A_1545 = arith.constant 0.000000e+00 : f32
    %gt3A_1546 = vector.broadcast %gt3A_1545 : f32 to vector<16xf32>
    %gt3A_1547 = arith.cmpf ogt, %get3A_1544, %gt3A_1546 : vector<16xf32>
    %get3A_1548 = arith.constant 7 : i32
    %get3A_1549 = arith.index_cast %get3A_1548 : i32 to index
    %get3A_1550 = arith.constant 96 : index
    %get3A_1551 = tpu.vector_load %arg5[%get3A_1549, %get3A_1550] {strides = array<i32>} : memref<8x128xf32, #tpu.memory_space<vmem>>, vector<1x16xf32>,
    %get3A_1552 = vector.shape_cast %get3A_1551 : vector<1x16xf32> to vector<16xf32>
    %jit3A_1553 = arith.constant -1.000000e+30 : f32
    %broadcast_in_dim3A_1554 = vector.broadcast %jit3A_1553 : f32 to vector<16xf32>
    %select_n3A_1555 = arith.select %gt3A_1547, %get3A_1552, %broadcast_in_dim3A_1554 : vector<16xi1>, vector<16xf32>
    %max3A_1556 = arith.maximumf %select_n3A_1443, %select_n3A_1459 : vector<16xf32>
    %max3A_1557 = arith.maximumf %max3A_1556, %select_n3A_1475 : vector<16xf32>
    %max3A_1558 = arith.maximumf %max3A_1557, %select_n3A_1491 : vector<16xf32>
    %max3A_1559 = arith.maximumf %max3A_1558, %select_n3A_1507 : vector<16xf32>
    %max3A_1560 = arith.maximumf %max3A_1559, %select_n3A_1523 : vector<16xf32>
    %max3A_1561 = arith.maximumf %max3A_1560, %select_n3A_1539 : vector<16xf32>
    %max3A_1562 = arith.maximumf %max3A_1561, %select_n3A_1555 : vector<16xf32>
    %sub3A_1563 = arith.subf %select_n3A_1443, %max3A_1562 : vector<16xf32>
    %exp3A_1564 = math.exp %sub3A_1563 : vector<16xf32>
    %mul3A_1565 = arith.mulf %exp3A_1564, %get3A_1432 : vector<16xf32>
    %sub3A_1566 = arith.subf %select_n3A_1459, %max3A_1562 : vector<16xf32>
    %exp3A_1567 = math.exp %sub3A_1566 : vector<16xf32>
    %mul3A_1568 = arith.mulf %exp3A_1567, %get3A_1448 : vector<16xf32>
    %sub3A_1569 = arith.subf %select_n3A_1475, %max3A_1562 : vector<16xf32>
    %exp3A_1570 = math.exp %sub3A_1569 : vector<16xf32>
    %mul3A_1571 = arith.mulf %exp3A_1570, %get3A_1464 : vector<16xf32>
    %sub3A_1572 = arith.subf %select_n3A_1491, %max3A_1562 : vector<16xf32>
    %exp3A_1573 = math.exp %sub3A_1572 : vector<16xf32>
    %mul3A_1574 = arith.mulf %exp3A_1573, %get3A_1480 : vector<16xf32>
    %sub3A_1575 = arith.subf %select_n3A_1507, %max3A_1562 : vector<16xf32>
    %exp3A_1576 = math.exp %sub3A_1575 : vector<16xf32>
    %mul3A_1577 = arith.mulf %exp3A_1576, %get3A_1496 : vector<16xf32>
    %sub3A_1578 = arith.subf %select_n3A_1523, %max3A_1562 : vector<16xf32>
    %exp3A_1579 = math.exp %sub3A_1578 : vector<16xf32>
    %mul3A_1580 = arith.mulf %exp3A_1579, %get3A_1512 : vector<16xf32>
    %sub3A_1581 = arith.subf %select_n3A_1539, %max3A_1562 : vector<16xf32>
    %exp3A_1582 = math.exp %sub3A_1581 : vector<16xf32>
    %mul3A_1583 = arith.mulf %exp3A_1582, %get3A_1528 : vector<16xf32>
    %sub3A_1584 = arith.subf %select_n3A_1555, %max3A_1562 : vector<16xf32>
    %exp3A_1585 = math.exp %sub3A_1584 : vector<16xf32>
    %mul3A_1586 = arith.mulf %exp3A_1585, %get3A_1544 : vector<16xf32>
    %add3A_1587 = arith.addf %mul3A_1565, %mul3A_1568 : vector<16xf32>
    %add3A_1588 = arith.addf %add3A_1587, %mul3A_1571 : vector<16xf32>
    %add3A_1589 = arith.addf %add3A_1588, %mul3A_1574 : vector<16xf32>
    %add3A_1590 = arith.addf %add3A_1589, %mul3A_1577 : vector<16xf32>
    %add3A_1591 = arith.addf %add3A_1590, %mul3A_1580 : vector<16xf32>
    %add3A_1592 = arith.addf %add3A_1591, %mul3A_1583 : vector<16xf32>
    %add3A_1593 = arith.addf %add3A_1592, %mul3A_1586 : vector<16xf32>
    %gt3A_1594 = arith.constant 0.000000e+00 : f32
    %gt3A_1595 = vector.broadcast %gt3A_1594 : f32 to vector<16xf32>
    %gt3A_1596 = arith.cmpf ogt, %add3A_1593, %gt3A_1595 : vector<16xf32>
    %jit3A_1597 = arith.constant 1.000000e+00 : f32
    %jit3A_1598 = arith.constant 0.000000e+00 : f32
    %broadcast_in_dim3A_1599 = vector.broadcast %jit3A_1597 : f32 to vector<16xf32>
    %broadcast_in_dim3A_1600 = vector.broadcast %jit3A_1598 : f32 to vector<16xf32>
    %select_n3A_1601 = arith.select %gt3A_1596, %broadcast_in_dim3A_1599, %broadcast_in_dim3A_1600 : vector<16xi1>, vector<16xf32>
    %jit3A_1602 = arith.constant 1.000000e+00 : f32
    %broadcast_in_dim3A_1603 = vector.broadcast %jit3A_1602 : f32 to vector<16xf32>
    %select_n3A_1604 = arith.select %gt3A_1596, %add3A_1593, %broadcast_in_dim3A_1603 : vector<16xi1>, vector<16xf32>
    %div3A_1605 = arith.divf %select_n3A_1601, %select_n3A_1604 : vector<16xf32>
    %mul3A_1606 = arith.mulf %mul3A_1565, %div3A_1605 : vector<16xf32>
    %swap3A_1607 = arith.constant 0 : i32
    %swap3A_1608 = arith.index_cast %swap3A_1607 : i32 to index
    %swap3A_1609 = arith.constant 96 : index
    %swap3A_1610 = tpu.vector_load %arg7[%swap3A_1608, %swap3A_1609] {strides = array<i32>} : memref<8x128xf32, #tpu.memory_space<vmem>>, vector<1x16xf32>,
    %swap3A_1611 = vector.shape_cast %swap3A_1610 : vector<1x16xf32> to vector<16xf32>
    %swap3A_1612 = vector.shape_cast %mul3A_1606 : vector<16xf32> to vector<1x16xf32>
    tpu.vector_store %arg7[%swap3A_1608, %swap3A_1609], %swap3A_1612 {strides = array<i32>} : memref<8x128xf32, #tpu.memory_space<vmem>>, vector<1x16xf32>,
    %mul3A_1613 = arith.mulf %mul3A_1568, %div3A_1605 : vector<16xf32>
    %swap3A_1614 = arith.constant 1 : i32
    %swap3A_1615 = arith.index_cast %swap3A_1614 : i32 to index
    %swap3A_1616 = arith.constant 96 : index
    %swap3A_1617 = tpu.vector_load %arg7[%swap3A_1615, %swap3A_1616] {strides = array<i32>} : memref<8x128xf32, #tpu.memory_space<vmem>>, vector<1x16xf32>,
    %swap3A_1618 = vector.shape_cast %swap3A_1617 : vector<1x16xf32> to vector<16xf32>
    %swap3A_1619 = vector.shape_cast %mul3A_1613 : vector<16xf32> to vector<1x16xf32>
    tpu.vector_store %arg7[%swap3A_1615, %swap3A_1616], %swap3A_1619 {strides = array<i32>} : memref<8x128xf32, #tpu.memory_space<vmem>>, vector<1x16xf32>,
    %mul3A_1620 = arith.mulf %mul3A_1571, %div3A_1605 : vector<16xf32>
    %swap3A_1621 = arith.constant 2 : i32
    %swap3A_1622 = arith.index_cast %swap3A_1621 : i32 to index
    %swap3A_1623 = arith.constant 96 : index
    %swap3A_1624 = tpu.vector_load %arg7[%swap3A_1622, %swap3A_1623] {strides = array<i32>} : memref<8x128xf32, #tpu.memory_space<vmem>>, vector<1x16xf32>,
    %swap3A_1625 = vector.shape_cast %swap3A_1624 : vector<1x16xf32> to vector<16xf32>
    %swap3A_1626 = vector.shape_cast %mul3A_1620 : vector<16xf32> to vector<1x16xf32>
    tpu.vector_store %arg7[%swap3A_1622, %swap3A_1623], %swap3A_1626 {strides = array<i32>} : memref<8x128xf32, #tpu.memory_space<vmem>>, vector<1x16xf32>,
    %mul3A_1627 = arith.mulf %mul3A_1574, %div3A_1605 : vector<16xf32>
    %swap3A_1628 = arith.constant 3 : i32
    %swap3A_1629 = arith.index_cast %swap3A_1628 : i32 to index
    %swap3A_1630 = arith.constant 96 : index
    %swap3A_1631 = tpu.vector_load %arg7[%swap3A_1629, %swap3A_1630] {strides = array<i32>} : memref<8x128xf32, #tpu.memory_space<vmem>>, vector<1x16xf32>,
    %swap3A_1632 = vector.shape_cast %swap3A_1631 : vector<1x16xf32> to vector<16xf32>
    %swap3A_1633 = vector.shape_cast %mul3A_1627 : vector<16xf32> to vector<1x16xf32>
    tpu.vector_store %arg7[%swap3A_1629, %swap3A_1630], %swap3A_1633 {strides = array<i32>} : memref<8x128xf32, #tpu.memory_space<vmem>>, vector<1x16xf32>,
    %mul3A_1634 = arith.mulf %mul3A_1577, %div3A_1605 : vector<16xf32>
    %swap3A_1635 = arith.constant 4 : i32
    %swap3A_1636 = arith.index_cast %swap3A_1635 : i32 to index
    %swap3A_1637 = arith.constant 96 : index
    %swap3A_1638 = tpu.vector_load %arg7[%swap3A_1636, %swap3A_1637] {strides = array<i32>} : memref<8x128xf32, #tpu.memory_space<vmem>>, vector<1x16xf32>,
    %swap3A_1639 = vector.shape_cast %swap3A_1638 : vector<1x16xf32> to vector<16xf32>
    %swap3A_1640 = vector.shape_cast %mul3A_1634 : vector<16xf32> to vector<1x16xf32>
    tpu.vector_store %arg7[%swap3A_1636, %swap3A_1637], %swap3A_1640 {strides = array<i32>} : memref<8x128xf32, #tpu.memory_space<vmem>>, vector<1x16xf32>,
    %mul3A_1641 = arith.mulf %mul3A_1580, %div3A_1605 : vector<16xf32>
    %swap3A_1642 = arith.constant 5 : i32
    %swap3A_1643 = arith.index_cast %swap3A_1642 : i32 to index
    %swap3A_1644 = arith.constant 96 : index
    %swap3A_1645 = tpu.vector_load %arg7[%swap3A_1643, %swap3A_1644] {strides = array<i32>} : memref<8x128xf32, #tpu.memory_space<vmem>>, vector<1x16xf32>,
    %swap3A_1646 = vector.shape_cast %swap3A_1645 : vector<1x16xf32> to vector<16xf32>
    %swap3A_1647 = vector.shape_cast %mul3A_1641 : vector<16xf32> to vector<1x16xf32>
    tpu.vector_store %arg7[%swap3A_1643, %swap3A_1644], %swap3A_1647 {strides = array<i32>} : memref<8x128xf32, #tpu.memory_space<vmem>>, vector<1x16xf32>,
    %mul3A_1648 = arith.mulf %mul3A_1583, %div3A_1605 : vector<16xf32>
    %swap3A_1649 = arith.constant 6 : i32
    %swap3A_1650 = arith.index_cast %swap3A_1649 : i32 to index
    %swap3A_1651 = arith.constant 96 : index
    %swap3A_1652 = tpu.vector_load %arg7[%swap3A_1650, %swap3A_1651] {strides = array<i32>} : memref<8x128xf32, #tpu.memory_space<vmem>>, vector<1x16xf32>,
    %swap3A_1653 = vector.shape_cast %swap3A_1652 : vector<1x16xf32> to vector<16xf32>
    %swap3A_1654 = vector.shape_cast %mul3A_1648 : vector<16xf32> to vector<1x16xf32>
    tpu.vector_store %arg7[%swap3A_1650, %swap3A_1651], %swap3A_1654 {strides = array<i32>} : memref<8x128xf32, #tpu.memory_space<vmem>>, vector<1x16xf32>,
    %mul3A_1655 = arith.mulf %mul3A_1586, %div3A_1605 : vector<16xf32>
    %swap3A_1656 = arith.constant 7 : i32
    %swap3A_1657 = arith.index_cast %swap3A_1656 : i32 to index
    %swap3A_1658 = arith.constant 96 : index
    %swap3A_1659 = tpu.vector_load %arg7[%swap3A_1657, %swap3A_1658] {strides = array<i32>} : memref<8x128xf32, #tpu.memory_space<vmem>>, vector<1x16xf32>,
    %swap3A_1660 = vector.shape_cast %swap3A_1659 : vector<1x16xf32> to vector<16xf32>
    %swap3A_1661 = vector.shape_cast %mul3A_1655 : vector<16xf32> to vector<1x16xf32>
    tpu.vector_store %arg7[%swap3A_1657, %swap3A_1658], %swap3A_1661 {strides = array<i32>} : memref<8x128xf32, #tpu.memory_space<vmem>>, vector<1x16xf32>,
    %get3A_1662 = arith.constant 0 : i32
    %get3A_1663 = arith.index_cast %get3A_1662 : i32 to index
    %get3A_1664 = arith.constant 112 : index
    %get3A_1665 = tpu.vector_load %arg6[%get3A_1663, %get3A_1664] {strides = array<i32>} : memref<8x128xf32, #tpu.memory_space<vmem>>, vector<1x16xf32>,
    %get3A_1666 = vector.shape_cast %get3A_1665 : vector<1x16xf32> to vector<16xf32>
    %gt3A_1667 = arith.constant 0.000000e+00 : f32
    %gt3A_1668 = vector.broadcast %gt3A_1667 : f32 to vector<16xf32>
    %gt3A_1669 = arith.cmpf ogt, %get3A_1666, %gt3A_1668 : vector<16xf32>
    %get3A_1670 = arith.constant 0 : i32
    %get3A_1671 = arith.index_cast %get3A_1670 : i32 to index
    %get3A_1672 = arith.constant 112 : index
    %get3A_1673 = tpu.vector_load %arg5[%get3A_1671, %get3A_1672] {strides = array<i32>} : memref<8x128xf32, #tpu.memory_space<vmem>>, vector<1x16xf32>,
    %get3A_1674 = vector.shape_cast %get3A_1673 : vector<1x16xf32> to vector<16xf32>
    %jit3A_1675 = arith.constant -1.000000e+30 : f32
    %broadcast_in_dim3A_1676 = vector.broadcast %jit3A_1675 : f32 to vector<16xf32>
    %select_n3A_1677 = arith.select %gt3A_1669, %get3A_1674, %broadcast_in_dim3A_1676 : vector<16xi1>, vector<16xf32>
    %get3A_1678 = arith.constant 1 : i32
    %get3A_1679 = arith.index_cast %get3A_1678 : i32 to index
    %get3A_1680 = arith.constant 112 : index
    %get3A_1681 = tpu.vector_load %arg6[%get3A_1679, %get3A_1680] {strides = array<i32>} : memref<8x128xf32, #tpu.memory_space<vmem>>, vector<1x16xf32>,
    %get3A_1682 = vector.shape_cast %get3A_1681 : vector<1x16xf32> to vector<16xf32>
    %gt3A_1683 = arith.constant 0.000000e+00 : f32
    %gt3A_1684 = vector.broadcast %gt3A_1683 : f32 to vector<16xf32>
    %gt3A_1685 = arith.cmpf ogt, %get3A_1682, %gt3A_1684 : vector<16xf32>
    %get3A_1686 = arith.constant 1 : i32
    %get3A_1687 = arith.index_cast %get3A_1686 : i32 to index
    %get3A_1688 = arith.constant 112 : index
    %get3A_1689 = tpu.vector_load %arg5[%get3A_1687, %get3A_1688] {strides = array<i32>} : memref<8x128xf32, #tpu.memory_space<vmem>>, vector<1x16xf32>,
    %get3A_1690 = vector.shape_cast %get3A_1689 : vector<1x16xf32> to vector<16xf32>
    %jit3A_1691 = arith.constant -1.000000e+30 : f32
    %broadcast_in_dim3A_1692 = vector.broadcast %jit3A_1691 : f32 to vector<16xf32>
    %select_n3A_1693 = arith.select %gt3A_1685, %get3A_1690, %broadcast_in_dim3A_1692 : vector<16xi1>, vector<16xf32>
    %get3A_1694 = arith.constant 2 : i32
    %get3A_1695 = arith.index_cast %get3A_1694 : i32 to index
    %get3A_1696 = arith.constant 112 : index
    %get3A_1697 = tpu.vector_load %arg6[%get3A_1695, %get3A_1696] {strides = array<i32>} : memref<8x128xf32, #tpu.memory_space<vmem>>, vector<1x16xf32>,
    %get3A_1698 = vector.shape_cast %get3A_1697 : vector<1x16xf32> to vector<16xf32>
    %gt3A_1699 = arith.constant 0.000000e+00 : f32
    %gt3A_1700 = vector.broadcast %gt3A_1699 : f32 to vector<16xf32>
    %gt3A_1701 = arith.cmpf ogt, %get3A_1698, %gt3A_1700 : vector<16xf32>
    %get3A_1702 = arith.constant 2 : i32
    %get3A_1703 = arith.index_cast %get3A_1702 : i32 to index
    %get3A_1704 = arith.constant 112 : index
    %get3A_1705 = tpu.vector_load %arg5[%get3A_1703, %get3A_1704] {strides = array<i32>} : memref<8x128xf32, #tpu.memory_space<vmem>>, vector<1x16xf32>,
    %get3A_1706 = vector.shape_cast %get3A_1705 : vector<1x16xf32> to vector<16xf32>
    %jit3A_1707 = arith.constant -1.000000e+30 : f32
    %broadcast_in_dim3A_1708 = vector.broadcast %jit3A_1707 : f32 to vector<16xf32>
    %select_n3A_1709 = arith.select %gt3A_1701, %get3A_1706, %broadcast_in_dim3A_1708 : vector<16xi1>, vector<16xf32>
    %get3A_1710 = arith.constant 3 : i32
    %get3A_1711 = arith.index_cast %get3A_1710 : i32 to index
    %get3A_1712 = arith.constant 112 : index
    %get3A_1713 = tpu.vector_load %arg6[%get3A_1711, %get3A_1712] {strides = array<i32>} : memref<8x128xf32, #tpu.memory_space<vmem>>, vector<1x16xf32>,
    %get3A_1714 = vector.shape_cast %get3A_1713 : vector<1x16xf32> to vector<16xf32>
    %gt3A_1715 = arith.constant 0.000000e+00 : f32
    %gt3A_1716 = vector.broadcast %gt3A_1715 : f32 to vector<16xf32>
    %gt3A_1717 = arith.cmpf ogt, %get3A_1714, %gt3A_1716 : vector<16xf32>
    %get3A_1718 = arith.constant 3 : i32
    %get3A_1719 = arith.index_cast %get3A_1718 : i32 to index
    %get3A_1720 = arith.constant 112 : index
    %get3A_1721 = tpu.vector_load %arg5[%get3A_1719, %get3A_1720] {strides = array<i32>} : memref<8x128xf32, #tpu.memory_space<vmem>>, vector<1x16xf32>,
    %get3A_1722 = vector.shape_cast %get3A_1721 : vector<1x16xf32> to vector<16xf32>
    %jit3A_1723 = arith.constant -1.000000e+30 : f32
    %broadcast_in_dim3A_1724 = vector.broadcast %jit3A_1723 : f32 to vector<16xf32>
    %select_n3A_1725 = arith.select %gt3A_1717, %get3A_1722, %broadcast_in_dim3A_1724 : vector<16xi1>, vector<16xf32>
    %get3A_1726 = arith.constant 4 : i32
    %get3A_1727 = arith.index_cast %get3A_1726 : i32 to index
    %get3A_1728 = arith.constant 112 : index
    %get3A_1729 = tpu.vector_load %arg6[%get3A_1727, %get3A_1728] {strides = array<i32>} : memref<8x128xf32, #tpu.memory_space<vmem>>, vector<1x16xf32>,
    %get3A_1730 = vector.shape_cast %get3A_1729 : vector<1x16xf32> to vector<16xf32>
    %gt3A_1731 = arith.constant 0.000000e+00 : f32
    %gt3A_1732 = vector.broadcast %gt3A_1731 : f32 to vector<16xf32>
    %gt3A_1733 = arith.cmpf ogt, %get3A_1730, %gt3A_1732 : vector<16xf32>
    %get3A_1734 = arith.constant 4 : i32
    %get3A_1735 = arith.index_cast %get3A_1734 : i32 to index
    %get3A_1736 = arith.constant 112 : index
    %get3A_1737 = tpu.vector_load %arg5[%get3A_1735, %get3A_1736] {strides = array<i32>} : memref<8x128xf32, #tpu.memory_space<vmem>>, vector<1x16xf32>,
    %get3A_1738 = vector.shape_cast %get3A_1737 : vector<1x16xf32> to vector<16xf32>
    %jit3A_1739 = arith.constant -1.000000e+30 : f32
    %broadcast_in_dim3A_1740 = vector.broadcast %jit3A_1739 : f32 to vector<16xf32>
    %select_n3A_1741 = arith.select %gt3A_1733, %get3A_1738, %broadcast_in_dim3A_1740 : vector<16xi1>, vector<16xf32>
    %get3A_1742 = arith.constant 5 : i32
    %get3A_1743 = arith.index_cast %get3A_1742 : i32 to index
    %get3A_1744 = arith.constant 112 : index
    %get3A_1745 = tpu.vector_load %arg6[%get3A_1743, %get3A_1744] {strides = array<i32>} : memref<8x128xf32, #tpu.memory_space<vmem>>, vector<1x16xf32>,
    %get3A_1746 = vector.shape_cast %get3A_1745 : vector<1x16xf32> to vector<16xf32>
    %gt3A_1747 = arith.constant 0.000000e+00 : f32
    %gt3A_1748 = vector.broadcast %gt3A_1747 : f32 to vector<16xf32>
    %gt3A_1749 = arith.cmpf ogt, %get3A_1746, %gt3A_1748 : vector<16xf32>
    %get3A_1750 = arith.constant 5 : i32
    %get3A_1751 = arith.index_cast %get3A_1750 : i32 to index
    %get3A_1752 = arith.constant 112 : index
    %get3A_1753 = tpu.vector_load %arg5[%get3A_1751, %get3A_1752] {strides = array<i32>} : memref<8x128xf32, #tpu.memory_space<vmem>>, vector<1x16xf32>,
    %get3A_1754 = vector.shape_cast %get3A_1753 : vector<1x16xf32> to vector<16xf32>
    %jit3A_1755 = arith.constant -1.000000e+30 : f32
    %broadcast_in_dim3A_1756 = vector.broadcast %jit3A_1755 : f32 to vector<16xf32>
    %select_n3A_1757 = arith.select %gt3A_1749, %get3A_1754, %broadcast_in_dim3A_1756 : vector<16xi1>, vector<16xf32>
    %get3A_1758 = arith.constant 6 : i32
    %get3A_1759 = arith.index_cast %get3A_1758 : i32 to index
    %get3A_1760 = arith.constant 112 : index
    %get3A_1761 = tpu.vector_load %arg6[%get3A_1759, %get3A_1760] {strides = array<i32>} : memref<8x128xf32, #tpu.memory_space<vmem>>, vector<1x16xf32>,
    %get3A_1762 = vector.shape_cast %get3A_1761 : vector<1x16xf32> to vector<16xf32>
    %gt3A_1763 = arith.constant 0.000000e+00 : f32
    %gt3A_1764 = vector.broadcast %gt3A_1763 : f32 to vector<16xf32>
    %gt3A_1765 = arith.cmpf ogt, %get3A_1762, %gt3A_1764 : vector<16xf32>
    %get3A_1766 = arith.constant 6 : i32
    %get3A_1767 = arith.index_cast %get3A_1766 : i32 to index
    %get3A_1768 = arith.constant 112 : index
    %get3A_1769 = tpu.vector_load %arg5[%get3A_1767, %get3A_1768] {strides = array<i32>} : memref<8x128xf32, #tpu.memory_space<vmem>>, vector<1x16xf32>,
    %get3A_1770 = vector.shape_cast %get3A_1769 : vector<1x16xf32> to vector<16xf32>
    %jit3A_1771 = arith.constant -1.000000e+30 : f32
    %broadcast_in_dim3A_1772 = vector.broadcast %jit3A_1771 : f32 to vector<16xf32>
    %select_n3A_1773 = arith.select %gt3A_1765, %get3A_1770, %broadcast_in_dim3A_1772 : vector<16xi1>, vector<16xf32>
    %get3A_1774 = arith.constant 7 : i32
    %get3A_1775 = arith.index_cast %get3A_1774 : i32 to index
    %get3A_1776 = arith.constant 112 : index
    %get3A_1777 = tpu.vector_load %arg6[%get3A_1775, %get3A_1776] {strides = array<i32>} : memref<8x128xf32, #tpu.memory_space<vmem>>, vector<1x16xf32>,
    %get3A_1778 = vector.shape_cast %get3A_1777 : vector<1x16xf32> to vector<16xf32>
    %gt3A_1779 = arith.constant 0.000000e+00 : f32
    %gt3A_1780 = vector.broadcast %gt3A_1779 : f32 to vector<16xf32>
    %gt3A_1781 = arith.cmpf ogt, %get3A_1778, %gt3A_1780 : vector<16xf32>
    %get3A_1782 = arith.constant 7 : i32
    %get3A_1783 = arith.index_cast %get3A_1782 : i32 to index
    %get3A_1784 = arith.constant 112 : index
    %get3A_1785 = tpu.vector_load %arg5[%get3A_1783, %get3A_1784] {strides = array<i32>} : memref<8x128xf32, #tpu.memory_space<vmem>>, vector<1x16xf32>,
    %get3A_1786 = vector.shape_cast %get3A_1785 : vector<1x16xf32> to vector<16xf32>
    %jit3A_1787 = arith.constant -1.000000e+30 : f32
    %broadcast_in_dim3A_1788 = vector.broadcast %jit3A_1787 : f32 to vector<16xf32>
    %select_n3A_1789 = arith.select %gt3A_1781, %get3A_1786, %broadcast_in_dim3A_1788 : vector<16xi1>, vector<16xf32>
    %max3A_1790 = arith.maximumf %select_n3A_1677, %select_n3A_1693 : vector<16xf32>
    %max3A_1791 = arith.maximumf %max3A_1790, %select_n3A_1709 : vector<16xf32>
    %max3A_1792 = arith.maximumf %max3A_1791, %select_n3A_1725 : vector<16xf32>
    %max3A_1793 = arith.maximumf %max3A_1792, %select_n3A_1741 : vector<16xf32>
    %max3A_1794 = arith.maximumf %max3A_1793, %select_n3A_1757 : vector<16xf32>
    %max3A_1795 = arith.maximumf %max3A_1794, %select_n3A_1773 : vector<16xf32>
    %max3A_1796 = arith.maximumf %max3A_1795, %select_n3A_1789 : vector<16xf32>
    %sub3A_1797 = arith.subf %select_n3A_1677, %max3A_1796 : vector<16xf32>
    %exp3A_1798 = math.exp %sub3A_1797 : vector<16xf32>
    %mul3A_1799 = arith.mulf %exp3A_1798, %get3A_1666 : vector<16xf32>
    %sub3A_1800 = arith.subf %select_n3A_1693, %max3A_1796 : vector<16xf32>
    %exp3A_1801 = math.exp %sub3A_1800 : vector<16xf32>
    %mul3A_1802 = arith.mulf %exp3A_1801, %get3A_1682 : vector<16xf32>
    %sub3A_1803 = arith.subf %select_n3A_1709, %max3A_1796 : vector<16xf32>
    %exp3A_1804 = math.exp %sub3A_1803 : vector<16xf32>
    %mul3A_1805 = arith.mulf %exp3A_1804, %get3A_1698 : vector<16xf32>
    %sub3A_1806 = arith.subf %select_n3A_1725, %max3A_1796 : vector<16xf32>
    %exp3A_1807 = math.exp %sub3A_1806 : vector<16xf32>
    %mul3A_1808 = arith.mulf %exp3A_1807, %get3A_1714 : vector<16xf32>
    %sub3A_1809 = arith.subf %select_n3A_1741, %max3A_1796 : vector<16xf32>
    %exp3A_1810 = math.exp %sub3A_1809 : vector<16xf32>
    %mul3A_1811 = arith.mulf %exp3A_1810, %get3A_1730 : vector<16xf32>
    %sub3A_1812 = arith.subf %select_n3A_1757, %max3A_1796 : vector<16xf32>
    %exp3A_1813 = math.exp %sub3A_1812 : vector<16xf32>
    %mul3A_1814 = arith.mulf %exp3A_1813, %get3A_1746 : vector<16xf32>
    %sub3A_1815 = arith.subf %select_n3A_1773, %max3A_1796 : vector<16xf32>
    %exp3A_1816 = math.exp %sub3A_1815 : vector<16xf32>
    %mul3A_1817 = arith.mulf %exp3A_1816, %get3A_1762 : vector<16xf32>
    %sub3A_1818 = arith.subf %select_n3A_1789, %max3A_1796 : vector<16xf32>
    %exp3A_1819 = math.exp %sub3A_1818 : vector<16xf32>
    %mul3A_1820 = arith.mulf %exp3A_1819, %get3A_1778 : vector<16xf32>
    %add3A_1821 = arith.addf %mul3A_1799, %mul3A_1802 : vector<16xf32>
    %add3A_1822 = arith.addf %add3A_1821, %mul3A_1805 : vector<16xf32>
    %add3A_1823 = arith.addf %add3A_1822, %mul3A_1808 : vector<16xf32>
    %add3A_1824 = arith.addf %add3A_1823, %mul3A_1811 : vector<16xf32>
    %add3A_1825 = arith.addf %add3A_1824, %mul3A_1814 : vector<16xf32>
    %add3A_1826 = arith.addf %add3A_1825, %mul3A_1817 : vector<16xf32>
    %add3A_1827 = arith.addf %add3A_1826, %mul3A_1820 : vector<16xf32>
    %gt3A_1828 = arith.constant 0.000000e+00 : f32
    %gt3A_1829 = vector.broadcast %gt3A_1828 : f32 to vector<16xf32>
    %gt3A_1830 = arith.cmpf ogt, %add3A_1827, %gt3A_1829 : vector<16xf32>
    %jit3A_1831 = arith.constant 1.000000e+00 : f32
    %jit3A_1832 = arith.constant 0.000000e+00 : f32
    %broadcast_in_dim3A_1833 = vector.broadcast %jit3A_1831 : f32 to vector<16xf32>
    %broadcast_in_dim3A_1834 = vector.broadcast %jit3A_1832 : f32 to vector<16xf32>
    %select_n3A_1835 = arith.select %gt3A_1830, %broadcast_in_dim3A_1833, %broadcast_in_dim3A_1834 : vector<16xi1>, vector<16xf32>
    %jit3A_1836 = arith.constant 1.000000e+00 : f32
    %broadcast_in_dim3A_1837 = vector.broadcast %jit3A_1836 : f32 to vector<16xf32>
    %select_n3A_1838 = arith.select %gt3A_1830, %add3A_1827, %broadcast_in_dim3A_1837 : vector<16xi1>, vector<16xf32>
    %div3A_1839 = arith.divf %select_n3A_1835, %select_n3A_1838 : vector<16xf32>
    %mul3A_1840 = arith.mulf %mul3A_1799, %div3A_1839 : vector<16xf32>
    %swap3A_1841 = arith.constant 0 : i32
    %swap3A_1842 = arith.index_cast %swap3A_1841 : i32 to index
    %swap3A_1843 = arith.constant 112 : index
    %swap3A_1844 = tpu.vector_load %arg7[%swap3A_1842, %swap3A_1843] {strides = array<i32>} : memref<8x128xf32, #tpu.memory_space<vmem>>, vector<1x16xf32>,
    %swap3A_1845 = vector.shape_cast %swap3A_1844 : vector<1x16xf32> to vector<16xf32>
    %swap3A_1846 = vector.shape_cast %mul3A_1840 : vector<16xf32> to vector<1x16xf32>
    tpu.vector_store %arg7[%swap3A_1842, %swap3A_1843], %swap3A_1846 {strides = array<i32>} : memref<8x128xf32, #tpu.memory_space<vmem>>, vector<1x16xf32>,
    %mul3A_1847 = arith.mulf %mul3A_1802, %div3A_1839 : vector<16xf32>
    %swap3A_1848 = arith.constant 1 : i32
    %swap3A_1849 = arith.index_cast %swap3A_1848 : i32 to index
    %swap3A_1850 = arith.constant 112 : index
    %swap3A_1851 = tpu.vector_load %arg7[%swap3A_1849, %swap3A_1850] {strides = array<i32>} : memref<8x128xf32, #tpu.memory_space<vmem>>, vector<1x16xf32>,
    %swap3A_1852 = vector.shape_cast %swap3A_1851 : vector<1x16xf32> to vector<16xf32>
    %swap3A_1853 = vector.shape_cast %mul3A_1847 : vector<16xf32> to vector<1x16xf32>
    tpu.vector_store %arg7[%swap3A_1849, %swap3A_1850], %swap3A_1853 {strides = array<i32>} : memref<8x128xf32, #tpu.memory_space<vmem>>, vector<1x16xf32>,
    %mul3A_1854 = arith.mulf %mul3A_1805, %div3A_1839 : vector<16xf32>
    %swap3A_1855 = arith.constant 2 : i32
    %swap3A_1856 = arith.index_cast %swap3A_1855 : i32 to index
    %swap3A_1857 = arith.constant 112 : index
    %swap3A_1858 = tpu.vector_load %arg7[%swap3A_1856, %swap3A_1857] {strides = array<i32>} : memref<8x128xf32, #tpu.memory_space<vmem>>, vector<1x16xf32>,
    %swap3A_1859 = vector.shape_cast %swap3A_1858 : vector<1x16xf32> to vector<16xf32>
    %swap3A_1860 = vector.shape_cast %mul3A_1854 : vector<16xf32> to vector<1x16xf32>
    tpu.vector_store %arg7[%swap3A_1856, %swap3A_1857], %swap3A_1860 {strides = array<i32>} : memref<8x128xf32, #tpu.memory_space<vmem>>, vector<1x16xf32>,
    %mul3A_1861 = arith.mulf %mul3A_1808, %div3A_1839 : vector<16xf32>
    %swap3A_1862 = arith.constant 3 : i32
    %swap3A_1863 = arith.index_cast %swap3A_1862 : i32 to index
    %swap3A_1864 = arith.constant 112 : index
    %swap3A_1865 = tpu.vector_load %arg7[%swap3A_1863, %swap3A_1864] {strides = array<i32>} : memref<8x128xf32, #tpu.memory_space<vmem>>, vector<1x16xf32>,
    %swap3A_1866 = vector.shape_cast %swap3A_1865 : vector<1x16xf32> to vector<16xf32>
    %swap3A_1867 = vector.shape_cast %mul3A_1861 : vector<16xf32> to vector<1x16xf32>
    tpu.vector_store %arg7[%swap3A_1863, %swap3A_1864], %swap3A_1867 {strides = array<i32>} : memref<8x128xf32, #tpu.memory_space<vmem>>, vector<1x16xf32>,
    %mul3A_1868 = arith.mulf %mul3A_1811, %div3A_1839 : vector<16xf32>
    %swap3A_1869 = arith.constant 4 : i32
    %swap3A_1870 = arith.index_cast %swap3A_1869 : i32 to index
    %swap3A_1871 = arith.constant 112 : index
    %swap3A_1872 = tpu.vector_load %arg7[%swap3A_1870, %swap3A_1871] {strides = array<i32>} : memref<8x128xf32, #tpu.memory_space<vmem>>, vector<1x16xf32>,
    %swap3A_1873 = vector.shape_cast %swap3A_1872 : vector<1x16xf32> to vector<16xf32>
    %swap3A_1874 = vector.shape_cast %mul3A_1868 : vector<16xf32> to vector<1x16xf32>
    tpu.vector_store %arg7[%swap3A_1870, %swap3A_1871], %swap3A_1874 {strides = array<i32>} : memref<8x128xf32, #tpu.memory_space<vmem>>, vector<1x16xf32>,
    %mul3A_1875 = arith.mulf %mul3A_1814, %div3A_1839 : vector<16xf32>
    %swap3A_1876 = arith.constant 5 : i32
    %swap3A_1877 = arith.index_cast %swap3A_1876 : i32 to index
    %swap3A_1878 = arith.constant 112 : index
    %swap3A_1879 = tpu.vector_load %arg7[%swap3A_1877, %swap3A_1878] {strides = array<i32>} : memref<8x128xf32, #tpu.memory_space<vmem>>, vector<1x16xf32>,
    %swap3A_1880 = vector.shape_cast %swap3A_1879 : vector<1x16xf32> to vector<16xf32>
    %swap3A_1881 = vector.shape_cast %mul3A_1875 : vector<16xf32> to vector<1x16xf32>
    tpu.vector_store %arg7[%swap3A_1877, %swap3A_1878], %swap3A_1881 {strides = array<i32>} : memref<8x128xf32, #tpu.memory_space<vmem>>, vector<1x16xf32>,
    %mul3A_1882 = arith.mulf %mul3A_1817, %div3A_1839 : vector<16xf32>
    %swap3A_1883 = arith.constant 6 : i32
    %swap3A_1884 = arith.index_cast %swap3A_1883 : i32 to index
    %swap3A_1885 = arith.constant 112 : index
    %swap3A_1886 = tpu.vector_load %arg7[%swap3A_1884, %swap3A_1885] {strides = array<i32>} : memref<8x128xf32, #tpu.memory_space<vmem>>, vector<1x16xf32>,
    %swap3A_1887 = vector.shape_cast %swap3A_1886 : vector<1x16xf32> to vector<16xf32>
    %swap3A_1888 = vector.shape_cast %mul3A_1882 : vector<16xf32> to vector<1x16xf32>
    tpu.vector_store %arg7[%swap3A_1884, %swap3A_1885], %swap3A_1888 {strides = array<i32>} : memref<8x128xf32, #tpu.memory_space<vmem>>, vector<1x16xf32>,
    %mul3A_1889 = arith.mulf %mul3A_1820, %div3A_1839 : vector<16xf32>
    %swap3A_1890 = arith.constant 7 : i32
    %swap3A_1891 = arith.index_cast %swap3A_1890 : i32 to index
    %swap3A_1892 = arith.constant 112 : index
    %swap3A_1893 = tpu.vector_load %arg7[%swap3A_1891, %swap3A_1892] {strides = array<i32>} : memref<8x128xf32, #tpu.memory_space<vmem>>, vector<1x16xf32>,
    %swap3A_1894 = vector.shape_cast %swap3A_1893 : vector<1x16xf32> to vector<16xf32>
    %swap3A_1895 = vector.shape_cast %mul3A_1889 : vector<16xf32> to vector<1x16xf32>
    tpu.vector_store %arg7[%swap3A_1891, %swap3A_1892], %swap3A_1895 {strides = array<i32>} : memref<8x128xf32, #tpu.memory_space<vmem>>, vector<1x16xf32>,
    %run_scoped3A_1896 = arith.constant 0 : i32
    %run_scoped3A_1897 = arith.constant 0 : i32
    "tpu.region"() ({
      %run_scoped3A_1912 = tpu.sem_alloc : memref<!tpu.dma_semaphore, #tpu.memory_space<semaphore_mem>>
      %dma_start3A = arith.constant 0 : i32
      %dma_start3A_1913 = tpu.memref_slice %arg7[%run_scoped3A_1896, %dma_start3A] : memref<8x128xf32, #tpu.memory_space<vmem>> -> memref<1x128xf32, #tpu.memory_space<vmem>>
      %dma_start3A_1914 = tpu.memref_squeeze %dma_start3A_1913 : memref<1x128xf32, #tpu.memory_space<vmem>> -> memref<128xf32, #tpu.memory_space<vmem>>
      %dma_start3A_1915 = tpu.memref_slice %arg4[%run_scoped3A_1897, %mul3A_2] : memref<8x4096xf32, #tpu.memory_space<hbm>> -> memref<1x128xf32, #tpu.memory_space<hbm>>
      %dma_start3A_1916 = tpu.memref_squeeze %dma_start3A_1915 : memref<1x128xf32, #tpu.memory_space<hbm>> -> memref<128xf32, #tpu.memory_space<hbm>>
      %dma_start3A_1917 = tpu.memref_slice %arg4[%run_scoped3A_1897, %mul3A_2] : memref<8x4096xf32, #tpu.memory_space<hbm>> -> memref<1x128xf32, #tpu.memory_space<hbm>>
      %dma_start3A_1918 = tpu.memref_squeeze %dma_start3A_1917 : memref<1x128xf32, #tpu.memory_space<hbm>> -> memref<128xf32, #tpu.memory_space<hbm>>
      %dma_start3A_1919 = arith.constant 0 : i32
      %dma_start3A_1920 = tpu.memref_slice %arg7[%run_scoped3A_1896, %dma_start3A_1919] : memref<8x128xf32, #tpu.memory_space<vmem>> -> memref<1x128xf32, #tpu.memory_space<vmem>>
      %dma_start3A_1921 = tpu.memref_squeeze %dma_start3A_1920 : memref<1x128xf32, #tpu.memory_space<vmem>> -> memref<128xf32, #tpu.memory_space<vmem>>
      tpu.enqueue_dma source(%dma_start3A_1921 : memref<128xf32, #tpu.memory_space<vmem>>) target(%dma_start3A_1918 : memref<128xf32, #tpu.memory_space<hbm>>) target_semaphore(%run_scoped3A_1912 : memref<!tpu.dma_semaphore, #tpu.memory_space<semaphore_mem>>)
      %dma_wait3A = arith.constant 0 : i32
      %dma_wait3A_1922 = tpu.memref_slice %arg7[%run_scoped3A_1896, %dma_wait3A] : memref<8x128xf32, #tpu.memory_space<vmem>> -> memref<1x128xf32, #tpu.memory_space<vmem>>
      %dma_wait3A_1923 = tpu.memref_squeeze %dma_wait3A_1922 : memref<1x128xf32, #tpu.memory_space<vmem>> -> memref<128xf32, #tpu.memory_space<vmem>>
      %dma_wait3A_1924 = tpu.memref_slice %arg4[%run_scoped3A_1897, %mul3A_2] : memref<8x4096xf32, #tpu.memory_space<hbm>> -> memref<1x128xf32, #tpu.memory_space<hbm>>
      %dma_wait3A_1925 = tpu.memref_squeeze %dma_wait3A_1924 : memref<1x128xf32, #tpu.memory_space<hbm>> -> memref<128xf32, #tpu.memory_space<hbm>>
      %dma_wait3A_1926 = tpu.memref_slice %arg4[%run_scoped3A_1897, %mul3A_2] : memref<8x4096xf32, #tpu.memory_space<hbm>> -> memref<1x128xf32, #tpu.memory_space<hbm>>
      %dma_wait3A_1927 = tpu.memref_squeeze %dma_wait3A_1926 : memref<1x128xf32, #tpu.memory_space<hbm>> -> memref<128xf32, #tpu.memory_space<hbm>>
      %dma_wait3A_1928 = arith.constant 0 : i32
      %dma_wait3A_1929 = tpu.memref_slice %arg7[%run_scoped3A_1896, %dma_wait3A_1928] : memref<8x128xf32, #tpu.memory_space<vmem>> -> memref<1x128xf32, #tpu.memory_space<vmem>>
      %dma_wait3A_1930 = tpu.memref_squeeze %dma_wait3A_1929 : memref<1x128xf32, #tpu.memory_space<vmem>> -> memref<128xf32, #tpu.memory_space<vmem>>
      tpu.wait_dma2 semaphore(%run_scoped3A_1912 : memref<!tpu.dma_semaphore, #tpu.memory_space<semaphore_mem>>) src(%dma_wait3A_1930 : memref<128xf32, #tpu.memory_space<vmem>>) dst(%dma_wait3A_1927 : memref<128xf32, #tpu.memory_space<hbm>>)
      tpu.yield
    }) : () -> ()
    %run_scoped3A_1898 = arith.constant 1 : i32
    %run_scoped3A_1899 = arith.constant 1 : i32
    "tpu.region"() ({
      %run_scoped3A_1912 = tpu.sem_alloc : memref<!tpu.dma_semaphore, #tpu.memory_space<semaphore_mem>>
      %dma_start3A = arith.constant 0 : i32
      %dma_start3A_1913 = tpu.memref_slice %arg7[%run_scoped3A_1898, %dma_start3A] : memref<8x128xf32, #tpu.memory_space<vmem>> -> memref<1x128xf32, #tpu.memory_space<vmem>>
      %dma_start3A_1914 = tpu.memref_squeeze %dma_start3A_1913 : memref<1x128xf32, #tpu.memory_space<vmem>> -> memref<128xf32, #tpu.memory_space<vmem>>
      %dma_start3A_1915 = tpu.memref_slice %arg4[%run_scoped3A_1899, %mul3A_2] : memref<8x4096xf32, #tpu.memory_space<hbm>> -> memref<1x128xf32, #tpu.memory_space<hbm>>
      %dma_start3A_1916 = tpu.memref_squeeze %dma_start3A_1915 : memref<1x128xf32, #tpu.memory_space<hbm>> -> memref<128xf32, #tpu.memory_space<hbm>>
      %dma_start3A_1917 = tpu.memref_slice %arg4[%run_scoped3A_1899, %mul3A_2] : memref<8x4096xf32, #tpu.memory_space<hbm>> -> memref<1x128xf32, #tpu.memory_space<hbm>>
      %dma_start3A_1918 = tpu.memref_squeeze %dma_start3A_1917 : memref<1x128xf32, #tpu.memory_space<hbm>> -> memref<128xf32, #tpu.memory_space<hbm>>
      %dma_start3A_1919 = arith.constant 0 : i32
      %dma_start3A_1920 = tpu.memref_slice %arg7[%run_scoped3A_1898, %dma_start3A_1919] : memref<8x128xf32, #tpu.memory_space<vmem>> -> memref<1x128xf32, #tpu.memory_space<vmem>>
      %dma_start3A_1921 = tpu.memref_squeeze %dma_start3A_1920 : memref<1x128xf32, #tpu.memory_space<vmem>> -> memref<128xf32, #tpu.memory_space<vmem>>
      tpu.enqueue_dma source(%dma_start3A_1921 : memref<128xf32, #tpu.memory_space<vmem>>) target(%dma_start3A_1918 : memref<128xf32, #tpu.memory_space<hbm>>) target_semaphore(%run_scoped3A_1912 : memref<!tpu.dma_semaphore, #tpu.memory_space<semaphore_mem>>)
      %dma_wait3A = arith.constant 0 : i32
      %dma_wait3A_1922 = tpu.memref_slice %arg7[%run_scoped3A_1898, %dma_wait3A] : memref<8x128xf32, #tpu.memory_space<vmem>> -> memref<1x128xf32, #tpu.memory_space<vmem>>
      %dma_wait3A_1923 = tpu.memref_squeeze %dma_wait3A_1922 : memref<1x128xf32, #tpu.memory_space<vmem>> -> memref<128xf32, #tpu.memory_space<vmem>>
      %dma_wait3A_1924 = tpu.memref_slice %arg4[%run_scoped3A_1899, %mul3A_2] : memref<8x4096xf32, #tpu.memory_space<hbm>> -> memref<1x128xf32, #tpu.memory_space<hbm>>
      %dma_wait3A_1925 = tpu.memref_squeeze %dma_wait3A_1924 : memref<1x128xf32, #tpu.memory_space<hbm>> -> memref<128xf32, #tpu.memory_space<hbm>>
      %dma_wait3A_1926 = tpu.memref_slice %arg4[%run_scoped3A_1899, %mul3A_2] : memref<8x4096xf32, #tpu.memory_space<hbm>> -> memref<1x128xf32, #tpu.memory_space<hbm>>
      %dma_wait3A_1927 = tpu.memref_squeeze %dma_wait3A_1926 : memref<1x128xf32, #tpu.memory_space<hbm>> -> memref<128xf32, #tpu.memory_space<hbm>>
      %dma_wait3A_1928 = arith.constant 0 : i32
      %dma_wait3A_1929 = tpu.memref_slice %arg7[%run_scoped3A_1898, %dma_wait3A_1928] : memref<8x128xf32, #tpu.memory_space<vmem>> -> memref<1x128xf32, #tpu.memory_space<vmem>>
      %dma_wait3A_1930 = tpu.memref_squeeze %dma_wait3A_1929 : memref<1x128xf32, #tpu.memory_space<vmem>> -> memref<128xf32, #tpu.memory_space<vmem>>
      tpu.wait_dma2 semaphore(%run_scoped3A_1912 : memref<!tpu.dma_semaphore, #tpu.memory_space<semaphore_mem>>) src(%dma_wait3A_1930 : memref<128xf32, #tpu.memory_space<vmem>>) dst(%dma_wait3A_1927 : memref<128xf32, #tpu.memory_space<hbm>>)
      tpu.yield
    }) : () -> ()
    %run_scoped3A_1900 = arith.constant 2 : i32
    %run_scoped3A_1901 = arith.constant 2 : i32
    "tpu.region"() ({
      %run_scoped3A_1912 = tpu.sem_alloc : memref<!tpu.dma_semaphore, #tpu.memory_space<semaphore_mem>>
      %dma_start3A = arith.constant 0 : i32
      %dma_start3A_1913 = tpu.memref_slice %arg7[%run_scoped3A_1900, %dma_start3A] : memref<8x128xf32, #tpu.memory_space<vmem>> -> memref<1x128xf32, #tpu.memory_space<vmem>>
      %dma_start3A_1914 = tpu.memref_squeeze %dma_start3A_1913 : memref<1x128xf32, #tpu.memory_space<vmem>> -> memref<128xf32, #tpu.memory_space<vmem>>
      %dma_start3A_1915 = tpu.memref_slice %arg4[%run_scoped3A_1901, %mul3A_2] : memref<8x4096xf32, #tpu.memory_space<hbm>> -> memref<1x128xf32, #tpu.memory_space<hbm>>
      %dma_start3A_1916 = tpu.memref_squeeze %dma_start3A_1915 : memref<1x128xf32, #tpu.memory_space<hbm>> -> memref<128xf32, #tpu.memory_space<hbm>>
      %dma_start3A_1917 = tpu.memref_slice %arg4[%run_scoped3A_1901, %mul3A_2] : memref<8x4096xf32, #tpu.memory_space<hbm>> -> memref<1x128xf32, #tpu.memory_space<hbm>>
      %dma_start3A_1918 = tpu.memref_squeeze %dma_start3A_1917 : memref<1x128xf32, #tpu.memory_space<hbm>> -> memref<128xf32, #tpu.memory_space<hbm>>
      %dma_start3A_1919 = arith.constant 0 : i32
      %dma_start3A_1920 = tpu.memref_slice %arg7[%run_scoped3A_1900, %dma_start3A_1919] : memref<8x128xf32, #tpu.memory_space<vmem>> -> memref<1x128xf32, #tpu.memory_space<vmem>>
      %dma_start3A_1921 = tpu.memref_squeeze %dma_start3A_1920 : memref<1x128xf32, #tpu.memory_space<vmem>> -> memref<128xf32, #tpu.memory_space<vmem>>
      tpu.enqueue_dma source(%dma_start3A_1921 : memref<128xf32, #tpu.memory_space<vmem>>) target(%dma_start3A_1918 : memref<128xf32, #tpu.memory_space<hbm>>) target_semaphore(%run_scoped3A_1912 : memref<!tpu.dma_semaphore, #tpu.memory_space<semaphore_mem>>)
      %dma_wait3A = arith.constant 0 : i32
      %dma_wait3A_1922 = tpu.memref_slice %arg7[%run_scoped3A_1900, %dma_wait3A] : memref<8x128xf32, #tpu.memory_space<vmem>> -> memref<1x128xf32, #tpu.memory_space<vmem>>
      %dma_wait3A_1923 = tpu.memref_squeeze %dma_wait3A_1922 : memref<1x128xf32, #tpu.memory_space<vmem>> -> memref<128xf32, #tpu.memory_space<vmem>>
      %dma_wait3A_1924 = tpu.memref_slice %arg4[%run_scoped3A_1901, %mul3A_2] : memref<8x4096xf32, #tpu.memory_space<hbm>> -> memref<1x128xf32, #tpu.memory_space<hbm>>
      %dma_wait3A_1925 = tpu.memref_squeeze %dma_wait3A_1924 : memref<1x128xf32, #tpu.memory_space<hbm>> -> memref<128xf32, #tpu.memory_space<hbm>>
      %dma_wait3A_1926 = tpu.memref_slice %arg4[%run_scoped3A_1901, %mul3A_2] : memref<8x4096xf32, #tpu.memory_space<hbm>> -> memref<1x128xf32, #tpu.memory_space<hbm>>
      %dma_wait3A_1927 = tpu.memref_squeeze %dma_wait3A_1926 : memref<1x128xf32, #tpu.memory_space<hbm>> -> memref<128xf32, #tpu.memory_space<hbm>>
      %dma_wait3A_1928 = arith.constant 0 : i32
      %dma_wait3A_1929 = tpu.memref_slice %arg7[%run_scoped3A_1900, %dma_wait3A_1928] : memref<8x128xf32, #tpu.memory_space<vmem>> -> memref<1x128xf32, #tpu.memory_space<vmem>>
      %dma_wait3A_1930 = tpu.memref_squeeze %dma_wait3A_1929 : memref<1x128xf32, #tpu.memory_space<vmem>> -> memref<128xf32, #tpu.memory_space<vmem>>
      tpu.wait_dma2 semaphore(%run_scoped3A_1912 : memref<!tpu.dma_semaphore, #tpu.memory_space<semaphore_mem>>) src(%dma_wait3A_1930 : memref<128xf32, #tpu.memory_space<vmem>>) dst(%dma_wait3A_1927 : memref<128xf32, #tpu.memory_space<hbm>>)
      tpu.yield
    }) : () -> ()
    %run_scoped3A_1902 = arith.constant 3 : i32
    %run_scoped3A_1903 = arith.constant 3 : i32
    "tpu.region"() ({
      %run_scoped3A_1912 = tpu.sem_alloc : memref<!tpu.dma_semaphore, #tpu.memory_space<semaphore_mem>>
      %dma_start3A = arith.constant 0 : i32
      %dma_start3A_1913 = tpu.memref_slice %arg7[%run_scoped3A_1902, %dma_start3A] : memref<8x128xf32, #tpu.memory_space<vmem>> -> memref<1x128xf32, #tpu.memory_space<vmem>>
      %dma_start3A_1914 = tpu.memref_squeeze %dma_start3A_1913 : memref<1x128xf32, #tpu.memory_space<vmem>> -> memref<128xf32, #tpu.memory_space<vmem>>
      %dma_start3A_1915 = tpu.memref_slice %arg4[%run_scoped3A_1903, %mul3A_2] : memref<8x4096xf32, #tpu.memory_space<hbm>> -> memref<1x128xf32, #tpu.memory_space<hbm>>
      %dma_start3A_1916 = tpu.memref_squeeze %dma_start3A_1915 : memref<1x128xf32, #tpu.memory_space<hbm>> -> memref<128xf32, #tpu.memory_space<hbm>>
      %dma_start3A_1917 = tpu.memref_slice %arg4[%run_scoped3A_1903, %mul3A_2] : memref<8x4096xf32, #tpu.memory_space<hbm>> -> memref<1x128xf32, #tpu.memory_space<hbm>>
      %dma_start3A_1918 = tpu.memref_squeeze %dma_start3A_1917 : memref<1x128xf32, #tpu.memory_space<hbm>> -> memref<128xf32, #tpu.memory_space<hbm>>
      %dma_start3A_1919 = arith.constant 0 : i32
      %dma_start3A_1920 = tpu.memref_slice %arg7[%run_scoped3A_1902, %dma_start3A_1919] : memref<8x128xf32, #tpu.memory_space<vmem>> -> memref<1x128xf32, #tpu.memory_space<vmem>>
      %dma_start3A_1921 = tpu.memref_squeeze %dma_start3A_1920 : memref<1x128xf32, #tpu.memory_space<vmem>> -> memref<128xf32, #tpu.memory_space<vmem>>
      tpu.enqueue_dma source(%dma_start3A_1921 : memref<128xf32, #tpu.memory_space<vmem>>) target(%dma_start3A_1918 : memref<128xf32, #tpu.memory_space<hbm>>) target_semaphore(%run_scoped3A_1912 : memref<!tpu.dma_semaphore, #tpu.memory_space<semaphore_mem>>)
      %dma_wait3A = arith.constant 0 : i32
      %dma_wait3A_1922 = tpu.memref_slice %arg7[%run_scoped3A_1902, %dma_wait3A] : memref<8x128xf32, #tpu.memory_space<vmem>> -> memref<1x128xf32, #tpu.memory_space<vmem>>
      %dma_wait3A_1923 = tpu.memref_squeeze %dma_wait3A_1922 : memref<1x128xf32, #tpu.memory_space<vmem>> -> memref<128xf32, #tpu.memory_space<vmem>>
      %dma_wait3A_1924 = tpu.memref_slice %arg4[%run_scoped3A_1903, %mul3A_2] : memref<8x4096xf32, #tpu.memory_space<hbm>> -> memref<1x128xf32, #tpu.memory_space<hbm>>
      %dma_wait3A_1925 = tpu.memref_squeeze %dma_wait3A_1924 : memref<1x128xf32, #tpu.memory_space<hbm>> -> memref<128xf32, #tpu.memory_space<hbm>>
      %dma_wait3A_1926 = tpu.memref_slice %arg4[%run_scoped3A_1903, %mul3A_2] : memref<8x4096xf32, #tpu.memory_space<hbm>> -> memref<1x128xf32, #tpu.memory_space<hbm>>
      %dma_wait3A_1927 = tpu.memref_squeeze %dma_wait3A_1926 : memref<1x128xf32, #tpu.memory_space<hbm>> -> memref<128xf32, #tpu.memory_space<hbm>>
      %dma_wait3A_1928 = arith.constant 0 : i32
      %dma_wait3A_1929 = tpu.memref_slice %arg7[%run_scoped3A_1902, %dma_wait3A_1928] : memref<8x128xf32, #tpu.memory_space<vmem>> -> memref<1x128xf32, #tpu.memory_space<vmem>>
      %dma_wait3A_1930 = tpu.memref_squeeze %dma_wait3A_1929 : memref<1x128xf32, #tpu.memory_space<vmem>> -> memref<128xf32, #tpu.memory_space<vmem>>
      tpu.wait_dma2 semaphore(%run_scoped3A_1912 : memref<!tpu.dma_semaphore, #tpu.memory_space<semaphore_mem>>) src(%dma_wait3A_1930 : memref<128xf32, #tpu.memory_space<vmem>>) dst(%dma_wait3A_1927 : memref<128xf32, #tpu.memory_space<hbm>>)
      tpu.yield
    }) : () -> ()
    %run_scoped3A_1904 = arith.constant 4 : i32
    %run_scoped3A_1905 = arith.constant 4 : i32
    "tpu.region"() ({
      %run_scoped3A_1912 = tpu.sem_alloc : memref<!tpu.dma_semaphore, #tpu.memory_space<semaphore_mem>>
      %dma_start3A = arith.constant 0 : i32
      %dma_start3A_1913 = tpu.memref_slice %arg7[%run_scoped3A_1904, %dma_start3A] : memref<8x128xf32, #tpu.memory_space<vmem>> -> memref<1x128xf32, #tpu.memory_space<vmem>>
      %dma_start3A_1914 = tpu.memref_squeeze %dma_start3A_1913 : memref<1x128xf32, #tpu.memory_space<vmem>> -> memref<128xf32, #tpu.memory_space<vmem>>
      %dma_start3A_1915 = tpu.memref_slice %arg4[%run_scoped3A_1905, %mul3A_2] : memref<8x4096xf32, #tpu.memory_space<hbm>> -> memref<1x128xf32, #tpu.memory_space<hbm>>
      %dma_start3A_1916 = tpu.memref_squeeze %dma_start3A_1915 : memref<1x128xf32, #tpu.memory_space<hbm>> -> memref<128xf32, #tpu.memory_space<hbm>>
      %dma_start3A_1917 = tpu.memref_slice %arg4[%run_scoped3A_1905, %mul3A_2] : memref<8x4096xf32, #tpu.memory_space<hbm>> -> memref<1x128xf32, #tpu.memory_space<hbm>>
      %dma_start3A_1918 = tpu.memref_squeeze %dma_start3A_1917 : memref<1x128xf32, #tpu.memory_space<hbm>> -> memref<128xf32, #tpu.memory_space<hbm>>
      %dma_start3A_1919 = arith.constant 0 : i32
      %dma_start3A_1920 = tpu.memref_slice %arg7[%run_scoped3A_1904, %dma_start3A_1919] : memref<8x128xf32, #tpu.memory_space<vmem>> -> memref<1x128xf32, #tpu.memory_space<vmem>>
      %dma_start3A_1921 = tpu.memref_squeeze %dma_start3A_1920 : memref<1x128xf32, #tpu.memory_space<vmem>> -> memref<128xf32, #tpu.memory_space<vmem>>
      tpu.enqueue_dma source(%dma_start3A_1921 : memref<128xf32, #tpu.memory_space<vmem>>) target(%dma_start3A_1918 : memref<128xf32, #tpu.memory_space<hbm>>) target_semaphore(%run_scoped3A_1912 : memref<!tpu.dma_semaphore, #tpu.memory_space<semaphore_mem>>)
      %dma_wait3A = arith.constant 0 : i32
      %dma_wait3A_1922 = tpu.memref_slice %arg7[%run_scoped3A_1904, %dma_wait3A] : memref<8x128xf32, #tpu.memory_space<vmem>> -> memref<1x128xf32, #tpu.memory_space<vmem>>
      %dma_wait3A_1923 = tpu.memref_squeeze %dma_wait3A_1922 : memref<1x128xf32, #tpu.memory_space<vmem>> -> memref<128xf32, #tpu.memory_space<vmem>>
      %dma_wait3A_1924 = tpu.memref_slice %arg4[%run_scoped3A_1905, %mul3A_2] : memref<8x4096xf32, #tpu.memory_space<hbm>> -> memref<1x128xf32, #tpu.memory_space<hbm>>
      %dma_wait3A_1925 = tpu.memref_squeeze %dma_wait3A_1924 : memref<1x128xf32, #tpu.memory_space<hbm>> -> memref<128xf32, #tpu.memory_space<hbm>>
      %dma_wait3A_1926 = tpu.memref_slice %arg4[%run_scoped3A_1905, %mul3A_2] : memref<8x4096xf32, #tpu.memory_space<hbm>> -> memref<1x128xf32, #tpu.memory_space<hbm>>
      %dma_wait3A_1927 = tpu.memref_squeeze %dma_wait3A_1926 : memref<1x128xf32, #tpu.memory_space<hbm>> -> memref<128xf32, #tpu.memory_space<hbm>>
      %dma_wait3A_1928 = arith.constant 0 : i32
      %dma_wait3A_1929 = tpu.memref_slice %arg7[%run_scoped3A_1904, %dma_wait3A_1928] : memref<8x128xf32, #tpu.memory_space<vmem>> -> memref<1x128xf32, #tpu.memory_space<vmem>>
      %dma_wait3A_1930 = tpu.memref_squeeze %dma_wait3A_1929 : memref<1x128xf32, #tpu.memory_space<vmem>> -> memref<128xf32, #tpu.memory_space<vmem>>
      tpu.wait_dma2 semaphore(%run_scoped3A_1912 : memref<!tpu.dma_semaphore, #tpu.memory_space<semaphore_mem>>) src(%dma_wait3A_1930 : memref<128xf32, #tpu.memory_space<vmem>>) dst(%dma_wait3A_1927 : memref<128xf32, #tpu.memory_space<hbm>>)
      tpu.yield
    }) : () -> ()
    %run_scoped3A_1906 = arith.constant 5 : i32
    %run_scoped3A_1907 = arith.constant 5 : i32
    "tpu.region"() ({
      %run_scoped3A_1912 = tpu.sem_alloc : memref<!tpu.dma_semaphore, #tpu.memory_space<semaphore_mem>>
      %dma_start3A = arith.constant 0 : i32
      %dma_start3A_1913 = tpu.memref_slice %arg7[%run_scoped3A_1906, %dma_start3A] : memref<8x128xf32, #tpu.memory_space<vmem>> -> memref<1x128xf32, #tpu.memory_space<vmem>>
      %dma_start3A_1914 = tpu.memref_squeeze %dma_start3A_1913 : memref<1x128xf32, #tpu.memory_space<vmem>> -> memref<128xf32, #tpu.memory_space<vmem>>
      %dma_start3A_1915 = tpu.memref_slice %arg4[%run_scoped3A_1907, %mul3A_2] : memref<8x4096xf32, #tpu.memory_space<hbm>> -> memref<1x128xf32, #tpu.memory_space<hbm>>
      %dma_start3A_1916 = tpu.memref_squeeze %dma_start3A_1915 : memref<1x128xf32, #tpu.memory_space<hbm>> -> memref<128xf32, #tpu.memory_space<hbm>>
      %dma_start3A_1917 = tpu.memref_slice %arg4[%run_scoped3A_1907, %mul3A_2] : memref<8x4096xf32, #tpu.memory_space<hbm>> -> memref<1x128xf32, #tpu.memory_space<hbm>>
      %dma_start3A_1918 = tpu.memref_squeeze %dma_start3A_1917 : memref<1x128xf32, #tpu.memory_space<hbm>> -> memref<128xf32, #tpu.memory_space<hbm>>
      %dma_start3A_1919 = arith.constant 0 : i32
      %dma_start3A_1920 = tpu.memref_slice %arg7[%run_scoped3A_1906, %dma_start3A_1919] : memref<8x128xf32, #tpu.memory_space<vmem>> -> memref<1x128xf32, #tpu.memory_space<vmem>>
      %dma_start3A_1921 = tpu.memref_squeeze %dma_start3A_1920 : memref<1x128xf32, #tpu.memory_space<vmem>> -> memref<128xf32, #tpu.memory_space<vmem>>
      tpu.enqueue_dma source(%dma_start3A_1921 : memref<128xf32, #tpu.memory_space<vmem>>) target(%dma_start3A_1918 : memref<128xf32, #tpu.memory_space<hbm>>) target_semaphore(%run_scoped3A_1912 : memref<!tpu.dma_semaphore, #tpu.memory_space<semaphore_mem>>)
      %dma_wait3A = arith.constant 0 : i32
      %dma_wait3A_1922 = tpu.memref_slice %arg7[%run_scoped3A_1906, %dma_wait3A] : memref<8x128xf32, #tpu.memory_space<vmem>> -> memref<1x128xf32, #tpu.memory_space<vmem>>
      %dma_wait3A_1923 = tpu.memref_squeeze %dma_wait3A_1922 : memref<1x128xf32, #tpu.memory_space<vmem>> -> memref<128xf32, #tpu.memory_space<vmem>>
      %dma_wait3A_1924 = tpu.memref_slice %arg4[%run_scoped3A_1907, %mul3A_2] : memref<8x4096xf32, #tpu.memory_space<hbm>> -> memref<1x128xf32, #tpu.memory_space<hbm>>
      %dma_wait3A_1925 = tpu.memref_squeeze %dma_wait3A_1924 : memref<1x128xf32, #tpu.memory_space<hbm>> -> memref<128xf32, #tpu.memory_space<hbm>>
      %dma_wait3A_1926 = tpu.memref_slice %arg4[%run_scoped3A_1907, %mul3A_2] : memref<8x4096xf32, #tpu.memory_space<hbm>> -> memref<1x128xf32, #tpu.memory_space<hbm>>
      %dma_wait3A_1927 = tpu.memref_squeeze %dma_wait3A_1926 : memref<1x128xf32, #tpu.memory_space<hbm>> -> memref<128xf32, #tpu.memory_space<hbm>>
      %dma_wait3A_1928 = arith.constant 0 : i32
      %dma_wait3A_1929 = tpu.memref_slice %arg7[%run_scoped3A_1906, %dma_wait3A_1928] : memref<8x128xf32, #tpu.memory_space<vmem>> -> memref<1x128xf32, #tpu.memory_space<vmem>>
      %dma_wait3A_1930 = tpu.memref_squeeze %dma_wait3A_1929 : memref<1x128xf32, #tpu.memory_space<vmem>> -> memref<128xf32, #tpu.memory_space<vmem>>
      tpu.wait_dma2 semaphore(%run_scoped3A_1912 : memref<!tpu.dma_semaphore, #tpu.memory_space<semaphore_mem>>) src(%dma_wait3A_1930 : memref<128xf32, #tpu.memory_space<vmem>>) dst(%dma_wait3A_1927 : memref<128xf32, #tpu.memory_space<hbm>>)
      tpu.yield
    }) : () -> ()
    %run_scoped3A_1908 = arith.constant 6 : i32
    %run_scoped3A_1909 = arith.constant 6 : i32
    "tpu.region"() ({
      %run_scoped3A_1912 = tpu.sem_alloc : memref<!tpu.dma_semaphore, #tpu.memory_space<semaphore_mem>>
      %dma_start3A = arith.constant 0 : i32
      %dma_start3A_1913 = tpu.memref_slice %arg7[%run_scoped3A_1908, %dma_start3A] : memref<8x128xf32, #tpu.memory_space<vmem>> -> memref<1x128xf32, #tpu.memory_space<vmem>>
      %dma_start3A_1914 = tpu.memref_squeeze %dma_start3A_1913 : memref<1x128xf32, #tpu.memory_space<vmem>> -> memref<128xf32, #tpu.memory_space<vmem>>
      %dma_start3A_1915 = tpu.memref_slice %arg4[%run_scoped3A_1909, %mul3A_2] : memref<8x4096xf32, #tpu.memory_space<hbm>> -> memref<1x128xf32, #tpu.memory_space<hbm>>
      %dma_start3A_1916 = tpu.memref_squeeze %dma_start3A_1915 : memref<1x128xf32, #tpu.memory_space<hbm>> -> memref<128xf32, #tpu.memory_space<hbm>>
      %dma_start3A_1917 = tpu.memref_slice %arg4[%run_scoped3A_1909, %mul3A_2] : memref<8x4096xf32, #tpu.memory_space<hbm>> -> memref<1x128xf32, #tpu.memory_space<hbm>>
      %dma_start3A_1918 = tpu.memref_squeeze %dma_start3A_1917 : memref<1x128xf32, #tpu.memory_space<hbm>> -> memref<128xf32, #tpu.memory_space<hbm>>
      %dma_start3A_1919 = arith.constant 0 : i32
      %dma_start3A_1920 = tpu.memref_slice %arg7[%run_scoped3A_1908, %dma_start3A_1919] : memref<8x128xf32, #tpu.memory_space<vmem>> -> memref<1x128xf32, #tpu.memory_space<vmem>>
      %dma_start3A_1921 = tpu.memref_squeeze %dma_start3A_1920 : memref<1x128xf32, #tpu.memory_space<vmem>> -> memref<128xf32, #tpu.memory_space<vmem>>
      tpu.enqueue_dma source(%dma_start3A_1921 : memref<128xf32, #tpu.memory_space<vmem>>) target(%dma_start3A_1918 : memref<128xf32, #tpu.memory_space<hbm>>) target_semaphore(%run_scoped3A_1912 : memref<!tpu.dma_semaphore, #tpu.memory_space<semaphore_mem>>)
      %dma_wait3A = arith.constant 0 : i32
      %dma_wait3A_1922 = tpu.memref_slice %arg7[%run_scoped3A_1908, %dma_wait3A] : memref<8x128xf32, #tpu.memory_space<vmem>> -> memref<1x128xf32, #tpu.memory_space<vmem>>
      %dma_wait3A_1923 = tpu.memref_squeeze %dma_wait3A_1922 : memref<1x128xf32, #tpu.memory_space<vmem>> -> memref<128xf32, #tpu.memory_space<vmem>>
      %dma_wait3A_1924 = tpu.memref_slice %arg4[%run_scoped3A_1909, %mul3A_2] : memref<8x4096xf32, #tpu.memory_space<hbm>> -> memref<1x128xf32, #tpu.memory_space<hbm>>
      %dma_wait3A_1925 = tpu.memref_squeeze %dma_wait3A_1924 : memref<1x128xf32, #tpu.memory_space<hbm>> -> memref<128xf32, #tpu.memory_space<hbm>>
      %dma_wait3A_1926 = tpu.memref_slice %arg4[%run_scoped3A_1909, %mul3A_2] : memref<8x4096xf32, #tpu.memory_space<hbm>> -> memref<1x128xf32, #tpu.memory_space<hbm>>
      %dma_wait3A_1927 = tpu.memref_squeeze %dma_wait3A_1926 : memref<1x128xf32, #tpu.memory_space<hbm>> -> memref<128xf32, #tpu.memory_space<hbm>>
      %dma_wait3A_1928 = arith.constant 0 : i32
      %dma_wait3A_1929 = tpu.memref_slice %arg7[%run_scoped3A_1908, %dma_wait3A_1928] : memref<8x128xf32, #tpu.memory_space<vmem>> -> memref<1x128xf32, #tpu.memory_space<vmem>>
      %dma_wait3A_1930 = tpu.memref_squeeze %dma_wait3A_1929 : memref<1x128xf32, #tpu.memory_space<vmem>> -> memref<128xf32, #tpu.memory_space<vmem>>
      tpu.wait_dma2 semaphore(%run_scoped3A_1912 : memref<!tpu.dma_semaphore, #tpu.memory_space<semaphore_mem>>) src(%dma_wait3A_1930 : memref<128xf32, #tpu.memory_space<vmem>>) dst(%dma_wait3A_1927 : memref<128xf32, #tpu.memory_space<hbm>>)
      tpu.yield
    }) : () -> ()
    %run_scoped3A_1910 = arith.constant 7 : i32
    %run_scoped3A_1911 = arith.constant 7 : i32
    "tpu.region"() ({
      %run_scoped3A_1912 = tpu.sem_alloc : memref<!tpu.dma_semaphore, #tpu.memory_space<semaphore_mem>>
      %dma_start3A = arith.constant 0 : i32
      %dma_start3A_1913 = tpu.memref_slice %arg7[%run_scoped3A_1910, %dma_start3A] : memref<8x128xf32, #tpu.memory_space<vmem>> -> memref<1x128xf32, #tpu.memory_space<vmem>>
      %dma_start3A_1914 = tpu.memref_squeeze %dma_start3A_1913 : memref<1x128xf32, #tpu.memory_space<vmem>> -> memref<128xf32, #tpu.memory_space<vmem>>
      %dma_start3A_1915 = tpu.memref_slice %arg4[%run_scoped3A_1911, %mul3A_2] : memref<8x4096xf32, #tpu.memory_space<hbm>> -> memref<1x128xf32, #tpu.memory_space<hbm>>
      %dma_start3A_1916 = tpu.memref_squeeze %dma_start3A_1915 : memref<1x128xf32, #tpu.memory_space<hbm>> -> memref<128xf32, #tpu.memory_space<hbm>>
      %dma_start3A_1917 = tpu.memref_slice %arg4[%run_scoped3A_1911, %mul3A_2] : memref<8x4096xf32, #tpu.memory_space<hbm>> -> memref<1x128xf32, #tpu.memory_space<hbm>>
      %dma_start3A_1918 = tpu.memref_squeeze %dma_start3A_1917 : memref<1x128xf32, #tpu.memory_space<hbm>> -> memref<128xf32, #tpu.memory_space<hbm>>
      %dma_start3A_1919 = arith.constant 0 : i32
      %dma_start3A_1920 = tpu.memref_slice %arg7[%run_scoped3A_1910, %dma_start3A_1919] : memref<8x128xf32, #tpu.memory_space<vmem>> -> memref<1x128xf32, #tpu.memory_space<vmem>>
      %dma_start3A_1921 = tpu.memref_squeeze %dma_start3A_1920 : memref<1x128xf32, #tpu.memory_space<vmem>> -> memref<128xf32, #tpu.memory_space<vmem>>
      tpu.enqueue_dma source(%dma_start3A_1921 : memref<128xf32, #tpu.memory_space<vmem>>) target(%dma_start3A_1918 : memref<128xf32, #tpu.memory_space<hbm>>) target_semaphore(%run_scoped3A_1912 : memref<!tpu.dma_semaphore, #tpu.memory_space<semaphore_mem>>)
      %dma_wait3A = arith.constant 0 : i32
      %dma_wait3A_1922 = tpu.memref_slice %arg7[%run_scoped3A_1910, %dma_wait3A] : memref<8x128xf32, #tpu.memory_space<vmem>> -> memref<1x128xf32, #tpu.memory_space<vmem>>
      %dma_wait3A_1923 = tpu.memref_squeeze %dma_wait3A_1922 : memref<1x128xf32, #tpu.memory_space<vmem>> -> memref<128xf32, #tpu.memory_space<vmem>>
      %dma_wait3A_1924 = tpu.memref_slice %arg4[%run_scoped3A_1911, %mul3A_2] : memref<8x4096xf32, #tpu.memory_space<hbm>> -> memref<1x128xf32, #tpu.memory_space<hbm>>
      %dma_wait3A_1925 = tpu.memref_squeeze %dma_wait3A_1924 : memref<1x128xf32, #tpu.memory_space<hbm>> -> memref<128xf32, #tpu.memory_space<hbm>>
      %dma_wait3A_1926 = tpu.memref_slice %arg4[%run_scoped3A_1911, %mul3A_2] : memref<8x4096xf32, #tpu.memory_space<hbm>> -> memref<1x128xf32, #tpu.memory_space<hbm>>
      %dma_wait3A_1927 = tpu.memref_squeeze %dma_wait3A_1926 : memref<1x128xf32, #tpu.memory_space<hbm>> -> memref<128xf32, #tpu.memory_space<hbm>>
      %dma_wait3A_1928 = arith.constant 0 : i32
      %dma_wait3A_1929 = tpu.memref_slice %arg7[%run_scoped3A_1910, %dma_wait3A_1928] : memref<8x128xf32, #tpu.memory_space<vmem>> -> memref<1x128xf32, #tpu.memory_space<vmem>>
      %dma_wait3A_1930 = tpu.memref_squeeze %dma_wait3A_1929 : memref<1x128xf32, #tpu.memory_space<vmem>> -> memref<128xf32, #tpu.memory_space<vmem>>
      tpu.wait_dma2 semaphore(%run_scoped3A_1912 : memref<!tpu.dma_semaphore, #tpu.memory_space<semaphore_mem>>) src(%dma_wait3A_1930 : memref<128xf32, #tpu.memory_space<vmem>>) dst(%dma_wait3A_1927 : memref<128xf32, #tpu.memory_space<hbm>>)
      tpu.yield
    }) : () -> ()
    return
  }
}

module attributes {stable_mosaic.version = 14 : i64} {
  func.func @_gating_block_kernel(%arg0: i32, %arg1: memref<8x256x1024xf32, #tpu.memory_space<vmem>>, %arg2: memref<256x8xf32, #tpu.memory_space<vmem>>, %arg3: memref<1024x2048xf32, #tpu.memory_space<vmem>>, %arg4: memref<1x2048xf32, #tpu.memory_space<vmem>>, %arg5: memref<1x2048xf32, #tpu.memory_space<vmem>>, %arg6: memref<1x1xf32, #tpu.memory_space<vmem>>, %arg7: memref<1024x2048xf32, #tpu.memory_space<vmem>>, %arg8: memref<1x2048xf32, #tpu.memory_space<vmem>>, %arg9: memref<1x2048xf32, #tpu.memory_space<vmem>>, %arg10: memref<1x1xf32, #tpu.memory_space<vmem>>, %arg11: memref<256x1xf32, #tpu.memory_space<vmem>>, %arg12: memref<8x256xf32, #tpu.memory_space<vmem>>) attributes {dimension_semantics = [#tpu.dimension_semantics<arbitrary>], iteration_bounds = array<i64: 16>, scalar_prefetch = 0 : i64, scratch_operands = 0 : i64, tpu.core_type = #tpu.core_type<tc>, window_params = [{transform_indices = @transform_0, window_bounds = array<i64: 8, 256, 1024>}, {transform_indices = @transform_1, window_bounds = array<i64: 256, 8>}, {pipeline_mode = #tpu.pipeline_mode<synchronous>, transform_indices = @transform_2, window_bounds = array<i64: 1024, 2048>}, {pipeline_mode = #tpu.pipeline_mode<synchronous>, transform_indices = @transform_3, window_bounds = array<i64: 1, 2048>}, {pipeline_mode = #tpu.pipeline_mode<synchronous>, transform_indices = @transform_4, window_bounds = array<i64: 1, 2048>}, {pipeline_mode = #tpu.pipeline_mode<synchronous>, transform_indices = @transform_5, window_bounds = array<i64: 1, 1>}, {pipeline_mode = #tpu.pipeline_mode<synchronous>, transform_indices = @transform_6, window_bounds = array<i64: 1024, 2048>}, {pipeline_mode = #tpu.pipeline_mode<synchronous>, transform_indices = @transform_7, window_bounds = array<i64: 1, 2048>}, {pipeline_mode = #tpu.pipeline_mode<synchronous>, transform_indices = @transform_8, window_bounds = array<i64: 1, 2048>}, {pipeline_mode = #tpu.pipeline_mode<synchronous>, transform_indices = @transform_9, window_bounds = array<i64: 1, 1>}, {transform_indices = @transform_10, window_bounds = array<i64: 256, 1>}, {transform_indices = @transform_11, window_bounds = array<i64: 8, 256>}]} {
    %get3A = arith.constant 0 : index
    %get3A_0 = arith.constant 0 : index
    %get3A_1 = vector.load %arg3[%get3A, %get3A_0] : memref<1024x2048xf32, #tpu.memory_space<vmem>>, vector<1024x2048xf32>
    %get3A_2 = arith.constant 0 : index
    %get3A_3 = arith.constant 0 : index
    %get3A_4 = vector.load %arg4[%get3A_2, %get3A_3] : memref<1x2048xf32, #tpu.memory_space<vmem>>, vector<1x2048xf32>
    %get3A_5 = arith.constant 0 : index
    %get3A_6 = arith.constant 0 : index
    %get3A_7 = vector.load %arg5[%get3A_5, %get3A_6] : memref<1x2048xf32, #tpu.memory_space<vmem>>, vector<1x2048xf32>
    %get3A_8 = arith.constant 0 : index
    %get3A_9 = arith.constant 0 : index
    %get3A_10 = vector.load %arg2[%get3A_8, %get3A_9] : memref<256x8xf32, #tpu.memory_space<vmem>>, vector<256x8xf32>
    %get3A_11 = arith.constant 0 : index
    %get3A_12 = arith.constant 0 : index
    %get3A_13 = arith.constant 0 : index
    %get3A_14 = vector.load %arg1[%get3A_11, %get3A_12, %get3A_13] : memref<8x256x1024xf32, #tpu.memory_space<vmem>>, vector<1x256x1024xf32>
    %get3A_15 = vector.shape_cast %get3A_14 : vector<1x256x1024xf32> to vector<256x1024xf32>
    %dot_general3A = arith.constant dense<0.000000e+00> : vector<256x2048xf32>
    %dot_general3A_16 = tpu.matmul %get3A_15, %get3A_1, %dot_general3A {dimension_numbers = #tpu.dot_dimension_numbers<[1], [0], [0], [1], [0, 0, 1, 1], [], []>, transpose_lhs_hint = false} : vector<256x1024xf32>, vector<1024x2048xf32>, vector<256x2048xf32> -> vector<256x2048xf32>
    %add3A = vector.broadcast %get3A_4 : vector<1x2048xf32> to vector<256x2048xf32>
    %add3A_17 = arith.addf %dot_general3A_16, %add3A : vector<256x2048xf32>
    %max3A = arith.constant 0.000000e+00 : f32
    %max3A_18 = vector.broadcast %max3A : f32 to vector<256x2048xf32>
    %max3A_19 = arith.maximumf %add3A_17, %max3A_18 : vector<256x2048xf32>
    %mul3A = vector.broadcast %get3A_7 : vector<1x2048xf32> to vector<256x2048xf32>
    %mul3A_20 = arith.mulf %max3A_19, %mul3A : vector<256x2048xf32>
    %reduce_sum3A = arith.constant dense<0.000000e+00> : vector<256xf32>
    %reduce_sum3A_21 = vector.multi_reduction <add>, %mul3A_20, %reduce_sum3A [1] : vector<256x2048xf32> to vector<256xf32>
    %get3A_22 = arith.constant 1 : index
    %get3A_23 = arith.constant 0 : index
    %get3A_24 = arith.constant 0 : index
    %get3A_25 = vector.load %arg1[%get3A_22, %get3A_23, %get3A_24] : memref<8x256x1024xf32, #tpu.memory_space<vmem>>, vector<1x256x1024xf32>
    %get3A_26 = vector.shape_cast %get3A_25 : vector<1x256x1024xf32> to vector<256x1024xf32>
    %dot_general3A_27 = arith.constant dense<0.000000e+00> : vector<256x2048xf32>
    %dot_general3A_28 = tpu.matmul %get3A_26, %get3A_1, %dot_general3A_27 {dimension_numbers = #tpu.dot_dimension_numbers<[1], [0], [0], [1], [0, 0, 1, 1], [], []>, transpose_lhs_hint = false} : vector<256x1024xf32>, vector<1024x2048xf32>, vector<256x2048xf32> -> vector<256x2048xf32>
    %add3A_29 = vector.broadcast %get3A_4 : vector<1x2048xf32> to vector<256x2048xf32>
    %add3A_30 = arith.addf %dot_general3A_28, %add3A_29 : vector<256x2048xf32>
    %max3A_31 = arith.constant 0.000000e+00 : f32
    %max3A_32 = vector.broadcast %max3A_31 : f32 to vector<256x2048xf32>
    %max3A_33 = arith.maximumf %add3A_30, %max3A_32 : vector<256x2048xf32>
    %mul3A_34 = vector.broadcast %get3A_7 : vector<1x2048xf32> to vector<256x2048xf32>
    %mul3A_35 = arith.mulf %max3A_33, %mul3A_34 : vector<256x2048xf32>
    %reduce_sum3A_36 = arith.constant dense<0.000000e+00> : vector<256xf32>
    %reduce_sum3A_37 = vector.multi_reduction <add>, %mul3A_35, %reduce_sum3A_36 [1] : vector<256x2048xf32> to vector<256xf32>
    %get3A_38 = arith.constant 2 : index
    %get3A_39 = arith.constant 0 : index
    %get3A_40 = arith.constant 0 : index
    %get3A_41 = vector.load %arg1[%get3A_38, %get3A_39, %get3A_40] : memref<8x256x1024xf32, #tpu.memory_space<vmem>>, vector<1x256x1024xf32>
    %get3A_42 = vector.shape_cast %get3A_41 : vector<1x256x1024xf32> to vector<256x1024xf32>
    %dot_general3A_43 = arith.constant dense<0.000000e+00> : vector<256x2048xf32>
    %dot_general3A_44 = tpu.matmul %get3A_42, %get3A_1, %dot_general3A_43 {dimension_numbers = #tpu.dot_dimension_numbers<[1], [0], [0], [1], [0, 0, 1, 1], [], []>, transpose_lhs_hint = false} : vector<256x1024xf32>, vector<1024x2048xf32>, vector<256x2048xf32> -> vector<256x2048xf32>
    %add3A_45 = vector.broadcast %get3A_4 : vector<1x2048xf32> to vector<256x2048xf32>
    %add3A_46 = arith.addf %dot_general3A_44, %add3A_45 : vector<256x2048xf32>
    %max3A_47 = arith.constant 0.000000e+00 : f32
    %max3A_48 = vector.broadcast %max3A_47 : f32 to vector<256x2048xf32>
    %max3A_49 = arith.maximumf %add3A_46, %max3A_48 : vector<256x2048xf32>
    %mul3A_50 = vector.broadcast %get3A_7 : vector<1x2048xf32> to vector<256x2048xf32>
    %mul3A_51 = arith.mulf %max3A_49, %mul3A_50 : vector<256x2048xf32>
    %reduce_sum3A_52 = arith.constant dense<0.000000e+00> : vector<256xf32>
    %reduce_sum3A_53 = vector.multi_reduction <add>, %mul3A_51, %reduce_sum3A_52 [1] : vector<256x2048xf32> to vector<256xf32>
    %get3A_54 = arith.constant 3 : index
    %get3A_55 = arith.constant 0 : index
    %get3A_56 = arith.constant 0 : index
    %get3A_57 = vector.load %arg1[%get3A_54, %get3A_55, %get3A_56] : memref<8x256x1024xf32, #tpu.memory_space<vmem>>, vector<1x256x1024xf32>
    %get3A_58 = vector.shape_cast %get3A_57 : vector<1x256x1024xf32> to vector<256x1024xf32>
    %dot_general3A_59 = arith.constant dense<0.000000e+00> : vector<256x2048xf32>
    %dot_general3A_60 = tpu.matmul %get3A_58, %get3A_1, %dot_general3A_59 {dimension_numbers = #tpu.dot_dimension_numbers<[1], [0], [0], [1], [0, 0, 1, 1], [], []>, transpose_lhs_hint = false} : vector<256x1024xf32>, vector<1024x2048xf32>, vector<256x2048xf32> -> vector<256x2048xf32>
    %add3A_61 = vector.broadcast %get3A_4 : vector<1x2048xf32> to vector<256x2048xf32>
    %add3A_62 = arith.addf %dot_general3A_60, %add3A_61 : vector<256x2048xf32>
    %max3A_63 = arith.constant 0.000000e+00 : f32
    %max3A_64 = vector.broadcast %max3A_63 : f32 to vector<256x2048xf32>
    %max3A_65 = arith.maximumf %add3A_62, %max3A_64 : vector<256x2048xf32>
    %mul3A_66 = vector.broadcast %get3A_7 : vector<1x2048xf32> to vector<256x2048xf32>
    %mul3A_67 = arith.mulf %max3A_65, %mul3A_66 : vector<256x2048xf32>
    %reduce_sum3A_68 = arith.constant dense<0.000000e+00> : vector<256xf32>
    %reduce_sum3A_69 = vector.multi_reduction <add>, %mul3A_67, %reduce_sum3A_68 [1] : vector<256x2048xf32> to vector<256xf32>
    %get3A_70 = arith.constant 4 : index
    %get3A_71 = arith.constant 0 : index
    %get3A_72 = arith.constant 0 : index
    %get3A_73 = vector.load %arg1[%get3A_70, %get3A_71, %get3A_72] : memref<8x256x1024xf32, #tpu.memory_space<vmem>>, vector<1x256x1024xf32>
    %get3A_74 = vector.shape_cast %get3A_73 : vector<1x256x1024xf32> to vector<256x1024xf32>
    %dot_general3A_75 = arith.constant dense<0.000000e+00> : vector<256x2048xf32>
    %dot_general3A_76 = tpu.matmul %get3A_74, %get3A_1, %dot_general3A_75 {dimension_numbers = #tpu.dot_dimension_numbers<[1], [0], [0], [1], [0, 0, 1, 1], [], []>, transpose_lhs_hint = false} : vector<256x1024xf32>, vector<1024x2048xf32>, vector<256x2048xf32> -> vector<256x2048xf32>
    %add3A_77 = vector.broadcast %get3A_4 : vector<1x2048xf32> to vector<256x2048xf32>
    %add3A_78 = arith.addf %dot_general3A_76, %add3A_77 : vector<256x2048xf32>
    %max3A_79 = arith.constant 0.000000e+00 : f32
    %max3A_80 = vector.broadcast %max3A_79 : f32 to vector<256x2048xf32>
    %max3A_81 = arith.maximumf %add3A_78, %max3A_80 : vector<256x2048xf32>
    %mul3A_82 = vector.broadcast %get3A_7 : vector<1x2048xf32> to vector<256x2048xf32>
    %mul3A_83 = arith.mulf %max3A_81, %mul3A_82 : vector<256x2048xf32>
    %reduce_sum3A_84 = arith.constant dense<0.000000e+00> : vector<256xf32>
    %reduce_sum3A_85 = vector.multi_reduction <add>, %mul3A_83, %reduce_sum3A_84 [1] : vector<256x2048xf32> to vector<256xf32>
    %get3A_86 = arith.constant 5 : index
    %get3A_87 = arith.constant 0 : index
    %get3A_88 = arith.constant 0 : index
    %get3A_89 = vector.load %arg1[%get3A_86, %get3A_87, %get3A_88] : memref<8x256x1024xf32, #tpu.memory_space<vmem>>, vector<1x256x1024xf32>
    %get3A_90 = vector.shape_cast %get3A_89 : vector<1x256x1024xf32> to vector<256x1024xf32>
    %dot_general3A_91 = arith.constant dense<0.000000e+00> : vector<256x2048xf32>
    %dot_general3A_92 = tpu.matmul %get3A_90, %get3A_1, %dot_general3A_91 {dimension_numbers = #tpu.dot_dimension_numbers<[1], [0], [0], [1], [0, 0, 1, 1], [], []>, transpose_lhs_hint = false} : vector<256x1024xf32>, vector<1024x2048xf32>, vector<256x2048xf32> -> vector<256x2048xf32>
    %add3A_93 = vector.broadcast %get3A_4 : vector<1x2048xf32> to vector<256x2048xf32>
    %add3A_94 = arith.addf %dot_general3A_92, %add3A_93 : vector<256x2048xf32>
    %max3A_95 = arith.constant 0.000000e+00 : f32
    %max3A_96 = vector.broadcast %max3A_95 : f32 to vector<256x2048xf32>
    %max3A_97 = arith.maximumf %add3A_94, %max3A_96 : vector<256x2048xf32>
    %mul3A_98 = vector.broadcast %get3A_7 : vector<1x2048xf32> to vector<256x2048xf32>
    %mul3A_99 = arith.mulf %max3A_97, %mul3A_98 : vector<256x2048xf32>
    %reduce_sum3A_100 = arith.constant dense<0.000000e+00> : vector<256xf32>
    %reduce_sum3A_101 = vector.multi_reduction <add>, %mul3A_99, %reduce_sum3A_100 [1] : vector<256x2048xf32> to vector<256xf32>
    %get3A_102 = arith.constant 6 : index
    %get3A_103 = arith.constant 0 : index
    %get3A_104 = arith.constant 0 : index
    %get3A_105 = vector.load %arg1[%get3A_102, %get3A_103, %get3A_104] : memref<8x256x1024xf32, #tpu.memory_space<vmem>>, vector<1x256x1024xf32>
    %get3A_106 = vector.shape_cast %get3A_105 : vector<1x256x1024xf32> to vector<256x1024xf32>
    %dot_general3A_107 = arith.constant dense<0.000000e+00> : vector<256x2048xf32>
    %dot_general3A_108 = tpu.matmul %get3A_106, %get3A_1, %dot_general3A_107 {dimension_numbers = #tpu.dot_dimension_numbers<[1], [0], [0], [1], [0, 0, 1, 1], [], []>, transpose_lhs_hint = false} : vector<256x1024xf32>, vector<1024x2048xf32>, vector<256x2048xf32> -> vector<256x2048xf32>
    %add3A_109 = vector.broadcast %get3A_4 : vector<1x2048xf32> to vector<256x2048xf32>
    %add3A_110 = arith.addf %dot_general3A_108, %add3A_109 : vector<256x2048xf32>
    %max3A_111 = arith.constant 0.000000e+00 : f32
    %max3A_112 = vector.broadcast %max3A_111 : f32 to vector<256x2048xf32>
    %max3A_113 = arith.maximumf %add3A_110, %max3A_112 : vector<256x2048xf32>
    %mul3A_114 = vector.broadcast %get3A_7 : vector<1x2048xf32> to vector<256x2048xf32>
    %mul3A_115 = arith.mulf %max3A_113, %mul3A_114 : vector<256x2048xf32>
    %reduce_sum3A_116 = arith.constant dense<0.000000e+00> : vector<256xf32>
    %reduce_sum3A_117 = vector.multi_reduction <add>, %mul3A_115, %reduce_sum3A_116 [1] : vector<256x2048xf32> to vector<256xf32>
    %get3A_118 = arith.constant 7 : index
    %get3A_119 = arith.constant 0 : index
    %get3A_120 = arith.constant 0 : index
    %get3A_121 = vector.load %arg1[%get3A_118, %get3A_119, %get3A_120] : memref<8x256x1024xf32, #tpu.memory_space<vmem>>, vector<1x256x1024xf32>
    %get3A_122 = vector.shape_cast %get3A_121 : vector<1x256x1024xf32> to vector<256x1024xf32>
    %dot_general3A_123 = arith.constant dense<0.000000e+00> : vector<256x2048xf32>
    %dot_general3A_124 = tpu.matmul %get3A_122, %get3A_1, %dot_general3A_123 {dimension_numbers = #tpu.dot_dimension_numbers<[1], [0], [0], [1], [0, 0, 1, 1], [], []>, transpose_lhs_hint = false} : vector<256x1024xf32>, vector<1024x2048xf32>, vector<256x2048xf32> -> vector<256x2048xf32>
    %add3A_125 = vector.broadcast %get3A_4 : vector<1x2048xf32> to vector<256x2048xf32>
    %add3A_126 = arith.addf %dot_general3A_124, %add3A_125 : vector<256x2048xf32>
    %max3A_127 = arith.constant 0.000000e+00 : f32
    %max3A_128 = vector.broadcast %max3A_127 : f32 to vector<256x2048xf32>
    %max3A_129 = arith.maximumf %add3A_126, %max3A_128 : vector<256x2048xf32>
    %mul3A_130 = vector.broadcast %get3A_7 : vector<1x2048xf32> to vector<256x2048xf32>
    %mul3A_131 = arith.mulf %max3A_129, %mul3A_130 : vector<256x2048xf32>
    %reduce_sum3A_132 = arith.constant dense<0.000000e+00> : vector<256xf32>
    %reduce_sum3A_133 = vector.multi_reduction <add>, %mul3A_131, %reduce_sum3A_132 [1] : vector<256x2048xf32> to vector<256xf32>
    %stack3A = vector.shape_cast %reduce_sum3A_21 : vector<256xf32> to vector<256x1xf32>
    %stack3A_134 = vector.shape_cast %reduce_sum3A_37 : vector<256xf32> to vector<256x1xf32>
    %stack3A_135 = vector.shape_cast %reduce_sum3A_53 : vector<256xf32> to vector<256x1xf32>
    %stack3A_136 = vector.shape_cast %reduce_sum3A_69 : vector<256xf32> to vector<256x1xf32>
    %stack3A_137 = vector.shape_cast %reduce_sum3A_85 : vector<256xf32> to vector<256x1xf32>
    %stack3A_138 = vector.shape_cast %reduce_sum3A_101 : vector<256xf32> to vector<256x1xf32>
    %stack3A_139 = vector.shape_cast %reduce_sum3A_117 : vector<256xf32> to vector<256x1xf32>
    %stack3A_140 = vector.shape_cast %reduce_sum3A_133 : vector<256xf32> to vector<256x1xf32>
    %stack3A_141 = tpu.concatenate %stack3A, %stack3A_134, %stack3A_135, %stack3A_136, %stack3A_137, %stack3A_138, %stack3A_139, %stack3A_140 in 1 : vector<256x1xf32>, vector<256x1xf32>, vector<256x1xf32>, vector<256x1xf32>, vector<256x1xf32>, vector<256x1xf32>, vector<256x1xf32>, vector<256x1xf32> -> vector<256x8xf32>
    %get3A_142 = arith.constant 0 : index
    %get3A_143 = arith.constant 0 : index
    %get3A_144 = vector.load %arg6[%get3A_142, %get3A_143] : memref<1x1xf32, #tpu.memory_space<vmem>>, vector<1x1xf32>
    %get3A_145 = vector.extract %get3A_144[0, 0] : f32 from vector<1x1xf32>
    %add3A_146 = vector.broadcast %get3A_145 : f32 to vector<256x8xf32>
    %add3A_147 = arith.addf %stack3A_141, %add3A_146 : vector<256x8xf32>
    %transpose3A = tpu.transpose %add3A_147, [1, 0] : vector<256x8xf32> -> vector<8x256xf32>
    %swap3A = arith.constant 0 : index
    %swap3A_148 = arith.constant 0 : index
    %swap3A_149 = vector.load %arg12[%swap3A, %swap3A_148] : memref<8x256xf32, #tpu.memory_space<vmem>>, vector<8x256xf32>
    tpu.vector_store %arg12[%swap3A, %swap3A_148], %transpose3A {strides = array<i32>} : memref<8x256xf32, #tpu.memory_space<vmem>>, vector<8x256xf32>,
    %gt3A = arith.constant 0.000000e+00 : f32
    %gt3A_150 = vector.broadcast %gt3A : f32 to vector<256x8xf32>
    %gt3A_151 = arith.cmpf ogt, %get3A_10, %gt3A_150 : vector<256x8xf32>
    %jit3A = arith.constant -1.000000e+30 : f32
    %broadcast_in_dim3A = vector.broadcast %jit3A : f32 to vector<256x8xf32>
    %select_n3A = arith.select %gt3A_151, %add3A_147, %broadcast_in_dim3A : vector<256x8xi1>, vector<256x8xf32>
    %reduce_max3A = arith.constant dense<0xFF800000> : vector<256xf32>
    %reduce_max3A_152 = vector.multi_reduction <maximumf>, %select_n3A, %reduce_max3A [1] : vector<256x8xf32> to vector<256xf32>
    %broadcast_in_dim3A_153 = vector.shape_cast %reduce_max3A_152 : vector<256xf32> to vector<256x1xf32>
    %sub3A = vector.broadcast %broadcast_in_dim3A_153 : vector<256x1xf32> to vector<256x8xf32>
    %sub3A_154 = arith.subf %select_n3A, %sub3A : vector<256x8xf32>
    %exp3A = math.exp %sub3A_154 : vector<256x8xf32>
    %mul3A_155 = arith.mulf %exp3A, %get3A_10 : vector<256x8xf32>
    %reduce_sum3A_156 = arith.constant dense<0.000000e+00> : vector<256xf32>
    %reduce_sum3A_157 = vector.multi_reduction <add>, %mul3A_155, %reduce_sum3A_156 [1] : vector<256x8xf32> to vector<256xf32>
    %broadcast_in_dim3A_158 = vector.shape_cast %reduce_sum3A_157 : vector<256xf32> to vector<256x1xf32>
    %gt3A_159 = arith.constant 0.000000e+00 : f32
    %gt3A_160 = vector.broadcast %gt3A_159 : f32 to vector<256x1xf32>
    %gt3A_161 = arith.cmpf ogt, %broadcast_in_dim3A_158, %gt3A_160 : vector<256x1xf32>
    %jit3A_162 = arith.constant 1.000000e+00 : f32
    %broadcast_in_dim3A_163 = vector.broadcast %jit3A_162 : f32 to vector<256x1xf32>
    %select_n3A_164 = arith.select %gt3A_161, %broadcast_in_dim3A_158, %broadcast_in_dim3A_163 : vector<256x1xi1>, vector<256x1xf32>
    %div3A = vector.broadcast %select_n3A_164 : vector<256x1xf32> to vector<256x8xf32>
    %div3A_165 = arith.divf %mul3A_155, %div3A : vector<256x8xf32>
    %jit3A_166 = arith.constant 0.000000e+00 : f32
    %broadcast_in_dim3A_167 = vector.shape_cast %gt3A_161 : vector<256x1xi1> to vector<256x1xi1>
    %broadcast_in_dim3A_168 = vector.broadcast %broadcast_in_dim3A_167 : vector<256x1xi1> to vector<256x8xi1>
    %broadcast_in_dim3A_169 = vector.broadcast %jit3A_166 : f32 to vector<256x8xf32>
    %select_n3A_170 = arith.select %broadcast_in_dim3A_168, %div3A_165, %broadcast_in_dim3A_169 : vector<256x8xi1>, vector<256x8xf32>
    %slice3A = vector.extract_strided_slice %select_n3A_170 {offsets = [0, 0], sizes = [256, 1], strides = [1, 1]} : vector<256x8xf32> to vector<256x1xf32>
    %get3A_171 = arith.constant 0 : index
    %get3A_172 = arith.constant 0 : index
    %get3A_173 = arith.constant 0 : index
    %get3A_174 = vector.load %arg1[%get3A_171, %get3A_172, %get3A_173] : memref<8x256x1024xf32, #tpu.memory_space<vmem>>, vector<1x256x1024xf32>
    %get3A_175 = vector.shape_cast %get3A_174 : vector<1x256x1024xf32> to vector<256x1024xf32>
    %mul3A_176 = vector.broadcast %slice3A : vector<256x1xf32> to vector<256x1024xf32>
    %mul3A_177 = arith.mulf %mul3A_176, %get3A_175 : vector<256x1024xf32>
    %slice3A_178 = vector.extract_strided_slice %select_n3A_170 {offsets = [0, 1], sizes = [256, 1], strides = [1, 1]} : vector<256x8xf32> to vector<256x1xf32>
    %get3A_179 = arith.constant 1 : index
    %get3A_180 = arith.constant 0 : index
    %get3A_181 = arith.constant 0 : index
    %get3A_182 = vector.load %arg1[%get3A_179, %get3A_180, %get3A_181] : memref<8x256x1024xf32, #tpu.memory_space<vmem>>, vector<1x256x1024xf32>
    %get3A_183 = vector.shape_cast %get3A_182 : vector<1x256x1024xf32> to vector<256x1024xf32>
    %mul3A_184 = vector.broadcast %slice3A_178 : vector<256x1xf32> to vector<256x1024xf32>
    %mul3A_185 = arith.mulf %mul3A_184, %get3A_183 : vector<256x1024xf32>
    %add3A_186 = arith.addf %mul3A_177, %mul3A_185 : vector<256x1024xf32>
    %slice3A_187 = vector.extract_strided_slice %select_n3A_170 {offsets = [0, 2], sizes = [256, 1], strides = [1, 1]} : vector<256x8xf32> to vector<256x1xf32>
    %get3A_188 = arith.constant 2 : index
    %get3A_189 = arith.constant 0 : index
    %get3A_190 = arith.constant 0 : index
    %get3A_191 = vector.load %arg1[%get3A_188, %get3A_189, %get3A_190] : memref<8x256x1024xf32, #tpu.memory_space<vmem>>, vector<1x256x1024xf32>
    %get3A_192 = vector.shape_cast %get3A_191 : vector<1x256x1024xf32> to vector<256x1024xf32>
    %mul3A_193 = vector.broadcast %slice3A_187 : vector<256x1xf32> to vector<256x1024xf32>
    %mul3A_194 = arith.mulf %mul3A_193, %get3A_192 : vector<256x1024xf32>
    %add3A_195 = arith.addf %add3A_186, %mul3A_194 : vector<256x1024xf32>
    %slice3A_196 = vector.extract_strided_slice %select_n3A_170 {offsets = [0, 3], sizes = [256, 1], strides = [1, 1]} : vector<256x8xf32> to vector<256x1xf32>
    %get3A_197 = arith.constant 3 : index
    %get3A_198 = arith.constant 0 : index
    %get3A_199 = arith.constant 0 : index
    %get3A_200 = vector.load %arg1[%get3A_197, %get3A_198, %get3A_199] : memref<8x256x1024xf32, #tpu.memory_space<vmem>>, vector<1x256x1024xf32>
    %get3A_201 = vector.shape_cast %get3A_200 : vector<1x256x1024xf32> to vector<256x1024xf32>
    %mul3A_202 = vector.broadcast %slice3A_196 : vector<256x1xf32> to vector<256x1024xf32>
    %mul3A_203 = arith.mulf %mul3A_202, %get3A_201 : vector<256x1024xf32>
    %add3A_204 = arith.addf %add3A_195, %mul3A_203 : vector<256x1024xf32>
    %slice3A_205 = vector.extract_strided_slice %select_n3A_170 {offsets = [0, 4], sizes = [256, 1], strides = [1, 1]} : vector<256x8xf32> to vector<256x1xf32>
    %get3A_206 = arith.constant 4 : index
    %get3A_207 = arith.constant 0 : index
    %get3A_208 = arith.constant 0 : index
    %get3A_209 = vector.load %arg1[%get3A_206, %get3A_207, %get3A_208] : memref<8x256x1024xf32, #tpu.memory_space<vmem>>, vector<1x256x1024xf32>
    %get3A_210 = vector.shape_cast %get3A_209 : vector<1x256x1024xf32> to vector<256x1024xf32>
    %mul3A_211 = vector.broadcast %slice3A_205 : vector<256x1xf32> to vector<256x1024xf32>
    %mul3A_212 = arith.mulf %mul3A_211, %get3A_210 : vector<256x1024xf32>
    %add3A_213 = arith.addf %add3A_204, %mul3A_212 : vector<256x1024xf32>
    %slice3A_214 = vector.extract_strided_slice %select_n3A_170 {offsets = [0, 5], sizes = [256, 1], strides = [1, 1]} : vector<256x8xf32> to vector<256x1xf32>
    %get3A_215 = arith.constant 5 : index
    %get3A_216 = arith.constant 0 : index
    %get3A_217 = arith.constant 0 : index
    %get3A_218 = vector.load %arg1[%get3A_215, %get3A_216, %get3A_217] : memref<8x256x1024xf32, #tpu.memory_space<vmem>>, vector<1x256x1024xf32>
    %get3A_219 = vector.shape_cast %get3A_218 : vector<1x256x1024xf32> to vector<256x1024xf32>
    %mul3A_220 = vector.broadcast %slice3A_214 : vector<256x1xf32> to vector<256x1024xf32>
    %mul3A_221 = arith.mulf %mul3A_220, %get3A_219 : vector<256x1024xf32>
    %add3A_222 = arith.addf %add3A_213, %mul3A_221 : vector<256x1024xf32>
    %slice3A_223 = vector.extract_strided_slice %select_n3A_170 {offsets = [0, 6], sizes = [256, 1], strides = [1, 1]} : vector<256x8xf32> to vector<256x1xf32>
    %get3A_224 = arith.constant 6 : index
    %get3A_225 = arith.constant 0 : index
    %get3A_226 = arith.constant 0 : index
    %get3A_227 = vector.load %arg1[%get3A_224, %get3A_225, %get3A_226] : memref<8x256x1024xf32, #tpu.memory_space<vmem>>, vector<1x256x1024xf32>
    %get3A_228 = vector.shape_cast %get3A_227 : vector<1x256x1024xf32> to vector<256x1024xf32>
    %mul3A_229 = vector.broadcast %slice3A_223 : vector<256x1xf32> to vector<256x1024xf32>
    %mul3A_230 = arith.mulf %mul3A_229, %get3A_228 : vector<256x1024xf32>
    %add3A_231 = arith.addf %add3A_222, %mul3A_230 : vector<256x1024xf32>
    %slice3A_232 = vector.extract_strided_slice %select_n3A_170 {offsets = [0, 7], sizes = [256, 1], strides = [1, 1]} : vector<256x8xf32> to vector<256x1xf32>
    %get3A_233 = arith.constant 7 : index
    %get3A_234 = arith.constant 0 : index
    %get3A_235 = arith.constant 0 : index
    %get3A_236 = vector.load %arg1[%get3A_233, %get3A_234, %get3A_235] : memref<8x256x1024xf32, #tpu.memory_space<vmem>>, vector<1x256x1024xf32>
    %get3A_237 = vector.shape_cast %get3A_236 : vector<1x256x1024xf32> to vector<256x1024xf32>
    %mul3A_238 = vector.broadcast %slice3A_232 : vector<256x1xf32> to vector<256x1024xf32>
    %mul3A_239 = arith.mulf %mul3A_238, %get3A_237 : vector<256x1024xf32>
    %add3A_240 = arith.addf %add3A_231, %mul3A_239 : vector<256x1024xf32>
    %get3A_241 = arith.constant 0 : index
    %get3A_242 = arith.constant 0 : index
    %get3A_243 = vector.load %arg7[%get3A_241, %get3A_242] : memref<1024x2048xf32, #tpu.memory_space<vmem>>, vector<1024x2048xf32>
    %dot_general3A_244 = arith.constant dense<0.000000e+00> : vector<256x2048xf32>
    %dot_general3A_245 = tpu.matmul %add3A_240, %get3A_243, %dot_general3A_244 {dimension_numbers = #tpu.dot_dimension_numbers<[1], [0], [0], [1], [0, 0, 1, 1], [], []>, transpose_lhs_hint = false} : vector<256x1024xf32>, vector<1024x2048xf32>, vector<256x2048xf32> -> vector<256x2048xf32>
    %get3A_246 = arith.constant 0 : index
    %get3A_247 = arith.constant 0 : index
    %get3A_248 = vector.load %arg8[%get3A_246, %get3A_247] : memref<1x2048xf32, #tpu.memory_space<vmem>>, vector<1x2048xf32>
    %add3A_249 = vector.broadcast %get3A_248 : vector<1x2048xf32> to vector<256x2048xf32>
    %add3A_250 = arith.addf %dot_general3A_245, %add3A_249 : vector<256x2048xf32>
    %max3A_251 = arith.constant 0.000000e+00 : f32
    %max3A_252 = vector.broadcast %max3A_251 : f32 to vector<256x2048xf32>
    %max3A_253 = arith.maximumf %add3A_250, %max3A_252 : vector<256x2048xf32>
    %get3A_254 = arith.constant 0 : index
    %get3A_255 = arith.constant 0 : index
    %get3A_256 = vector.load %arg9[%get3A_254, %get3A_255] : memref<1x2048xf32, #tpu.memory_space<vmem>>, vector<1x2048xf32>
    %mul3A_257 = vector.broadcast %get3A_256 : vector<1x2048xf32> to vector<256x2048xf32>
    %mul3A_258 = arith.mulf %max3A_253, %mul3A_257 : vector<256x2048xf32>
    %reduce_sum3A_259 = arith.constant dense<0.000000e+00> : vector<256xf32>
    %reduce_sum3A_260 = vector.multi_reduction <add>, %mul3A_258, %reduce_sum3A_259 [1] : vector<256x2048xf32> to vector<256xf32>
    %broadcast_in_dim3A_261 = vector.shape_cast %reduce_sum3A_260 : vector<256xf32> to vector<256x1xf32>
    %get3A_262 = arith.constant 0 : index
    %get3A_263 = arith.constant 0 : index
    %get3A_264 = vector.load %arg10[%get3A_262, %get3A_263] : memref<1x1xf32, #tpu.memory_space<vmem>>, vector<1x1xf32>
    %get3A_265 = vector.extract %get3A_264[0, 0] : f32 from vector<1x1xf32>
    %add3A_266 = vector.broadcast %get3A_265 : f32 to vector<256x1xf32>
    %add3A_267 = arith.addf %broadcast_in_dim3A_261, %add3A_266 : vector<256x1xf32>
    %logistic3A = arith.negf %add3A_267 : vector<256x1xf32>
    %logistic3A_268 = math.exp %logistic3A : vector<256x1xf32>
    %logistic3A_269 = arith.constant 1.000000e+00 : f32
    %logistic3A_270 = vector.broadcast %logistic3A_269 : f32 to vector<256x1xf32>
    %logistic3A_271 = arith.addf %logistic3A_270, %logistic3A_268 : vector<256x1xf32>
    %logistic3A_272 = arith.divf %logistic3A_270, %logistic3A_271 : vector<256x1xf32>
    %swap3A_273 = arith.constant 0 : index
    %swap3A_274 = arith.constant 0 : index
    %swap3A_275 = vector.load %arg11[%swap3A_273, %swap3A_274] : memref<256x1xf32, #tpu.memory_space<vmem>>, vector<256x1xf32>
    tpu.vector_store %arg11[%swap3A_273, %swap3A_274], %logistic3A_272 {strides = array<i32>} : memref<256x1xf32, #tpu.memory_space<vmem>>, vector<256x1xf32>,
    return
  }
  func.func @transform_0(%arg0: i32) -> (i32, i32, i32) {
    %c0_i32 = arith.constant 0 : i32
    %c0_i32_0 = arith.constant 0 : i32
    %c0_i32_1 = arith.constant 0 : i32
    return %c0_i32, %arg0, %c0_i32_0 : i32, i32, i32
  }
  func.func @transform_1(%arg0: i32) -> (i32, i32) {
    %c0_i32 = arith.constant 0 : i32
    %c0_i32_0 = arith.constant 0 : i32
    return %arg0, %c0_i32 : i32, i32
  }
  func.func @transform_2(%arg0: i32) -> (i32, i32) {
    %c0_i32 = arith.constant 0 : i32
    %c0_i32_0 = arith.constant 0 : i32
    %c0_i32_1 = arith.constant 0 : i32
    return %c0_i32, %c0_i32_0 : i32, i32
  }
  func.func @transform_3(%arg0: i32) -> (i32, i32) {
    %c0_i32 = arith.constant 0 : i32
    %c0_i32_0 = arith.constant 0 : i32
    %c0_i32_1 = arith.constant 0 : i32
    return %c0_i32, %c0_i32_0 : i32, i32
  }
  func.func @transform_4(%arg0: i32) -> (i32, i32) {
    %c0_i32 = arith.constant 0 : i32
    %c0_i32_0 = arith.constant 0 : i32
    %c0_i32_1 = arith.constant 0 : i32
    return %c0_i32, %c0_i32_0 : i32, i32
  }
  func.func @transform_5(%arg0: i32) -> (i32, i32) {
    %c0_i32 = arith.constant 0 : i32
    %c0_i32_0 = arith.constant 0 : i32
    %c0_i32_1 = arith.constant 0 : i32
    return %c0_i32, %c0_i32_0 : i32, i32
  }
  func.func @transform_6(%arg0: i32) -> (i32, i32) {
    %c0_i32 = arith.constant 0 : i32
    %c0_i32_0 = arith.constant 0 : i32
    %c0_i32_1 = arith.constant 0 : i32
    return %c0_i32, %c0_i32_0 : i32, i32
  }
  func.func @transform_7(%arg0: i32) -> (i32, i32) {
    %c0_i32 = arith.constant 0 : i32
    %c0_i32_0 = arith.constant 0 : i32
    %c0_i32_1 = arith.constant 0 : i32
    return %c0_i32, %c0_i32_0 : i32, i32
  }
  func.func @transform_8(%arg0: i32) -> (i32, i32) {
    %c0_i32 = arith.constant 0 : i32
    %c0_i32_0 = arith.constant 0 : i32
    %c0_i32_1 = arith.constant 0 : i32
    return %c0_i32, %c0_i32_0 : i32, i32
  }
  func.func @transform_9(%arg0: i32) -> (i32, i32) {
    %c0_i32 = arith.constant 0 : i32
    %c0_i32_0 = arith.constant 0 : i32
    %c0_i32_1 = arith.constant 0 : i32
    return %c0_i32, %c0_i32_0 : i32, i32
  }
  func.func @transform_10(%arg0: i32) -> (i32, i32) {
    %c0_i32 = arith.constant 0 : i32
    %c0_i32_0 = arith.constant 0 : i32
    return %arg0, %c0_i32 : i32, i32
  }
  func.func @transform_11(%arg0: i32) -> (i32, i32) {
    %c0_i32 = arith.constant 0 : i32
    %c0_i32_0 = arith.constant 0 : i32
    return %c0_i32, %arg0 : i32, i32
  }
}

</mosaic_0001>

<sc_bundles>
// kernel: kernel.4.cloned.1.call-start
scs
__scs_entry_jumppad:
0x0: {  	(pc) =	sbr.rel $0x88, $3  }
0x1: {  	(tag) =	ssettag $0x0;
	lr =	simm.s32 $0x1  }
0x2: {  	[smem:$0x3F97] =	sst lr;
	_ =	strace $0xD0000000  }
0x3: {  	_ = 	snop  }
0x4: {  	_ = 	snop  }
0x5: {  	_ = 	snop  }
0x6: {  	_ = 	snop  }
0x7: {  	_ = 	snop  }
__scs_overlays_trampoline_lowered:
0x8: {  	[smem:$0x3FA6] =	sst s0  }
0x9: {  	[smem:$0x3FA7] =	sst s1  }
0xa: {  	[smem:$0x3FA8] =	sst s2  }
0xb: {  	[smem:$0x3FA9] =	sst s3  }
0xc: {  	[smem:$0x3FAA] =	sst s4  }
0xd: {  	[smem:$0x3FAB] =	sst s5  }
0xe: {  	[smem:$0x3FAC] =	sst s6  }
0xf: {  	[smem:$0x3FAD] =	sst s7  }
0x10: {  	[smem:$0x3FAE] =	sst s8  }
0x11: {  	[smem:$0x3FAF] =	sst s9;
	s0 =	simm.s32 @!p0 $0x0  }
0x12: {  	s1 =	sld [smem:$0x3F95];
	s0 =	simm.s32 @p0 $0x1  }
0x13: {  	[smem:$0x3FB0] =	sst s0;
	s0 =	simm.s32 @!p1 $0x0  }
0x14: {  	s2 =	sld [smem:$0x3F94];
	s0 =	simm.s32 @p1 $0x1  }
0x15: {  	[smem:$0x3FB1] =	sst s0;
	s0 =	simm.s32 @!p2 $0x0  }
0x16: {  	s3 =	sld [smem:$0x3FDB];
	s0 =	simm.s32 @p2 $0x1  }
0x17: {  	s4 =	simm.s32 $0x1BF5;
	[smem:$0x3FB3] =	sst s0  }
0x18: {  	s0 =	sld [smem:$0x3F96];
	_ =	swait.ge [sflag:s4], $0x0  }
0x19: {  	s7 =	sld [smem:$0x3F97]  }
0x1a: {  	s8 =	sadd.s32 $0xFFFFE003, lr  }
0x1b: {  	s9 =	sadd.s32 $0xFFFFFEF7, lr;
	s5 =	simm.s32 $0xFFFFFFFF;
	p2 =	slt.u32 s8, $0xFFFFF086  }
0x1c: {  	p1 =	slt.u32 s9, $0xF7A;
	s5 =	simm.s32 @!p2 $0x0  }
0x1d: {  	s5 =	simm.s32 @p1 $0x1;
	p0 =	seq.s32 s7, s2  }
0x1e: {  	s7 =	smul.u32 @!p0 $0xF7A, s2;
	p2 =	seq.s32 @!p0 s5, $0x0  }
0x1f: {  	s9 =	smul.u32 $0xF7A, s1;
	s8 =	simm.s32 @!p0 $0x1BF5;
	p2 =	por !p2, p0  }
0x20: {  	[sflag:s8] =	ssyncset.s32 @!p0 $0xFFFFF086;
	s6 =	sadd.s32 @!p0 s3, s7;
	s7 =	simm.s32 @!p0 $0x108  }
0x21: {  	s3 =	sadd.s32 s3, s9;
	s6 =	sadd.s32 @!p0 $0x88, s6;
	s7 =	simm.s32 @p2 $0x1082  }
0x22: {  	[simem:s7], [sflag:s8] =	dma.local @!p0 [hbm:s6], $0xF7A  }
0x23: {  	s9 =	sor.u32 $0xD0000000, s2;
	s6 =	simm.s32 $0x108;
	_ =	swait.ge @!p0 [sflag:s8], $0x0  }
0x24: {  	s3 =	sadd.s32 $0x88, s3;
	s6 =	simm.s32 @!p1 $0x1082;
	[sflag:s4] =	ssyncset.s32 $0xFFFFF086  }
0x25: {  	[simem:s6], [sflag:s4] =	dma.local [hbm:s3], $0xF7A  }
0x26: {  	[smem:$0x3F97] =	sst s1;
	(tag) =	ssettag s2;
	_ =	strace s9  }
0x27: {  	s1 =	sld [smem:$0x3FA7]  }
0x28: {  	s2 =	sld [smem:$0x3FA8]  }
0x29: {  	s4 =	sld [smem:$0x3FAA]  }
0x2a: {  	p0 =	seq.s32 s5, $0x0;
	s5 =	sld [smem:$0x3FAB]  }
0x2b: {  	s6 =	sld [smem:$0x3FAC]  }
0x2c: {  	s7 =	sld [smem:$0x3FAD]  }
0x2d: {  	s3 =	simm.s32 $0x108;
	s8 =	sld [smem:$0x3FAE]  }
0x2e: {  	s3 =	simm.s32 @!p0 $0x1082;
	s9 =	sld [smem:$0x3FAF]  }
0x2f: {  	lr =	sadd.s32 s0, s3;
	s0 =	sld [smem:$0x3FA6]  }
0x30: {  	s3 =	sld [smem:$0x3FA9]  }
0x31: {  	[smem:$0x3FB2] =	sst s10  }
0x32: {  	s10 =	sld [smem:$0x3FB0];
	_ =	sdelay $0x3  }
0x33: {  	p0 =	seq.s32 s10, $0x1;
	s10 =	sld [smem:$0x3FB2];
	_ =	sdelay $0x3  }
0x34: {  	[smem:$0x3FB2] =	sst s10  }
0x35: {  	s10 =	sld [smem:$0x3FB1];
	_ =	sdelay $0x3  }
0x36: {  	p1 =	seq.s32 s10, $0x1;
	s10 =	sld [smem:$0x3FB2];
	_ =	sdelay $0x3  }
0x37: {  	[smem:$0x3FB2] =	sst s10  }
0x38: {  	s10 =	sld [smem:$0x3FB3]  }
0x39: {  	_ = 	snop;
	(pc) =	sbr.ind lr, $3  }
0x3a: {  	_ = 	snop  }
0x3b: {  	_ = 	snop  }
0x3c: {  	p2 =	seq.s32 s10, $0x1;
	s10 =	sld [smem:$0x3FB2]  }
0x3d: {  	_ =	shalt  }
0x3e: {  	_ =	shalt  }
0x3f: {  	_ =	shalt  }
0x40: {  	_ =	shalt  }
0x41: {  	_ =	shalt  }
0x42: {  	_ =	shalt  }
0x43: {  	_ =	shalt  }
0x44: {  	_ =	shalt  }
0x45: {  	_ =	shalt  }
0x46: {  	_ =	shalt  }
0x47: {  	_ =	shalt  }
0x48: {  	_ =	shalt  }
0x49: {  	_ =	shalt  }
0x4a: {  	_ =	shalt  }
0x4b: {  	_ =	shalt  }
0x4c: {  	_ =	shalt  }
0x4d: {  	_ =	shalt  }
0x4e: {  	_ =	shalt  }
0x4f: {  	_ =	shalt  }
0x50: {  	_ =	shalt  }
0x51: {  	_ =	shalt  }
0x52: {  	_ =	shalt  }
0x53: {  	_ =	shalt  }
0x54: {  	_ =	shalt  }
0x55: {  	_ =	shalt  }
0x56: {  	_ =	shalt  }
0x57: {  	_ =	shalt  }
0x58: {  	_ =	shalt  }
0x59: {  	_ =	shalt  }
0x5a: {  	_ =	shalt  }
0x5b: {  	_ =	shalt  }
0x5c: {  	_ =	shalt  }
0x5d: {  	_ =	shalt  }
0x5e: {  	_ =	shalt  }
0x5f: {  	_ =	shalt  }
0x60: {  	_ =	shalt  }
0x61: {  	_ =	shalt  }
0x62: {  	_ =	shalt  }
0x63: {  	_ =	shalt  }
0x64: {  	_ =	shalt  }
0x65: {  	_ =	shalt  }
0x66: {  	_ =	shalt  }
0x67: {  	_ =	shalt  }
0x68: {  	_ =	shalt  }
0x69: {  	_ =	shalt  }
0x6a: {  	_ =	shalt  }
0x6b: {  	_ =	shalt  }
0x6c: {  	_ =	shalt  }
0x6d: {  	_ =	shalt  }
0x6e: {  	_ =	shalt  }
0x6f: {  	_ =	shalt  }
0x70: {  	_ =	shalt  }
0x71: {  	_ =	shalt  }
0x72: {  	_ =	shalt  }
0x73: {  	_ =	shalt  }
0x74: {  	_ =	shalt  }
0x75: {  	_ =	shalt  }
0x76: {  	_ =	shalt  }
0x77: {  	_ =	shalt  }
0x78: {  	_ =	shalt  }
0x79: {  	_ =	shalt  }
0x7a: {  	_ =	shalt  }
0x7b: {  	_ =	shalt  }
0x7c: {  	_ =	shalt  }
0x7d: {  	_ =	shalt  }
0x7e: {  	_ =	shalt  }
0x7f: {  	_ =	shalt  }
0x80: {  	_ =	shalt  }
0x81: {  	_ =	shalt  }
0x82: {  	_ =	shalt  }
0x83: {  	_ =	shalt  }
0x84: {  	_ =	shalt  }
0x85: {  	_ =	shalt  }
0x86: {  	_ =	shalt  }
0x87: {  	_ =	shalt  }
.Lfunc_end0:
.L_simem_size_0:
called_computation_lowered:
.L_overlay_start_0:
0x88: {  	s2 =	sld [smem:$0x3FD9]  }
0x89: {  	s3 =	sld [smem:$0x3FFE];
	_ =	sdelay $0x1  }
0x8a: {  	s1 =	srdreg.scid  }
0x8b: {  	s0 =	sand.u32 $0x1, s1  }
0x8c: {  	s14 =	sshll.u32 s0, $0xA;
	s2 =	sadd.s32 s3, s2  }
0x8d: {  	s2 =	sadd.s32 s2, s14  }
0x8e: {  	[smem:$0x3FBE] =	sst s2  }
0x8f: {  	_ = 	snop  }
0x90: {  	s2 =	sld [smem:$0x3FD0];
	_ =	sdelay $0x2  }
0x91: {  	s15 =	simm.s32 $0xA;
	s4 =	simm.s32 $0x10  }
0x92: {  	[smem:s4], [sflag:s15] =	dma.local [hbm:s2], $0x1  }
0x93: {  	_ =	swait.eq [sflag:s15], $0x1  }
0x94: {  	[sflag:s15] =	ssyncset.done $0x0  }
0x95: {  	[sflag:s15] =	ssyncadd.s32 $0xFFFFFFFF  }
0x96: {  	s16 =	sld [smem:$0x11];
	(tm) =	ssettm $0x1  }
0x97: {  	s17 =	sld [smem:$0x3FFB];
	_ =	sdelay $0x3  }
0x98: {  	_ =	strace s17  }
0x99: {  	s3 =	sld [smem:$0x3FFC];
	_ =	sdelay $0x3  }
0x9a: {  	_ =	strace s3  }
0x9b: {  	s3 =	sld [smem:$0x3FFD];
	_ =	sdelay $0x3  }
0x9c: {  	_ =	strace s3  }
0x9d: {  	_ =	strace $0x8FFFFFFF  }
0x9e: {  	s18 =	sld [smem:$0x3FDB];
	_ =	sdelay $0x1  }
0x9f: {  	s19 =	simm.s32 $_scs_section_size  }
0xa0: {  	s5 =	simm.s32 $_size__tile_overlayer_lowered;
	s6 =	simm.s32 $_tile_overlayer_lowered  }
0xa1: {  	s22 =	simm.s32 $0x1BFF;
	s21 =	sshll.u32 s6, $0x1;
	s3 =	sadd.s32 s19, s18  }
0xa2: {  	s7 =	simm.s32 $0x0;
	s20 =	sshll.u32 s5, $0x1;
	s5 =	sadd.s32 s21, s3  }
0xa3: {  	[timem:s7], [sflag:s22] =	dma.local [hbm:s5], s20  }
0xa4: {  	_ =	swait.ge [sflag:s22], s20  }
0xa5: {  	s4 =	ssub.s32 $0x0, s20;
	[sflag:s22] =	ssyncset.done $0x0  }
0xa6: {  	[sflag:s22] =	ssyncadd.s32 s4;
	_ =	sdelay $0x1  }
0xa7: {  	s23 =	simm.s32 $0x1B8B  }
0xa8: {  	_ =	swait.ge [sflag:s23], $0x1  }
0xa9: {  	[sflag:s23] =	ssyncset.done $0x0  }
0xaa: {  	s25 =	simm.s32 $0x1B8E;
	s24 =	sld [smem:$0x3FFE];
	[sflag:s23] =	ssyncadd.s32 $0xFFFFFFFF  }
0xab: {  	s26 =	simm.s32 $execute0_lowered;
	[smem:$0x3FD2] =	sst s25  }
0xac: {  	s5 =	sshll.u32 s26, $0x1;
	_ =	strace $0x80000046;
	[dreg:$0x1] =	wrdreg $0xFFFFFFFF  }
0xad: {  	s28 =	simm.s32 $_size_execute0_lowered;
	s3 =	sadd.s32 s3, s5;
	[dreg:$0x0] =	wrdreg $0x0  }
0xae: {  	s5 =	sshll.u32 s28, $0x1;
	[dreg:$0x2] =	wrdreg s3  }
0xaf: {  	[dreg:$0x3] =	wrdreg s5  }
0xb0: {  	[dreg:$0x4] =	wrdreg $0xC0  }
0xb1: {  	_ =	task [dreg:s7], $0x5FFFF  }
0xb2: {  	[dreg:$0x1] =	wrdreg $0xFFFFFFFF  }
0xb3: {  	[dreg:$0x0] =	wrdreg $0x60  }
0xb4: {  	[dreg:$0x2] =	wrdreg s24  }
0xb5: {  	[dreg:$0x3] =	wrdreg s16  }
0xb6: {  	[dreg:$0x4] =	wrdreg $0x9  }
0xb7: {  	_ =	task.clear_ibuf [dreg:s7], $0x5FFFF;
	_ =	strace $0x90000046  }
0xb8: {  	s29 =	simm.s32 $0x9;
	_ =	strace $0x80000048  }
0xb9: {  	_ =	swait.ge [sflag:s29], $0x1  }
0xba: {  	[sflag:s29] =	ssyncadd.s32 $0xFFFFFFFF  }
0xbb: {  	_ =	strace $0x90000048  }
0xbc: {  	_ =	sfence  }
0xbd: {  	s30 =	sld [smem:$0x0];
	_ =	sdelay $0x2  }
0xbe: {  	s31 =	sshll.u32 s1, $0xD;
	s1 =	sshrl.u32 s1, $0x2  }
0xbf: {  	s3 =	sand.u32 $0x4000, s31;
	s1 =	sadd.s32 s1, s30  }
0xc0: {  	s0 =	sor.u32 s3, s0;
	s1 =	sshll.u32 s1, $0x11  }
0xc1: {  	s0 =	sor.u32 s1, s0  }
0xc2: {  	s0 =	sadd.s32 $0x8F2B, s0  }
0xc3: {  	[sflag:s0] =	ssyncadd.remote.s32 $0x1  }
0xc4: {  	_ =	sfence.sel $0xFFFF  }
0xc5: {  	[dreg:$0x0] =	wrdreg $0xFFFFFFFF;
	(pc) =	sbr.abs _section_cstart, $3  }
0xc6: {  	[dreg:$0x1] =	wrdreg $0xFFFFFFFF  }
0xc7: {  	_ =	task.clear_ibuf [dreg:s7], $0x2FFFF;
	_ =	strace $0x9FFFFFFF  }
0xc8: {  	(tm) =	ssettm $0x7FFFFFFF  }
0xc9: {  	_ =	shalt  }
tec
execute0_lowered:
.L_overlay_start_1:
0x0: {  	(tag) =	ssettag $0x1  }
0x1: {  	s3 =	rddreg [dreg:$0x0]  }
0x2: {  	s0 =	rddreg [dreg:$0x1]  }
0x3: {  	s2 =	srdreg.scid;
	s1 =	stileid.u32;
	s28 =	simm.s32 $0x980  }
0x4: {  	s29 =	simm.s32 $0xA00;
	s30 =	simm.s32 $0xA80;
	s31 =	simm.s32 $0xB00  }
0x5: {  	s4 =	sand.u32 $0x1, s2;
	s2 =	simm.s32 $0x0;
	s5 =	sshll.u32 s1, $0x8  }
0x6: {  	s7 =	sadd.s32 $0x2600, s3;
	s3 =	sadd.s32 $0x1600, s3;
	s6 =	sshll.u32 s4, $0x7  }
0x7: {  	[smem:$0x7FF] =	sst s2;
	s4 =	ssub.s32 $0x2, s4;
	s5 =	sor.u32 s6, s5  }
0x8: {  	_ =	strace $0x80000047;
	s23 =	sshrl.u32 s4, $0x1;
	s6 =	sadd.s32 s7, s5  }
0x9: {  	s25 =	sadd.s32 s3, s5;
	s8 =	sor.u32 $0x10, s5;
	[dreg:$0x3] =	wrdreg s6  }
0xa: {  	s9 =	sor.u32 $0x20, s5;
	s21 =	sadd.s32 s0, s5;
	[dreg:$0x4] =	wrdreg s25  }
0xb: {  	s26 =	sadd.s32 s7, s8;
	s1 =	sadd.s32 s3, s8;
	[dreg:$0x13] =	wrdreg s21  }
0xc: {  	s10 =	sadd.s32 s7, s9;
	s11 =	sadd.s32 s3, s9;
	[dreg:$0x5] =	wrdreg s26  }
0xd: {  	s22 =	sadd.s32 s0, s8;
	s24 =	sadd.s32 s0, s9;
	[dreg:$0x6] =	wrdreg s1  }
0xe: {  	s25 =	ssub.s32 s4, s23;
	s8 =	simm.s32 $0x1;
	[dreg:$0x7] =	wrdreg s10  }
0xf: {  	s9 =	simm.s32 $0x400;
	s21 =	simm.s32 $0x700;
	[dreg:$0x8] =	wrdreg s11  }
0x10: {  	s23 =	simm.s32 $0x780;
	s10 =	sor.u32 $0x30, s5;
	[dreg:$0x14] =	wrdreg s22  }
0x11: {  	s11 =	sor.u32 $0x40, s5;
	[dreg:$0x15] =	wrdreg s24;
	s12 =	sadd.s32 s7, s10  }
0x12: {  	s22 =	simm.s32 $0x380;
	s13 =	sadd.s32 s3, s10;
	[dreg:$0x9] =	wrdreg s12  }
0x13: {  	s24 =	simm.s32 $0x800;
	s14 =	sadd.s32 s7, s11;
	[dreg:$0xa] =	wrdreg s13  }
0x14: {  	s15 =	sadd.s32 s3, s11;
	s26 =	sadd.s32 s0, s10;
	[dreg:$0xb] =	wrdreg s14  }
0x15: {  	s10 =	simm.s32 $0x80;
	s12 =	sor.u32 $0x50, s5;
	[dreg:$0xc] =	wrdreg s15  }
0x16: {  	s13 =	sor.u32 $0x60, s5;
	s14 =	sor.u32 $0x70, s5;
	[dreg:$0x16] =	wrdreg s26  }
0x17: {  	s15 =	simm.s32 $0x580;
	s26 =	simm.s32 $0x900;
	s16 =	sadd.s32 s7, s12  }
0x18: {  	s17 =	sadd.s32 s3, s12;
	s18 =	sadd.s32 s7, s13;
	s19 =	sadd.s32 s3, s13  }
0x19: {  	s20 =	sadd.s32 s7, s14;
	s3 =	sadd.s32 s3, s14;
	[dreg:$0xd] =	wrdreg s16  }
0x1a: {  	s4 =	sadd.s32 s0, s12;
	s5 =	sadd.s32 s0, s13;
	[dreg:$0xe] =	wrdreg s17  }
0x1b: {  	s6 =	sadd.s32 s0, s14;
	s7 =	smax.u32 s25, $0x1;
	[dreg:$0xf] =	wrdreg s18  }
0x1c: {  	s12 =	simm.s32 $0x100;
	s13 =	simm.s32 $0x500;
	[dreg:$0x10] =	wrdreg s19  }
0x1d: {  	s14 =	simm.s32 $0x180;
	s25 =	simm.s32 $0x880;
	[dreg:$0x11] =	wrdreg s20  }
0x1e: {  	[dreg:$0x12] =	wrdreg s3;
	s3 =	sadd.s32 s0, s11;
	s11 =	simm.s32 $0x480  }
0x1f: {  	s16 =	simm.s32 $0x200;
	s17 =	simm.s32 $0x600;
	s18 =	simm.s32 $0x280  }
0x20: {  	s19 =	simm.s32 $0x680;
	s20 =	simm.s32 $0x300;
	s0 =	simm.s32 $0xB80  }
.LBB2_1:
0x21: {  	s1 =	rddreg [dreg:$0x3]  }
0x22: {  	[tilespmem:s2], [sflag:$0x1] =	stream.linear.gather [hbm4b:s1+s2], $0x80, $0x38;
	[tilespmem:$0xC00] =	vst v63  }
0x23: {  	_ =	swait.ge [sflag:s8], $0x80  }
0x24: {  	[sflag:s8] =	ssyncset.done $0x0  }
0x25: {  	s1 =	rddreg [dreg:$0x4];
	[sflag:s8] =	ssyncadd.s32 $0xFFFFFF80  }
0x26: {  	[tilespmem:s9], [sflag:$0x1] =	stream.linear.gather [hbm4b:s1+s2], $0x80, $0x38;
	[tilespmem:$0xC00] =	vst v63  }
0x27: {  	_ =	swait.ge [sflag:s8], $0x80  }
0x28: {  	[sflag:s8] =	ssyncset.done $0x0  }
0x29: {  	s1 =	rddreg [dreg:$0x5];
	[sflag:s8] =	ssyncadd.s32 $0xFFFFFF80  }
0x2a: {  	[tilespmem:s10], [sflag:$0x1] =	stream.linear.gather [hbm4b:s1+s2], $0x80, $0x38;
	[tilespmem:$0xC00] =	vst v63  }
0x2b: {  	_ =	swait.ge [sflag:s8], $0x80  }
0x2c: {  	[sflag:s8] =	ssyncset.done $0x0  }
0x2d: {  	s1 =	rddreg [dreg:$0x6];
	[sflag:s8] =	ssyncadd.s32 $0xFFFFFF80  }
0x2e: {  	[tilespmem:s11], [sflag:$0x1] =	stream.linear.gather [hbm4b:s1+s2], $0x80, $0x38;
	[tilespmem:$0xC00] =	vst v63  }
0x2f: {  	_ =	swait.ge [sflag:s8], $0x80  }
0x30: {  	[sflag:s8] =	ssyncset.done $0x0  }
0x31: {  	s1 =	rddreg [dreg:$0x7];
	[sflag:s8] =	ssyncadd.s32 $0xFFFFFF80  }
0x32: {  	[tilespmem:s12], [sflag:$0x1] =	stream.linear.gather [hbm4b:s1+s2], $0x80, $0x38;
	[tilespmem:$0xC00] =	vst v63  }
0x33: {  	_ =	swait.ge [sflag:s8], $0x80  }
0x34: {  	[sflag:s8] =	ssyncset.done $0x0  }
0x35: {  	s1 =	rddreg [dreg:$0x8];
	[sflag:s8] =	ssyncadd.s32 $0xFFFFFF80  }
0x36: {  	[tilespmem:s13], [sflag:$0x1] =	stream.linear.gather [hbm4b:s1+s2], $0x80, $0x38;
	[tilespmem:$0xC00] =	vst v63  }
0x37: {  	_ =	swait.ge [sflag:s8], $0x80  }
0x38: {  	[sflag:s8] =	ssyncset.done $0x0  }
0x39: {  	s1 =	rddreg [dreg:$0x9];
	[sflag:s8] =	ssyncadd.s32 $0xFFFFFF80  }
0x3a: {  	[tilespmem:s14], [sflag:$0x1] =	stream.linear.gather [hbm4b:s1+s2], $0x80, $0x38;
	[tilespmem:$0xC00] =	vst v63  }
0x3b: {  	_ =	swait.ge [sflag:s8], $0x80  }
0x3c: {  	[sflag:s8] =	ssyncset.done $0x0  }
0x3d: {  	s1 =	rddreg [dreg:$0xa];
	[sflag:s8] =	ssyncadd.s32 $0xFFFFFF80  }
0x3e: {  	[tilespmem:s15], [sflag:$0x1] =	stream.linear.gather [hbm4b:s1+s2], $0x80, $0x38;
	[tilespmem:$0xC00] =	vst v63  }
0x3f: {  	_ =	swait.ge [sflag:s8], $0x80  }
0x40: {  	[sflag:s8] =	ssyncset.done $0x0  }
0x41: {  	s1 =	rddreg [dreg:$0xb];
	[sflag:s8] =	ssyncadd.s32 $0xFFFFFF80  }
0x42: {  	[tilespmem:s16], [sflag:$0x1] =	stream.linear.gather [hbm4b:s1+s2], $0x80, $0x38;
	[tilespmem:$0xC00] =	vst v63  }
0x43: {  	_ =	swait.ge [sflag:s8], $0x80  }
0x44: {  	[sflag:s8] =	ssyncset.done $0x0  }
0x45: {  	s1 =	rddreg [dreg:$0xc];
	[sflag:s8] =	ssyncadd.s32 $0xFFFFFF80  }
0x46: {  	[tilespmem:s17], [sflag:$0x1] =	stream.linear.gather [hbm4b:s1+s2], $0x80, $0x38;
	[tilespmem:$0xC00] =	vst v63  }
0x47: {  	_ =	swait.ge [sflag:s8], $0x80  }
0x48: {  	[sflag:s8] =	ssyncset.done $0x0  }
0x49: {  	s1 =	rddreg [dreg:$0xd];
	[sflag:s8] =	ssyncadd.s32 $0xFFFFFF80  }
0x4a: {  	[tilespmem:s18], [sflag:$0x1] =	stream.linear.gather [hbm4b:s1+s2], $0x80, $0x38;
	[tilespmem:$0xC00] =	vst v63  }
0x4b: {  	_ =	swait.ge [sflag:s8], $0x80  }
0x4c: {  	[sflag:s8] =	ssyncset.done $0x0  }
0x4d: {  	s1 =	rddreg [dreg:$0xe];
	[sflag:s8] =	ssyncadd.s32 $0xFFFFFF80  }
0x4e: {  	[tilespmem:s19], [sflag:$0x1] =	stream.linear.gather [hbm4b:s1+s2], $0x80, $0x38;
	[tilespmem:$0xC00] =	vst v63  }
0x4f: {  	_ =	swait.ge [sflag:s8], $0x80  }
0x50: {  	[sflag:s8] =	ssyncset.done $0x0  }
0x51: {  	s1 =	rddreg [dreg:$0xf];
	[sflag:s8] =	ssyncadd.s32 $0xFFFFFF80  }
0x52: {  	[tilespmem:s20], [sflag:$0x1] =	stream.linear.gather [hbm4b:s1+s2], $0x80, $0x38;
	[tilespmem:$0xC00] =	vst v63  }
0x53: {  	_ =	swait.ge [sflag:s8], $0x80  }
0x54: {  	[sflag:s8] =	ssyncset.done $0x0  }
0x55: {  	s1 =	rddreg [dreg:$0x10];
	[sflag:s8] =	ssyncadd.s32 $0xFFFFFF80  }
0x56: {  	[tilespmem:s21], [sflag:$0x1] =	stream.linear.gather [hbm4b:s1+s2], $0x80, $0x38;
	[tilespmem:$0xC00] =	vst v63  }
0x57: {  	_ =	swait.ge [sflag:s8], $0x80  }
0x58: {  	[sflag:s8] =	ssyncset.done $0x0  }
0x59: {  	s1 =	rddreg [dreg:$0x11];
	[sflag:s8] =	ssyncadd.s32 $0xFFFFFF80  }
0x5a: {  	[tilespmem:s22], [sflag:$0x1] =	stream.linear.gather [hbm4b:s1+s2], $0x80, $0x38;
	[tilespmem:$0xC00] =	vst v63  }
0x5b: {  	_ =	swait.ge [sflag:s8], $0x80  }
0x5c: {  	[sflag:s8] =	ssyncset.done $0x0  }
0x5d: {  	s1 =	rddreg [dreg:$0x12];
	[sflag:s8] =	ssyncadd.s32 $0xFFFFFF80  }
0x5e: {  	[tilespmem:s23], [sflag:$0x1] =	stream.linear.gather [hbm4b:s1+s2], $0x80, $0x38;
	[tilespmem:$0xC00] =	vst v63  }
0x5f: {  	_ =	swait.ge [sflag:s8], $0x80  }
0x60: {  	[sflag:s8] =	ssyncset.done $0x0  }
0x61: {  	[sflag:s8] =	ssyncadd.s32 $0xFFFFFF80  }
0x62: {  	v1 =	vld [tilespmem:$0x400]  }
0x63: {  	v2 =	vld [tilespmem:$0x0]  }
0x64: {  	v3 =	vld [tilespmem:$0x480]  }
0x65: {  	v4 =	vld [tilespmem:$0x80]  }
0x66: {  	v5 =	vld [tilespmem:$0x500]  }
0x67: {  	v6 =	vld [tilespmem:$0x100]  }
0x68: {  	v7 =	vld [tilespmem:$0x580]  }
0x69: {  	v8 =	vld [tilespmem:$0x180]  }
0x6a: {  	v9 =	vld [tilespmem:$0x600]  }
0x6b: {  	v10 =	vld [tilespmem:$0x200]  }
0x6c: {  	v11 =	vld [tilespmem:$0x680]  }
0x6d: {  	v12 =	vld [tilespmem:$0x280]  }
0x6e: {  	v13 =	vld [tilespmem:$0x700]  }
0x6f: {  	v14 =	vld [tilespmem:$0x300];
	vm0 =	vgt.f32 v1, $0.0e+00;
	vm1 =	vgt.f32 v3, $0.0e+00  }
0x70: {  	v15 =	vld [tilespmem:$0x780];
	vm6 =	vgt.f32 v5, $0.0e+00;
	v2 =	vnsel vm0, $0xF149F2CA, v2;
	v4 =	vnsel vm1, $0xF149F2CA, v4  }
0x71: {  	v16 =	vld [tilespmem:$0x380];
	vm7 =	vgt.f32 v7, $0.0e+00;
	v6 =	vnsel vm6, $0xF149F2CA, v6;
	v17 =	vmax.f32 v2, v4  }
0x72: {  	vm8 =	vgt.f32 v9, $0.0e+00;
	v8 =	vnsel vm7, $0xF149F2CA, v8;
	v17 =	vmax.f32 v17, v6  }
0x73: {  	vm9 =	vgt.f32 v11, $0.0e+00;
	v10 =	vnsel vm8, $0xF149F2CA, v10;
	v17 =	vmax.f32 v17, v8  }
0x74: {  	vm10 =	vgt.f32 v13, $0.0e+00;
	v12 =	vnsel vm9, $0xF149F2CA, v12;
	v17 =	vmax.f32 v17, v10  }
0x75: {  	vm11 =	vgt.f32 v15, $0.0e+00;
	v14 =	vnsel vm10, $0xF149F2CA, v14;
	v17 =	vmax.f32 v17, v12  }
0x76: {  	v16 =	vnsel vm11, $0xF149F2CA, v16;
	v17 =	vmax.f32 v17, v14  }
0x77: {  	v17 =	vmax.f32 v17, v16  }
0x78: {  	v2 =	vsub.f32 v2, v17  }
0x79: {  	v4 =	vsub.f32 v4, v17  }
0x7a: {  	v2 =	vmul.f32 $1.442695020e+00, v2  }
0x7b: {  	v6 =	vsub.f32 v6, v17;
	v4 =	vmul.f32 $1.442695020e+00, v4  }
0x7c: {  	(erf) = vpow2.f32 v2  }
0x7d: {  	v33 =	vsub.f32 v8, v17;
	v32 =	vmul.f32 $1.442695020e+00, v6;
	(erf) = vpow2.f32 v4;
	_ =	sdelay $0x1  }
0x7e: {  	v35 =	vsub.f32 v10, v17;
	v34 =	vmul.f32 $1.442695020e+00, v33;
	(erf) = vpow2.f32 v32;
	_ =	sdelay $0x1  }
0x7f: {  	v43 =	vld [tilespmem:$0x410];
	v36 =	vmul.f32 $1.442695020e+00, v35;
	(erf) = vpow2.f32 v34  }
0x80: {  	v45 =	vld [tilespmem:$0x10];
	v37 =	vsub.f32 v12, v17  }
0x81: {  	v47 =	vld [tilespmem:$0x490];
	v40 =	vsub.f32 v16, v17;
	(erf) = vpow2.f32 v36  }
0x82: {  	v50 =	vld [tilespmem:$0x90];
	v39 =	vsub.f32 v14, v17;
	v38 =	vmul.f32 $1.442695020e+00, v37  }
0x83: {  	v52 =	vld [tilespmem:$0x510];
	v6 =	vmul.f32 $1.442695020e+00, v40;
	v41 =	vpop (erf)  }
0x84: {  	v18 =	vld [tilespmem:$0x110];
	v4 =	vmul.f32 $1.442695020e+00, v39;
	(erf) = vpow2.f32 v38;
	v42 =	vpop (erf)  }
0x85: {  	v20 =	vld [tilespmem:$0x590];
	v0 =	vmul.f32 v41, v1;
	v44 =	vmul.f32 v42, v3  }
0x86: {  	v21 =	vld [tilespmem:$0x610];
	(erf) = vpow2.f32 v4;
	v46 =	vpop (erf)  }
0x87: {  	v22 =	vld [tilespmem:$0x690];
	(erf) = vpow2.f32 v6;
	v48 =	vmul.f32 v46, v5;
	v49 =	vadd.f32 v44, v0  }
0x88: {  	v57 =	vld [tilespmem:$0x190];
	v51 =	vpop (erf)  }
0x89: {  	v23 =	vld [tilespmem:$0x290];
	vm12 =	vgt.f32 v43, $0.0e+00;
	v53 =	vmul.f32 v51, v7;
	v54 =	vadd.f32 v49, v48  }
0x8a: {  	v24 =	vld [tilespmem:$0x790];
	vm13 =	vgt.f32 v47, $0.0e+00;
	vm14 =	vgt.f32 v52, $0.0e+00;
	vm15 =	vgt.f32 v20, $0.0e+00;
	v55 =	vpop (erf)  }
0x8b: {  	v61 =	vld [tilespmem:$0x210];
	vm4 =	vgt.f32 v21, $0.0e+00;
	v56 =	vmul.f32 v55, v9;
	v7 =	vadd.f32 v54, v53  }
0x8c: {  	vm5 =	vgt.f32 v22, $0.0e+00;
	v12 =	vnsel vm12, $0xF149F2CA, v45;
	v16 =	vnsel vm13, $0xF149F2CA, v50;
	v5 =	vld [tilespmem:$0x710]  }
0x8d: {  	v18 =	vnsel vm14, $0xF149F2CA, v18;
	v26 =	vmax.f32 v12, v16;
	v58 =	vpop (erf);
	v60 =	vadd.f32 v7, v56;
	v7 =	vld [tilespmem:$0x310]  }
0x8e: {  	v25 =	vld [tilespmem:$0x390];
	v26 =	vmax.f32 v26, v18;
	v9 =	vnsel vm15, $0xF149F2CA, v57;
	v59 =	vmul.f32 v58, v11  }
0x8f: {  	v23 =	vnsel vm5, $0xF149F2CA, v23;
	vm7 =	vgt.f32 v24, $0.0e+00;
	v26 =	vmax.f32 v26, v9;
	v62 =	vpop (erf)  }
0x90: {  	v11 =	vnsel vm4, $0xF149F2CA, v61;
	v63 =	vmul.f32 v62, v13;
	v3 =	vpop (erf);
	v19 =	vadd.f32 v60, v59  }
0x91: {  	vm6 =	vgt.f32 v5, $0.0e+00;
	v26 =	vmax.f32 v26, v11;
	v4 =	vmul.f32 v3, v15  }
0x92: {  	v26 =	vmax.f32 v26, v23;
	v6 =	vadd.f32 v19, v63;
	v19 =	vnsel vm6, $0xF149F2CA, v7  }
0x93: {  	v25 =	vnsel vm7, $0xF149F2CA, v25;
	v26 =	vmax.f32 v26, v19  }
0x94: {  	v13 =	vadd.f32 v6, v4;
	v26 =	vmax.f32 v26, v25  }
0x95: {  	v12 =	vsub.f32 v12, v26  }
0x96: {  	vm0 =	vgt.f32 v13, $0.0e+00;
	v16 =	vsub.f32 v16, v26  }
0x97: {  	v13 =	vnsel vm0, $0x3F800000, v13;
	v12 =	vmul.f32 $1.442695020e+00, v12  }
0x98: {  	v28 =	vsub.f32 v18, v26;
	(erf) = vrcp.f32 v13;
	v27 =	vmul.f32 $1.442695020e+00, v16  }
0x99: {  	(erf) = vpow2.f32 v12  }
0x9a: {  	v9 =	vsub.f32 v9, v26;
	v29 =	vmul.f32 $1.442695020e+00, v28;
	(erf) = vpow2.f32 v27;
	_ =	sdelay $0x1  }
0x9b: {  	v11 =	vsub.f32 v11, v26;
	v9 =	vmul.f32 $1.442695020e+00, v9;
	(erf) = vpow2.f32 v29  }
0x9c: {  	v40 =	vld [tilespmem:$0x20]  }
0x9d: {  	v38 =	vld [tilespmem:$0x420];
	v31 =	vsub.f32 v23, v26;
	v30 =	vmul.f32 $1.442695020e+00, v11;
	(erf) = vpow2.f32 v9  }
0x9e: {  	v42 =	vld [tilespmem:$0x4A0];
	v33 =	vsub.f32 v19, v26  }
0x9f: {  	[tilespmem:$0x1FE90] =	vst v44;
	v44 =	vld [tilespmem:$0xA0];
	v32 =	vmul.f32 $1.442695020e+00, v31;
	(erf) = vpow2.f32 v30  }
0xa0: {  	v55 =	vld [tilespmem:$0x220];
	v34 =	vsub.f32 v25, v26;
	v11 =	vmul.f32 $1.442695020e+00, v33;
	v19 =	vpop (erf)  }
0xa1: {  	[tilespmem:$0x1FEA0] =	vst v48;
	v48 =	vld [tilespmem:$0x120];
	(erf) = vpow2.f32 v32;
	v35 =	vpop (erf)  }
0xa2: {  	v28 =	vld [tilespmem:$0x5A0];
	v12 =	vmul.f32 $1.442695020e+00, v34;
	(erf) = vpow2.f32 v11;
	v37 =	vpop (erf)  }
0xa3: {  	v27 =	vld [tilespmem:$0x520];
	v36 =	vmul.f32 v35, v43;
	v39 =	vmul.f32 v37, v47  }
0xa4: {  	vm2 =	vgt.f32 v42, $0.0e+00;
	v29 =	vld [tilespmem:$0x620];
	v41 =	vpop (erf)  }
0xa5: {  	v30 =	vld [tilespmem:$0x6A0];
	(erf) = vpow2.f32 v12;
	v43 =	vmul.f32 v41, v52;
	v13 =	vadd.f32 v39, v36  }
0xa6: {  	vm8 =	vgt.f32 v38, $0.0e+00;
	v17 =	vnsel vm2, $0xF149F2CA, v44;
	v45 =	vpop (erf);
	v52 =	vld [tilespmem:$0x1A0]  }
0xa7: {  	v23 =	vnsel vm8, $0xF149F2CA, v40;
	v32 =	vld [tilespmem:$0x2A0];
	v46 =	vmul.f32 v45, v20;
	v47 =	vadd.f32 v13, v43  }
0xa8: {  	v60 =	vld [tilespmem:$0x720];
	vm10 =	vgt.f32 v28, $0.0e+00;
	vm9 =	vgt.f32 v27, $0.0e+00;
	v35 =	vmax.f32 v23, v17;
	v49 =	vpop (erf)  }
0xa9: {  	v33 =	vld [tilespmem:$0x7A0];
	v20 =	vnsel vm9, $0xF149F2CA, v48;
	v50 =	vmul.f32 v49, v21;
	v51 =	vadd.f32 v47, v46  }
0xaa: {  	[tilespmem:$0x1FEB0] =	vst v53;
	v62 =	vld [tilespmem:$0x320];
	vm11 =	vgt.f32 v29, $0.0e+00;
	vm12 =	vgt.f32 v30, $0.0e+00;
	v35 =	vmax.f32 v35, v20;
	v53 =	vpop (erf)  }
0xab: {  	v34 =	vld [tilespmem:$0x3A0];
	v54 =	vmul.f32 v53, v22;
	v21 =	vnsel vm10, $0xF149F2CA, v52;
	v16 =	vadd.f32 v51, v50  }
0xac: {  	[tilespmem:$0x1FEC0] =	vst v56;
	v32 =	vnsel vm12, $0xF149F2CA, v32;
	v22 =	vnsel vm11, $0xF149F2CA, v55;
	v56 =	vpop (erf);
	v35 =	vmax.f32 v35, v21  }
0xad: {  	v57 =	vmul.f32 v56, v5;
	v35 =	vmax.f32 v35, v22;
	v31 =	vadd.f32 v16, v54  }
0xae: {  	vm13 =	vgt.f32 v60, $0.0e+00;
	vm14 =	vgt.f32 v33, $0.0e+00;
	v58 =	vpop (erf);
	v35 =	vmax.f32 v35, v32  }
0xaf: {  	[tilespmem:$0x1FED0] =	vst v59;
	v59 =	vmul.f32 v58, v24;
	v61 =	vadd.f32 v31, v57;
	v31 =	vnsel vm13, $0xF149F2CA, v62  }
0xb0: {  	v34 =	vnsel vm14, $0xF149F2CA, v34;
	v35 =	vmax.f32 v35, v31  }
0xb1: {  	v26 =	vadd.f32 v61, v59;
	v35 =	vmax.f32 v35, v34  }
0xb2: {  	v23 =	vsub.f32 v23, v35  }
0xb3: {  	vm1 =	vgt.f32 v26, $0.0e+00  }
0xb4: {  	v17 =	vsub.f32 v17, v35;
	v26 =	vnsel vm1, $0x3F800000, v26;
	v23 =	vmul.f32 $1.442695020e+00, v23  }
0xb5: {  	(erf) = vrcp.f32 v26  }
0xb6: {  	v20 =	vsub.f32 v20, v35;
	v17 =	vmul.f32 $1.442695020e+00, v17;
	(erf) = vpow2.f32 v23  }
0xb7: {  	[tilespmem:$0x1FE80] =	vst v0  }
0xb8: {  	[tilespmem:$0x1FEE0] =	vst v63;
	v0 =	vsub.f32 v21, v35;
	v63 =	vmul.f32 $1.442695020e+00, v20;
	(erf) = vpow2.f32 v17  }
0xb9: {  	v2 =	vsub.f32 v22, v35  }
0xba: {  	[tilespmem:$0x1FEF0] =	vst v4;
	v4 =	vsub.f32 v32, v35;
	v1 =	vmul.f32 $1.442695020e+00, v0;
	(erf) = vpow2.f32 v63  }
0xbb: {  	v14 =	vld [tilespmem:$0x30];
	v6 =	vsub.f32 v31, v35;
	v3 =	vmul.f32 $1.442695020e+00, v2  }
0xbc: {  	v18 =	vld [tilespmem:$0xB0];
	v5 =	vmul.f32 $1.442695020e+00, v4;
	(erf) = vpow2.f32 v1  }
0xbd: {  	v12 =	vld [tilespmem:$0x430];
	v20 =	vmul.f32 $1.442695020e+00, v6;
	(erf) = vpow2.f32 v3  }
0xbe: {  	v37 =	vld [tilespmem:$0x5B0];
	v7 =	vpop (erf);
	(erf) = vpow2.f32 v5  }
0xbf: {  	v41 =	vld [tilespmem:$0x2B0];
	v8 =	vsub.f32 v34, v35;
	v9 =	vpop (erf);
	(erf) = vpow2.f32 v20  }
0xc0: {  	[tilespmem:$0x1FF10] =	vst v36;
	v36 =	vld [tilespmem:$0x530]  }
0xc1: {  	v16 =	vld [tilespmem:$0x4B0];
	v21 =	vmul.f32 $1.442695020e+00, v8;
	v11 =	vpop (erf)  }
0xc2: {  	v47 =	vld [tilespmem:$0x130];
	v10 =	vmul.f32 v9, v38;
	v13 =	vmul.f32 v11, v42  }
0xc3: {  	[tilespmem:$0x1FF20] =	vst v39;
	v39 =	vld [tilespmem:$0x6B0];
	v15 =	vpop (erf)  }
0xc4: {  	v51 =	vld [tilespmem:$0x1B0];
	(erf) = vpow2.f32 v21;
	v17 =	vmul.f32 v15, v27;
	v22 =	vadd.f32 v13, v10  }
0xc5: {  	[tilespmem:$0x1FF40] =	vst v46;
	vm15 =	vgt.f32 v12, $0.0e+00;
	vm6 =	vgt.f32 v37, $0.0e+00;
	vm5 =	vgt.f32 v36, $0.0e+00;
	v38 =	vld [tilespmem:$0x630];
	v44 =	vpop (erf)  }
0xc6: {  	[tilespmem:$0x1FF60] =	vst v54;
	v54 =	vld [tilespmem:$0x230];
	vm3 =	vgt.f32 v16, $0.0e+00;
	v45 =	vmul.f32 v44, v28;
	v48 =	vpop (erf);
	v46 =	vadd.f32 v22, v17  }
0xc7: {  	v58 =	vld [tilespmem:$0x730];
	v32 =	vnsel vm15, $0xF149F2CA, v14;
	v27 =	vnsel vm3, $0xF149F2CA, v18;
	v28 =	vnsel vm5, $0xF149F2CA, v47;
	v52 =	vpop (erf)  }
0xc8: {  	[tilespmem:$0x1FF50] =	vst v50;
	v42 =	vld [tilespmem:$0x7B0];
	v44 =	vmax.f32 v32, v27;
	v49 =	vmul.f32 v48, v29;
	v50 =	vadd.f32 v46, v45;
	v55 =	vpop (erf)  }
0xc9: {  	v29 =	vnsel vm6, $0xF149F2CA, v51;
	v44 =	vmax.f32 v44, v28;
	v56 =	vmul.f32 v55, v60;
	v60 =	vld [tilespmem:$0x330]  }
0xca: {  	[tilespmem:$0x1FF30] =	vst v43;
	v43 =	vld [tilespmem:$0x3B0];
	vm7 =	vgt.f32 v38, $0.0e+00;
	v53 =	vmul.f32 v52, v30;
	v25 =	vadd.f32 v50, v49  }
0xcb: {  	vm8 =	vgt.f32 v39, $0.0e+00;
	v44 =	vmax.f32 v44, v29;
	v30 =	vnsel vm7, $0xF149F2CA, v54  }
0xcc: {  	v41 =	vnsel vm8, $0xF149F2CA, v41;
	v44 =	vmax.f32 v44, v30;
	v40 =	vadd.f32 v25, v53  }
0xcd: {  	[tilespmem:$0x1FF70] =	vst v57;
	vm9 =	vgt.f32 v58, $0.0e+00;
	vm10 =	vgt.f32 v42, $0.0e+00;
	v57 =	vpop (erf);
	v44 =	vmax.f32 v44, v41  }
0xce: {  	[tilespmem:$0x1FF80] =	vst v59;
	v26 =	vmul.f32 v57, v33;
	v59 =	vadd.f32 v40, v56;
	v40 =	vnsel vm9, $0xF149F2CA, v60  }
0xcf: {  	v43 =	vnsel vm10, $0xF149F2CA, v43;
	v44 =	vmax.f32 v44, v40  }
0xd0: {  	v35 =	vadd.f32 v59, v26;
	v44 =	vmax.f32 v44, v43  }
0xd1: {  	v32 =	vsub.f32 v32, v44  }
0xd2: {  	vm2 =	vgt.f32 v35, $0.0e+00;
	v27 =	vsub.f32 v27, v44  }
0xd3: {  	v35 =	vnsel vm2, $0x3F800000, v35;
	v32 =	vmul.f32 $1.442695020e+00, v32  }
0xd4: {  	v28 =	vsub.f32 v28, v44;
	(erf) = vrcp.f32 v35;
	v27 =	vmul.f32 $1.442695020e+00, v27  }
0xd5: {  	(erf) = vpow2.f32 v32  }
0xd6: {  	v62 =	vsub.f32 v29, v44;
	v61 =	vmul.f32 $1.442695020e+00, v28;
	(erf) = vpow2.f32 v27;
	_ =	sdelay $0x1  }
0xd7: {  	v24 =	vld [tilespmem:$0x740];
	v0 =	vsub.f32 v30, v44;
	v63 =	vmul.f32 $1.442695020e+00, v62;
	(erf) = vpow2.f32 v61  }
0xd8: {  	v9 =	vld [tilespmem:$0x440]  }
0xd9: {  	v15 =	vld [tilespmem:$0x140];
	v2 =	vsub.f32 v41, v44;
	v1 =	vmul.f32 $1.442695020e+00, v0;
	(erf) = vpow2.f32 v63  }
0xda: {  	[tilespmem:$0x1FF90] =	vst v10;
	v10 =	vld [tilespmem:$0x40];
	v4 =	vsub.f32 v40, v44  }
0xdb: {  	v47 =	vld [tilespmem:$0x640];
	v3 =	vmul.f32 $1.442695020e+00, v2;
	(erf) = vpow2.f32 v1  }
0xdc: {  	[tilespmem:$0x1FF00] =	vst v7;
	v48 =	vld [tilespmem:$0x6C0];
	v5 =	vsub.f32 v43, v44;
	v7 =	vmul.f32 $1.442695020e+00, v4;
	v35 =	vpop (erf)  }
0xdd: {  	v51 =	vld [tilespmem:$0x7C0];
	(erf) = vpow2.f32 v3;
	v6 =	vpop (erf)  }
0xde: {  	[tilespmem:$0x1FFC0] =	vst v45;
	v45 =	vld [tilespmem:$0x540];
	v29 =	vmul.f32 $1.442695020e+00, v5;
	(erf) = vpow2.f32 v7;
	v8 =	vpop (erf)  }
0xdf: {  	v46 =	vld [tilespmem:$0x5C0];
	v27 =	vmul.f32 v6, v12;
	v28 =	vmul.f32 v8, v16  }
0xe0: {  	v12 =	vld [tilespmem:$0x4C0];
	v11 =	vpop (erf);
	(erf) = vpow2.f32 v29  }
0xe1: {  	[tilespmem:$0x1FFA0] =	vst v13;
	v13 =	vld [tilespmem:$0xC0];
	v29 =	vmul.f32 v11, v36;
	v31 =	vadd.f32 v28, v27  }
0xe2: {  	v21 =	vld [tilespmem:$0x240];
	vm6 =	vgt.f32 v24, $0.0e+00;
	vm11 =	vgt.f32 v9, $0.0e+00;
	vm14 =	vgt.f32 v47, $0.0e+00;
	v14 =	vpop (erf)  }
0xe3: {  	v18 =	vld [tilespmem:$0x1C0];
	vm15 =	vgt.f32 v48, $0.0e+00;
	v30 =	vmul.f32 v14, v37;
	v31 =	vadd.f32 v31, v29  }
0xe4: {  	vm7 =	vgt.f32 v51, $0.0e+00;
	vm12 =	vgt.f32 v45, $0.0e+00;
	vm13 =	vgt.f32 v46, $0.0e+00;
	v16 =	vpop (erf)  }
0xe5: {  	[tilespmem:$0x1FFB0] =	vst v17;
	v50 =	vld [tilespmem:$0x2C0];
	v34 =	vmul.f32 v16, v38;
	vm4 =	vgt.f32 v12, $0.0e+00;
	v17 =	vadd.f32 v31, v30  }
0xe6: {  	[tilespmem:$0x1FFF0] =	vst v56;
	v56 =	vld [tilespmem:$0x340];
	v41 =	vnsel vm11, $0xF149F2CA, v10;
	v37 =	vnsel vm12, $0xF149F2CA, v15;
	v20 =	vpop (erf);
	v36 =	vnsel vm4, $0xF149F2CA, v13  }
0xe7: {  	v52 =	vld [tilespmem:$0x3C0];
	[tilespmem:$0x1FFE0] =	vst v53;
	v31 =	vmul.f32 v20, v39;
	v53 =	vmax.f32 v41, v36;
	v32 =	vadd.f32 v17, v34  }
0xe8: {  	v38 =	vnsel vm13, $0xF149F2CA, v18;
	v39 =	vnsel vm14, $0xF149F2CA, v21;
	v22 =	vpop (erf);
	v53 =	vmax.f32 v53, v37  }
0xe9: {  	[tilespmem:$0x1FFD0] =	vst v49;
	v33 =	vmul.f32 v22, v58;
	v53 =	vmax.f32 v53, v38;
	v23 =	vpop (erf);
	v49 =	vadd.f32 v32, v31  }
0xea: {  	v50 =	vnsel vm15, $0xF149F2CA, v50;
	v53 =	vmax.f32 v53, v39;
	v32 =	vmul.f32 v23, v42  }
0xeb: {  	v53 =	vmax.f32 v53, v50;
	v25 =	vadd.f32 v49, v33;
	v49 =	vnsel vm6, $0xF149F2CA, v56  }
0xec: {  	v52 =	vnsel vm7, $0xF149F2CA, v52;
	v53 =	vmax.f32 v53, v49  }
0xed: {  	v44 =	vadd.f32 v25, v32;
	v53 =	vmax.f32 v53, v52  }
0xee: {  	v41 =	vsub.f32 v41, v53  }
0xef: {  	v36 =	vsub.f32 v36, v53;
	vm3 =	vgt.f32 v44, $0.0e+00  }
0xf0: {  	v37 =	vsub.f32 v37, v53;
	v44 =	vnsel vm3, $0x3F800000, v44;
	v41 =	vmul.f32 $1.442695020e+00, v41  }
0xf1: {  	v36 =	vmul.f32 $1.442695020e+00, v36;
	(erf) = vrcp.f32 v44  }
0xf2: {  	v57 =	vmul.f32 $1.442695020e+00, v37;
	(erf) = vpow2.f32 v41  }
0xf3: {  	v58 =	vsub.f32 v38, v53;
	(erf) = vpow2.f32 v36  }
0xf4: {  	(erf) = vpow2.f32 v57  }
0xf5: {  	v60 =	vsub.f32 v39, v53;
	v59 =	vmul.f32 $1.442695020e+00, v58;
	_ =	sdelay $0x1  }
0xf6: {  	v62 =	vsub.f32 v50, v53;
	v61 =	vmul.f32 $1.442695020e+00, v60;
	(erf) = vpow2.f32 v59  }
0xf7: {  	v0 =	vsub.f32 v49, v53  }
0xf8: {  	v1 =	vsub.f32 v52, v53;
	v63 =	vmul.f32 $1.442695020e+00, v62;
	(erf) = vpow2.f32 v61  }
0xf9: {  	v54 =	vld [tilespmem:$0x550];
	v3 =	vmul.f32 $1.442695020e+00, v0;
	v44 =	vpop (erf)  }
0xfa: {  	v55 =	vld [tilespmem:$0x5D0];
	v38 =	vmul.f32 $1.442695020e+00, v1;
	(erf) = vpow2.f32 v63;
	v2 =	vpop (erf)  }
0xfb: {  	v5 =	vld [tilespmem:$0x450];
	(erf) = vpow2.f32 v3;
	v37 =	vmul.f32 v2, v9;
	v4 =	vpop (erf)  }
0xfc: {  	v6 =	vld [tilespmem:$0x50];
	v36 =	vmul.f32 v4, v12;
	v7 =	vpop (erf);
	(erf) = vpow2.f32 v38  }
0xfd: {  	v8 =	vld [tilespmem:$0x4D0]  }
0xfe: {  	v15 =	vld [tilespmem:$0x1D0];
	v38 =	vmul.f32 v7, v45;
	v40 =	vadd.f32 v36, v37  }
0xff: {  	v17 =	vld [tilespmem:$0x250];
	v10 =	vpop (erf)  }
0x100: {  	v56 =	vld [tilespmem:$0x650];
	v39 =	vmul.f32 v10, v46;
	v11 =	vadd.f32 v40, v38  }
0x101: {  	v60 =	vld [tilespmem:$0x7D0];
	v13 =	vpop (erf)  }
0x102: {  	v9 =	vld [tilespmem:$0xD0];
	v40 =	vmul.f32 v13, v47;
	v14 =	vadd.f32 v11, v39  }
0x103: {  	v12 =	vld [tilespmem:$0x150];
	v16 =	vpop (erf)  }
0x104: {  	v57 =	vld [tilespmem:$0x6D0];
	v41 =	vmul.f32 v16, v48;
	v18 =	vpop (erf);
	v43 =	vadd.f32 v14, v40  }
0x105: {  	vm9 =	vgt.f32 v54, $0.0e+00;
	vm10 =	vgt.f32 v55, $0.0e+00;
	vm8 =	vgt.f32 v5, $0.0e+00;
	v59 =	vld [tilespmem:$0x2D0];
	v20 =	vpop (erf)  }
0x106: {  	vm5 =	vgt.f32 v8, $0.0e+00;
	v58 =	vadd.f32 v43, v41;
	v43 =	vmul.f32 v20, v51;
	v51 =	vld [tilespmem:$0x750]  }
0x107: {  	v22 =	vld [tilespmem:$0x350];
	v50 =	vnsel vm8, $0xF149F2CA, v6;
	vm11 =	vgt.f32 v56, $0.0e+00;
	v45 =	vnsel vm5, $0xF149F2CA, v9  }
0x108: {  	vm14 =	vgt.f32 v60, $0.0e+00;
	v61 =	vld [tilespmem:$0x3D0];
	v46 =	vnsel vm9, $0xF149F2CA, v12;
	v62 =	vmax.f32 v50, v45  }
0x109: {  	vm12 =	vgt.f32 v57, $0.0e+00;
	v47 =	vnsel vm10, $0xF149F2CA, v15;
	v62 =	vmax.f32 v62, v46  }
0x10a: {  	v48 =	vnsel vm11, $0xF149F2CA, v17;
	v62 =	vmax.f32 v62, v47;
	v42 =	vmul.f32 v18, v24  }
0x10b: {  	v59 =	vnsel vm12, $0xF149F2CA, v59;
	v62 =	vmax.f32 v62, v48;
	vm13 =	vgt.f32 v51, $0.0e+00  }
0x10c: {  	v62 =	vmax.f32 v62, v59;
	v21 =	vadd.f32 v58, v42;
	v58 =	vnsel vm13, $0xF149F2CA, v22  }
0x10d: {  	v61 =	vnsel vm14, $0xF149F2CA, v61;
	v62 =	vmax.f32 v62, v58  }
0x10e: {  	v53 =	vadd.f32 v21, v43;
	v62 =	vmax.f32 v62, v61  }
0x10f: {  	v50 =	vsub.f32 v50, v62  }
0x110: {  	vm4 =	vgt.f32 v53, $0.0e+00;
	v45 =	vsub.f32 v45, v62  }
0x111: {  	v53 =	vnsel vm4, $0x3F800000, v53;
	v46 =	vsub.f32 v46, v62;
	v50 =	vmul.f32 $1.442695020e+00, v50  }
0x112: {  	(erf) = vrcp.f32 v53;
	v45 =	vmul.f32 $1.442695020e+00, v45  }
0x113: {  	v23 =	vmul.f32 $1.442695020e+00, v46;
	(erf) = vpow2.f32 v50  }
0x114: {  	v24 =	vsub.f32 v47, v62;
	(erf) = vpow2.f32 v45  }
0x115: {  	v50 =	vsub.f32 v48, v62;
	(erf) = vpow2.f32 v23  }
0x116: {  	v25 =	vmul.f32 $1.442695020e+00, v24  }
0x117: {  	v53 =	vmul.f32 $1.442695020e+00, v50  }
0x118: {  	v63 =	vsub.f32 v59, v62;
	(erf) = vpow2.f32 v25  }
0x119: {  	v1 =	vsub.f32 v58, v62  }
0x11a: {  	v9 =	vld [tilespmem:$0x160];
	v2 =	vsub.f32 v61, v62;
	v0 =	vmul.f32 $1.442695020e+00, v63;
	(erf) = vpow2.f32 v53  }
0x11b: {  	v12 =	vld [tilespmem:$0x1E0];
	v4 =	vmul.f32 $1.442695020e+00, v1;
	v53 =	vpop (erf)  }
0x11c: {  	v17 =	vld [tilespmem:$0x6E0];
	v47 =	vmul.f32 $1.442695020e+00, v2;
	(erf) = vpow2.f32 v0;
	v3 =	vpop (erf)  }
0x11d: {  	v14 =	vld [tilespmem:$0x260];
	(erf) = vpow2.f32 v4;
	v45 =	vmul.f32 v3, v5;
	v5 =	vpop (erf)  }
0x11e: {  	v59 =	vld [tilespmem:$0x460];
	v46 =	vmul.f32 v5, v8;
	v6 =	vpop (erf);
	(erf) = vpow2.f32 v47  }
0x11f: {  	v58 =	vld [tilespmem:$0x60]  }
0x120: {  	v61 =	vld [tilespmem:$0x4E0];
	v47 =	vmul.f32 v6, v54;
	v49 =	vadd.f32 v46, v45  }
0x121: {  	v63 =	vld [tilespmem:$0x560];
	v7 =	vpop (erf)  }
0x122: {  	v24 =	vld [tilespmem:$0x760];
	v48 =	vmul.f32 v7, v55;
	v8 =	vadd.f32 v49, v47  }
0x123: {  	v54 =	vld [tilespmem:$0xE0];
	v10 =	vpop (erf)  }
0x124: {  	v5 =	vld [tilespmem:$0x5E0];
	v49 =	vmul.f32 v10, v56;
	v11 =	vadd.f32 v8, v48  }
0x125: {  	vm11 =	vgt.f32 v17, $0.0e+00;
	vm15 =	vgt.f32 v59, $0.0e+00;
	v4 =	vld [tilespmem:$0x660];
	v13 =	vpop (erf)  }
0x126: {  	vm6 =	vgt.f32 v61, $0.0e+00;
	v23 =	vld [tilespmem:$0x2E0];
	v50 =	vmul.f32 v13, v57;
	v20 =	vpop (erf);
	v52 =	vadd.f32 v11, v49  }
0x127: {  	v58 =	vnsel vm15, $0xF149F2CA, v58;
	vm8 =	vgt.f32 v63, $0.0e+00;
	vm12 =	vgt.f32 v24, $0.0e+00;
	v6 =	vld [tilespmem:$0x360];
	v22 =	vpop (erf)  }
0x128: {  	v54 =	vnsel vm6, $0xF149F2CA, v54;
	v21 =	vadd.f32 v52, v50;
	v52 =	vmul.f32 v22, v60;
	v60 =	vld [tilespmem:$0x7E0]  }
0x129: {  	v55 =	vnsel vm8, $0xF149F2CA, v9;
	v7 =	vld [tilespmem:$0x3E0];
	vm9 =	vgt.f32 v5, $0.0e+00;
	v8 =	vmax.f32 v58, v54  }
0x12a: {  	vm10 =	vgt.f32 v4, $0.0e+00;
	v56 =	vnsel vm9, $0xF149F2CA, v12;
	v0 =	vmax.f32 v8, v55  }
0x12b: {  	v57 =	vnsel vm10, $0xF149F2CA, v14;
	v51 =	vmul.f32 v20, v51;
	v0 =	vmax.f32 v0, v56  }
0x12c: {  	v3 =	vnsel vm11, $0xF149F2CA, v23;
	v2 =	vnsel vm12, $0xF149F2CA, v6;
	v0 =	vmax.f32 v0, v57  }
0x12d: {  	v0 =	vmax.f32 v0, v3;
	v62 =	vadd.f32 v21, v51;
	vm13 =	vgt.f32 v60, $0.0e+00  }
0x12e: {  	v0 =	vmax.f32 v0, v2;
	v1 =	vnsel vm13, $0xF149F2CA, v7  }
0x12f: {  	v62 =	vadd.f32 v62, v52;
	v0 =	vmax.f32 v0, v1  }
0x130: {  	v58 =	vsub.f32 v58, v0  }
0x131: {  	vm5 =	vgt.f32 v62, $0.0e+00;
	v54 =	vsub.f32 v54, v0  }
0x132: {  	v62 =	vnsel vm5, $0x3F800000, v62;
	v55 =	vsub.f32 v55, v0;
	v58 =	vmul.f32 $1.442695020e+00, v58  }
0x133: {  	(erf) = vrcp.f32 v62;
	v56 =	vsub.f32 v56, v0;
	v54 =	vmul.f32 $1.442695020e+00, v54  }
0x134: {  	v9 =	vmul.f32 $1.442695020e+00, v55;
	(erf) = vpow2.f32 v58  }
0x135: {  	v6 =	vld [tilespmem:$0x1F0];
	v10 =	vsub.f32 v57, v0;
	v56 =	vmul.f32 $1.442695020e+00, v56;
	(erf) = vpow2.f32 v54  }
0x136: {  	v8 =	vld [tilespmem:$0x170];
	(erf) = vpow2.f32 v9  }
0x137: {  	v22 =	vld [tilespmem:$0x1FE80];
	v11 =	vmul.f32 $1.442695020e+00, v10;
	(erf) = vpow2.f32 v56  }
0x138: {  	v20 =	vimm.f32 $0.0e+00;
	v21 =	vld [tilespmem:$0x570]  }
0x139: {  	v16 =	vsel vm0, $0x3F800000, v20;
	v7 =	vld [tilespmem:$0xF0];
	v3 =	vsub.f32 v3, v0;
	(erf) = vpow2.f32 v11  }
0x13a: {  	v2 =	vsub.f32 v2, v0;
	v0 =	vsub.f32 v1, v0;
	v62 =	vld [tilespmem:$0x470];
	v1 =	vmul.f32 v19, v16  }
0x13b: {  	v16 =	vld [tilespmem:$0x1FEC0];
	v12 =	vmul.f32 $1.442695020e+00, v3  }
0x13c: {  	v2 =	vmul.f32 $1.442695020e+00, v2;
	v9 =	vmul.f32 v1, v22;
	v22 =	vld [tilespmem:$0x1FEF0];
	v58 =	vpop (erf)  }
0x13d: {  	v0 =	vmul.f32 $1.442695020e+00, v0;
	v56 =	vld [tilespmem:$0x70];
	(erf) = vpow2.f32 v12;
	v13 =	vpop (erf)  }
0x13e: {  	(erf) = vpow2.f32 v2;
	v14 =	vpop (erf);
	v55 =	vmul.f32 v13, v59;
	v13 =	vld [tilespmem:$0x1FE90]  }
0x13f: {  	(erf) = vpow2.f32 v0;
	v54 =	vmul.f32 v14, v61;
	v15 =	vpop (erf);
	v14 =	vld [tilespmem:$0x1FEA0]  }
0x140: {  	v25 =	vmul.f32 v15, v63;
	v18 =	vpop (erf);
	v15 =	vld [tilespmem:$0x1FEB0]  }
0x141: {  	v23 =	vmul.f32 v18, v5;
	v18 =	vld [tilespmem:$0x1FED0]  }
0x142: {  	v61 =	vld [tilespmem:$0x4F0];
	v59 =	vadd.f32 v54, v55;
	v19 =	vpop (erf)  }
0x143: {  	v57 =	vmul.f32 v19, v4;
	v19 =	vld [tilespmem:$0x1FEE0]  }
0x144: {  	vm8 =	vgt.f32 v21, $0.0e+00;
	v5 =	vld [tilespmem:$0x270];
	v63 =	vadd.f32 v59, v25  }
0x145: {  	v3 =	vnsel vm8, $0xF149F2CA, v8;
	v59 =	vld [tilespmem:$0x5F0];
	v10 =	vmul.f32 v1, v13;
	v11 =	vmul.f32 v1, v14  }
0x146: {  	v13 =	vpop (erf);
	v12 =	vmul.f32 v1, v15;
	v4 =	vadd.f32 v63, v23;
	v63 =	vld [tilespmem:$0x670];
	v15 =	vmul.f32 v1, v18  }
0x147: {  	vm14 =	vgt.f32 v62, $0.0e+00;
	v2 =	vpop (erf);
	v18 =	vmul.f32 v1, v22;
	v22 =	vmul.f32 v13, v17;
	v17 =	vld [tilespmem:$0x2F0]  }
0x148: {  	v14 =	vmul.f32 v1, v16;
	v13 =	vpop (erf);
	v16 =	vmul.f32 v1, v19;
	v4 =	vadd.f32 v4, v57;
	v19 =	vld [tilespmem:$0x6F0]  }
0x149: {  	v56 =	vnsel vm14, $0xF149F2CA, v56;
	vm15 =	vgt.f32 v61, $0.0e+00;
	v60 =	vmul.f32 v13, v60;
	v13 =	vld [tilespmem:$0x7F0]  }
0x14a: {  	v24 =	vmul.f32 v2, v24;
	v7 =	vnsel vm15, $0xF149F2CA, v7;
	v0 =	vadd.f32 v4, v22;
	v4 =	vld [tilespmem:$0x770]  }
0x14b: {  	v8 =	vmax.f32 v56, v7;
	[tilespmem:$0xA00] =	vst v14;
	v14 =	vsel vm2, $0x3F800000, v20;
	v1 =	vld [tilespmem:$0x370];
	vm9 =	vgt.f32 v59, $0.0e+00  }
0x14c: {  	v2 =	vld [tilespmem:$0x3F0];
	[tilespmem:$0x900] =	vst v11;
	v8 =	vmax.f32 v8, v3;
	v6 =	vnsel vm9, $0xF149F2CA, v6;
	vm10 =	vgt.f32 v63, $0.0e+00  }
0x14d: {  	[tilespmem:$0x980] =	vst v12;
	v12 =	vld [tilespmem:$0x1FF00];
	v11 =	vmul.f32 v35, v14;
	v8 =	vmax.f32 v8, v6;
	v5 =	vnsel vm10, $0xF149F2CA, v5  }
0x14e: {  	v0 =	vadd.f32 v0, v24;
	vm11 =	vgt.f32 v19, $0.0e+00;
	v8 =	vmax.f32 v8, v5  }
0x14f: {  	[tilespmem:$0x800] =	vst v9;
	v35 =	vld [tilespmem:$0x1FF10];
	vm13 =	vgt.f32 v13, $0.0e+00;
	v9 =	vnsel vm11, $0xF149F2CA, v17;
	vm12 =	vgt.f32 v4, $0.0e+00  }
0x150: {  	[tilespmem:$0x880] =	vst v10;
	v0 =	vadd.f32 v0, v60;
	v8 =	vmax.f32 v8, v9;
	v1 =	vnsel vm12, $0xF149F2CA, v1  }
0x151: {  	[tilespmem:$0xA80] =	vst v15;
	v15 =	vld [tilespmem:$0x1FF30];
	v17 =	vsel vm1, $0x3F800000, v20;
	v2 =	vnsel vm13, $0xF149F2CA, v2;
	v8 =	vmax.f32 v8, v1  }
0x152: {  	[tilespmem:$0xB00] =	vst v16;
	v16 =	vld [tilespmem:$0x1FF40];
	v10 =	vmul.f32 v12, v17;
	vm14 =	vgt.f32 v0, $0.0e+00;
	v8 =	vmax.f32 v8, v2  }
0x153: {  	v0 =	vnsel vm14, $0x3F800000, v0;
	v17 =	vsub.f32 v56, v8;
	v56 =	vld [tilespmem:$0x1FF20]  }
0x154: {  	[tilespmem:$0xB80] =	vst v18;
	v18 =	vld [tilespmem:$0x1FF60];
	(erf) = vrcp.f32 v0;
	v0 =	vmul.f32 v10, v35;
	v7 =	vsub.f32 v7, v8  }
0x155: {  	v12 =	vmul.f32 $1.442695020e+00, v17;
	v17 =	vld [tilespmem:$0x1FF50]  }
0x156: {  	v35 =	vld [tilespmem:$0x1FF70];
	[tilespmem:$0x810] =	vst v0;
	v0 =	vmul.f32 v10, v15;
	v7 =	vmul.f32 $1.442695020e+00, v7  }
0x157: {  	v15 =	vld [tilespmem:$0x1FFC0];
	(erf) = vpow2.f32 v12;
	v12 =	vmul.f32 v10, v16  }
0x158: {  	[tilespmem:$0x910] =	vst v0;
	v14 =	vmul.f32 v10, v56;
	v56 =	vld [tilespmem:$0x1FF80]  }
0x159: {  	v3 =	vsub.f32 v3, v8;
	(erf) = vpow2.f32 v7;
	v7 =	vmul.f32 v10, v18;
	[tilespmem:$0x990] =	vst v12;
	v12 =	vld [tilespmem:$0x1FFA0]  }
0x15a: {  	v6 =	vsub.f32 v6, v8;
	v16 =	vld [tilespmem:$0x1FFD0];
	[tilespmem:$0x890] =	vst v14;
	v0 =	vmul.f32 v10, v17  }
0x15b: {  	v5 =	vsub.f32 v5, v8;
	v3 =	vmul.f32 $1.442695020e+00, v3;
	[tilespmem:$0xA90] =	vst v7;
	v7 =	vld [tilespmem:$0x1FF90]  }
0x15c: {  	v1 =	vsub.f32 v1, v8;
	v6 =	vmul.f32 $1.442695020e+00, v6;
	v14 =	vld [tilespmem:$0x1FFB0];
	[tilespmem:$0xA10] =	vst v0;
	v0 =	vmul.f32 v10, v35  }
0x15d: {  	v5 =	vmul.f32 $1.442695020e+00, v5;
	v18 =	vld [tilespmem:$0x1FFF0];
	v10 =	vmul.f32 v10, v56  }
0x15e: {  	v1 =	vmul.f32 $1.442695020e+00, v1;
	v17 =	vld [tilespmem:$0x1FFE0];
	[tilespmem:$0xB10] =	vst v0;
	v0 =	vmul.f32 v11, v12  }
0x15f: {  	(erf) = vpow2.f32 v3;
	v12 =	vmul.f32 v11, v16;
	[tilespmem:$0xB90] =	vst v10  }
0x160: {  	(erf) = vpow2.f32 v6;
	v3 =	vmul.f32 v11, v7;
	[tilespmem:$0x8A0] =	vst v0  }
0x161: {  	v56 =	vsub.f32 v9, v8;
	v7 =	vmul.f32 v11, v14;
	v10 =	vmul.f32 v11, v15;
	[tilespmem:$0xA20] =	vst v12  }
0x162: {  	v14 =	vsel vm3, $0x3F800000, v20;
	v15 =	vpop (erf);
	(erf) = vpow2.f32 v5;
	v0 =	vmul.f32 v11, v18;
	[tilespmem:$0x820] =	vst v3  }
0x163: {  	v16 =	vmul.f32 v44, v14;
	v3 =	vmul.f32 v11, v17;
	[tilespmem:$0x920] =	vst v7  }
0x164: {  	v35 =	vpop (erf);
	v11 =	vmul.f32 v11, v26;
	[tilespmem:$0x9A0] =	vst v10;
	v7 =	vmul.f32 $1.442695020e+00, v56  }
0x165: {  	v18 =	vsub.f32 v2, v8;
	v6 =	vmul.f32 v35, v62;
	[tilespmem:$0xB20] =	vst v0;
	v26 =	vmul.f32 v16, v27  }
0x166: {  	v27 =	vmul.f32 v16, v28;
	[tilespmem:$0xAA0] =	vst v3;
	(erf) = vpow2.f32 v7  }
0x167: {  	v17 =	vpop (erf);
	v28 =	vmul.f32 v16, v29;
	v0 =	vmul.f32 $1.442695020e+00, v18;
	[tilespmem:$0xBA0] =	vst v11  }
0x168: {  	v3 =	vmul.f32 v17, v61;
	(erf) = vpow2.f32 v1;
	[tilespmem:$0x830] =	vst v26  }
0x169: {  	v30 =	vmul.f32 v16, v30;
	v34 =	vmul.f32 v16, v34;
	v35 =	vpop (erf);
	[tilespmem:$0x8B0] =	vst v27  }
0x16a: {  	v2 =	vmul.f32 v35, v21;
	[tilespmem:$0x930] =	vst v28;
	(erf) = vpow2.f32 v0;
	v44 =	vadd.f32 v3, v6  }
0x16b: {  	v29 =	vsel vm4, $0x3F800000, v20;
	v62 =	vmul.f32 v16, v31;
	v12 =	vmul.f32 v16, v33;
	v56 =	vpop (erf);
	[tilespmem:$0x9B0] =	vst v30  }
0x16c: {  	v61 =	vmul.f32 v53, v29;
	[tilespmem:$0xA30] =	vst v34;
	v8 =	vmul.f32 v56, v59;
	v0 =	vadd.f32 v44, v2  }
0x16d: {  	v16 =	vmul.f32 v16, v32;
	[tilespmem:$0xAB0] =	vst v62;
	v14 =	vpop (erf)  }
0x16e: {  	[tilespmem:$0xB30] =	vst v12;
	v17 =	vmul.f32 v61, v37;
	v18 =	vmul.f32 v14, v63;
	v0 =	vadd.f32 v0, v8  }
0x16f: {  	[tilespmem:$0xBB0] =	vst v16;
	v26 =	vmul.f32 v61, v36;
	v21 =	vpop (erf)  }
0x170: {  	v29 =	vmul.f32 v61, v38;
	[tilespmem:$0x840] =	vst v17;
	v0 =	vadd.f32 v0, v18;
	v28 =	vmul.f32 v21, v19  }
0x171: {  	v32 =	vsel vm5, $0x3F800000, v20;
	v30 =	vmul.f32 v61, v39;
	[tilespmem:$0x8C0] =	vst v26;
	v27 =	vpop (erf)  }
0x172: {  	v31 =	vmul.f32 v61, v40;
	[tilespmem:$0x940] =	vst v29;
	v4 =	vmul.f32 v27, v4;
	v0 =	vadd.f32 v0, v28  }
0x173: {  	v11 =	vmul.f32 v58, v32;
	v33 =	vmul.f32 v61, v41;
	[tilespmem:$0x9C0] =	vst v30;
	v34 =	vpop (erf)  }
0x174: {  	v36 =	vmul.f32 v61, v42;
	[tilespmem:$0xA40] =	vst v31;
	v35 =	vmul.f32 v34, v13;
	v0 =	vadd.f32 v0, v4  }
0x175: {  	v1 =	vmul.f32 v61, v43;
	[tilespmem:$0xAC0] =	vst v33  }
0x176: {  	v37 =	vmul.f32 v11, v45;
	[tilespmem:$0xB40] =	vst v36;
	v0 =	vadd.f32 v0, v35  }
0x177: {  	v38 =	vmul.f32 v11, v46;
	[tilespmem:$0xBC0] =	vst v1  }
0x178: {  	v39 =	vmul.f32 v11, v47;
	[tilespmem:$0x850] =	vst v37;
	vm15 =	vgt.f32 v0, $0.0e+00  }
0x179: {  	v40 =	vmul.f32 v11, v48;
	[tilespmem:$0x8D0] =	vst v38;
	v0 =	vnsel vm15, $0x3F800000, v0  }
0x17a: {  	v41 =	vmul.f32 v11, v49;
	[tilespmem:$0x950] =	vst v39;
	(erf) = vrcp.f32 v0  }
0x17b: {  	v42 =	vsel vm14, $0x3F800000, v20;
	v43 =	vmul.f32 v11, v50;
	[tilespmem:$0x9D0] =	vst v40  }
0x17c: {  	v45 =	vmul.f32 v11, v51;
	[tilespmem:$0xA50] =	vst v41;
	v44 =	vmul.f32 v15, v42  }
0x17d: {  	v46 =	vmul.f32 v11, v52;
	[tilespmem:$0xAD0] =	vst v43  }
0x17e: {  	[tilespmem:$0xB50] =	vst v45;
	v47 =	vmul.f32 v44, v55  }
0x17f: {  	[tilespmem:$0xBD0] =	vst v46;
	v48 =	vmul.f32 v44, v54  }
0x180: {  	v49 =	vmul.f32 v44, v25;
	[tilespmem:$0x860] =	vst v47  }
0x181: {  	v50 =	vmul.f32 v44, v23;
	[tilespmem:$0x8E0] =	vst v48  }
0x182: {  	v51 =	vmul.f32 v44, v57;
	[tilespmem:$0x960] =	vst v49  }
0x183: {  	v52 =	vmul.f32 v44, v22;
	[tilespmem:$0x9E0] =	vst v50;
	v53 =	vsel vm15, $0x3F800000, v20;
	v54 =	vpop (erf)  }
0x184: {  	v55 =	vmul.f32 v44, v24;
	[tilespmem:$0xA60] =	vst v51;
	v11 =	vmul.f32 v54, v53  }
0x185: {  	[tilespmem:$0xAE0] =	vst v52;
	v0 =	vmul.f32 v44, v60  }
0x186: {  	[tilespmem:$0xB60] =	vst v55;
	v56 =	vmul.f32 v11, v6  }
0x187: {  	[tilespmem:$0xBE0] =	vst v0;
	v57 =	vmul.f32 v11, v3  }
0x188: {  	v58 =	vmul.f32 v11, v2;
	[tilespmem:$0x870] =	vst v56  }
0x189: {  	v59 =	vmul.f32 v11, v8;
	[tilespmem:$0x8F0] =	vst v57  }
0x18a: {  	v60 =	vmul.f32 v11, v18;
	[tilespmem:$0x970] =	vst v58  }
0x18b: {  	v61 =	vmul.f32 v11, v28;
	[tilespmem:$0x9F0] =	vst v59  }
0x18c: {  	v62 =	vmul.f32 v11, v4;
	[tilespmem:$0xA70] =	vst v60  }
0x18d: {  	v63 =	vmul.f32 v11, v35;
	[tilespmem:$0xAF0] =	vst v61  }
0x18e: {  	[tilespmem:$0xB70] =	vst v62  }
0x18f: {  	s1 =	rddreg [dreg:$0x13];
	[tilespmem:$0xBF0] =	vst v63  }
0x190: {  	[hbm4b:s1+s2] =	stream.linear.scatter [tilespmem:s24], [sflag:$0x1], $0x80, $0x38;
	[tilespmem:$0xC00] =	vst v63  }
0x191: {  	_ =	swait.ge [sflag:s8], $0x80  }
0x192: {  	[sflag:s8] =	ssyncset.done $0x0  }
0x193: {  	s1 =	rddreg [dreg:$0x14];
	[sflag:s8] =	ssyncadd.s32 $0xFFFFFF80  }
0x194: {  	[hbm4b:s1+s2] =	stream.linear.scatter [tilespmem:s25], [sflag:$0x1], $0x80, $0x38;
	[tilespmem:$0xC00] =	vst v63  }
0x195: {  	_ =	swait.ge [sflag:s8], $0x80  }
0x196: {  	[sflag:s8] =	ssyncset.done $0x0  }
0x197: {  	s1 =	rddreg [dreg:$0x15];
	[sflag:s8] =	ssyncadd.s32 $0xFFFFFF80  }
0x198: {  	[hbm4b:s1+s2] =	stream.linear.scatter [tilespmem:s26], [sflag:$0x1], $0x80, $0x38;
	[tilespmem:$0xC00] =	vst v63  }
0x199: {  	_ =	swait.ge [sflag:s8], $0x80  }
0x19a: {  	[sflag:s8] =	ssyncset.done $0x0  }
0x19b: {  	s1 =	rddreg [dreg:$0x16];
	[sflag:s8] =	ssyncadd.s32 $0xFFFFFF80  }
0x19c: {  	[hbm4b:s1+s2] =	stream.linear.scatter [tilespmem:s28], [sflag:$0x1], $0x80, $0x38;
	[tilespmem:$0xC00] =	vst v63  }
0x19d: {  	_ =	swait.ge [sflag:s8], $0x80  }
0x19e: {  	[sflag:s8] =	ssyncset.done $0x0  }
0x19f: {  	[sflag:s8] =	ssyncadd.s32 $0xFFFFFF80  }
0x1a0: {  	[hbm4b:s3+s2] =	stream.linear.scatter [tilespmem:s29], [sflag:$0x1], $0x80, $0x38;
	[tilespmem:$0xC00] =	vst v63  }
0x1a1: {  	_ =	swait.ge [sflag:s8], $0x80  }
0x1a2: {  	[sflag:s8] =	ssyncset.done $0x0  }
0x1a3: {  	[sflag:s8] =	ssyncadd.s32 $0xFFFFFF80  }
0x1a4: {  	[hbm4b:s4+s2] =	stream.linear.scatter [tilespmem:s30], [sflag:$0x1], $0x80, $0x38;
	[tilespmem:$0xC00] =	vst v63  }
0x1a5: {  	_ =	swait.ge [sflag:s8], $0x80  }
0x1a6: {  	[sflag:s8] =	ssyncset.done $0x0  }
0x1a7: {  	[sflag:s8] =	ssyncadd.s32 $0xFFFFFF80  }
0x1a8: {  	[hbm4b:s5+s2] =	stream.linear.scatter [tilespmem:s31], [sflag:$0x1], $0x80, $0x38;
	[tilespmem:$0xC00] =	vst v63  }
0x1a9: {  	_ =	swait.ge [sflag:s8], $0x80  }
0x1aa: {  	p0 =	sne.s32 s7, $0x1;
	[sflag:s8] =	ssyncset.done $0x0  }
.Ltmp0:
0x1ab: {  	[sflag:s8] =	ssyncadd.s32 $0xFFFFFF80;
	(pc) =	sbr.rel @p0 .LBB2_1-.Ltmp0, $4  }
0x1ac: {  	[hbm4b:s6+s2] =	stream.linear.scatter [tilespmem:s0], [sflag:$0x1], $0x80, $0x38;
	[tilespmem:$0xC00] =	vst v63  }
0x1ad: {  	_ =	swait.ge [sflag:s8], $0x80  }
0x1ae: {  	[sflag:s8] =	ssyncset.done $0x0  }
0x1af: {  	s7 =	sadd.s32 $0xFFFFFFFF, s7;
	[sflag:s8] =	ssyncadd.s32 $0xFFFFFF80  }
0x1b0: {  	_ =	sfence.sel $0x180000  }
0x1b1: {  	[bflag:$0x0] =	sbarrier.arrive $0xFFFF  }
0x1b2: {  	_ =	strace $0x90000047  }
0x1b3: {  	s0 =	stileid.u32;
	[bflag:$0x2] =	sbarrier.arrive $0xFFFF  }
0x1b4: {  	p0 =	sne.s32 s0, $0x0;
	s0 =	rddreg [dreg:$0x2]  }
0x1b5: {  	s0 =	sadd.s32 @!p0 $0x100000, s0  }
0x1b6: {  	[sflag:s0] =	ssyncadd.tile.s32 @!p0 $0x1;
	_ =	shalt  }
.Lfunc_end2:
_tile_overlayer_lowered:
.L_overlay_start_2:
0x1b7: {  	(tag) =	ssettag $0x2  }
0x1b8: {  	s0 =	rddreg [dreg:$0x0];
	s2 =	stileid.u32  }
0x1b9: {  	s1 =	rddreg [dreg:$0x1];
	p0 =	sne.s32 s2, $0x0  }
0x1ba: {  	s3 =	rddreg [dreg:$0x2];
	[bflag:$0x3] =	sbarrier.arrive $0xFFFF;
	s2 =	simm.s32 @!p0 $0x1C01  }
0x1bb: {  	[timem:s3], [sflag:s2] =	dma.local @!p0 [hbm:s0], s1  }
0x1bc: {  	s0 =	simm.s32 @!p0 $0x1  }
0x1bd: {  	_ =	swait.ge @!p0 [sflag:s0], s1  }
0x1be: {  	s1 =	ssub.s32 @!p0 $0x0, s1;
	[sflag:s0] =	ssyncset.done @!p0 $0x0  }
0x1bf: {  	[sflag:s0] =	ssyncadd.s32 @!p0 s1  }
0x1c0: {  	[bflag:$0x3] =	sbarrier.arrive $0xFFFF  }
0x1c1: {  	_ =	shalt  }

</sc_bundles>
